<compile_context>
chip_gen: v7x
topology: tpu7x:2x2x1
jax: 0.10.2.dev20260603
libtpu: 0.0.44.dev20260713+nightly
codegen_flags: <defaults>
</compile_context>

<pallas_src>
import functools

import jax
import jax.numpy as jnp
from jax import lax
from jax.experimental import pallas as pl
from jax.experimental.pallas import tpu as pltpu
from jax.experimental.pallas import tpu_sc as plsc

N = 10000
N_PAD = 10240
D = 128
H = 128
CHUNK = 80


def _wid(nc):
    return lax.axis_index("s") * nc + lax.axis_index("c")




def _make_seg_kernel(num_edges, with_cnt, nc, ns):
    nw = nc * ns
    rows_per_tile = N_PAD // ns
    n_chunks = num_edges // (nw * CHUNK)
    edges_per_tile = num_edges // nw

    out_type = [jax.ShapeDtypeStruct((nc, N_PAD, D), jnp.float32)]
    if with_cnt:
        out_type.append(jax.ShapeDtypeStruct((nc, N_PAD, D), jnp.float32))
    scratch = [
        pltpu.VMEM((2, CHUNK), jnp.int32),
        pltpu.VMEM((2, CHUNK), jnp.int32),
        pltpu.VMEM((2, CHUNK, D), jnp.float32),
        pltpu.VMEM((CHUNK, D), jnp.float32),
        pltpu.VMEM_SHARED((N_PAD, D), jnp.float32),
        pltpu.SemaphoreType.DMA,
        pltpu.SemaphoreType.DMA,
    ]

    mesh = plsc.VectorSubcoreMesh(core_axis_name="c", subcore_axis_name="s")

    @functools.partial(
        pl.kernel, out_type=out_type, mesh=mesh, scratch_types=scratch,
    )
    def seg(x_hbm, src_hbm, dst_hbm, *refs):
        if with_cnt:
            (agg_out, cnt_out, src_v, dst_v, rows_v, stage_v, agg_sp,
             sem0, sem1) = refs
        else:
            agg_out, src_v, dst_v, rows_v, stage_v, agg_sp, sem0, sem1 = refs
        sems = (sem0, sem1)
        cid = lax.axis_index("c")
        sid = lax.axis_index("s")
        wid = _wid(nc)
        row0 = sid * rows_per_tile
        n_sub = rows_per_tile // CHUNK
        base0 = wid * edges_per_tile

        def fill(val):
            def fill_body(k, carry):
                stage_v[k // 8, pl.ds((k % 8) * 16, 16)] = jnp.full(
                    (16,), val, jnp.float32)
                return carry

            lax.fori_loop(0, CHUNK * 8, fill_body, 0)

        def zero_stripe():
            for j in range(n_sub):
                pltpu.sync_copy(
                    stage_v, agg_sp.at[pl.ds(row0 + j * CHUNK, CHUNK)])

        def read_stripe(out):
            for j in range(n_sub):
                r = row0 + j * CHUNK
                pltpu.sync_copy(agg_sp.at[pl.ds(r, CHUNK)], stage_v)
                pltpu.sync_copy(stage_v, out.at[cid, pl.ds(r, CHUNK)])

        def prefetch(k, b):
            base = base0 + k * CHUNK
            pltpu.sync_copy(src_hbm.at[pl.ds(base, CHUNK)], src_v.at[b])
            pltpu.sync_copy(dst_hbm.at[pl.ds(base, CHUNK)], dst_v.at[b])
            return pltpu.async_copy(
                x_hbm.at[src_v.at[b]], rows_v.at[b], sems[b])

        fill(0.0)
        zero_stripe()
        plsc.subcore_barrier()

        prefetch(0, 0)

        def body(k2, carry):
            for b in range(2):
                k = k2 * 2 + b

                @pl.when(k + 1 < n_chunks)
                def _():
                    prefetch(k + 1, 1 - b)

                @pl.when(k < n_chunks)
                def _():
                    pltpu.make_async_copy(
                        x_hbm.at[src_v.at[b]], rows_v.at[b], sems[b]).wait()
                    pltpu.sync_copy(
                        rows_v.at[b], agg_sp.at[dst_v.at[b]], add=True)
            return carry

        lax.fori_loop(0, (n_chunks + 2) // 2, body, 0)
        plsc.subcore_barrier()
        read_stripe(agg_out)

        if with_cnt:
            plsc.subcore_barrier()
            fill(0.0)
            zero_stripe()
            fill(1.0)
            plsc.subcore_barrier()

            def body2(k2, carry):
                for b in range(2):
                    k = k2 * 2 + b

                    @pl.when(k + 1 < n_chunks)
                    def _():
                        base = base0 + (k + 1) * CHUNK
                        pltpu.sync_copy(
                            dst_hbm.at[pl.ds(base, CHUNK)], dst_v.at[1 - b])

                    @pl.when(k < n_chunks)
                    def _():
                        pltpu.sync_copy(
                            stage_v, agg_sp.at[dst_v.at[b]], add=True)
                return carry

            base00 = base0
            pltpu.sync_copy(dst_hbm.at[pl.ds(base00, CHUNK)], dst_v.at[0])
            lax.fori_loop(0, (n_chunks + 2) // 2, body2, 0)
            plsc.subcore_barrier()
            fill(0.0)
            read_stripe(cnt_out)

    return seg



_ROWS = 1024


def _tc_layer1(agg, cnt, x, wl, bl, wr):
    def body(agg_ref, cnt_ref, x_ref, wl_ref, bl_ref, wr_ref, out_ref):
        a = agg_ref[0] + agg_ref[1]
        c = cnt_ref[0, :, 0:1] + cnt_ref[1, :, 0:1]
        mean = a / jnp.maximum(c, 1.0)
        h = (
            jnp.dot(mean, wl_ref[...], preferred_element_type=jnp.float32)
            + bl_ref[...]
            + jnp.dot(x_ref[...], wr_ref[...], preferred_element_type=jnp.float32)
        )
        out_ref[...] = jnp.maximum(h, 0.0)

    grid = (N_PAD // _ROWS,)
    return pl.pallas_call(
        body,
        grid=grid,
        in_specs=[
            pl.BlockSpec((2, _ROWS, D), lambda i: (0, i, 0)),
            pl.BlockSpec((2, _ROWS, D), lambda i: (0, i, 0)),
            pl.BlockSpec((_ROWS, D), lambda i: (i, 0)),
            pl.BlockSpec((D, H), lambda i: (0, 0)),
            pl.BlockSpec((H,), lambda i: (0,)),
            pl.BlockSpec((D, H), lambda i: (0, 0)),
        ],
        out_specs=pl.BlockSpec((_ROWS, H), lambda i: (i, 0)),
        out_shape=jax.ShapeDtypeStruct((N_PAD, H), jnp.float32),
    )(agg, cnt, x, wl, bl, wr)


def _tc_layer2_decodeprep(agg, cnt, h1, wl, bl, wr, u, v, bp1):
    def body(agg_ref, cnt_ref, h1_ref, wl_ref, bl_ref, wr_ref, u_ref, v_ref,
             bp1_ref, a_out, b_out):
        a = agg_ref[0] + agg_ref[1]
        c = cnt_ref[0, :, 0:1] + cnt_ref[1, :, 0:1]
        mean = a / jnp.maximum(c, 1.0)
        h2 = (
            jnp.dot(mean, wl_ref[...], preferred_element_type=jnp.float32)
            + bl_ref[...]
            + jnp.dot(h1_ref[...], wr_ref[...], preferred_element_type=jnp.float32)
        )
        a_out[...] = (
            jnp.dot(h2, u_ref[...], preferred_element_type=jnp.float32)
            + bp1_ref[...]
        )
        b_out[...] = jnp.dot(h2, v_ref[...], preferred_element_type=jnp.float32)

    grid = (N_PAD // _ROWS,)
    return pl.pallas_call(
        body,
        grid=grid,
        in_specs=[
            pl.BlockSpec((2, _ROWS, H), lambda i: (0, i, 0)),
            pl.BlockSpec((2, _ROWS, D), lambda i: (0, i, 0)),
            pl.BlockSpec((_ROWS, H), lambda i: (i, 0)),
            pl.BlockSpec((H, H), lambda i: (0, 0)),
            pl.BlockSpec((H,), lambda i: (0,)),
            pl.BlockSpec((H, H), lambda i: (0, 0)),
            pl.BlockSpec((H, H), lambda i: (0, 0)),
            pl.BlockSpec((H, H), lambda i: (0, 0)),
            pl.BlockSpec((H,), lambda i: (0,)),
        ],
        out_specs=[
            pl.BlockSpec((_ROWS, H), lambda i: (i, 0)),
            pl.BlockSpec((_ROWS, H), lambda i: (i, 0)),
        ],
        out_shape=[
            jax.ShapeDtypeStruct((N_PAD, H), jnp.float32),
            jax.ShapeDtypeStruct((N_PAD, H), jnp.float32),
        ],
    )(agg, cnt, h1, wl, bl, wr, u, v, bp1)




def _make_decode_kernel(num_pairs, nc, ns):
    nw = nc * ns
    n_chunks = num_pairs // CHUNK
    rows_pc = CHUNK // 8
    max_chunks_per_w = -(-n_chunks // nw)

    mesh = plsc.VectorSubcoreMesh(core_axis_name="c", subcore_axis_name="s")

    @functools.partial(
        pl.kernel,
        out_type=jax.ShapeDtypeStruct((n_chunks, rows_pc, 128), jnp.float32),
        mesh=mesh,
        scratch_types=[
            pltpu.VMEM((CHUNK,), jnp.int32),
            pltpu.VMEM((CHUNK,), jnp.int32),
            pltpu.VMEM((CHUNK, H), jnp.float32),
            pltpu.VMEM((CHUNK, H), jnp.float32),
            pltpu.VMEM((H,), jnp.float32),
            pltpu.VMEM((rows_pc, 128), jnp.float32),
            pltpu.SemaphoreType.DMA,
            pltpu.SemaphoreType.DMA,
        ],
    )
    def decode(a_hbm, b_hbm, ps_hbm, pd_hbm, wp2_hbm, out_hbm,
               ps_v, pd_v, arows_v, brows_v, wp2_v, out_v, sem, sem2):
        wid = _wid(nc)
        pltpu.sync_copy(wp2_hbm, wp2_v)

        def chunk_body(k, carry):
            ch = wid + k * nw

            @pl.when(ch < n_chunks)
            def _():
                base = ch * CHUNK
                pltpu.sync_copy(ps_hbm.at[pl.ds(base, CHUNK)], ps_v)
                pltpu.sync_copy(pd_hbm.at[pl.ds(base, CHUNK)], pd_v)
                ca = pltpu.async_copy(a_hbm.at[ps_v], arows_v, sem)
                cb = pltpu.async_copy(b_hbm.at[pd_v], brows_v, sem2)
                ca.wait()
                cb.wait()

                def pair_body(p, carry2):
                    acc = jnp.zeros((16,), jnp.float32)
                    for j in range(H // 16):
                        va = (arows_v[p, pl.ds(j * 16, 16)]
                              + brows_v[p, pl.ds(j * 16, 16)])
                        va = jnp.maximum(va, 0.0)
                        acc = acc + va * wp2_v[pl.ds(j * 16, 16)]
                    out_v[p // 8, pl.ds((p % 8) * 16, 16)] = acc
                    return carry2

                lax.fori_loop(0, CHUNK, pair_body, 0)
                pltpu.sync_copy(out_v, out_hbm.at[ch])

            return carry

        lax.fori_loop(0, max_chunks_per_w, chunk_body, 0)

    return decode


def _tc_decode_fold(out2, bp2):
    num_rows = out2.shape[0]
    fold = jnp.repeat(jnp.eye(8, dtype=jnp.float32), 16, axis=0)

    def body(o2_ref, fold_ref, bp2_ref, out_ref):
        out_ref[...] = (
            jnp.dot(o2_ref[...], fold_ref[...],
                    preferred_element_type=jnp.float32)
            + bp2_ref[0, 0]
        )

    return pl.pallas_call(
        body,
        grid=(1,),
        in_specs=[
            pl.BlockSpec((num_rows, 128), lambda i: (0, 0)),
            pl.BlockSpec((128, 8), lambda i: (0, 0)),
            pl.BlockSpec((1, 1), lambda i: (0, 0), memory_space=pltpu.SMEM),
        ],
        out_specs=pl.BlockSpec((num_rows, 8), lambda i: (0, 0)),
        out_shape=jax.ShapeDtypeStruct((num_rows, 8), jnp.float32),
    )(out2, fold, bp2.reshape(1, 1))


def kernel(x, edge_index, edge_pairs, W1l, b1l, W1r, W2l, b2l, W2r, Wp1, bp1,
           Wp2, bp2):
    info = plsc.get_sparse_core_info()
    nc, ns = info.num_cores, info.num_subcores

    src = edge_index[0]
    dst = edge_index[1]
    ps = edge_pairs[0]
    pd = edge_pairs[1]
    num_edges = src.shape[0]
    num_pairs = ps.shape[0]

    x_pad = jnp.pad(x, ((0, N_PAD - N), (0, 0)))

    seg1 = _make_seg_kernel(num_edges, True, nc, ns)
    agg1, cnt = seg1(x_pad, src, dst)
    h1 = _tc_layer1(agg1, cnt, x_pad, W1l, b1l, W1r)

    seg2 = _make_seg_kernel(num_edges, False, nc, ns)
    (agg2,) = seg2(h1, src, dst)
    A, B = _tc_layer2_decodeprep(
        agg2, cnt, h1, W2l, b2l, W2r, Wp1[:H], Wp1[H:], bp1)

    decode = _make_decode_kernel(num_pairs, nc, ns)
    out2 = decode(A, B, ps, pd, Wp2[:, 0])
    folded = _tc_decode_fold(out2.reshape(num_pairs // 8, 128), bp2[0])
    return folded.reshape(num_pairs)

# --- scband reference (transcript-rebuilt; emitter-appended) ---
"""Pipeline reference for scband-link-predictor-83356725281166 (READ-ONLY COPY).

The authoritative reference and input builder live on the scoring server;
editing this copy changes nothing except your own understanding.
"""

import jax, jax.numpy as jnp
import numpy as np

N = 10000
E = 320000
P = 100000
D = 128
H = 128


def setup_inputs(seed: int = 0) -> dict:
    key = jax.random.key(seed)
    ks = jax.random.split(key, 14)
    x = jax.random.normal(ks[0], (N, D), dtype=jnp.float32)
    edge_index = jax.random.randint(ks[1], (2, E), 0, N, dtype=jnp.int32)
    edge_pairs = jax.random.randint(ks[2], (2, P), 0, N, dtype=jnp.int32)
    # SAGEConv 1: out = lin_l(mean_agg) + lin_r(x); lin_l has bias, lin_r has no bias (PyG default)
    W1l = jax.random.normal(ks[3], (D, H), dtype=jnp.float32) * 0.05
    b1l = jnp.zeros((H,), dtype=jnp.float32)
    W1r = jax.random.normal(ks[4], (D, H), dtype=jnp.float32) * 0.05
    # SAGEConv 2
    W2l = jax.random.normal(ks[5], (H, H), dtype=jnp.float32) * 0.05
    b2l = jnp.zeros((H,), dtype=jnp.float32)
    W2r = jax.random.normal(ks[6], (H, H), dtype=jnp.float32) * 0.05
    # link predictor MLP: Linear(2H -> H), ReLU, Linear(H -> 1)
    Wp1 = jax.random.normal(ks[7], (2 * H, H), dtype=jnp.float32) * 0.05
    bp1 = jnp.zeros((H,), dtype=jnp.float32)
    Wp2 = jax.random.normal(ks[8], (H, 1), dtype=jnp.float32) * 0.05
    bp2 = jnp.zeros((1,), dtype=jnp.float32)
    return {
        "x": x,
        "edge_index": edge_index,
        "edge_pairs": edge_pairs,
        "W1l": W1l, "b1l": b1l, "W1r": W1r,
        "W2l": W2l, "b2l": b2l, "W2r": W2r,
        "Wp1": Wp1, "bp1": bp1, "Wp2": Wp2, "bp2": bp2,
    }


def _sage(x, edge_index, Wl, bl, Wr):
    src = edge_index[0]
    dst = edge_index[1]
    msgs = jnp.take(x, src, axis=0)
    agg = jax.ops.segment_sum(msgs, dst, num_segments=N)
    cnt = jax.ops.segment_sum(jnp.ones((edge_index.shape[1],), dtype=x.dtype), dst, num_segments=N)
    mean = agg / jnp.clip(cnt, 1.0)[:, None]
    return mean @ Wl + bl + x @ Wr


def reference(x, edge_index, edge_pairs, W1l, b1l, W1r, W2l, b2l, W2r, Wp1, bp1, Wp2, bp2):
    # encode
    h = jax.nn.relu(_sage(x, edge_index, W1l, b1l, W1r))
    h = _sage(h, edge_index, W2l, b2l, W2r)
    # decode
    s = jnp.take(h, edge_pairs[0], axis=0)
    d = jnp.take(h, edge_pairs[1], axis=0)
    out = jnp.concatenate([s, d], axis=1)
    out = jax.nn.relu(out @ Wp1 + bp1)
    out = out @ Wp2 + bp2
    return jnp.squeeze(out)

if __name__ == "__main__":
    import jax
    _d = setup_inputs()
    print(jax.jit(kernel)(*tuple(_d.values())))

</pallas_src>

<mosaic_0001>
#map = affine_map<(d0, d1) -> (0, 0)>
#map1 = affine_map<(d0, d1) -> (0)>
#map2 = affine_map<(d0, d1) -> (0, 0, 0)>
module attributes {stable_mosaic.version = 14 : i64} {
  func.func @seg(%arg0: i32, %arg1: i32, %arg2: memref<10240x128xf32, #tpu.memory_space<hbm>>, %arg3: memref<320000xi32, #tpu.memory_space<hbm>>, %arg4: memref<320000xi32, #tpu.memory_space<hbm>>, %arg5: memref<2x10240x128xf32, #tpu.memory_space<hbm>>, %arg6: memref<2x10240x128xf32, #tpu.memory_space<hbm>>, %arg7: memref<2x80xi32, #tpu.memory_space<vmem>>, %arg8: memref<2x80xi32, #tpu.memory_space<vmem>>, %arg9: memref<2x80x128xf32, #tpu.memory_space<vmem>>, %arg10: memref<80x128xf32, #tpu.memory_space<vmem>>, %arg11: memref<10240x128xf32, #tpu.memory_space<vmem_shared>>, %arg12: memref<!tpu.dma_semaphore, #tpu.memory_space<semaphore_mem>>, %arg13: memref<!tpu.dma_semaphore, #tpu.memory_space<semaphore_mem>>) attributes {dimension_semantics = [#tpu.dimension_semantics<core_parallel>, #tpu.dimension_semantics<subcore_parallel>], iteration_bounds = array<i64: 2, 16>, scalar_prefetch = 0 : i64, scratch_operands = 7 : i64, tpu.core_type = #tpu.core_type<sc_vector_subcore>, window_params = [{transform_indices = #map}, {transform_indices = #map1}, {transform_indices = #map1}, {transform_indices = #map2}, {transform_indices = #map2}]} {
    %mul3A = arith.constant 2 : i32
    %mul3A_0 = arith.muli %arg1, %mul3A : i32
    %add3A = arith.addi %mul3A_0, %arg0 : i32
    %mul3A_1 = arith.constant 640 : i32
    %mul3A_2 = arith.muli %arg1, %mul3A_1 : i32
    %mul3A_3 = arith.constant 10000 : i32
    %mul3A_4 = arith.muli %add3A, %mul3A_3 : i32
    %scan3A = arith.constant 0 : i32
    %scan3A_5 = arith.constant 0 : i32
    %scan3A_6 = arith.constant 640 : i32
    %scan3A_7 = arith.addi %scan3A_5, %scan3A_6 : i32
    %scan3A_8 = arith.constant 1 : i32
    scf.for %scan3A_123 = %scan3A_5 to %scan3A_7 step %scan3A_8  : i32 {
      %broadcast_in_dim3A = arith.constant 0.000000e+00 : f32
      %broadcast_in_dim3A_124 = vector.broadcast %broadcast_in_dim3A : f32 to vector<16xf32>
      %jit3A = arith.constant 8 : i32
      %div3A = arith.divsi %scan3A_123, %jit3A : i32
      %sign3A = arith.constant 0 : i32
      %sign3A_125 = arith.cmpi sgt, %scan3A_123, %sign3A : i32
      %sign3A_126 = arith.extui %sign3A_125 : i1 to i32
      %sign3A_127 = arith.constant 0 : i32
      %sign3A_128 = arith.cmpi slt, %scan3A_123, %sign3A_127 : i32
      %sign3A_129 = arith.extui %sign3A_128 : i1 to i32
      %sign3A_130 = arith.subi %sign3A_126, %sign3A_129 : i32
      %sign3A_131 = arith.constant 0 : i32
      %sign3A_132 = arith.cmpi sgt, %jit3A, %sign3A_131 : i32
      %sign3A_133 = arith.extui %sign3A_132 : i1 to i32
      %sign3A_134 = arith.constant 0 : i32
      %sign3A_135 = arith.cmpi slt, %jit3A, %sign3A_134 : i32
      %sign3A_136 = arith.extui %sign3A_135 : i1 to i32
      %sign3A_137 = arith.subi %sign3A_133, %sign3A_136 : i32
      %ne3A = arith.cmpi ne, %sign3A_130, %sign3A_137 : i32
      %rem3A = arith.remsi %scan3A_123, %jit3A : i32
      %ne3A_138 = arith.constant 0 : i32
      %ne3A_139 = arith.cmpi ne, %rem3A, %ne3A_138 : i32
      %and3A = arith.andi %ne3A, %ne3A_139 : i1
      %sub3A = arith.constant 1 : i32
      %sub3A_140 = arith.subi %div3A, %sub3A : i32
      %select_n3A = arith.select %and3A, %sub3A_140, %div3A : i32
      %jit3A_141 = arith.constant 8 : i32
      %eq3A = arith.constant 0 : i32
      %eq3A_142 = arith.cmpi eq, %jit3A_141, %eq3A : i32
      %jit3A_143 = arith.constant 1 : i32
      %select_n3A_144 = arith.select %eq3A_142, %jit3A_143, %jit3A_141 : i32
      %rem3A_145 = arith.remsi %scan3A_123, %select_n3A_144 : i32
      %ne3A_146 = arith.constant 0 : i32
      %ne3A_147 = arith.cmpi ne, %rem3A_145, %ne3A_146 : i32
      %lt3A = arith.constant 0 : i32
      %lt3A_148 = arith.cmpi slt, %rem3A_145, %lt3A : i32
      %lt3A_149 = arith.constant 0 : i32
      %lt3A_150 = arith.cmpi slt, %select_n3A_144, %lt3A_149 : i32
      %ne3A_151 = arith.xori %lt3A_148, %lt3A_150 : i1
      %and3A_152 = arith.andi %ne3A_151, %ne3A_147 : i1
      %add3A_153 = arith.addi %rem3A_145, %select_n3A_144 : i32
      %select_n3A_154 = arith.select %and3A_152, %add3A_153, %rem3A_145 : i32
      %mul3A_155 = arith.constant 16 : i32
      %mul3A_156 = arith.muli %select_n3A_154, %mul3A_155 : i32
      %swap3A = arith.index_cast %select_n3A : i32 to index
      %swap3A_157 = arith.index_cast %mul3A_156 : i32 to index
      %swap3A_158 = tpu.vector_load %arg10[%swap3A, %swap3A_157] {strides = array<i32>} : memref<80x128xf32, #tpu.memory_space<vmem>>, vector<1x16xf32>,
      %swap3A_159 = vector.shape_cast %swap3A_158 : vector<1x16xf32> to vector<16xf32>
      %swap3A_160 = vector.shape_cast %broadcast_in_dim3A_124 : vector<16xf32> to vector<1x16xf32>
      tpu.vector_store %arg10[%swap3A, %swap3A_157], %swap3A_160 {strides = array<i32>} : memref<80x128xf32, #tpu.memory_space<vmem>>, vector<1x16xf32>,
    }
    %scan3A_9 = arith.constant 640 : i32
    %add3A_10 = arith.constant 0 : i32
    %add3A_11 = arith.addi %mul3A_2, %add3A_10 : i32
    "tpu.region"() ({
      %run_scoped3A_123 = tpu.sem_alloc : memref<!tpu.dma_semaphore, #tpu.memory_space<semaphore_mem>>
      %dma_start3A_124 = arith.constant 0 : i32
      %dma_start3A_125 = tpu.memref_slice %arg11[%add3A_11, %dma_start3A_124] : memref<10240x128xf32, #tpu.memory_space<vmem_shared>> -> memref<80x128xf32, #tpu.memory_space<vmem_shared>>
      %dma_start3A_126 = arith.constant 0 : i32
      %dma_start3A_127 = tpu.memref_slice %arg11[%add3A_11, %dma_start3A_126] : memref<10240x128xf32, #tpu.memory_space<vmem_shared>> -> memref<80x128xf32, #tpu.memory_space<vmem_shared>>
      tpu.enqueue_dma source(%arg10 : memref<80x128xf32, #tpu.memory_space<vmem>>) target(%dma_start3A_127 : memref<80x128xf32, #tpu.memory_space<vmem_shared>>) target_semaphore(%run_scoped3A_123 : memref<!tpu.dma_semaphore, #tpu.memory_space<semaphore_mem>>)
      %dma_wait3A = arith.constant 0 : i32
      %dma_wait3A_128 = tpu.memref_slice %arg11[%add3A_11, %dma_wait3A] : memref<10240x128xf32, #tpu.memory_space<vmem_shared>> -> memref<80x128xf32, #tpu.memory_space<vmem_shared>>
      %dma_wait3A_129 = arith.constant 0 : i32
      %dma_wait3A_130 = tpu.memref_slice %arg11[%add3A_11, %dma_wait3A_129] : memref<10240x128xf32, #tpu.memory_space<vmem_shared>> -> memref<80x128xf32, #tpu.memory_space<vmem_shared>>
      tpu.wait_dma2 semaphore(%run_scoped3A_123 : memref<!tpu.dma_semaphore, #tpu.memory_space<semaphore_mem>>) src(%arg10 : memref<80x128xf32, #tpu.memory_space<vmem>>) dst(%dma_wait3A_130 : memref<80x128xf32, #tpu.memory_space<vmem_shared>>)
      tpu.yield
    }) : () -> ()
    %add3A_12 = arith.constant 80 : i32
    %add3A_13 = arith.addi %mul3A_2, %add3A_12 : i32
    "tpu.region"() ({
      %run_scoped3A_123 = tpu.sem_alloc : memref<!tpu.dma_semaphore, #tpu.memory_space<semaphore_mem>>
      %dma_start3A_124 = arith.constant 0 : i32
      %dma_start3A_125 = tpu.memref_slice %arg11[%add3A_13, %dma_start3A_124] : memref<10240x128xf32, #tpu.memory_space<vmem_shared>> -> memref<80x128xf32, #tpu.memory_space<vmem_shared>>
      %dma_start3A_126 = arith.constant 0 : i32
      %dma_start3A_127 = tpu.memref_slice %arg11[%add3A_13, %dma_start3A_126] : memref<10240x128xf32, #tpu.memory_space<vmem_shared>> -> memref<80x128xf32, #tpu.memory_space<vmem_shared>>
      tpu.enqueue_dma source(%arg10 : memref<80x128xf32, #tpu.memory_space<vmem>>) target(%dma_start3A_127 : memref<80x128xf32, #tpu.memory_space<vmem_shared>>) target_semaphore(%run_scoped3A_123 : memref<!tpu.dma_semaphore, #tpu.memory_space<semaphore_mem>>)
      %dma_wait3A = arith.constant 0 : i32
      %dma_wait3A_128 = tpu.memref_slice %arg11[%add3A_13, %dma_wait3A] : memref<10240x128xf32, #tpu.memory_space<vmem_shared>> -> memref<80x128xf32, #tpu.memory_space<vmem_shared>>
      %dma_wait3A_129 = arith.constant 0 : i32
      %dma_wait3A_130 = tpu.memref_slice %arg11[%add3A_13, %dma_wait3A_129] : memref<10240x128xf32, #tpu.memory_space<vmem_shared>> -> memref<80x128xf32, #tpu.memory_space<vmem_shared>>
      tpu.wait_dma2 semaphore(%run_scoped3A_123 : memref<!tpu.dma_semaphore, #tpu.memory_space<semaphore_mem>>) src(%arg10 : memref<80x128xf32, #tpu.memory_space<vmem>>) dst(%dma_wait3A_130 : memref<80x128xf32, #tpu.memory_space<vmem_shared>>)
      tpu.yield
    }) : () -> ()
    %add3A_14 = arith.constant 160 : i32
    %add3A_15 = arith.addi %mul3A_2, %add3A_14 : i32
    "tpu.region"() ({
      %run_scoped3A_123 = tpu.sem_alloc : memref<!tpu.dma_semaphore, #tpu.memory_space<semaphore_mem>>
      %dma_start3A_124 = arith.constant 0 : i32
      %dma_start3A_125 = tpu.memref_slice %arg11[%add3A_15, %dma_start3A_124] : memref<10240x128xf32, #tpu.memory_space<vmem_shared>> -> memref<80x128xf32, #tpu.memory_space<vmem_shared>>
      %dma_start3A_126 = arith.constant 0 : i32
      %dma_start3A_127 = tpu.memref_slice %arg11[%add3A_15, %dma_start3A_126] : memref<10240x128xf32, #tpu.memory_space<vmem_shared>> -> memref<80x128xf32, #tpu.memory_space<vmem_shared>>
      tpu.enqueue_dma source(%arg10 : memref<80x128xf32, #tpu.memory_space<vmem>>) target(%dma_start3A_127 : memref<80x128xf32, #tpu.memory_space<vmem_shared>>) target_semaphore(%run_scoped3A_123 : memref<!tpu.dma_semaphore, #tpu.memory_space<semaphore_mem>>)
      %dma_wait3A = arith.constant 0 : i32
      %dma_wait3A_128 = tpu.memref_slice %arg11[%add3A_15, %dma_wait3A] : memref<10240x128xf32, #tpu.memory_space<vmem_shared>> -> memref<80x128xf32, #tpu.memory_space<vmem_shared>>
      %dma_wait3A_129 = arith.constant 0 : i32
      %dma_wait3A_130 = tpu.memref_slice %arg11[%add3A_15, %dma_wait3A_129] : memref<10240x128xf32, #tpu.memory_space<vmem_shared>> -> memref<80x128xf32, #tpu.memory_space<vmem_shared>>
      tpu.wait_dma2 semaphore(%run_scoped3A_123 : memref<!tpu.dma_semaphore, #tpu.memory_space<semaphore_mem>>) src(%arg10 : memref<80x128xf32, #tpu.memory_space<vmem>>) dst(%dma_wait3A_130 : memref<80x128xf32, #tpu.memory_space<vmem_shared>>)
      tpu.yield
    }) : () -> ()
    %add3A_16 = arith.constant 240 : i32
    %add3A_17 = arith.addi %mul3A_2, %add3A_16 : i32
    "tpu.region"() ({
      %run_scoped3A_123 = tpu.sem_alloc : memref<!tpu.dma_semaphore, #tpu.memory_space<semaphore_mem>>
      %dma_start3A_124 = arith.constant 0 : i32
      %dma_start3A_125 = tpu.memref_slice %arg11[%add3A_17, %dma_start3A_124] : memref<10240x128xf32, #tpu.memory_space<vmem_shared>> -> memref<80x128xf32, #tpu.memory_space<vmem_shared>>
      %dma_start3A_126 = arith.constant 0 : i32
      %dma_start3A_127 = tpu.memref_slice %arg11[%add3A_17, %dma_start3A_126] : memref<10240x128xf32, #tpu.memory_space<vmem_shared>> -> memref<80x128xf32, #tpu.memory_space<vmem_shared>>
      tpu.enqueue_dma source(%arg10 : memref<80x128xf32, #tpu.memory_space<vmem>>) target(%dma_start3A_127 : memref<80x128xf32, #tpu.memory_space<vmem_shared>>) target_semaphore(%run_scoped3A_123 : memref<!tpu.dma_semaphore, #tpu.memory_space<semaphore_mem>>)
      %dma_wait3A = arith.constant 0 : i32
      %dma_wait3A_128 = tpu.memref_slice %arg11[%add3A_17, %dma_wait3A] : memref<10240x128xf32, #tpu.memory_space<vmem_shared>> -> memref<80x128xf32, #tpu.memory_space<vmem_shared>>
      %dma_wait3A_129 = arith.constant 0 : i32
      %dma_wait3A_130 = tpu.memref_slice %arg11[%add3A_17, %dma_wait3A_129] : memref<10240x128xf32, #tpu.memory_space<vmem_shared>> -> memref<80x128xf32, #tpu.memory_space<vmem_shared>>
      tpu.wait_dma2 semaphore(%run_scoped3A_123 : memref<!tpu.dma_semaphore, #tpu.memory_space<semaphore_mem>>) src(%arg10 : memref<80x128xf32, #tpu.memory_space<vmem>>) dst(%dma_wait3A_130 : memref<80x128xf32, #tpu.memory_space<vmem_shared>>)
      tpu.yield
    }) : () -> ()
    %add3A_18 = arith.constant 320 : i32
    %add3A_19 = arith.addi %mul3A_2, %add3A_18 : i32
    "tpu.region"() ({
      %run_scoped3A_123 = tpu.sem_alloc : memref<!tpu.dma_semaphore, #tpu.memory_space<semaphore_mem>>
      %dma_start3A_124 = arith.constant 0 : i32
      %dma_start3A_125 = tpu.memref_slice %arg11[%add3A_19, %dma_start3A_124] : memref<10240x128xf32, #tpu.memory_space<vmem_shared>> -> memref<80x128xf32, #tpu.memory_space<vmem_shared>>
      %dma_start3A_126 = arith.constant 0 : i32
      %dma_start3A_127 = tpu.memref_slice %arg11[%add3A_19, %dma_start3A_126] : memref<10240x128xf32, #tpu.memory_space<vmem_shared>> -> memref<80x128xf32, #tpu.memory_space<vmem_shared>>
      tpu.enqueue_dma source(%arg10 : memref<80x128xf32, #tpu.memory_space<vmem>>) target(%dma_start3A_127 : memref<80x128xf32, #tpu.memory_space<vmem_shared>>) target_semaphore(%run_scoped3A_123 : memref<!tpu.dma_semaphore, #tpu.memory_space<semaphore_mem>>)
      %dma_wait3A = arith.constant 0 : i32
      %dma_wait3A_128 = tpu.memref_slice %arg11[%add3A_19, %dma_wait3A] : memref<10240x128xf32, #tpu.memory_space<vmem_shared>> -> memref<80x128xf32, #tpu.memory_space<vmem_shared>>
      %dma_wait3A_129 = arith.constant 0 : i32
      %dma_wait3A_130 = tpu.memref_slice %arg11[%add3A_19, %dma_wait3A_129] : memref<10240x128xf32, #tpu.memory_space<vmem_shared>> -> memref<80x128xf32, #tpu.memory_space<vmem_shared>>
      tpu.wait_dma2 semaphore(%run_scoped3A_123 : memref<!tpu.dma_semaphore, #tpu.memory_space<semaphore_mem>>) src(%arg10 : memref<80x128xf32, #tpu.memory_space<vmem>>) dst(%dma_wait3A_130 : memref<80x128xf32, #tpu.memory_space<vmem_shared>>)
      tpu.yield
    }) : () -> ()
    %add3A_20 = arith.constant 400 : i32
    %add3A_21 = arith.addi %mul3A_2, %add3A_20 : i32
    "tpu.region"() ({
      %run_scoped3A_123 = tpu.sem_alloc : memref<!tpu.dma_semaphore, #tpu.memory_space<semaphore_mem>>
      %dma_start3A_124 = arith.constant 0 : i32
      %dma_start3A_125 = tpu.memref_slice %arg11[%add3A_21, %dma_start3A_124] : memref<10240x128xf32, #tpu.memory_space<vmem_shared>> -> memref<80x128xf32, #tpu.memory_space<vmem_shared>>
      %dma_start3A_126 = arith.constant 0 : i32
      %dma_start3A_127 = tpu.memref_slice %arg11[%add3A_21, %dma_start3A_126] : memref<10240x128xf32, #tpu.memory_space<vmem_shared>> -> memref<80x128xf32, #tpu.memory_space<vmem_shared>>
      tpu.enqueue_dma source(%arg10 : memref<80x128xf32, #tpu.memory_space<vmem>>) target(%dma_start3A_127 : memref<80x128xf32, #tpu.memory_space<vmem_shared>>) target_semaphore(%run_scoped3A_123 : memref<!tpu.dma_semaphore, #tpu.memory_space<semaphore_mem>>)
      %dma_wait3A = arith.constant 0 : i32
      %dma_wait3A_128 = tpu.memref_slice %arg11[%add3A_21, %dma_wait3A] : memref<10240x128xf32, #tpu.memory_space<vmem_shared>> -> memref<80x128xf32, #tpu.memory_space<vmem_shared>>
      %dma_wait3A_129 = arith.constant 0 : i32
      %dma_wait3A_130 = tpu.memref_slice %arg11[%add3A_21, %dma_wait3A_129] : memref<10240x128xf32, #tpu.memory_space<vmem_shared>> -> memref<80x128xf32, #tpu.memory_space<vmem_shared>>
      tpu.wait_dma2 semaphore(%run_scoped3A_123 : memref<!tpu.dma_semaphore, #tpu.memory_space<semaphore_mem>>) src(%arg10 : memref<80x128xf32, #tpu.memory_space<vmem>>) dst(%dma_wait3A_130 : memref<80x128xf32, #tpu.memory_space<vmem_shared>>)
      tpu.yield
    }) : () -> ()
    %add3A_22 = arith.constant 480 : i32
    %add3A_23 = arith.addi %mul3A_2, %add3A_22 : i32
    "tpu.region"() ({
      %run_scoped3A_123 = tpu.sem_alloc : memref<!tpu.dma_semaphore, #tpu.memory_space<semaphore_mem>>
      %dma_start3A_124 = arith.constant 0 : i32
      %dma_start3A_125 = tpu.memref_slice %arg11[%add3A_23, %dma_start3A_124] : memref<10240x128xf32, #tpu.memory_space<vmem_shared>> -> memref<80x128xf32, #tpu.memory_space<vmem_shared>>
      %dma_start3A_126 = arith.constant 0 : i32
      %dma_start3A_127 = tpu.memref_slice %arg11[%add3A_23, %dma_start3A_126] : memref<10240x128xf32, #tpu.memory_space<vmem_shared>> -> memref<80x128xf32, #tpu.memory_space<vmem_shared>>
      tpu.enqueue_dma source(%arg10 : memref<80x128xf32, #tpu.memory_space<vmem>>) target(%dma_start3A_127 : memref<80x128xf32, #tpu.memory_space<vmem_shared>>) target_semaphore(%run_scoped3A_123 : memref<!tpu.dma_semaphore, #tpu.memory_space<semaphore_mem>>)
      %dma_wait3A = arith.constant 0 : i32
      %dma_wait3A_128 = tpu.memref_slice %arg11[%add3A_23, %dma_wait3A] : memref<10240x128xf32, #tpu.memory_space<vmem_shared>> -> memref<80x128xf32, #tpu.memory_space<vmem_shared>>
      %dma_wait3A_129 = arith.constant 0 : i32
      %dma_wait3A_130 = tpu.memref_slice %arg11[%add3A_23, %dma_wait3A_129] : memref<10240x128xf32, #tpu.memory_space<vmem_shared>> -> memref<80x128xf32, #tpu.memory_space<vmem_shared>>
      tpu.wait_dma2 semaphore(%run_scoped3A_123 : memref<!tpu.dma_semaphore, #tpu.memory_space<semaphore_mem>>) src(%arg10 : memref<80x128xf32, #tpu.memory_space<vmem>>) dst(%dma_wait3A_130 : memref<80x128xf32, #tpu.memory_space<vmem_shared>>)
      tpu.yield
    }) : () -> ()
    %add3A_24 = arith.constant 560 : i32
    %add3A_25 = arith.addi %mul3A_2, %add3A_24 : i32
    "tpu.region"() ({
      %run_scoped3A_123 = tpu.sem_alloc : memref<!tpu.dma_semaphore, #tpu.memory_space<semaphore_mem>>
      %dma_start3A_124 = arith.constant 0 : i32
      %dma_start3A_125 = tpu.memref_slice %arg11[%add3A_25, %dma_start3A_124] : memref<10240x128xf32, #tpu.memory_space<vmem_shared>> -> memref<80x128xf32, #tpu.memory_space<vmem_shared>>
      %dma_start3A_126 = arith.constant 0 : i32
      %dma_start3A_127 = tpu.memref_slice %arg11[%add3A_25, %dma_start3A_126] : memref<10240x128xf32, #tpu.memory_space<vmem_shared>> -> memref<80x128xf32, #tpu.memory_space<vmem_shared>>
      tpu.enqueue_dma source(%arg10 : memref<80x128xf32, #tpu.memory_space<vmem>>) target(%dma_start3A_127 : memref<80x128xf32, #tpu.memory_space<vmem_shared>>) target_semaphore(%run_scoped3A_123 : memref<!tpu.dma_semaphore, #tpu.memory_space<semaphore_mem>>)
      %dma_wait3A = arith.constant 0 : i32
      %dma_wait3A_128 = tpu.memref_slice %arg11[%add3A_25, %dma_wait3A] : memref<10240x128xf32, #tpu.memory_space<vmem_shared>> -> memref<80x128xf32, #tpu.memory_space<vmem_shared>>
      %dma_wait3A_129 = arith.constant 0 : i32
      %dma_wait3A_130 = tpu.memref_slice %arg11[%add3A_25, %dma_wait3A_129] : memref<10240x128xf32, #tpu.memory_space<vmem_shared>> -> memref<80x128xf32, #tpu.memory_space<vmem_shared>>
      tpu.wait_dma2 semaphore(%run_scoped3A_123 : memref<!tpu.dma_semaphore, #tpu.memory_space<semaphore_mem>>) src(%arg10 : memref<80x128xf32, #tpu.memory_space<vmem>>) dst(%dma_wait3A_130 : memref<80x128xf32, #tpu.memory_space<vmem_shared>>)
      tpu.yield
    }) : () -> ()
    %barrier3A = arith.constant 0 : index
    tpu.barrier barrier_id(%barrier3A)
    %add3A_26 = arith.constant 0 : i32
    %add3A_27 = arith.addi %mul3A_4, %add3A_26 : i32
    %run_scoped3A = arith.constant 0 : i32
    "tpu.region"() ({
      %run_scoped3A_123 = tpu.sem_alloc : memref<!tpu.dma_semaphore, #tpu.memory_space<semaphore_mem>>
      %dma_start3A_124 = arith.constant 0 : i32
      %dma_start3A_125 = tpu.memref_slice %arg7[%run_scoped3A, %dma_start3A_124] : memref<2x80xi32, #tpu.memory_space<vmem>> -> memref<1x80xi32, #tpu.memory_space<vmem>>
      %dma_start3A_126 = tpu.memref_squeeze %dma_start3A_125 : memref<1x80xi32, #tpu.memory_space<vmem>> -> memref<80xi32, #tpu.memory_space<vmem>>
      %dma_start3A_127 = tpu.memref_slice %arg3[%add3A_27] : memref<320000xi32, #tpu.memory_space<hbm>> -> memref<80xi32, #tpu.memory_space<hbm>>
      %dma_start3A_128 = arith.constant 0 : i32
      %dma_start3A_129 = tpu.memref_slice %arg7[%run_scoped3A, %dma_start3A_128] : memref<2x80xi32, #tpu.memory_space<vmem>> -> memref<1x80xi32, #tpu.memory_space<vmem>>
      %dma_start3A_130 = tpu.memref_squeeze %dma_start3A_129 : memref<1x80xi32, #tpu.memory_space<vmem>> -> memref<80xi32, #tpu.memory_space<vmem>>
      %dma_start3A_131 = tpu.memref_slice %arg3[%add3A_27] : memref<320000xi32, #tpu.memory_space<hbm>> -> memref<80xi32, #tpu.memory_space<hbm>>
      tpu.enqueue_dma source(%dma_start3A_131 : memref<80xi32, #tpu.memory_space<hbm>>) target(%dma_start3A_130 : memref<80xi32, #tpu.memory_space<vmem>>) target_semaphore(%run_scoped3A_123 : memref<!tpu.dma_semaphore, #tpu.memory_space<semaphore_mem>>)
      %dma_wait3A = arith.constant 0 : i32
      %dma_wait3A_132 = tpu.memref_slice %arg7[%run_scoped3A, %dma_wait3A] : memref<2x80xi32, #tpu.memory_space<vmem>> -> memref<1x80xi32, #tpu.memory_space<vmem>>
      %dma_wait3A_133 = tpu.memref_squeeze %dma_wait3A_132 : memref<1x80xi32, #tpu.memory_space<vmem>> -> memref<80xi32, #tpu.memory_space<vmem>>
      %dma_wait3A_134 = tpu.memref_slice %arg3[%add3A_27] : memref<320000xi32, #tpu.memory_space<hbm>> -> memref<80xi32, #tpu.memory_space<hbm>>
      %dma_wait3A_135 = arith.constant 0 : i32
      %dma_wait3A_136 = tpu.memref_slice %arg7[%run_scoped3A, %dma_wait3A_135] : memref<2x80xi32, #tpu.memory_space<vmem>> -> memref<1x80xi32, #tpu.memory_space<vmem>>
      %dma_wait3A_137 = tpu.memref_squeeze %dma_wait3A_136 : memref<1x80xi32, #tpu.memory_space<vmem>> -> memref<80xi32, #tpu.memory_space<vmem>>
      %dma_wait3A_138 = tpu.memref_slice %arg3[%add3A_27] : memref<320000xi32, #tpu.memory_space<hbm>> -> memref<80xi32, #tpu.memory_space<hbm>>
      tpu.wait_dma2 semaphore(%run_scoped3A_123 : memref<!tpu.dma_semaphore, #tpu.memory_space<semaphore_mem>>) src(%dma_wait3A_138 : memref<80xi32, #tpu.memory_space<hbm>>) dst(%dma_wait3A_137 : memref<80xi32, #tpu.memory_space<vmem>>)
      tpu.yield
    }) : () -> ()
    %run_scoped3A_28 = arith.constant 0 : i32
    "tpu.region"() ({
      %run_scoped3A_123 = tpu.sem_alloc : memref<!tpu.dma_semaphore, #tpu.memory_space<semaphore_mem>>
      %dma_start3A_124 = arith.constant 0 : i32
      %dma_start3A_125 = tpu.memref_slice %arg8[%run_scoped3A_28, %dma_start3A_124] : memref<2x80xi32, #tpu.memory_space<vmem>> -> memref<1x80xi32, #tpu.memory_space<vmem>>
      %dma_start3A_126 = tpu.memref_squeeze %dma_start3A_125 : memref<1x80xi32, #tpu.memory_space<vmem>> -> memref<80xi32, #tpu.memory_space<vmem>>
      %dma_start3A_127 = tpu.memref_slice %arg4[%add3A_27] : memref<320000xi32, #tpu.memory_space<hbm>> -> memref<80xi32, #tpu.memory_space<hbm>>
      %dma_start3A_128 = arith.constant 0 : i32
      %dma_start3A_129 = tpu.memref_slice %arg8[%run_scoped3A_28, %dma_start3A_128] : memref<2x80xi32, #tpu.memory_space<vmem>> -> memref<1x80xi32, #tpu.memory_space<vmem>>
      %dma_start3A_130 = tpu.memref_squeeze %dma_start3A_129 : memref<1x80xi32, #tpu.memory_space<vmem>> -> memref<80xi32, #tpu.memory_space<vmem>>
      %dma_start3A_131 = tpu.memref_slice %arg4[%add3A_27] : memref<320000xi32, #tpu.memory_space<hbm>> -> memref<80xi32, #tpu.memory_space<hbm>>
      tpu.enqueue_dma source(%dma_start3A_131 : memref<80xi32, #tpu.memory_space<hbm>>) target(%dma_start3A_130 : memref<80xi32, #tpu.memory_space<vmem>>) target_semaphore(%run_scoped3A_123 : memref<!tpu.dma_semaphore, #tpu.memory_space<semaphore_mem>>)
      %dma_wait3A = arith.constant 0 : i32
      %dma_wait3A_132 = tpu.memref_slice %arg8[%run_scoped3A_28, %dma_wait3A] : memref<2x80xi32, #tpu.memory_space<vmem>> -> memref<1x80xi32, #tpu.memory_space<vmem>>
      %dma_wait3A_133 = tpu.memref_squeeze %dma_wait3A_132 : memref<1x80xi32, #tpu.memory_space<vmem>> -> memref<80xi32, #tpu.memory_space<vmem>>
      %dma_wait3A_134 = tpu.memref_slice %arg4[%add3A_27] : memref<320000xi32, #tpu.memory_space<hbm>> -> memref<80xi32, #tpu.memory_space<hbm>>
      %dma_wait3A_135 = arith.constant 0 : i32
      %dma_wait3A_136 = tpu.memref_slice %arg8[%run_scoped3A_28, %dma_wait3A_135] : memref<2x80xi32, #tpu.memory_space<vmem>> -> memref<1x80xi32, #tpu.memory_space<vmem>>
      %dma_wait3A_137 = tpu.memref_squeeze %dma_wait3A_136 : memref<1x80xi32, #tpu.memory_space<vmem>> -> memref<80xi32, #tpu.memory_space<vmem>>
      %dma_wait3A_138 = tpu.memref_slice %arg4[%add3A_27] : memref<320000xi32, #tpu.memory_space<hbm>> -> memref<80xi32, #tpu.memory_space<hbm>>
      tpu.wait_dma2 semaphore(%run_scoped3A_123 : memref<!tpu.dma_semaphore, #tpu.memory_space<semaphore_mem>>) src(%dma_wait3A_138 : memref<80xi32, #tpu.memory_space<hbm>>) dst(%dma_wait3A_137 : memref<80xi32, #tpu.memory_space<vmem>>)
      tpu.yield
    }) : () -> ()
    %dma_start3A = arith.constant 0 : i32
    %dma_start3A_29 = arith.constant 0 : i32
    %dma_start3A_30 = arith.constant 0 : i32
    %dma_start3A_31 = arith.constant 0 : i32
    %dma_start3A_32 = tpu.memref_slice %arg9[%dma_start3A_29, %dma_start3A_30, %dma_start3A_31] : memref<2x80x128xf32, #tpu.memory_space<vmem>> -> memref<1x80x128xf32, #tpu.memory_space<vmem>>
    %dma_start3A_33 = tpu.memref_squeeze %dma_start3A_32 : memref<1x80x128xf32, #tpu.memory_space<vmem>> -> memref<80x128xf32, #tpu.memory_space<vmem>>
    %dma_start3A_34 = arith.constant 0 : i32
    %dma_start3A_35 = tpu.memref_slice %arg7[%dma_start3A, %dma_start3A_34] : memref<2x80xi32, #tpu.memory_space<vmem>> -> memref<1x80xi32, #tpu.memory_space<vmem>>
    %dma_start3A_36 = tpu.memref_squeeze %dma_start3A_35 : memref<1x80xi32, #tpu.memory_space<vmem>> -> memref<80xi32, #tpu.memory_space<vmem>>
    %dma_start3A_37 = arith.constant 0 : i32
    %dma_start3A_38 = arith.constant 0 : i32
    %dma_start3A_39 = tpu.memref_slice %arg2[%dma_start3A_37, %dma_start3A_38] : memref<10240x128xf32, #tpu.memory_space<hbm>> -> memref<10240x128xf32, #tpu.memory_space<hbm>>
    tpu.enqueue_indirect_dma source(%dma_start3A_39 : memref<10240x128xf32, #tpu.memory_space<hbm>>) target(%dma_start3A_33 : memref<80x128xf32, #tpu.memory_space<vmem>>) offsets(%dma_start3A_36 : memref<80xi32, #tpu.memory_space<vmem>>) semaphore(%arg12 : memref<!tpu.dma_semaphore, #tpu.memory_space<semaphore_mem>>)
    %scan3A_40 = arith.constant 0 : i32
    %scan3A_41 = arith.constant 0 : i32
    %scan3A_42 = arith.constant 63 : i32
    %scan3A_43 = arith.addi %scan3A_41, %scan3A_42 : i32
    %scan3A_44 = arith.constant 1 : i32
    scf.for %scan3A_123 = %scan3A_41 to %scan3A_43 step %scan3A_44  : i32 {
      %mul3A_124 = arith.constant 2 : i32
      %mul3A_125 = arith.muli %scan3A_123, %mul3A_124 : i32
      %add3A_126 = arith.constant 0 : i32
      %add3A_127 = arith.addi %mul3A_125, %add3A_126 : i32
      %add3A_128 = arith.constant 1 : i32
      %add3A_129 = arith.addi %add3A_127, %add3A_128 : i32
      %lt3A = arith.constant 125 : i32
      %lt3A_130 = arith.cmpi slt, %add3A_129, %lt3A : i32
      %convert_element_type3A = arith.extui %lt3A_130 : i1 to i32
      %cond3A = arith.constant 0 : i32
      %cond3A_131 = arith.cmpi ne, %convert_element_type3A, %cond3A : i32
      scf.if %cond3A_131 {
        %add3A_153 = arith.constant 1 : i32
        %add3A_154 = arith.addi %add3A_127, %add3A_153 : i32
        %mul3A_155 = arith.constant 80 : i32
        %mul3A_156 = arith.muli %add3A_154, %mul3A_155 : i32
        %add3A_157 = arith.addi %mul3A_4, %mul3A_156 : i32
        %run_scoped3A_158 = arith.constant 1 : i32
        "tpu.region"() ({
          %run_scoped3A_172 = tpu.sem_alloc : memref<!tpu.dma_semaphore, #tpu.memory_space<semaphore_mem>>
          %dma_start3A_173 = arith.constant 0 : i32
          %dma_start3A_174 = tpu.memref_slice %arg7[%run_scoped3A_158, %dma_start3A_173] : memref<2x80xi32, #tpu.memory_space<vmem>> -> memref<1x80xi32, #tpu.memory_space<vmem>>
          %dma_start3A_175 = tpu.memref_squeeze %dma_start3A_174 : memref<1x80xi32, #tpu.memory_space<vmem>> -> memref<80xi32, #tpu.memory_space<vmem>>
          %dma_start3A_176 = tpu.memref_slice %arg3[%add3A_157] : memref<320000xi32, #tpu.memory_space<hbm>> -> memref<80xi32, #tpu.memory_space<hbm>>
          %dma_start3A_177 = arith.constant 0 : i32
          %dma_start3A_178 = tpu.memref_slice %arg7[%run_scoped3A_158, %dma_start3A_177] : memref<2x80xi32, #tpu.memory_space<vmem>> -> memref<1x80xi32, #tpu.memory_space<vmem>>
          %dma_start3A_179 = tpu.memref_squeeze %dma_start3A_178 : memref<1x80xi32, #tpu.memory_space<vmem>> -> memref<80xi32, #tpu.memory_space<vmem>>
          %dma_start3A_180 = tpu.memref_slice %arg3[%add3A_157] : memref<320000xi32, #tpu.memory_space<hbm>> -> memref<80xi32, #tpu.memory_space<hbm>>
          tpu.enqueue_dma source(%dma_start3A_180 : memref<80xi32, #tpu.memory_space<hbm>>) target(%dma_start3A_179 : memref<80xi32, #tpu.memory_space<vmem>>) target_semaphore(%run_scoped3A_172 : memref<!tpu.dma_semaphore, #tpu.memory_space<semaphore_mem>>)
          %dma_wait3A = arith.constant 0 : i32
          %dma_wait3A_181 = tpu.memref_slice %arg7[%run_scoped3A_158, %dma_wait3A] : memref<2x80xi32, #tpu.memory_space<vmem>> -> memref<1x80xi32, #tpu.memory_space<vmem>>
          %dma_wait3A_182 = tpu.memref_squeeze %dma_wait3A_181 : memref<1x80xi32, #tpu.memory_space<vmem>> -> memref<80xi32, #tpu.memory_space<vmem>>
          %dma_wait3A_183 = tpu.memref_slice %arg3[%add3A_157] : memref<320000xi32, #tpu.memory_space<hbm>> -> memref<80xi32, #tpu.memory_space<hbm>>
          %dma_wait3A_184 = arith.constant 0 : i32
          %dma_wait3A_185 = tpu.memref_slice %arg7[%run_scoped3A_158, %dma_wait3A_184] : memref<2x80xi32, #tpu.memory_space<vmem>> -> memref<1x80xi32, #tpu.memory_space<vmem>>
          %dma_wait3A_186 = tpu.memref_squeeze %dma_wait3A_185 : memref<1x80xi32, #tpu.memory_space<vmem>> -> memref<80xi32, #tpu.memory_space<vmem>>
          %dma_wait3A_187 = tpu.memref_slice %arg3[%add3A_157] : memref<320000xi32, #tpu.memory_space<hbm>> -> memref<80xi32, #tpu.memory_space<hbm>>
          tpu.wait_dma2 semaphore(%run_scoped3A_172 : memref<!tpu.dma_semaphore, #tpu.memory_space<semaphore_mem>>) src(%dma_wait3A_187 : memref<80xi32, #tpu.memory_space<hbm>>) dst(%dma_wait3A_186 : memref<80xi32, #tpu.memory_space<vmem>>)
          tpu.yield
        }) : () -> ()
        %run_scoped3A_159 = arith.constant 1 : i32
        "tpu.region"() ({
          %run_scoped3A_172 = tpu.sem_alloc : memref<!tpu.dma_semaphore, #tpu.memory_space<semaphore_mem>>
          %dma_start3A_173 = arith.constant 0 : i32
          %dma_start3A_174 = tpu.memref_slice %arg8[%run_scoped3A_159, %dma_start3A_173] : memref<2x80xi32, #tpu.memory_space<vmem>> -> memref<1x80xi32, #tpu.memory_space<vmem>>
          %dma_start3A_175 = tpu.memref_squeeze %dma_start3A_174 : memref<1x80xi32, #tpu.memory_space<vmem>> -> memref<80xi32, #tpu.memory_space<vmem>>
          %dma_start3A_176 = tpu.memref_slice %arg4[%add3A_157] : memref<320000xi32, #tpu.memory_space<hbm>> -> memref<80xi32, #tpu.memory_space<hbm>>
          %dma_start3A_177 = arith.constant 0 : i32
          %dma_start3A_178 = tpu.memref_slice %arg8[%run_scoped3A_159, %dma_start3A_177] : memref<2x80xi32, #tpu.memory_space<vmem>> -> memref<1x80xi32, #tpu.memory_space<vmem>>
          %dma_start3A_179 = tpu.memref_squeeze %dma_start3A_178 : memref<1x80xi32, #tpu.memory_space<vmem>> -> memref<80xi32, #tpu.memory_space<vmem>>
          %dma_start3A_180 = tpu.memref_slice %arg4[%add3A_157] : memref<320000xi32, #tpu.memory_space<hbm>> -> memref<80xi32, #tpu.memory_space<hbm>>
          tpu.enqueue_dma source(%dma_start3A_180 : memref<80xi32, #tpu.memory_space<hbm>>) target(%dma_start3A_179 : memref<80xi32, #tpu.memory_space<vmem>>) target_semaphore(%run_scoped3A_172 : memref<!tpu.dma_semaphore, #tpu.memory_space<semaphore_mem>>)
          %dma_wait3A = arith.constant 0 : i32
          %dma_wait3A_181 = tpu.memref_slice %arg8[%run_scoped3A_159, %dma_wait3A] : memref<2x80xi32, #tpu.memory_space<vmem>> -> memref<1x80xi32, #tpu.memory_space<vmem>>
          %dma_wait3A_182 = tpu.memref_squeeze %dma_wait3A_181 : memref<1x80xi32, #tpu.memory_space<vmem>> -> memref<80xi32, #tpu.memory_space<vmem>>
          %dma_wait3A_183 = tpu.memref_slice %arg4[%add3A_157] : memref<320000xi32, #tpu.memory_space<hbm>> -> memref<80xi32, #tpu.memory_space<hbm>>
          %dma_wait3A_184 = arith.constant 0 : i32
          %dma_wait3A_185 = tpu.memref_slice %arg8[%run_scoped3A_159, %dma_wait3A_184] : memref<2x80xi32, #tpu.memory_space<vmem>> -> memref<1x80xi32, #tpu.memory_space<vmem>>
          %dma_wait3A_186 = tpu.memref_squeeze %dma_wait3A_185 : memref<1x80xi32, #tpu.memory_space<vmem>> -> memref<80xi32, #tpu.memory_space<vmem>>
          %dma_wait3A_187 = tpu.memref_slice %arg4[%add3A_157] : memref<320000xi32, #tpu.memory_space<hbm>> -> memref<80xi32, #tpu.memory_space<hbm>>
          tpu.wait_dma2 semaphore(%run_scoped3A_172 : memref<!tpu.dma_semaphore, #tpu.memory_space<semaphore_mem>>) src(%dma_wait3A_187 : memref<80xi32, #tpu.memory_space<hbm>>) dst(%dma_wait3A_186 : memref<80xi32, #tpu.memory_space<vmem>>)
          tpu.yield
        }) : () -> ()
        %dma_start3A_160 = arith.constant 1 : i32
        %dma_start3A_161 = arith.constant 1 : i32
        %dma_start3A_162 = arith.constant 0 : i32
        %dma_start3A_163 = arith.constant 0 : i32
        %dma_start3A_164 = tpu.memref_slice %arg9[%dma_start3A_161, %dma_start3A_162, %dma_start3A_163] : memref<2x80x128xf32, #tpu.memory_space<vmem>> -> memref<1x80x128xf32, #tpu.memory_space<vmem>>
        %dma_start3A_165 = tpu.memref_squeeze %dma_start3A_164 : memref<1x80x128xf32, #tpu.memory_space<vmem>> -> memref<80x128xf32, #tpu.memory_space<vmem>>
        %dma_start3A_166 = arith.constant 0 : i32
        %dma_start3A_167 = tpu.memref_slice %arg7[%dma_start3A_160, %dma_start3A_166] : memref<2x80xi32, #tpu.memory_space<vmem>> -> memref<1x80xi32, #tpu.memory_space<vmem>>
        %dma_start3A_168 = tpu.memref_squeeze %dma_start3A_167 : memref<1x80xi32, #tpu.memory_space<vmem>> -> memref<80xi32, #tpu.memory_space<vmem>>
        %dma_start3A_169 = arith.constant 0 : i32
        %dma_start3A_170 = arith.constant 0 : i32
        %dma_start3A_171 = tpu.memref_slice %arg2[%dma_start3A_169, %dma_start3A_170] : memref<10240x128xf32, #tpu.memory_space<hbm>> -> memref<10240x128xf32, #tpu.memory_space<hbm>>
        tpu.enqueue_indirect_dma source(%dma_start3A_171 : memref<10240x128xf32, #tpu.memory_space<hbm>>) target(%dma_start3A_165 : memref<80x128xf32, #tpu.memory_space<vmem>>) offsets(%dma_start3A_168 : memref<80xi32, #tpu.memory_space<vmem>>) semaphore(%arg13 : memref<!tpu.dma_semaphore, #tpu.memory_space<semaphore_mem>>)
      } else {
      }
      %lt3A_132 = arith.constant 125 : i32
      %lt3A_133 = arith.cmpi slt, %add3A_127, %lt3A_132 : i32
      %convert_element_type3A_134 = arith.extui %lt3A_133 : i1 to i32
      %cond3A_135 = arith.constant 0 : i32
      %cond3A_136 = arith.cmpi ne, %convert_element_type3A_134, %cond3A_135 : i32
      scf.if %cond3A_136 {
        %dma_wait3A = arith.constant 0 : i32
        %dma_wait3A_153 = arith.constant 0 : i32
        %dma_wait3A_154 = arith.constant 0 : i32
        %dma_wait3A_155 = arith.constant 0 : i32
        %dma_wait3A_156 = tpu.memref_slice %arg9[%dma_wait3A_153, %dma_wait3A_154, %dma_wait3A_155] : memref<2x80x128xf32, #tpu.memory_space<vmem>> -> memref<1x80x128xf32, #tpu.memory_space<vmem>>
        %dma_wait3A_157 = tpu.memref_squeeze %dma_wait3A_156 : memref<1x80x128xf32, #tpu.memory_space<vmem>> -> memref<80x128xf32, #tpu.memory_space<vmem>>
        %dma_wait3A_158 = arith.constant 0 : i32
        %dma_wait3A_159 = tpu.memref_slice %arg7[%dma_wait3A, %dma_wait3A_158] : memref<2x80xi32, #tpu.memory_space<vmem>> -> memref<1x80xi32, #tpu.memory_space<vmem>>
        %dma_wait3A_160 = tpu.memref_squeeze %dma_wait3A_159 : memref<1x80xi32, #tpu.memory_space<vmem>> -> memref<80xi32, #tpu.memory_space<vmem>>
        %dma_wait3A_161 = arith.constant 0 : i32
        %dma_wait3A_162 = arith.constant 0 : i32
        %dma_wait3A_163 = tpu.memref_slice %arg2[%dma_wait3A_161, %dma_wait3A_162] : memref<10240x128xf32, #tpu.memory_space<hbm>> -> memref<10240x128xf32, #tpu.memory_space<hbm>>
        tpu.wait_indirect_dma semaphore(%arg12 : memref<!tpu.dma_semaphore, #tpu.memory_space<semaphore_mem>>) src(%dma_wait3A_163 : memref<10240x128xf32, #tpu.memory_space<hbm>>) dst(%dma_wait3A_157 : memref<80x128xf32, #tpu.memory_space<vmem>>)
        %run_scoped3A_164 = arith.constant 0 : i32
        %run_scoped3A_165 = arith.constant 0 : i32
        "tpu.region"() ({
          %run_scoped3A_166 = tpu.sem_alloc : memref<!tpu.dma_semaphore, #tpu.memory_space<semaphore_mem>>
          %dma_start3A_167 = arith.constant 0 : i32
          %dma_start3A_168 = arith.constant 0 : i32
          %dma_start3A_169 = tpu.memref_slice %arg9[%run_scoped3A_164, %dma_start3A_167, %dma_start3A_168] : memref<2x80x128xf32, #tpu.memory_space<vmem>> -> memref<1x80x128xf32, #tpu.memory_space<vmem>>
          %dma_start3A_170 = tpu.memref_squeeze %dma_start3A_169 : memref<1x80x128xf32, #tpu.memory_space<vmem>> -> memref<80x128xf32, #tpu.memory_space<vmem>>
          %dma_start3A_171 = arith.constant 0 : i32
          %dma_start3A_172 = tpu.memref_slice %arg8[%run_scoped3A_165, %dma_start3A_171] : memref<2x80xi32, #tpu.memory_space<vmem>> -> memref<1x80xi32, #tpu.memory_space<vmem>>
          %dma_start3A_173 = tpu.memref_squeeze %dma_start3A_172 : memref<1x80xi32, #tpu.memory_space<vmem>> -> memref<80xi32, #tpu.memory_space<vmem>>
          %dma_start3A_174 = arith.constant 0 : i32
          %dma_start3A_175 = arith.constant 0 : i32
          %dma_start3A_176 = tpu.memref_slice %arg11[%dma_start3A_174, %dma_start3A_175] : memref<10240x128xf32, #tpu.memory_space<vmem_shared>> -> memref<10240x128xf32, #tpu.memory_space<vmem_shared>>
          tpu.enqueue_indirect_dma source(%dma_start3A_170 : memref<80x128xf32, #tpu.memory_space<vmem>>) target(%dma_start3A_176 : memref<10240x128xf32, #tpu.memory_space<vmem_shared>>) offsets(%dma_start3A_173 : memref<80xi32, #tpu.memory_space<vmem>>) semaphore(%run_scoped3A_166 : memref<!tpu.dma_semaphore, #tpu.memory_space<semaphore_mem>>) {add = true}
          %dma_wait3A_177 = arith.constant 0 : i32
          %dma_wait3A_178 = arith.constant 0 : i32
          %dma_wait3A_179 = tpu.memref_slice %arg9[%run_scoped3A_164, %dma_wait3A_177, %dma_wait3A_178] : memref<2x80x128xf32, #tpu.memory_space<vmem>> -> memref<1x80x128xf32, #tpu.memory_space<vmem>>
          %dma_wait3A_180 = tpu.memref_squeeze %dma_wait3A_179 : memref<1x80x128xf32, #tpu.memory_space<vmem>> -> memref<80x128xf32, #tpu.memory_space<vmem>>
          %dma_wait3A_181 = arith.constant 0 : i32
          %dma_wait3A_182 = tpu.memref_slice %arg8[%run_scoped3A_165, %dma_wait3A_181] : memref<2x80xi32, #tpu.memory_space<vmem>> -> memref<1x80xi32, #tpu.memory_space<vmem>>
          %dma_wait3A_183 = tpu.memref_squeeze %dma_wait3A_182 : memref<1x80xi32, #tpu.memory_space<vmem>> -> memref<80xi32, #tpu.memory_space<vmem>>
          %dma_wait3A_184 = arith.constant 0 : i32
          %dma_wait3A_185 = arith.constant 0 : i32
          %dma_wait3A_186 = tpu.memref_slice %arg11[%dma_wait3A_184, %dma_wait3A_185] : memref<10240x128xf32, #tpu.memory_space<vmem_shared>> -> memref<10240x128xf32, #tpu.memory_space<vmem_shared>>
          tpu.wait_indirect_dma semaphore(%run_scoped3A_166 : memref<!tpu.dma_semaphore, #tpu.memory_space<semaphore_mem>>) src(%dma_wait3A_180 : memref<80x128xf32, #tpu.memory_space<vmem>>) dst(%dma_wait3A_186 : memref<10240x128xf32, #tpu.memory_space<vmem_shared>>)
          tpu.yield
        }) : () -> ()
      } else {
      }
      %mul3A_137 = arith.constant 2 : i32
      %mul3A_138 = arith.muli %scan3A_123, %mul3A_137 : i32
      %add3A_139 = arith.constant 1 : i32
      %add3A_140 = arith.addi %mul3A_138, %add3A_139 : i32
      %add3A_141 = arith.constant 1 : i32
      %add3A_142 = arith.addi %add3A_140, %add3A_141 : i32
      %lt3A_143 = arith.constant 125 : i32
      %lt3A_144 = arith.cmpi slt, %add3A_142, %lt3A_143 : i32
      %convert_element_type3A_145 = arith.extui %lt3A_144 : i1 to i32
      %cond3A_146 = arith.constant 0 : i32
      %cond3A_147 = arith.cmpi ne, %convert_element_type3A_145, %cond3A_146 : i32
      scf.if %cond3A_147 {
        %add3A_153 = arith.constant 1 : i32
        %add3A_154 = arith.addi %add3A_140, %add3A_153 : i32
        %mul3A_155 = arith.constant 80 : i32
        %mul3A_156 = arith.muli %add3A_154, %mul3A_155 : i32
        %add3A_157 = arith.addi %mul3A_4, %mul3A_156 : i32
        %run_scoped3A_158 = arith.constant 0 : i32
        "tpu.region"() ({
          %run_scoped3A_172 = tpu.sem_alloc : memref<!tpu.dma_semaphore, #tpu.memory_space<semaphore_mem>>
          %dma_start3A_173 = arith.constant 0 : i32
          %dma_start3A_174 = tpu.memref_slice %arg7[%run_scoped3A_158, %dma_start3A_173] : memref<2x80xi32, #tpu.memory_space<vmem>> -> memref<1x80xi32, #tpu.memory_space<vmem>>
          %dma_start3A_175 = tpu.memref_squeeze %dma_start3A_174 : memref<1x80xi32, #tpu.memory_space<vmem>> -> memref<80xi32, #tpu.memory_space<vmem>>
          %dma_start3A_176 = tpu.memref_slice %arg3[%add3A_157] : memref<320000xi32, #tpu.memory_space<hbm>> -> memref<80xi32, #tpu.memory_space<hbm>>
          %dma_start3A_177 = arith.constant 0 : i32
          %dma_start3A_178 = tpu.memref_slice %arg7[%run_scoped3A_158, %dma_start3A_177] : memref<2x80xi32, #tpu.memory_space<vmem>> -> memref<1x80xi32, #tpu.memory_space<vmem>>
          %dma_start3A_179 = tpu.memref_squeeze %dma_start3A_178 : memref<1x80xi32, #tpu.memory_space<vmem>> -> memref<80xi32, #tpu.memory_space<vmem>>
          %dma_start3A_180 = tpu.memref_slice %arg3[%add3A_157] : memref<320000xi32, #tpu.memory_space<hbm>> -> memref<80xi32, #tpu.memory_space<hbm>>
          tpu.enqueue_dma source(%dma_start3A_180 : memref<80xi32, #tpu.memory_space<hbm>>) target(%dma_start3A_179 : memref<80xi32, #tpu.memory_space<vmem>>) target_semaphore(%run_scoped3A_172 : memref<!tpu.dma_semaphore, #tpu.memory_space<semaphore_mem>>)
          %dma_wait3A = arith.constant 0 : i32
          %dma_wait3A_181 = tpu.memref_slice %arg7[%run_scoped3A_158, %dma_wait3A] : memref<2x80xi32, #tpu.memory_space<vmem>> -> memref<1x80xi32, #tpu.memory_space<vmem>>
          %dma_wait3A_182 = tpu.memref_squeeze %dma_wait3A_181 : memref<1x80xi32, #tpu.memory_space<vmem>> -> memref<80xi32, #tpu.memory_space<vmem>>
          %dma_wait3A_183 = tpu.memref_slice %arg3[%add3A_157] : memref<320000xi32, #tpu.memory_space<hbm>> -> memref<80xi32, #tpu.memory_space<hbm>>
          %dma_wait3A_184 = arith.constant 0 : i32
          %dma_wait3A_185 = tpu.memref_slice %arg7[%run_scoped3A_158, %dma_wait3A_184] : memref<2x80xi32, #tpu.memory_space<vmem>> -> memref<1x80xi32, #tpu.memory_space<vmem>>
          %dma_wait3A_186 = tpu.memref_squeeze %dma_wait3A_185 : memref<1x80xi32, #tpu.memory_space<vmem>> -> memref<80xi32, #tpu.memory_space<vmem>>
          %dma_wait3A_187 = tpu.memref_slice %arg3[%add3A_157] : memref<320000xi32, #tpu.memory_space<hbm>> -> memref<80xi32, #tpu.memory_space<hbm>>
          tpu.wait_dma2 semaphore(%run_scoped3A_172 : memref<!tpu.dma_semaphore, #tpu.memory_space<semaphore_mem>>) src(%dma_wait3A_187 : memref<80xi32, #tpu.memory_space<hbm>>) dst(%dma_wait3A_186 : memref<80xi32, #tpu.memory_space<vmem>>)
          tpu.yield
        }) : () -> ()
        %run_scoped3A_159 = arith.constant 0 : i32
        "tpu.region"() ({
          %run_scoped3A_172 = tpu.sem_alloc : memref<!tpu.dma_semaphore, #tpu.memory_space<semaphore_mem>>
          %dma_start3A_173 = arith.constant 0 : i32
          %dma_start3A_174 = tpu.memref_slice %arg8[%run_scoped3A_159, %dma_start3A_173] : memref<2x80xi32, #tpu.memory_space<vmem>> -> memref<1x80xi32, #tpu.memory_space<vmem>>
          %dma_start3A_175 = tpu.memref_squeeze %dma_start3A_174 : memref<1x80xi32, #tpu.memory_space<vmem>> -> memref<80xi32, #tpu.memory_space<vmem>>
          %dma_start3A_176 = tpu.memref_slice %arg4[%add3A_157] : memref<320000xi32, #tpu.memory_space<hbm>> -> memref<80xi32, #tpu.memory_space<hbm>>
          %dma_start3A_177 = arith.constant 0 : i32
          %dma_start3A_178 = tpu.memref_slice %arg8[%run_scoped3A_159, %dma_start3A_177] : memref<2x80xi32, #tpu.memory_space<vmem>> -> memref<1x80xi32, #tpu.memory_space<vmem>>
          %dma_start3A_179 = tpu.memref_squeeze %dma_start3A_178 : memref<1x80xi32, #tpu.memory_space<vmem>> -> memref<80xi32, #tpu.memory_space<vmem>>
          %dma_start3A_180 = tpu.memref_slice %arg4[%add3A_157] : memref<320000xi32, #tpu.memory_space<hbm>> -> memref<80xi32, #tpu.memory_space<hbm>>
          tpu.enqueue_dma source(%dma_start3A_180 : memref<80xi32, #tpu.memory_space<hbm>>) target(%dma_start3A_179 : memref<80xi32, #tpu.memory_space<vmem>>) target_semaphore(%run_scoped3A_172 : memref<!tpu.dma_semaphore, #tpu.memory_space<semaphore_mem>>)
          %dma_wait3A = arith.constant 0 : i32
          %dma_wait3A_181 = tpu.memref_slice %arg8[%run_scoped3A_159, %dma_wait3A] : memref<2x80xi32, #tpu.memory_space<vmem>> -> memref<1x80xi32, #tpu.memory_space<vmem>>
          %dma_wait3A_182 = tpu.memref_squeeze %dma_wait3A_181 : memref<1x80xi32, #tpu.memory_space<vmem>> -> memref<80xi32, #tpu.memory_space<vmem>>
          %dma_wait3A_183 = tpu.memref_slice %arg4[%add3A_157] : memref<320000xi32, #tpu.memory_space<hbm>> -> memref<80xi32, #tpu.memory_space<hbm>>
          %dma_wait3A_184 = arith.constant 0 : i32
          %dma_wait3A_185 = tpu.memref_slice %arg8[%run_scoped3A_159, %dma_wait3A_184] : memref<2x80xi32, #tpu.memory_space<vmem>> -> memref<1x80xi32, #tpu.memory_space<vmem>>
          %dma_wait3A_186 = tpu.memref_squeeze %dma_wait3A_185 : memref<1x80xi32, #tpu.memory_space<vmem>> -> memref<80xi32, #tpu.memory_space<vmem>>
          %dma_wait3A_187 = tpu.memref_slice %arg4[%add3A_157] : memref<320000xi32, #tpu.memory_space<hbm>> -> memref<80xi32, #tpu.memory_space<hbm>>
          tpu.wait_dma2 semaphore(%run_scoped3A_172 : memref<!tpu.dma_semaphore, #tpu.memory_space<semaphore_mem>>) src(%dma_wait3A_187 : memref<80xi32, #tpu.memory_space<hbm>>) dst(%dma_wait3A_186 : memref<80xi32, #tpu.memory_space<vmem>>)
          tpu.yield
        }) : () -> ()
        %dma_start3A_160 = arith.constant 0 : i32
        %dma_start3A_161 = arith.constant 0 : i32
        %dma_start3A_162 = arith.constant 0 : i32
        %dma_start3A_163 = arith.constant 0 : i32
        %dma_start3A_164 = tpu.memref_slice %arg9[%dma_start3A_161, %dma_start3A_162, %dma_start3A_163] : memref<2x80x128xf32, #tpu.memory_space<vmem>> -> memref<1x80x128xf32, #tpu.memory_space<vmem>>
        %dma_start3A_165 = tpu.memref_squeeze %dma_start3A_164 : memref<1x80x128xf32, #tpu.memory_space<vmem>> -> memref<80x128xf32, #tpu.memory_space<vmem>>
        %dma_start3A_166 = arith.constant 0 : i32
        %dma_start3A_167 = tpu.memref_slice %arg7[%dma_start3A_160, %dma_start3A_166] : memref<2x80xi32, #tpu.memory_space<vmem>> -> memref<1x80xi32, #tpu.memory_space<vmem>>
        %dma_start3A_168 = tpu.memref_squeeze %dma_start3A_167 : memref<1x80xi32, #tpu.memory_space<vmem>> -> memref<80xi32, #tpu.memory_space<vmem>>
        %dma_start3A_169 = arith.constant 0 : i32
        %dma_start3A_170 = arith.constant 0 : i32
        %dma_start3A_171 = tpu.memref_slice %arg2[%dma_start3A_169, %dma_start3A_170] : memref<10240x128xf32, #tpu.memory_space<hbm>> -> memref<10240x128xf32, #tpu.memory_space<hbm>>
        tpu.enqueue_indirect_dma source(%dma_start3A_171 : memref<10240x128xf32, #tpu.memory_space<hbm>>) target(%dma_start3A_165 : memref<80x128xf32, #tpu.memory_space<vmem>>) offsets(%dma_start3A_168 : memref<80xi32, #tpu.memory_space<vmem>>) semaphore(%arg12 : memref<!tpu.dma_semaphore, #tpu.memory_space<semaphore_mem>>)
      } else {
      }
      %lt3A_148 = arith.constant 125 : i32
      %lt3A_149 = arith.cmpi slt, %add3A_140, %lt3A_148 : i32
      %convert_element_type3A_150 = arith.extui %lt3A_149 : i1 to i32
      %cond3A_151 = arith.constant 0 : i32
      %cond3A_152 = arith.cmpi ne, %convert_element_type3A_150, %cond3A_151 : i32
      scf.if %cond3A_152 {
        %dma_wait3A = arith.constant 1 : i32
        %dma_wait3A_153 = arith.constant 1 : i32
        %dma_wait3A_154 = arith.constant 0 : i32
        %dma_wait3A_155 = arith.constant 0 : i32
        %dma_wait3A_156 = tpu.memref_slice %arg9[%dma_wait3A_153, %dma_wait3A_154, %dma_wait3A_155] : memref<2x80x128xf32, #tpu.memory_space<vmem>> -> memref<1x80x128xf32, #tpu.memory_space<vmem>>
        %dma_wait3A_157 = tpu.memref_squeeze %dma_wait3A_156 : memref<1x80x128xf32, #tpu.memory_space<vmem>> -> memref<80x128xf32, #tpu.memory_space<vmem>>
        %dma_wait3A_158 = arith.constant 0 : i32
        %dma_wait3A_159 = tpu.memref_slice %arg7[%dma_wait3A, %dma_wait3A_158] : memref<2x80xi32, #tpu.memory_space<vmem>> -> memref<1x80xi32, #tpu.memory_space<vmem>>
        %dma_wait3A_160 = tpu.memref_squeeze %dma_wait3A_159 : memref<1x80xi32, #tpu.memory_space<vmem>> -> memref<80xi32, #tpu.memory_space<vmem>>
        %dma_wait3A_161 = arith.constant 0 : i32
        %dma_wait3A_162 = arith.constant 0 : i32
        %dma_wait3A_163 = tpu.memref_slice %arg2[%dma_wait3A_161, %dma_wait3A_162] : memref<10240x128xf32, #tpu.memory_space<hbm>> -> memref<10240x128xf32, #tpu.memory_space<hbm>>
        tpu.wait_indirect_dma semaphore(%arg13 : memref<!tpu.dma_semaphore, #tpu.memory_space<semaphore_mem>>) src(%dma_wait3A_163 : memref<10240x128xf32, #tpu.memory_space<hbm>>) dst(%dma_wait3A_157 : memref<80x128xf32, #tpu.memory_space<vmem>>)
        %run_scoped3A_164 = arith.constant 1 : i32
        %run_scoped3A_165 = arith.constant 1 : i32
        "tpu.region"() ({
          %run_scoped3A_166 = tpu.sem_alloc : memref<!tpu.dma_semaphore, #tpu.memory_space<semaphore_mem>>
          %dma_start3A_167 = arith.constant 0 : i32
          %dma_start3A_168 = arith.constant 0 : i32
          %dma_start3A_169 = tpu.memref_slice %arg9[%run_scoped3A_164, %dma_start3A_167, %dma_start3A_168] : memref<2x80x128xf32, #tpu.memory_space<vmem>> -> memref<1x80x128xf32, #tpu.memory_space<vmem>>
          %dma_start3A_170 = tpu.memref_squeeze %dma_start3A_169 : memref<1x80x128xf32, #tpu.memory_space<vmem>> -> memref<80x128xf32, #tpu.memory_space<vmem>>
          %dma_start3A_171 = arith.constant 0 : i32
          %dma_start3A_172 = tpu.memref_slice %arg8[%run_scoped3A_165, %dma_start3A_171] : memref<2x80xi32, #tpu.memory_space<vmem>> -> memref<1x80xi32, #tpu.memory_space<vmem>>
          %dma_start3A_173 = tpu.memref_squeeze %dma_start3A_172 : memref<1x80xi32, #tpu.memory_space<vmem>> -> memref<80xi32, #tpu.memory_space<vmem>>
          %dma_start3A_174 = arith.constant 0 : i32
          %dma_start3A_175 = arith.constant 0 : i32
          %dma_start3A_176 = tpu.memref_slice %arg11[%dma_start3A_174, %dma_start3A_175] : memref<10240x128xf32, #tpu.memory_space<vmem_shared>> -> memref<10240x128xf32, #tpu.memory_space<vmem_shared>>
          tpu.enqueue_indirect_dma source(%dma_start3A_170 : memref<80x128xf32, #tpu.memory_space<vmem>>) target(%dma_start3A_176 : memref<10240x128xf32, #tpu.memory_space<vmem_shared>>) offsets(%dma_start3A_173 : memref<80xi32, #tpu.memory_space<vmem>>) semaphore(%run_scoped3A_166 : memref<!tpu.dma_semaphore, #tpu.memory_space<semaphore_mem>>) {add = true}
          %dma_wait3A_177 = arith.constant 0 : i32
          %dma_wait3A_178 = arith.constant 0 : i32
          %dma_wait3A_179 = tpu.memref_slice %arg9[%run_scoped3A_164, %dma_wait3A_177, %dma_wait3A_178] : memref<2x80x128xf32, #tpu.memory_space<vmem>> -> memref<1x80x128xf32, #tpu.memory_space<vmem>>
          %dma_wait3A_180 = tpu.memref_squeeze %dma_wait3A_179 : memref<1x80x128xf32, #tpu.memory_space<vmem>> -> memref<80x128xf32, #tpu.memory_space<vmem>>
          %dma_wait3A_181 = arith.constant 0 : i32
          %dma_wait3A_182 = tpu.memref_slice %arg8[%run_scoped3A_165, %dma_wait3A_181] : memref<2x80xi32, #tpu.memory_space<vmem>> -> memref<1x80xi32, #tpu.memory_space<vmem>>
          %dma_wait3A_183 = tpu.memref_squeeze %dma_wait3A_182 : memref<1x80xi32, #tpu.memory_space<vmem>> -> memref<80xi32, #tpu.memory_space<vmem>>
          %dma_wait3A_184 = arith.constant 0 : i32
          %dma_wait3A_185 = arith.constant 0 : i32
          %dma_wait3A_186 = tpu.memref_slice %arg11[%dma_wait3A_184, %dma_wait3A_185] : memref<10240x128xf32, #tpu.memory_space<vmem_shared>> -> memref<10240x128xf32, #tpu.memory_space<vmem_shared>>
          tpu.wait_indirect_dma semaphore(%run_scoped3A_166 : memref<!tpu.dma_semaphore, #tpu.memory_space<semaphore_mem>>) src(%dma_wait3A_180 : memref<80x128xf32, #tpu.memory_space<vmem>>) dst(%dma_wait3A_186 : memref<10240x128xf32, #tpu.memory_space<vmem_shared>>)
          tpu.yield
        }) : () -> ()
      } else {
      }
    }
    %scan3A_45 = arith.constant 63 : i32
    %barrier3A_46 = arith.constant 0 : index
    tpu.barrier barrier_id(%barrier3A_46)
    %add3A_47 = arith.constant 0 : i32
    %add3A_48 = arith.addi %mul3A_2, %add3A_47 : i32
    "tpu.region"() ({
      %run_scoped3A_123 = tpu.sem_alloc : memref<!tpu.dma_semaphore, #tpu.memory_space<semaphore_mem>>
      %dma_start3A_124 = arith.constant 0 : i32
      %dma_start3A_125 = tpu.memref_slice %arg11[%add3A_48, %dma_start3A_124] : memref<10240x128xf32, #tpu.memory_space<vmem_shared>> -> memref<80x128xf32, #tpu.memory_space<vmem_shared>>
      %dma_start3A_126 = arith.constant 0 : i32
      %dma_start3A_127 = tpu.memref_slice %arg11[%add3A_48, %dma_start3A_126] : memref<10240x128xf32, #tpu.memory_space<vmem_shared>> -> memref<80x128xf32, #tpu.memory_space<vmem_shared>>
      tpu.enqueue_dma source(%dma_start3A_127 : memref<80x128xf32, #tpu.memory_space<vmem_shared>>) target(%arg10 : memref<80x128xf32, #tpu.memory_space<vmem>>) target_semaphore(%run_scoped3A_123 : memref<!tpu.dma_semaphore, #tpu.memory_space<semaphore_mem>>)
      %dma_wait3A = arith.constant 0 : i32
      %dma_wait3A_128 = tpu.memref_slice %arg11[%add3A_48, %dma_wait3A] : memref<10240x128xf32, #tpu.memory_space<vmem_shared>> -> memref<80x128xf32, #tpu.memory_space<vmem_shared>>
      %dma_wait3A_129 = arith.constant 0 : i32
      %dma_wait3A_130 = tpu.memref_slice %arg11[%add3A_48, %dma_wait3A_129] : memref<10240x128xf32, #tpu.memory_space<vmem_shared>> -> memref<80x128xf32, #tpu.memory_space<vmem_shared>>
      tpu.wait_dma2 semaphore(%run_scoped3A_123 : memref<!tpu.dma_semaphore, #tpu.memory_space<semaphore_mem>>) src(%dma_wait3A_130 : memref<80x128xf32, #tpu.memory_space<vmem_shared>>) dst(%arg10 : memref<80x128xf32, #tpu.memory_space<vmem>>)
      tpu.yield
    }) : () -> ()
    "tpu.region"() ({
      %run_scoped3A_123 = tpu.sem_alloc : memref<!tpu.dma_semaphore, #tpu.memory_space<semaphore_mem>>
      %dma_start3A_124 = arith.constant 0 : i32
      %dma_start3A_125 = tpu.memref_slice %arg5[%arg0, %add3A_48, %dma_start3A_124] : memref<2x10240x128xf32, #tpu.memory_space<hbm>> -> memref<1x80x128xf32, #tpu.memory_space<hbm>>
      %dma_start3A_126 = tpu.memref_squeeze %dma_start3A_125 : memref<1x80x128xf32, #tpu.memory_space<hbm>> -> memref<80x128xf32, #tpu.memory_space<hbm>>
      %dma_start3A_127 = arith.constant 0 : i32
      %dma_start3A_128 = tpu.memref_slice %arg5[%arg0, %add3A_48, %dma_start3A_127] : memref<2x10240x128xf32, #tpu.memory_space<hbm>> -> memref<1x80x128xf32, #tpu.memory_space<hbm>>
      %dma_start3A_129 = tpu.memref_squeeze %dma_start3A_128 : memref<1x80x128xf32, #tpu.memory_space<hbm>> -> memref<80x128xf32, #tpu.memory_space<hbm>>
      tpu.enqueue_dma source(%arg10 : memref<80x128xf32, #tpu.memory_space<vmem>>) target(%dma_start3A_129 : memref<80x128xf32, #tpu.memory_space<hbm>>) target_semaphore(%run_scoped3A_123 : memref<!tpu.dma_semaphore, #tpu.memory_space<semaphore_mem>>)
      %dma_wait3A = arith.constant 0 : i32
      %dma_wait3A_130 = tpu.memref_slice %arg5[%arg0, %add3A_48, %dma_wait3A] : memref<2x10240x128xf32, #tpu.memory_space<hbm>> -> memref<1x80x128xf32, #tpu.memory_space<hbm>>
      %dma_wait3A_131 = tpu.memref_squeeze %dma_wait3A_130 : memref<1x80x128xf32, #tpu.memory_space<hbm>> -> memref<80x128xf32, #tpu.memory_space<hbm>>
      %dma_wait3A_132 = arith.constant 0 : i32
      %dma_wait3A_133 = tpu.memref_slice %arg5[%arg0, %add3A_48, %dma_wait3A_132] : memref<2x10240x128xf32, #tpu.memory_space<hbm>> -> memref<1x80x128xf32, #tpu.memory_space<hbm>>
      %dma_wait3A_134 = tpu.memref_squeeze %dma_wait3A_133 : memref<1x80x128xf32, #tpu.memory_space<hbm>> -> memref<80x128xf32, #tpu.memory_space<hbm>>
      tpu.wait_dma2 semaphore(%run_scoped3A_123 : memref<!tpu.dma_semaphore, #tpu.memory_space<semaphore_mem>>) src(%arg10 : memref<80x128xf32, #tpu.memory_space<vmem>>) dst(%dma_wait3A_134 : memref<80x128xf32, #tpu.memory_space<hbm>>)
      tpu.yield
    }) : () -> ()
    %add3A_49 = arith.constant 80 : i32
    %add3A_50 = arith.addi %mul3A_2, %add3A_49 : i32
    "tpu.region"() ({
      %run_scoped3A_123 = tpu.sem_alloc : memref<!tpu.dma_semaphore, #tpu.memory_space<semaphore_mem>>
      %dma_start3A_124 = arith.constant 0 : i32
      %dma_start3A_125 = tpu.memref_slice %arg11[%add3A_50, %dma_start3A_124] : memref<10240x128xf32, #tpu.memory_space<vmem_shared>> -> memref<80x128xf32, #tpu.memory_space<vmem_shared>>
      %dma_start3A_126 = arith.constant 0 : i32
      %dma_start3A_127 = tpu.memref_slice %arg11[%add3A_50, %dma_start3A_126] : memref<10240x128xf32, #tpu.memory_space<vmem_shared>> -> memref<80x128xf32, #tpu.memory_space<vmem_shared>>
      tpu.enqueue_dma source(%dma_start3A_127 : memref<80x128xf32, #tpu.memory_space<vmem_shared>>) target(%arg10 : memref<80x128xf32, #tpu.memory_space<vmem>>) target_semaphore(%run_scoped3A_123 : memref<!tpu.dma_semaphore, #tpu.memory_space<semaphore_mem>>)
      %dma_wait3A = arith.constant 0 : i32
      %dma_wait3A_128 = tpu.memref_slice %arg11[%add3A_50, %dma_wait3A] : memref<10240x128xf32, #tpu.memory_space<vmem_shared>> -> memref<80x128xf32, #tpu.memory_space<vmem_shared>>
      %dma_wait3A_129 = arith.constant 0 : i32
      %dma_wait3A_130 = tpu.memref_slice %arg11[%add3A_50, %dma_wait3A_129] : memref<10240x128xf32, #tpu.memory_space<vmem_shared>> -> memref<80x128xf32, #tpu.memory_space<vmem_shared>>
      tpu.wait_dma2 semaphore(%run_scoped3A_123 : memref<!tpu.dma_semaphore, #tpu.memory_space<semaphore_mem>>) src(%dma_wait3A_130 : memref<80x128xf32, #tpu.memory_space<vmem_shared>>) dst(%arg10 : memref<80x128xf32, #tpu.memory_space<vmem>>)
      tpu.yield
    }) : () -> ()
    "tpu.region"() ({
      %run_scoped3A_123 = tpu.sem_alloc : memref<!tpu.dma_semaphore, #tpu.memory_space<semaphore_mem>>
      %dma_start3A_124 = arith.constant 0 : i32
      %dma_start3A_125 = tpu.memref_slice %arg5[%arg0, %add3A_50, %dma_start3A_124] : memref<2x10240x128xf32, #tpu.memory_space<hbm>> -> memref<1x80x128xf32, #tpu.memory_space<hbm>>
      %dma_start3A_126 = tpu.memref_squeeze %dma_start3A_125 : memref<1x80x128xf32, #tpu.memory_space<hbm>> -> memref<80x128xf32, #tpu.memory_space<hbm>>
      %dma_start3A_127 = arith.constant 0 : i32
      %dma_start3A_128 = tpu.memref_slice %arg5[%arg0, %add3A_50, %dma_start3A_127] : memref<2x10240x128xf32, #tpu.memory_space<hbm>> -> memref<1x80x128xf32, #tpu.memory_space<hbm>>
      %dma_start3A_129 = tpu.memref_squeeze %dma_start3A_128 : memref<1x80x128xf32, #tpu.memory_space<hbm>> -> memref<80x128xf32, #tpu.memory_space<hbm>>
      tpu.enqueue_dma source(%arg10 : memref<80x128xf32, #tpu.memory_space<vmem>>) target(%dma_start3A_129 : memref<80x128xf32, #tpu.memory_space<hbm>>) target_semaphore(%run_scoped3A_123 : memref<!tpu.dma_semaphore, #tpu.memory_space<semaphore_mem>>)
      %dma_wait3A = arith.constant 0 : i32
      %dma_wait3A_130 = tpu.memref_slice %arg5[%arg0, %add3A_50, %dma_wait3A] : memref<2x10240x128xf32, #tpu.memory_space<hbm>> -> memref<1x80x128xf32, #tpu.memory_space<hbm>>
      %dma_wait3A_131 = tpu.memref_squeeze %dma_wait3A_130 : memref<1x80x128xf32, #tpu.memory_space<hbm>> -> memref<80x128xf32, #tpu.memory_space<hbm>>
      %dma_wait3A_132 = arith.constant 0 : i32
      %dma_wait3A_133 = tpu.memref_slice %arg5[%arg0, %add3A_50, %dma_wait3A_132] : memref<2x10240x128xf32, #tpu.memory_space<hbm>> -> memref<1x80x128xf32, #tpu.memory_space<hbm>>
      %dma_wait3A_134 = tpu.memref_squeeze %dma_wait3A_133 : memref<1x80x128xf32, #tpu.memory_space<hbm>> -> memref<80x128xf32, #tpu.memory_space<hbm>>
      tpu.wait_dma2 semaphore(%run_scoped3A_123 : memref<!tpu.dma_semaphore, #tpu.memory_space<semaphore_mem>>) src(%arg10 : memref<80x128xf32, #tpu.memory_space<vmem>>) dst(%dma_wait3A_134 : memref<80x128xf32, #tpu.memory_space<hbm>>)
      tpu.yield
    }) : () -> ()
    %add3A_51 = arith.constant 160 : i32
    %add3A_52 = arith.addi %mul3A_2, %add3A_51 : i32
    "tpu.region"() ({
      %run_scoped3A_123 = tpu.sem_alloc : memref<!tpu.dma_semaphore, #tpu.memory_space<semaphore_mem>>
      %dma_start3A_124 = arith.constant 0 : i32
      %dma_start3A_125 = tpu.memref_slice %arg11[%add3A_52, %dma_start3A_124] : memref<10240x128xf32, #tpu.memory_space<vmem_shared>> -> memref<80x128xf32, #tpu.memory_space<vmem_shared>>
      %dma_start3A_126 = arith.constant 0 : i32
      %dma_start3A_127 = tpu.memref_slice %arg11[%add3A_52, %dma_start3A_126] : memref<10240x128xf32, #tpu.memory_space<vmem_shared>> -> memref<80x128xf32, #tpu.memory_space<vmem_shared>>
      tpu.enqueue_dma source(%dma_start3A_127 : memref<80x128xf32, #tpu.memory_space<vmem_shared>>) target(%arg10 : memref<80x128xf32, #tpu.memory_space<vmem>>) target_semaphore(%run_scoped3A_123 : memref<!tpu.dma_semaphore, #tpu.memory_space<semaphore_mem>>)
      %dma_wait3A = arith.constant 0 : i32
      %dma_wait3A_128 = tpu.memref_slice %arg11[%add3A_52, %dma_wait3A] : memref<10240x128xf32, #tpu.memory_space<vmem_shared>> -> memref<80x128xf32, #tpu.memory_space<vmem_shared>>
      %dma_wait3A_129 = arith.constant 0 : i32
      %dma_wait3A_130 = tpu.memref_slice %arg11[%add3A_52, %dma_wait3A_129] : memref<10240x128xf32, #tpu.memory_space<vmem_shared>> -> memref<80x128xf32, #tpu.memory_space<vmem_shared>>
      tpu.wait_dma2 semaphore(%run_scoped3A_123 : memref<!tpu.dma_semaphore, #tpu.memory_space<semaphore_mem>>) src(%dma_wait3A_130 : memref<80x128xf32, #tpu.memory_space<vmem_shared>>) dst(%arg10 : memref<80x128xf32, #tpu.memory_space<vmem>>)
      tpu.yield
    }) : () -> ()
    "tpu.region"() ({
      %run_scoped3A_123 = tpu.sem_alloc : memref<!tpu.dma_semaphore, #tpu.memory_space<semaphore_mem>>
      %dma_start3A_124 = arith.constant 0 : i32
      %dma_start3A_125 = tpu.memref_slice %arg5[%arg0, %add3A_52, %dma_start3A_124] : memref<2x10240x128xf32, #tpu.memory_space<hbm>> -> memref<1x80x128xf32, #tpu.memory_space<hbm>>
      %dma_start3A_126 = tpu.memref_squeeze %dma_start3A_125 : memref<1x80x128xf32, #tpu.memory_space<hbm>> -> memref<80x128xf32, #tpu.memory_space<hbm>>
      %dma_start3A_127 = arith.constant 0 : i32
      %dma_start3A_128 = tpu.memref_slice %arg5[%arg0, %add3A_52, %dma_start3A_127] : memref<2x10240x128xf32, #tpu.memory_space<hbm>> -> memref<1x80x128xf32, #tpu.memory_space<hbm>>
      %dma_start3A_129 = tpu.memref_squeeze %dma_start3A_128 : memref<1x80x128xf32, #tpu.memory_space<hbm>> -> memref<80x128xf32, #tpu.memory_space<hbm>>
      tpu.enqueue_dma source(%arg10 : memref<80x128xf32, #tpu.memory_space<vmem>>) target(%dma_start3A_129 : memref<80x128xf32, #tpu.memory_space<hbm>>) target_semaphore(%run_scoped3A_123 : memref<!tpu.dma_semaphore, #tpu.memory_space<semaphore_mem>>)
      %dma_wait3A = arith.constant 0 : i32
      %dma_wait3A_130 = tpu.memref_slice %arg5[%arg0, %add3A_52, %dma_wait3A] : memref<2x10240x128xf32, #tpu.memory_space<hbm>> -> memref<1x80x128xf32, #tpu.memory_space<hbm>>
      %dma_wait3A_131 = tpu.memref_squeeze %dma_wait3A_130 : memref<1x80x128xf32, #tpu.memory_space<hbm>> -> memref<80x128xf32, #tpu.memory_space<hbm>>
      %dma_wait3A_132 = arith.constant 0 : i32
      %dma_wait3A_133 = tpu.memref_slice %arg5[%arg0, %add3A_52, %dma_wait3A_132] : memref<2x10240x128xf32, #tpu.memory_space<hbm>> -> memref<1x80x128xf32, #tpu.memory_space<hbm>>
      %dma_wait3A_134 = tpu.memref_squeeze %dma_wait3A_133 : memref<1x80x128xf32, #tpu.memory_space<hbm>> -> memref<80x128xf32, #tpu.memory_space<hbm>>
      tpu.wait_dma2 semaphore(%run_scoped3A_123 : memref<!tpu.dma_semaphore, #tpu.memory_space<semaphore_mem>>) src(%arg10 : memref<80x128xf32, #tpu.memory_space<vmem>>) dst(%dma_wait3A_134 : memref<80x128xf32, #tpu.memory_space<hbm>>)
      tpu.yield
    }) : () -> ()
    %add3A_53 = arith.constant 240 : i32
    %add3A_54 = arith.addi %mul3A_2, %add3A_53 : i32
    "tpu.region"() ({
      %run_scoped3A_123 = tpu.sem_alloc : memref<!tpu.dma_semaphore, #tpu.memory_space<semaphore_mem>>
      %dma_start3A_124 = arith.constant 0 : i32
      %dma_start3A_125 = tpu.memref_slice %arg11[%add3A_54, %dma_start3A_124] : memref<10240x128xf32, #tpu.memory_space<vmem_shared>> -> memref<80x128xf32, #tpu.memory_space<vmem_shared>>
      %dma_start3A_126 = arith.constant 0 : i32
      %dma_start3A_127 = tpu.memref_slice %arg11[%add3A_54, %dma_start3A_126] : memref<10240x128xf32, #tpu.memory_space<vmem_shared>> -> memref<80x128xf32, #tpu.memory_space<vmem_shared>>
      tpu.enqueue_dma source(%dma_start3A_127 : memref<80x128xf32, #tpu.memory_space<vmem_shared>>) target(%arg10 : memref<80x128xf32, #tpu.memory_space<vmem>>) target_semaphore(%run_scoped3A_123 : memref<!tpu.dma_semaphore, #tpu.memory_space<semaphore_mem>>)
      %dma_wait3A = arith.constant 0 : i32
      %dma_wait3A_128 = tpu.memref_slice %arg11[%add3A_54, %dma_wait3A] : memref<10240x128xf32, #tpu.memory_space<vmem_shared>> -> memref<80x128xf32, #tpu.memory_space<vmem_shared>>
      %dma_wait3A_129 = arith.constant 0 : i32
      %dma_wait3A_130 = tpu.memref_slice %arg11[%add3A_54, %dma_wait3A_129] : memref<10240x128xf32, #tpu.memory_space<vmem_shared>> -> memref<80x128xf32, #tpu.memory_space<vmem_shared>>
      tpu.wait_dma2 semaphore(%run_scoped3A_123 : memref<!tpu.dma_semaphore, #tpu.memory_space<semaphore_mem>>) src(%dma_wait3A_130 : memref<80x128xf32, #tpu.memory_space<vmem_shared>>) dst(%arg10 : memref<80x128xf32, #tpu.memory_space<vmem>>)
      tpu.yield
    }) : () -> ()
    "tpu.region"() ({
      %run_scoped3A_123 = tpu.sem_alloc : memref<!tpu.dma_semaphore, #tpu.memory_space<semaphore_mem>>
      %dma_start3A_124 = arith.constant 0 : i32
      %dma_start3A_125 = tpu.memref_slice %arg5[%arg0, %add3A_54, %dma_start3A_124] : memref<2x10240x128xf32, #tpu.memory_space<hbm>> -> memref<1x80x128xf32, #tpu.memory_space<hbm>>
      %dma_start3A_126 = tpu.memref_squeeze %dma_start3A_125 : memref<1x80x128xf32, #tpu.memory_space<hbm>> -> memref<80x128xf32, #tpu.memory_space<hbm>>
      %dma_start3A_127 = arith.constant 0 : i32
      %dma_start3A_128 = tpu.memref_slice %arg5[%arg0, %add3A_54, %dma_start3A_127] : memref<2x10240x128xf32, #tpu.memory_space<hbm>> -> memref<1x80x128xf32, #tpu.memory_space<hbm>>
      %dma_start3A_129 = tpu.memref_squeeze %dma_start3A_128 : memref<1x80x128xf32, #tpu.memory_space<hbm>> -> memref<80x128xf32, #tpu.memory_space<hbm>>
      tpu.enqueue_dma source(%arg10 : memref<80x128xf32, #tpu.memory_space<vmem>>) target(%dma_start3A_129 : memref<80x128xf32, #tpu.memory_space<hbm>>) target_semaphore(%run_scoped3A_123 : memref<!tpu.dma_semaphore, #tpu.memory_space<semaphore_mem>>)
      %dma_wait3A = arith.constant 0 : i32
      %dma_wait3A_130 = tpu.memref_slice %arg5[%arg0, %add3A_54, %dma_wait3A] : memref<2x10240x128xf32, #tpu.memory_space<hbm>> -> memref<1x80x128xf32, #tpu.memory_space<hbm>>
      %dma_wait3A_131 = tpu.memref_squeeze %dma_wait3A_130 : memref<1x80x128xf32, #tpu.memory_space<hbm>> -> memref<80x128xf32, #tpu.memory_space<hbm>>
      %dma_wait3A_132 = arith.constant 0 : i32
      %dma_wait3A_133 = tpu.memref_slice %arg5[%arg0, %add3A_54, %dma_wait3A_132] : memref<2x10240x128xf32, #tpu.memory_space<hbm>> -> memref<1x80x128xf32, #tpu.memory_space<hbm>>
      %dma_wait3A_134 = tpu.memref_squeeze %dma_wait3A_133 : memref<1x80x128xf32, #tpu.memory_space<hbm>> -> memref<80x128xf32, #tpu.memory_space<hbm>>
      tpu.wait_dma2 semaphore(%run_scoped3A_123 : memref<!tpu.dma_semaphore, #tpu.memory_space<semaphore_mem>>) src(%arg10 : memref<80x128xf32, #tpu.memory_space<vmem>>) dst(%dma_wait3A_134 : memref<80x128xf32, #tpu.memory_space<hbm>>)
      tpu.yield
    }) : () -> ()
    %add3A_55 = arith.constant 320 : i32
    %add3A_56 = arith.addi %mul3A_2, %add3A_55 : i32
    "tpu.region"() ({
      %run_scoped3A_123 = tpu.sem_alloc : memref<!tpu.dma_semaphore, #tpu.memory_space<semaphore_mem>>
      %dma_start3A_124 = arith.constant 0 : i32
      %dma_start3A_125 = tpu.memref_slice %arg11[%add3A_56, %dma_start3A_124] : memref<10240x128xf32, #tpu.memory_space<vmem_shared>> -> memref<80x128xf32, #tpu.memory_space<vmem_shared>>
      %dma_start3A_126 = arith.constant 0 : i32
      %dma_start3A_127 = tpu.memref_slice %arg11[%add3A_56, %dma_start3A_126] : memref<10240x128xf32, #tpu.memory_space<vmem_shared>> -> memref<80x128xf32, #tpu.memory_space<vmem_shared>>
      tpu.enqueue_dma source(%dma_start3A_127 : memref<80x128xf32, #tpu.memory_space<vmem_shared>>) target(%arg10 : memref<80x128xf32, #tpu.memory_space<vmem>>) target_semaphore(%run_scoped3A_123 : memref<!tpu.dma_semaphore, #tpu.memory_space<semaphore_mem>>)
      %dma_wait3A = arith.constant 0 : i32
      %dma_wait3A_128 = tpu.memref_slice %arg11[%add3A_56, %dma_wait3A] : memref<10240x128xf32, #tpu.memory_space<vmem_shared>> -> memref<80x128xf32, #tpu.memory_space<vmem_shared>>
      %dma_wait3A_129 = arith.constant 0 : i32
      %dma_wait3A_130 = tpu.memref_slice %arg11[%add3A_56, %dma_wait3A_129] : memref<10240x128xf32, #tpu.memory_space<vmem_shared>> -> memref<80x128xf32, #tpu.memory_space<vmem_shared>>
      tpu.wait_dma2 semaphore(%run_scoped3A_123 : memref<!tpu.dma_semaphore, #tpu.memory_space<semaphore_mem>>) src(%dma_wait3A_130 : memref<80x128xf32, #tpu.memory_space<vmem_shared>>) dst(%arg10 : memref<80x128xf32, #tpu.memory_space<vmem>>)
      tpu.yield
    }) : () -> ()
    "tpu.region"() ({
      %run_scoped3A_123 = tpu.sem_alloc : memref<!tpu.dma_semaphore, #tpu.memory_space<semaphore_mem>>
      %dma_start3A_124 = arith.constant 0 : i32
      %dma_start3A_125 = tpu.memref_slice %arg5[%arg0, %add3A_56, %dma_start3A_124] : memref<2x10240x128xf32, #tpu.memory_space<hbm>> -> memref<1x80x128xf32, #tpu.memory_space<hbm>>
      %dma_start3A_126 = tpu.memref_squeeze %dma_start3A_125 : memref<1x80x128xf32, #tpu.memory_space<hbm>> -> memref<80x128xf32, #tpu.memory_space<hbm>>
      %dma_start3A_127 = arith.constant 0 : i32
      %dma_start3A_128 = tpu.memref_slice %arg5[%arg0, %add3A_56, %dma_start3A_127] : memref<2x10240x128xf32, #tpu.memory_space<hbm>> -> memref<1x80x128xf32, #tpu.memory_space<hbm>>
      %dma_start3A_129 = tpu.memref_squeeze %dma_start3A_128 : memref<1x80x128xf32, #tpu.memory_space<hbm>> -> memref<80x128xf32, #tpu.memory_space<hbm>>
      tpu.enqueue_dma source(%arg10 : memref<80x128xf32, #tpu.memory_space<vmem>>) target(%dma_start3A_129 : memref<80x128xf32, #tpu.memory_space<hbm>>) target_semaphore(%run_scoped3A_123 : memref<!tpu.dma_semaphore, #tpu.memory_space<semaphore_mem>>)
      %dma_wait3A = arith.constant 0 : i32
      %dma_wait3A_130 = tpu.memref_slice %arg5[%arg0, %add3A_56, %dma_wait3A] : memref<2x10240x128xf32, #tpu.memory_space<hbm>> -> memref<1x80x128xf32, #tpu.memory_space<hbm>>
      %dma_wait3A_131 = tpu.memref_squeeze %dma_wait3A_130 : memref<1x80x128xf32, #tpu.memory_space<hbm>> -> memref<80x128xf32, #tpu.memory_space<hbm>>
      %dma_wait3A_132 = arith.constant 0 : i32
      %dma_wait3A_133 = tpu.memref_slice %arg5[%arg0, %add3A_56, %dma_wait3A_132] : memref<2x10240x128xf32, #tpu.memory_space<hbm>> -> memref<1x80x128xf32, #tpu.memory_space<hbm>>
      %dma_wait3A_134 = tpu.memref_squeeze %dma_wait3A_133 : memref<1x80x128xf32, #tpu.memory_space<hbm>> -> memref<80x128xf32, #tpu.memory_space<hbm>>
      tpu.wait_dma2 semaphore(%run_scoped3A_123 : memref<!tpu.dma_semaphore, #tpu.memory_space<semaphore_mem>>) src(%arg10 : memref<80x128xf32, #tpu.memory_space<vmem>>) dst(%dma_wait3A_134 : memref<80x128xf32, #tpu.memory_space<hbm>>)
      tpu.yield
    }) : () -> ()
    %add3A_57 = arith.constant 400 : i32
    %add3A_58 = arith.addi %mul3A_2, %add3A_57 : i32
    "tpu.region"() ({
      %run_scoped3A_123 = tpu.sem_alloc : memref<!tpu.dma_semaphore, #tpu.memory_space<semaphore_mem>>
      %dma_start3A_124 = arith.constant 0 : i32
      %dma_start3A_125 = tpu.memref_slice %arg11[%add3A_58, %dma_start3A_124] : memref<10240x128xf32, #tpu.memory_space<vmem_shared>> -> memref<80x128xf32, #tpu.memory_space<vmem_shared>>
      %dma_start3A_126 = arith.constant 0 : i32
      %dma_start3A_127 = tpu.memref_slice %arg11[%add3A_58, %dma_start3A_126] : memref<10240x128xf32, #tpu.memory_space<vmem_shared>> -> memref<80x128xf32, #tpu.memory_space<vmem_shared>>
      tpu.enqueue_dma source(%dma_start3A_127 : memref<80x128xf32, #tpu.memory_space<vmem_shared>>) target(%arg10 : memref<80x128xf32, #tpu.memory_space<vmem>>) target_semaphore(%run_scoped3A_123 : memref<!tpu.dma_semaphore, #tpu.memory_space<semaphore_mem>>)
      %dma_wait3A = arith.constant 0 : i32
      %dma_wait3A_128 = tpu.memref_slice %arg11[%add3A_58, %dma_wait3A] : memref<10240x128xf32, #tpu.memory_space<vmem_shared>> -> memref<80x128xf32, #tpu.memory_space<vmem_shared>>
      %dma_wait3A_129 = arith.constant 0 : i32
      %dma_wait3A_130 = tpu.memref_slice %arg11[%add3A_58, %dma_wait3A_129] : memref<10240x128xf32, #tpu.memory_space<vmem_shared>> -> memref<80x128xf32, #tpu.memory_space<vmem_shared>>
      tpu.wait_dma2 semaphore(%run_scoped3A_123 : memref<!tpu.dma_semaphore, #tpu.memory_space<semaphore_mem>>) src(%dma_wait3A_130 : memref<80x128xf32, #tpu.memory_space<vmem_shared>>) dst(%arg10 : memref<80x128xf32, #tpu.memory_space<vmem>>)
      tpu.yield
    }) : () -> ()
    "tpu.region"() ({
      %run_scoped3A_123 = tpu.sem_alloc : memref<!tpu.dma_semaphore, #tpu.memory_space<semaphore_mem>>
      %dma_start3A_124 = arith.constant 0 : i32
      %dma_start3A_125 = tpu.memref_slice %arg5[%arg0, %add3A_58, %dma_start3A_124] : memref<2x10240x128xf32, #tpu.memory_space<hbm>> -> memref<1x80x128xf32, #tpu.memory_space<hbm>>
      %dma_start3A_126 = tpu.memref_squeeze %dma_start3A_125 : memref<1x80x128xf32, #tpu.memory_space<hbm>> -> memref<80x128xf32, #tpu.memory_space<hbm>>
      %dma_start3A_127 = arith.constant 0 : i32
      %dma_start3A_128 = tpu.memref_slice %arg5[%arg0, %add3A_58, %dma_start3A_127] : memref<2x10240x128xf32, #tpu.memory_space<hbm>> -> memref<1x80x128xf32, #tpu.memory_space<hbm>>
      %dma_start3A_129 = tpu.memref_squeeze %dma_start3A_128 : memref<1x80x128xf32, #tpu.memory_space<hbm>> -> memref<80x128xf32, #tpu.memory_space<hbm>>
      tpu.enqueue_dma source(%arg10 : memref<80x128xf32, #tpu.memory_space<vmem>>) target(%dma_start3A_129 : memref<80x128xf32, #tpu.memory_space<hbm>>) target_semaphore(%run_scoped3A_123 : memref<!tpu.dma_semaphore, #tpu.memory_space<semaphore_mem>>)
      %dma_wait3A = arith.constant 0 : i32
      %dma_wait3A_130 = tpu.memref_slice %arg5[%arg0, %add3A_58, %dma_wait3A] : memref<2x10240x128xf32, #tpu.memory_space<hbm>> -> memref<1x80x128xf32, #tpu.memory_space<hbm>>
      %dma_wait3A_131 = tpu.memref_squeeze %dma_wait3A_130 : memref<1x80x128xf32, #tpu.memory_space<hbm>> -> memref<80x128xf32, #tpu.memory_space<hbm>>
      %dma_wait3A_132 = arith.constant 0 : i32
      %dma_wait3A_133 = tpu.memref_slice %arg5[%arg0, %add3A_58, %dma_wait3A_132] : memref<2x10240x128xf32, #tpu.memory_space<hbm>> -> memref<1x80x128xf32, #tpu.memory_space<hbm>>
      %dma_wait3A_134 = tpu.memref_squeeze %dma_wait3A_133 : memref<1x80x128xf32, #tpu.memory_space<hbm>> -> memref<80x128xf32, #tpu.memory_space<hbm>>
      tpu.wait_dma2 semaphore(%run_scoped3A_123 : memref<!tpu.dma_semaphore, #tpu.memory_space<semaphore_mem>>) src(%arg10 : memref<80x128xf32, #tpu.memory_space<vmem>>) dst(%dma_wait3A_134 : memref<80x128xf32, #tpu.memory_space<hbm>>)
      tpu.yield
    }) : () -> ()
    %add3A_59 = arith.constant 480 : i32
    %add3A_60 = arith.addi %mul3A_2, %add3A_59 : i32
    "tpu.region"() ({
      %run_scoped3A_123 = tpu.sem_alloc : memref<!tpu.dma_semaphore, #tpu.memory_space<semaphore_mem>>
      %dma_start3A_124 = arith.constant 0 : i32
      %dma_start3A_125 = tpu.memref_slice %arg11[%add3A_60, %dma_start3A_124] : memref<10240x128xf32, #tpu.memory_space<vmem_shared>> -> memref<80x128xf32, #tpu.memory_space<vmem_shared>>
      %dma_start3A_126 = arith.constant 0 : i32
      %dma_start3A_127 = tpu.memref_slice %arg11[%add3A_60, %dma_start3A_126] : memref<10240x128xf32, #tpu.memory_space<vmem_shared>> -> memref<80x128xf32, #tpu.memory_space<vmem_shared>>
      tpu.enqueue_dma source(%dma_start3A_127 : memref<80x128xf32, #tpu.memory_space<vmem_shared>>) target(%arg10 : memref<80x128xf32, #tpu.memory_space<vmem>>) target_semaphore(%run_scoped3A_123 : memref<!tpu.dma_semaphore, #tpu.memory_space<semaphore_mem>>)
      %dma_wait3A = arith.constant 0 : i32
      %dma_wait3A_128 = tpu.memref_slice %arg11[%add3A_60, %dma_wait3A] : memref<10240x128xf32, #tpu.memory_space<vmem_shared>> -> memref<80x128xf32, #tpu.memory_space<vmem_shared>>
      %dma_wait3A_129 = arith.constant 0 : i32
      %dma_wait3A_130 = tpu.memref_slice %arg11[%add3A_60, %dma_wait3A_129] : memref<10240x128xf32, #tpu.memory_space<vmem_shared>> -> memref<80x128xf32, #tpu.memory_space<vmem_shared>>
      tpu.wait_dma2 semaphore(%run_scoped3A_123 : memref<!tpu.dma_semaphore, #tpu.memory_space<semaphore_mem>>) src(%dma_wait3A_130 : memref<80x128xf32, #tpu.memory_space<vmem_shared>>) dst(%arg10 : memref<80x128xf32, #tpu.memory_space<vmem>>)
      tpu.yield
    }) : () -> ()
    "tpu.region"() ({
      %run_scoped3A_123 = tpu.sem_alloc : memref<!tpu.dma_semaphore, #tpu.memory_space<semaphore_mem>>
      %dma_start3A_124 = arith.constant 0 : i32
      %dma_start3A_125 = tpu.memref_slice %arg5[%arg0, %add3A_60, %dma_start3A_124] : memref<2x10240x128xf32, #tpu.memory_space<hbm>> -> memref<1x80x128xf32, #tpu.memory_space<hbm>>
      %dma_start3A_126 = tpu.memref_squeeze %dma_start3A_125 : memref<1x80x128xf32, #tpu.memory_space<hbm>> -> memref<80x128xf32, #tpu.memory_space<hbm>>
      %dma_start3A_127 = arith.constant 0 : i32
      %dma_start3A_128 = tpu.memref_slice %arg5[%arg0, %add3A_60, %dma_start3A_127] : memref<2x10240x128xf32, #tpu.memory_space<hbm>> -> memref<1x80x128xf32, #tpu.memory_space<hbm>>
      %dma_start3A_129 = tpu.memref_squeeze %dma_start3A_128 : memref<1x80x128xf32, #tpu.memory_space<hbm>> -> memref<80x128xf32, #tpu.memory_space<hbm>>
      tpu.enqueue_dma source(%arg10 : memref<80x128xf32, #tpu.memory_space<vmem>>) target(%dma_start3A_129 : memref<80x128xf32, #tpu.memory_space<hbm>>) target_semaphore(%run_scoped3A_123 : memref<!tpu.dma_semaphore, #tpu.memory_space<semaphore_mem>>)
      %dma_wait3A = arith.constant 0 : i32
      %dma_wait3A_130 = tpu.memref_slice %arg5[%arg0, %add3A_60, %dma_wait3A] : memref<2x10240x128xf32, #tpu.memory_space<hbm>> -> memref<1x80x128xf32, #tpu.memory_space<hbm>>
      %dma_wait3A_131 = tpu.memref_squeeze %dma_wait3A_130 : memref<1x80x128xf32, #tpu.memory_space<hbm>> -> memref<80x128xf32, #tpu.memory_space<hbm>>
      %dma_wait3A_132 = arith.constant 0 : i32
      %dma_wait3A_133 = tpu.memref_slice %arg5[%arg0, %add3A_60, %dma_wait3A_132] : memref<2x10240x128xf32, #tpu.memory_space<hbm>> -> memref<1x80x128xf32, #tpu.memory_space<hbm>>
      %dma_wait3A_134 = tpu.memref_squeeze %dma_wait3A_133 : memref<1x80x128xf32, #tpu.memory_space<hbm>> -> memref<80x128xf32, #tpu.memory_space<hbm>>
      tpu.wait_dma2 semaphore(%run_scoped3A_123 : memref<!tpu.dma_semaphore, #tpu.memory_space<semaphore_mem>>) src(%arg10 : memref<80x128xf32, #tpu.memory_space<vmem>>) dst(%dma_wait3A_134 : memref<80x128xf32, #tpu.memory_space<hbm>>)
      tpu.yield
    }) : () -> ()
    %add3A_61 = arith.constant 560 : i32
    %add3A_62 = arith.addi %mul3A_2, %add3A_61 : i32
    "tpu.region"() ({
      %run_scoped3A_123 = tpu.sem_alloc : memref<!tpu.dma_semaphore, #tpu.memory_space<semaphore_mem>>
      %dma_start3A_124 = arith.constant 0 : i32
      %dma_start3A_125 = tpu.memref_slice %arg11[%add3A_62, %dma_start3A_124] : memref<10240x128xf32, #tpu.memory_space<vmem_shared>> -> memref<80x128xf32, #tpu.memory_space<vmem_shared>>
      %dma_start3A_126 = arith.constant 0 : i32
      %dma_start3A_127 = tpu.memref_slice %arg11[%add3A_62, %dma_start3A_126] : memref<10240x128xf32, #tpu.memory_space<vmem_shared>> -> memref<80x128xf32, #tpu.memory_space<vmem_shared>>
      tpu.enqueue_dma source(%dma_start3A_127 : memref<80x128xf32, #tpu.memory_space<vmem_shared>>) target(%arg10 : memref<80x128xf32, #tpu.memory_space<vmem>>) target_semaphore(%run_scoped3A_123 : memref<!tpu.dma_semaphore, #tpu.memory_space<semaphore_mem>>)
      %dma_wait3A = arith.constant 0 : i32
      %dma_wait3A_128 = tpu.memref_slice %arg11[%add3A_62, %dma_wait3A] : memref<10240x128xf32, #tpu.memory_space<vmem_shared>> -> memref<80x128xf32, #tpu.memory_space<vmem_shared>>
      %dma_wait3A_129 = arith.constant 0 : i32
      %dma_wait3A_130 = tpu.memref_slice %arg11[%add3A_62, %dma_wait3A_129] : memref<10240x128xf32, #tpu.memory_space<vmem_shared>> -> memref<80x128xf32, #tpu.memory_space<vmem_shared>>
      tpu.wait_dma2 semaphore(%run_scoped3A_123 : memref<!tpu.dma_semaphore, #tpu.memory_space<semaphore_mem>>) src(%dma_wait3A_130 : memref<80x128xf32, #tpu.memory_space<vmem_shared>>) dst(%arg10 : memref<80x128xf32, #tpu.memory_space<vmem>>)
      tpu.yield
    }) : () -> ()
    "tpu.region"() ({
      %run_scoped3A_123 = tpu.sem_alloc : memref<!tpu.dma_semaphore, #tpu.memory_space<semaphore_mem>>
      %dma_start3A_124 = arith.constant 0 : i32
      %dma_start3A_125 = tpu.memref_slice %arg5[%arg0, %add3A_62, %dma_start3A_124] : memref<2x10240x128xf32, #tpu.memory_space<hbm>> -> memref<1x80x128xf32, #tpu.memory_space<hbm>>
      %dma_start3A_126 = tpu.memref_squeeze %dma_start3A_125 : memref<1x80x128xf32, #tpu.memory_space<hbm>> -> memref<80x128xf32, #tpu.memory_space<hbm>>
      %dma_start3A_127 = arith.constant 0 : i32
      %dma_start3A_128 = tpu.memref_slice %arg5[%arg0, %add3A_62, %dma_start3A_127] : memref<2x10240x128xf32, #tpu.memory_space<hbm>> -> memref<1x80x128xf32, #tpu.memory_space<hbm>>
      %dma_start3A_129 = tpu.memref_squeeze %dma_start3A_128 : memref<1x80x128xf32, #tpu.memory_space<hbm>> -> memref<80x128xf32, #tpu.memory_space<hbm>>
      tpu.enqueue_dma source(%arg10 : memref<80x128xf32, #tpu.memory_space<vmem>>) target(%dma_start3A_129 : memref<80x128xf32, #tpu.memory_space<hbm>>) target_semaphore(%run_scoped3A_123 : memref<!tpu.dma_semaphore, #tpu.memory_space<semaphore_mem>>)
      %dma_wait3A = arith.constant 0 : i32
      %dma_wait3A_130 = tpu.memref_slice %arg5[%arg0, %add3A_62, %dma_wait3A] : memref<2x10240x128xf32, #tpu.memory_space<hbm>> -> memref<1x80x128xf32, #tpu.memory_space<hbm>>
      %dma_wait3A_131 = tpu.memref_squeeze %dma_wait3A_130 : memref<1x80x128xf32, #tpu.memory_space<hbm>> -> memref<80x128xf32, #tpu.memory_space<hbm>>
      %dma_wait3A_132 = arith.constant 0 : i32
      %dma_wait3A_133 = tpu.memref_slice %arg5[%arg0, %add3A_62, %dma_wait3A_132] : memref<2x10240x128xf32, #tpu.memory_space<hbm>> -> memref<1x80x128xf32, #tpu.memory_space<hbm>>
      %dma_wait3A_134 = tpu.memref_squeeze %dma_wait3A_133 : memref<1x80x128xf32, #tpu.memory_space<hbm>> -> memref<80x128xf32, #tpu.memory_space<hbm>>
      tpu.wait_dma2 semaphore(%run_scoped3A_123 : memref<!tpu.dma_semaphore, #tpu.memory_space<semaphore_mem>>) src(%arg10 : memref<80x128xf32, #tpu.memory_space<vmem>>) dst(%dma_wait3A_134 : memref<80x128xf32, #tpu.memory_space<hbm>>)
      tpu.yield
    }) : () -> ()
    %barrier3A_63 = arith.constant 0 : index
    tpu.barrier barrier_id(%barrier3A_63)
    %scan3A_64 = arith.constant 0 : i32
    %scan3A_65 = arith.constant 0 : i32
    %scan3A_66 = arith.constant 640 : i32
    %scan3A_67 = arith.addi %scan3A_65, %scan3A_66 : i32
    %scan3A_68 = arith.constant 1 : i32
    scf.for %scan3A_123 = %scan3A_65 to %scan3A_67 step %scan3A_68  : i32 {
      %broadcast_in_dim3A = arith.constant 0.000000e+00 : f32
      %broadcast_in_dim3A_124 = vector.broadcast %broadcast_in_dim3A : f32 to vector<16xf32>
      %jit3A = arith.constant 8 : i32
      %div3A = arith.divsi %scan3A_123, %jit3A : i32
      %sign3A = arith.constant 0 : i32
      %sign3A_125 = arith.cmpi sgt, %scan3A_123, %sign3A : i32
      %sign3A_126 = arith.extui %sign3A_125 : i1 to i32
      %sign3A_127 = arith.constant 0 : i32
      %sign3A_128 = arith.cmpi slt, %scan3A_123, %sign3A_127 : i32
      %sign3A_129 = arith.extui %sign3A_128 : i1 to i32
      %sign3A_130 = arith.subi %sign3A_126, %sign3A_129 : i32
      %sign3A_131 = arith.constant 0 : i32
      %sign3A_132 = arith.cmpi sgt, %jit3A, %sign3A_131 : i32
      %sign3A_133 = arith.extui %sign3A_132 : i1 to i32
      %sign3A_134 = arith.constant 0 : i32
      %sign3A_135 = arith.cmpi slt, %jit3A, %sign3A_134 : i32
      %sign3A_136 = arith.extui %sign3A_135 : i1 to i32
      %sign3A_137 = arith.subi %sign3A_133, %sign3A_136 : i32
      %ne3A = arith.cmpi ne, %sign3A_130, %sign3A_137 : i32
      %rem3A = arith.remsi %scan3A_123, %jit3A : i32
      %ne3A_138 = arith.constant 0 : i32
      %ne3A_139 = arith.cmpi ne, %rem3A, %ne3A_138 : i32
      %and3A = arith.andi %ne3A, %ne3A_139 : i1
      %sub3A = arith.constant 1 : i32
      %sub3A_140 = arith.subi %div3A, %sub3A : i32
      %select_n3A = arith.select %and3A, %sub3A_140, %div3A : i32
      %jit3A_141 = arith.constant 8 : i32
      %eq3A = arith.constant 0 : i32
      %eq3A_142 = arith.cmpi eq, %jit3A_141, %eq3A : i32
      %jit3A_143 = arith.constant 1 : i32
      %select_n3A_144 = arith.select %eq3A_142, %jit3A_143, %jit3A_141 : i32
      %rem3A_145 = arith.remsi %scan3A_123, %select_n3A_144 : i32
      %ne3A_146 = arith.constant 0 : i32
      %ne3A_147 = arith.cmpi ne, %rem3A_145, %ne3A_146 : i32
      %lt3A = arith.constant 0 : i32
      %lt3A_148 = arith.cmpi slt, %rem3A_145, %lt3A : i32
      %lt3A_149 = arith.constant 0 : i32
      %lt3A_150 = arith.cmpi slt, %select_n3A_144, %lt3A_149 : i32
      %ne3A_151 = arith.xori %lt3A_148, %lt3A_150 : i1
      %and3A_152 = arith.andi %ne3A_151, %ne3A_147 : i1
      %add3A_153 = arith.addi %rem3A_145, %select_n3A_144 : i32
      %select_n3A_154 = arith.select %and3A_152, %add3A_153, %rem3A_145 : i32
      %mul3A_155 = arith.constant 16 : i32
      %mul3A_156 = arith.muli %select_n3A_154, %mul3A_155 : i32
      %swap3A = arith.index_cast %select_n3A : i32 to index
      %swap3A_157 = arith.index_cast %mul3A_156 : i32 to index
      %swap3A_158 = tpu.vector_load %arg10[%swap3A, %swap3A_157] {strides = array<i32>} : memref<80x128xf32, #tpu.memory_space<vmem>>, vector<1x16xf32>,
      %swap3A_159 = vector.shape_cast %swap3A_158 : vector<1x16xf32> to vector<16xf32>
      %swap3A_160 = vector.shape_cast %broadcast_in_dim3A_124 : vector<16xf32> to vector<1x16xf32>
      tpu.vector_store %arg10[%swap3A, %swap3A_157], %swap3A_160 {strides = array<i32>} : memref<80x128xf32, #tpu.memory_space<vmem>>, vector<1x16xf32>,
    }
    %scan3A_69 = arith.constant 640 : i32
    %add3A_70 = arith.constant 0 : i32
    %add3A_71 = arith.addi %mul3A_2, %add3A_70 : i32
    "tpu.region"() ({
      %run_scoped3A_123 = tpu.sem_alloc : memref<!tpu.dma_semaphore, #tpu.memory_space<semaphore_mem>>
      %dma_start3A_124 = arith.constant 0 : i32
      %dma_start3A_125 = tpu.memref_slice %arg11[%add3A_71, %dma_start3A_124] : memref<10240x128xf32, #tpu.memory_space<vmem_shared>> -> memref<80x128xf32, #tpu.memory_space<vmem_shared>>
      %dma_start3A_126 = arith.constant 0 : i32
      %dma_start3A_127 = tpu.memref_slice %arg11[%add3A_71, %dma_start3A_126] : memref<10240x128xf32, #tpu.memory_space<vmem_shared>> -> memref<80x128xf32, #tpu.memory_space<vmem_shared>>
      tpu.enqueue_dma source(%arg10 : memref<80x128xf32, #tpu.memory_space<vmem>>) target(%dma_start3A_127 : memref<80x128xf32, #tpu.memory_space<vmem_shared>>) target_semaphore(%run_scoped3A_123 : memref<!tpu.dma_semaphore, #tpu.memory_space<semaphore_mem>>)
      %dma_wait3A = arith.constant 0 : i32
      %dma_wait3A_128 = tpu.memref_slice %arg11[%add3A_71, %dma_wait3A] : memref<10240x128xf32, #tpu.memory_space<vmem_shared>> -> memref<80x128xf32, #tpu.memory_space<vmem_shared>>
      %dma_wait3A_129 = arith.constant 0 : i32
      %dma_wait3A_130 = tpu.memref_slice %arg11[%add3A_71, %dma_wait3A_129] : memref<10240x128xf32, #tpu.memory_space<vmem_shared>> -> memref<80x128xf32, #tpu.memory_space<vmem_shared>>
      tpu.wait_dma2 semaphore(%run_scoped3A_123 : memref<!tpu.dma_semaphore, #tpu.memory_space<semaphore_mem>>) src(%arg10 : memref<80x128xf32, #tpu.memory_space<vmem>>) dst(%dma_wait3A_130 : memref<80x128xf32, #tpu.memory_space<vmem_shared>>)
      tpu.yield
    }) : () -> ()
    %add3A_72 = arith.constant 80 : i32
    %add3A_73 = arith.addi %mul3A_2, %add3A_72 : i32
    "tpu.region"() ({
      %run_scoped3A_123 = tpu.sem_alloc : memref<!tpu.dma_semaphore, #tpu.memory_space<semaphore_mem>>
      %dma_start3A_124 = arith.constant 0 : i32
      %dma_start3A_125 = tpu.memref_slice %arg11[%add3A_73, %dma_start3A_124] : memref<10240x128xf32, #tpu.memory_space<vmem_shared>> -> memref<80x128xf32, #tpu.memory_space<vmem_shared>>
      %dma_start3A_126 = arith.constant 0 : i32
      %dma_start3A_127 = tpu.memref_slice %arg11[%add3A_73, %dma_start3A_126] : memref<10240x128xf32, #tpu.memory_space<vmem_shared>> -> memref<80x128xf32, #tpu.memory_space<vmem_shared>>
      tpu.enqueue_dma source(%arg10 : memref<80x128xf32, #tpu.memory_space<vmem>>) target(%dma_start3A_127 : memref<80x128xf32, #tpu.memory_space<vmem_shared>>) target_semaphore(%run_scoped3A_123 : memref<!tpu.dma_semaphore, #tpu.memory_space<semaphore_mem>>)
      %dma_wait3A = arith.constant 0 : i32
      %dma_wait3A_128 = tpu.memref_slice %arg11[%add3A_73, %dma_wait3A] : memref<10240x128xf32, #tpu.memory_space<vmem_shared>> -> memref<80x128xf32, #tpu.memory_space<vmem_shared>>
      %dma_wait3A_129 = arith.constant 0 : i32
      %dma_wait3A_130 = tpu.memref_slice %arg11[%add3A_73, %dma_wait3A_129] : memref<10240x128xf32, #tpu.memory_space<vmem_shared>> -> memref<80x128xf32, #tpu.memory_space<vmem_shared>>
      tpu.wait_dma2 semaphore(%run_scoped3A_123 : memref<!tpu.dma_semaphore, #tpu.memory_space<semaphore_mem>>) src(%arg10 : memref<80x128xf32, #tpu.memory_space<vmem>>) dst(%dma_wait3A_130 : memref<80x128xf32, #tpu.memory_space<vmem_shared>>)
      tpu.yield
    }) : () -> ()
    %add3A_74 = arith.constant 160 : i32
    %add3A_75 = arith.addi %mul3A_2, %add3A_74 : i32
    "tpu.region"() ({
      %run_scoped3A_123 = tpu.sem_alloc : memref<!tpu.dma_semaphore, #tpu.memory_space<semaphore_mem>>
      %dma_start3A_124 = arith.constant 0 : i32
      %dma_start3A_125 = tpu.memref_slice %arg11[%add3A_75, %dma_start3A_124] : memref<10240x128xf32, #tpu.memory_space<vmem_shared>> -> memref<80x128xf32, #tpu.memory_space<vmem_shared>>
      %dma_start3A_126 = arith.constant 0 : i32
      %dma_start3A_127 = tpu.memref_slice %arg11[%add3A_75, %dma_start3A_126] : memref<10240x128xf32, #tpu.memory_space<vmem_shared>> -> memref<80x128xf32, #tpu.memory_space<vmem_shared>>
      tpu.enqueue_dma source(%arg10 : memref<80x128xf32, #tpu.memory_space<vmem>>) target(%dma_start3A_127 : memref<80x128xf32, #tpu.memory_space<vmem_shared>>) target_semaphore(%run_scoped3A_123 : memref<!tpu.dma_semaphore, #tpu.memory_space<semaphore_mem>>)
      %dma_wait3A = arith.constant 0 : i32
      %dma_wait3A_128 = tpu.memref_slice %arg11[%add3A_75, %dma_wait3A] : memref<10240x128xf32, #tpu.memory_space<vmem_shared>> -> memref<80x128xf32, #tpu.memory_space<vmem_shared>>
      %dma_wait3A_129 = arith.constant 0 : i32
      %dma_wait3A_130 = tpu.memref_slice %arg11[%add3A_75, %dma_wait3A_129] : memref<10240x128xf32, #tpu.memory_space<vmem_shared>> -> memref<80x128xf32, #tpu.memory_space<vmem_shared>>
      tpu.wait_dma2 semaphore(%run_scoped3A_123 : memref<!tpu.dma_semaphore, #tpu.memory_space<semaphore_mem>>) src(%arg10 : memref<80x128xf32, #tpu.memory_space<vmem>>) dst(%dma_wait3A_130 : memref<80x128xf32, #tpu.memory_space<vmem_shared>>)
      tpu.yield
    }) : () -> ()
    %add3A_76 = arith.constant 240 : i32
    %add3A_77 = arith.addi %mul3A_2, %add3A_76 : i32
    "tpu.region"() ({
      %run_scoped3A_123 = tpu.sem_alloc : memref<!tpu.dma_semaphore, #tpu.memory_space<semaphore_mem>>
      %dma_start3A_124 = arith.constant 0 : i32
      %dma_start3A_125 = tpu.memref_slice %arg11[%add3A_77, %dma_start3A_124] : memref<10240x128xf32, #tpu.memory_space<vmem_shared>> -> memref<80x128xf32, #tpu.memory_space<vmem_shared>>
      %dma_start3A_126 = arith.constant 0 : i32
      %dma_start3A_127 = tpu.memref_slice %arg11[%add3A_77, %dma_start3A_126] : memref<10240x128xf32, #tpu.memory_space<vmem_shared>> -> memref<80x128xf32, #tpu.memory_space<vmem_shared>>
      tpu.enqueue_dma source(%arg10 : memref<80x128xf32, #tpu.memory_space<vmem>>) target(%dma_start3A_127 : memref<80x128xf32, #tpu.memory_space<vmem_shared>>) target_semaphore(%run_scoped3A_123 : memref<!tpu.dma_semaphore, #tpu.memory_space<semaphore_mem>>)
      %dma_wait3A = arith.constant 0 : i32
      %dma_wait3A_128 = tpu.memref_slice %arg11[%add3A_77, %dma_wait3A] : memref<10240x128xf32, #tpu.memory_space<vmem_shared>> -> memref<80x128xf32, #tpu.memory_space<vmem_shared>>
      %dma_wait3A_129 = arith.constant 0 : i32
      %dma_wait3A_130 = tpu.memref_slice %arg11[%add3A_77, %dma_wait3A_129] : memref<10240x128xf32, #tpu.memory_space<vmem_shared>> -> memref<80x128xf32, #tpu.memory_space<vmem_shared>>
      tpu.wait_dma2 semaphore(%run_scoped3A_123 : memref<!tpu.dma_semaphore, #tpu.memory_space<semaphore_mem>>) src(%arg10 : memref<80x128xf32, #tpu.memory_space<vmem>>) dst(%dma_wait3A_130 : memref<80x128xf32, #tpu.memory_space<vmem_shared>>)
      tpu.yield
    }) : () -> ()
    %add3A_78 = arith.constant 320 : i32
    %add3A_79 = arith.addi %mul3A_2, %add3A_78 : i32
    "tpu.region"() ({
      %run_scoped3A_123 = tpu.sem_alloc : memref<!tpu.dma_semaphore, #tpu.memory_space<semaphore_mem>>
      %dma_start3A_124 = arith.constant 0 : i32
      %dma_start3A_125 = tpu.memref_slice %arg11[%add3A_79, %dma_start3A_124] : memref<10240x128xf32, #tpu.memory_space<vmem_shared>> -> memref<80x128xf32, #tpu.memory_space<vmem_shared>>
      %dma_start3A_126 = arith.constant 0 : i32
      %dma_start3A_127 = tpu.memref_slice %arg11[%add3A_79, %dma_start3A_126] : memref<10240x128xf32, #tpu.memory_space<vmem_shared>> -> memref<80x128xf32, #tpu.memory_space<vmem_shared>>
      tpu.enqueue_dma source(%arg10 : memref<80x128xf32, #tpu.memory_space<vmem>>) target(%dma_start3A_127 : memref<80x128xf32, #tpu.memory_space<vmem_shared>>) target_semaphore(%run_scoped3A_123 : memref<!tpu.dma_semaphore, #tpu.memory_space<semaphore_mem>>)
      %dma_wait3A = arith.constant 0 : i32
      %dma_wait3A_128 = tpu.memref_slice %arg11[%add3A_79, %dma_wait3A] : memref<10240x128xf32, #tpu.memory_space<vmem_shared>> -> memref<80x128xf32, #tpu.memory_space<vmem_shared>>
      %dma_wait3A_129 = arith.constant 0 : i32
      %dma_wait3A_130 = tpu.memref_slice %arg11[%add3A_79, %dma_wait3A_129] : memref<10240x128xf32, #tpu.memory_space<vmem_shared>> -> memref<80x128xf32, #tpu.memory_space<vmem_shared>>
      tpu.wait_dma2 semaphore(%run_scoped3A_123 : memref<!tpu.dma_semaphore, #tpu.memory_space<semaphore_mem>>) src(%arg10 : memref<80x128xf32, #tpu.memory_space<vmem>>) dst(%dma_wait3A_130 : memref<80x128xf32, #tpu.memory_space<vmem_shared>>)
      tpu.yield
    }) : () -> ()
    %add3A_80 = arith.constant 400 : i32
    %add3A_81 = arith.addi %mul3A_2, %add3A_80 : i32
    "tpu.region"() ({
      %run_scoped3A_123 = tpu.sem_alloc : memref<!tpu.dma_semaphore, #tpu.memory_space<semaphore_mem>>
      %dma_start3A_124 = arith.constant 0 : i32
      %dma_start3A_125 = tpu.memref_slice %arg11[%add3A_81, %dma_start3A_124] : memref<10240x128xf32, #tpu.memory_space<vmem_shared>> -> memref<80x128xf32, #tpu.memory_space<vmem_shared>>
      %dma_start3A_126 = arith.constant 0 : i32
      %dma_start3A_127 = tpu.memref_slice %arg11[%add3A_81, %dma_start3A_126] : memref<10240x128xf32, #tpu.memory_space<vmem_shared>> -> memref<80x128xf32, #tpu.memory_space<vmem_shared>>
      tpu.enqueue_dma source(%arg10 : memref<80x128xf32, #tpu.memory_space<vmem>>) target(%dma_start3A_127 : memref<80x128xf32, #tpu.memory_space<vmem_shared>>) target_semaphore(%run_scoped3A_123 : memref<!tpu.dma_semaphore, #tpu.memory_space<semaphore_mem>>)
      %dma_wait3A = arith.constant 0 : i32
      %dma_wait3A_128 = tpu.memref_slice %arg11[%add3A_81, %dma_wait3A] : memref<10240x128xf32, #tpu.memory_space<vmem_shared>> -> memref<80x128xf32, #tpu.memory_space<vmem_shared>>
      %dma_wait3A_129 = arith.constant 0 : i32
      %dma_wait3A_130 = tpu.memref_slice %arg11[%add3A_81, %dma_wait3A_129] : memref<10240x128xf32, #tpu.memory_space<vmem_shared>> -> memref<80x128xf32, #tpu.memory_space<vmem_shared>>
      tpu.wait_dma2 semaphore(%run_scoped3A_123 : memref<!tpu.dma_semaphore, #tpu.memory_space<semaphore_mem>>) src(%arg10 : memref<80x128xf32, #tpu.memory_space<vmem>>) dst(%dma_wait3A_130 : memref<80x128xf32, #tpu.memory_space<vmem_shared>>)
      tpu.yield
    }) : () -> ()
    %add3A_82 = arith.constant 480 : i32
    %add3A_83 = arith.addi %mul3A_2, %add3A_82 : i32
    "tpu.region"() ({
      %run_scoped3A_123 = tpu.sem_alloc : memref<!tpu.dma_semaphore, #tpu.memory_space<semaphore_mem>>
      %dma_start3A_124 = arith.constant 0 : i32
      %dma_start3A_125 = tpu.memref_slice %arg11[%add3A_83, %dma_start3A_124] : memref<10240x128xf32, #tpu.memory_space<vmem_shared>> -> memref<80x128xf32, #tpu.memory_space<vmem_shared>>
      %dma_start3A_126 = arith.constant 0 : i32
      %dma_start3A_127 = tpu.memref_slice %arg11[%add3A_83, %dma_start3A_126] : memref<10240x128xf32, #tpu.memory_space<vmem_shared>> -> memref<80x128xf32, #tpu.memory_space<vmem_shared>>
      tpu.enqueue_dma source(%arg10 : memref<80x128xf32, #tpu.memory_space<vmem>>) target(%dma_start3A_127 : memref<80x128xf32, #tpu.memory_space<vmem_shared>>) target_semaphore(%run_scoped3A_123 : memref<!tpu.dma_semaphore, #tpu.memory_space<semaphore_mem>>)
      %dma_wait3A = arith.constant 0 : i32
      %dma_wait3A_128 = tpu.memref_slice %arg11[%add3A_83, %dma_wait3A] : memref<10240x128xf32, #tpu.memory_space<vmem_shared>> -> memref<80x128xf32, #tpu.memory_space<vmem_shared>>
      %dma_wait3A_129 = arith.constant 0 : i32
      %dma_wait3A_130 = tpu.memref_slice %arg11[%add3A_83, %dma_wait3A_129] : memref<10240x128xf32, #tpu.memory_space<vmem_shared>> -> memref<80x128xf32, #tpu.memory_space<vmem_shared>>
      tpu.wait_dma2 semaphore(%run_scoped3A_123 : memref<!tpu.dma_semaphore, #tpu.memory_space<semaphore_mem>>) src(%arg10 : memref<80x128xf32, #tpu.memory_space<vmem>>) dst(%dma_wait3A_130 : memref<80x128xf32, #tpu.memory_space<vmem_shared>>)
      tpu.yield
    }) : () -> ()
    %add3A_84 = arith.constant 560 : i32
    %add3A_85 = arith.addi %mul3A_2, %add3A_84 : i32
    "tpu.region"() ({
      %run_scoped3A_123 = tpu.sem_alloc : memref<!tpu.dma_semaphore, #tpu.memory_space<semaphore_mem>>
      %dma_start3A_124 = arith.constant 0 : i32
      %dma_start3A_125 = tpu.memref_slice %arg11[%add3A_85, %dma_start3A_124] : memref<10240x128xf32, #tpu.memory_space<vmem_shared>> -> memref<80x128xf32, #tpu.memory_space<vmem_shared>>
      %dma_start3A_126 = arith.constant 0 : i32
      %dma_start3A_127 = tpu.memref_slice %arg11[%add3A_85, %dma_start3A_126] : memref<10240x128xf32, #tpu.memory_space<vmem_shared>> -> memref<80x128xf32, #tpu.memory_space<vmem_shared>>
      tpu.enqueue_dma source(%arg10 : memref<80x128xf32, #tpu.memory_space<vmem>>) target(%dma_start3A_127 : memref<80x128xf32, #tpu.memory_space<vmem_shared>>) target_semaphore(%run_scoped3A_123 : memref<!tpu.dma_semaphore, #tpu.memory_space<semaphore_mem>>)
      %dma_wait3A = arith.constant 0 : i32
      %dma_wait3A_128 = tpu.memref_slice %arg11[%add3A_85, %dma_wait3A] : memref<10240x128xf32, #tpu.memory_space<vmem_shared>> -> memref<80x128xf32, #tpu.memory_space<vmem_shared>>
      %dma_wait3A_129 = arith.constant 0 : i32
      %dma_wait3A_130 = tpu.memref_slice %arg11[%add3A_85, %dma_wait3A_129] : memref<10240x128xf32, #tpu.memory_space<vmem_shared>> -> memref<80x128xf32, #tpu.memory_space<vmem_shared>>
      tpu.wait_dma2 semaphore(%run_scoped3A_123 : memref<!tpu.dma_semaphore, #tpu.memory_space<semaphore_mem>>) src(%arg10 : memref<80x128xf32, #tpu.memory_space<vmem>>) dst(%dma_wait3A_130 : memref<80x128xf32, #tpu.memory_space<vmem_shared>>)
      tpu.yield
    }) : () -> ()
    %scan3A_86 = arith.constant 0 : i32
    %scan3A_87 = arith.constant 0 : i32
    %scan3A_88 = arith.constant 640 : i32
    %scan3A_89 = arith.addi %scan3A_87, %scan3A_88 : i32
    %scan3A_90 = arith.constant 1 : i32
    scf.for %scan3A_123 = %scan3A_87 to %scan3A_89 step %scan3A_90  : i32 {
      %broadcast_in_dim3A = arith.constant 1.000000e+00 : f32
      %broadcast_in_dim3A_124 = vector.broadcast %broadcast_in_dim3A : f32 to vector<16xf32>
      %jit3A = arith.constant 8 : i32
      %div3A = arith.divsi %scan3A_123, %jit3A : i32
      %sign3A = arith.constant 0 : i32
      %sign3A_125 = arith.cmpi sgt, %scan3A_123, %sign3A : i32
      %sign3A_126 = arith.extui %sign3A_125 : i1 to i32
      %sign3A_127 = arith.constant 0 : i32
      %sign3A_128 = arith.cmpi slt, %scan3A_123, %sign3A_127 : i32
      %sign3A_129 = arith.extui %sign3A_128 : i1 to i32
      %sign3A_130 = arith.subi %sign3A_126, %sign3A_129 : i32
      %sign3A_131 = arith.constant 0 : i32
      %sign3A_132 = arith.cmpi sgt, %jit3A, %sign3A_131 : i32
      %sign3A_133 = arith.extui %sign3A_132 : i1 to i32
      %sign3A_134 = arith.constant 0 : i32
      %sign3A_135 = arith.cmpi slt, %jit3A, %sign3A_134 : i32
      %sign3A_136 = arith.extui %sign3A_135 : i1 to i32
      %sign3A_137 = arith.subi %sign3A_133, %sign3A_136 : i32
      %ne3A = arith.cmpi ne, %sign3A_130, %sign3A_137 : i32
      %rem3A = arith.remsi %scan3A_123, %jit3A : i32
      %ne3A_138 = arith.constant 0 : i32
      %ne3A_139 = arith.cmpi ne, %rem3A, %ne3A_138 : i32
      %and3A = arith.andi %ne3A, %ne3A_139 : i1
      %sub3A = arith.constant 1 : i32
      %sub3A_140 = arith.subi %div3A, %sub3A : i32
      %select_n3A = arith.select %and3A, %sub3A_140, %div3A : i32
      %jit3A_141 = arith.constant 8 : i32
      %eq3A = arith.constant 0 : i32
      %eq3A_142 = arith.cmpi eq, %jit3A_141, %eq3A : i32
      %jit3A_143 = arith.constant 1 : i32
      %select_n3A_144 = arith.select %eq3A_142, %jit3A_143, %jit3A_141 : i32
      %rem3A_145 = arith.remsi %scan3A_123, %select_n3A_144 : i32
      %ne3A_146 = arith.constant 0 : i32
      %ne3A_147 = arith.cmpi ne, %rem3A_145, %ne3A_146 : i32
      %lt3A = arith.constant 0 : i32
      %lt3A_148 = arith.cmpi slt, %rem3A_145, %lt3A : i32
      %lt3A_149 = arith.constant 0 : i32
      %lt3A_150 = arith.cmpi slt, %select_n3A_144, %lt3A_149 : i32
      %ne3A_151 = arith.xori %lt3A_148, %lt3A_150 : i1
      %and3A_152 = arith.andi %ne3A_151, %ne3A_147 : i1
      %add3A_153 = arith.addi %rem3A_145, %select_n3A_144 : i32
      %select_n3A_154 = arith.select %and3A_152, %add3A_153, %rem3A_145 : i32
      %mul3A_155 = arith.constant 16 : i32
      %mul3A_156 = arith.muli %select_n3A_154, %mul3A_155 : i32
      %swap3A = arith.index_cast %select_n3A : i32 to index
      %swap3A_157 = arith.index_cast %mul3A_156 : i32 to index
      %swap3A_158 = tpu.vector_load %arg10[%swap3A, %swap3A_157] {strides = array<i32>} : memref<80x128xf32, #tpu.memory_space<vmem>>, vector<1x16xf32>,
      %swap3A_159 = vector.shape_cast %swap3A_158 : vector<1x16xf32> to vector<16xf32>
      %swap3A_160 = vector.shape_cast %broadcast_in_dim3A_124 : vector<16xf32> to vector<1x16xf32>
      tpu.vector_store %arg10[%swap3A, %swap3A_157], %swap3A_160 {strides = array<i32>} : memref<80x128xf32, #tpu.memory_space<vmem>>, vector<1x16xf32>,
    }
    %scan3A_91 = arith.constant 640 : i32
    %barrier3A_92 = arith.constant 0 : index
    tpu.barrier barrier_id(%barrier3A_92)
    %run_scoped3A_93 = arith.constant 0 : i32
    "tpu.region"() ({
      %run_scoped3A_123 = tpu.sem_alloc : memref<!tpu.dma_semaphore, #tpu.memory_space<semaphore_mem>>
      %dma_start3A_124 = arith.constant 0 : i32
      %dma_start3A_125 = tpu.memref_slice %arg8[%run_scoped3A_93, %dma_start3A_124] : memref<2x80xi32, #tpu.memory_space<vmem>> -> memref<1x80xi32, #tpu.memory_space<vmem>>
      %dma_start3A_126 = tpu.memref_squeeze %dma_start3A_125 : memref<1x80xi32, #tpu.memory_space<vmem>> -> memref<80xi32, #tpu.memory_space<vmem>>
      %dma_start3A_127 = tpu.memref_slice %arg4[%mul3A_4] : memref<320000xi32, #tpu.memory_space<hbm>> -> memref<80xi32, #tpu.memory_space<hbm>>
      %dma_start3A_128 = arith.constant 0 : i32
      %dma_start3A_129 = tpu.memref_slice %arg8[%run_scoped3A_93, %dma_start3A_128] : memref<2x80xi32, #tpu.memory_space<vmem>> -> memref<1x80xi32, #tpu.memory_space<vmem>>
      %dma_start3A_130 = tpu.memref_squeeze %dma_start3A_129 : memref<1x80xi32, #tpu.memory_space<vmem>> -> memref<80xi32, #tpu.memory_space<vmem>>
      %dma_start3A_131 = tpu.memref_slice %arg4[%mul3A_4] : memref<320000xi32, #tpu.memory_space<hbm>> -> memref<80xi32, #tpu.memory_space<hbm>>
      tpu.enqueue_dma source(%dma_start3A_131 : memref<80xi32, #tpu.memory_space<hbm>>) target(%dma_start3A_130 : memref<80xi32, #tpu.memory_space<vmem>>) target_semaphore(%run_scoped3A_123 : memref<!tpu.dma_semaphore, #tpu.memory_space<semaphore_mem>>)
      %dma_wait3A = arith.constant 0 : i32
      %dma_wait3A_132 = tpu.memref_slice %arg8[%run_scoped3A_93, %dma_wait3A] : memref<2x80xi32, #tpu.memory_space<vmem>> -> memref<1x80xi32, #tpu.memory_space<vmem>>
      %dma_wait3A_133 = tpu.memref_squeeze %dma_wait3A_132 : memref<1x80xi32, #tpu.memory_space<vmem>> -> memref<80xi32, #tpu.memory_space<vmem>>
      %dma_wait3A_134 = tpu.memref_slice %arg4[%mul3A_4] : memref<320000xi32, #tpu.memory_space<hbm>> -> memref<80xi32, #tpu.memory_space<hbm>>
      %dma_wait3A_135 = arith.constant 0 : i32
      %dma_wait3A_136 = tpu.memref_slice %arg8[%run_scoped3A_93, %dma_wait3A_135] : memref<2x80xi32, #tpu.memory_space<vmem>> -> memref<1x80xi32, #tpu.memory_space<vmem>>
      %dma_wait3A_137 = tpu.memref_squeeze %dma_wait3A_136 : memref<1x80xi32, #tpu.memory_space<vmem>> -> memref<80xi32, #tpu.memory_space<vmem>>
      %dma_wait3A_138 = tpu.memref_slice %arg4[%mul3A_4] : memref<320000xi32, #tpu.memory_space<hbm>> -> memref<80xi32, #tpu.memory_space<hbm>>
      tpu.wait_dma2 semaphore(%run_scoped3A_123 : memref<!tpu.dma_semaphore, #tpu.memory_space<semaphore_mem>>) src(%dma_wait3A_138 : memref<80xi32, #tpu.memory_space<hbm>>) dst(%dma_wait3A_137 : memref<80xi32, #tpu.memory_space<vmem>>)
      tpu.yield
    }) : () -> ()
    %scan3A_94 = arith.constant 0 : i32
    %scan3A_95 = arith.constant 0 : i32
    %scan3A_96 = arith.constant 63 : i32
    %scan3A_97 = arith.addi %scan3A_95, %scan3A_96 : i32
    %scan3A_98 = arith.constant 1 : i32
    scf.for %scan3A_123 = %scan3A_95 to %scan3A_97 step %scan3A_98  : i32 {
      %mul3A_124 = arith.constant 2 : i32
      %mul3A_125 = arith.muli %scan3A_123, %mul3A_124 : i32
      %add3A_126 = arith.constant 0 : i32
      %add3A_127 = arith.addi %mul3A_125, %add3A_126 : i32
      %add3A_128 = arith.constant 1 : i32
      %add3A_129 = arith.addi %add3A_127, %add3A_128 : i32
      %lt3A = arith.constant 125 : i32
      %lt3A_130 = arith.cmpi slt, %add3A_129, %lt3A : i32
      %convert_element_type3A = arith.extui %lt3A_130 : i1 to i32
      %cond3A = arith.constant 0 : i32
      %cond3A_131 = arith.cmpi ne, %convert_element_type3A, %cond3A : i32
      scf.if %cond3A_131 {
        %add3A_153 = arith.constant 1 : i32
        %add3A_154 = arith.addi %add3A_127, %add3A_153 : i32
        %mul3A_155 = arith.constant 80 : i32
        %mul3A_156 = arith.muli %add3A_154, %mul3A_155 : i32
        %add3A_157 = arith.addi %mul3A_4, %mul3A_156 : i32
        %run_scoped3A_158 = arith.constant 1 : i32
        "tpu.region"() ({
          %run_scoped3A_159 = tpu.sem_alloc : memref<!tpu.dma_semaphore, #tpu.memory_space<semaphore_mem>>
          %dma_start3A_160 = arith.constant 0 : i32
          %dma_start3A_161 = tpu.memref_slice %arg8[%run_scoped3A_158, %dma_start3A_160] : memref<2x80xi32, #tpu.memory_space<vmem>> -> memref<1x80xi32, #tpu.memory_space<vmem>>
          %dma_start3A_162 = tpu.memref_squeeze %dma_start3A_161 : memref<1x80xi32, #tpu.memory_space<vmem>> -> memref<80xi32, #tpu.memory_space<vmem>>
          %dma_start3A_163 = tpu.memref_slice %arg4[%add3A_157] : memref<320000xi32, #tpu.memory_space<hbm>> -> memref<80xi32, #tpu.memory_space<hbm>>
          %dma_start3A_164 = arith.constant 0 : i32
          %dma_start3A_165 = tpu.memref_slice %arg8[%run_scoped3A_158, %dma_start3A_164] : memref<2x80xi32, #tpu.memory_space<vmem>> -> memref<1x80xi32, #tpu.memory_space<vmem>>
          %dma_start3A_166 = tpu.memref_squeeze %dma_start3A_165 : memref<1x80xi32, #tpu.memory_space<vmem>> -> memref<80xi32, #tpu.memory_space<vmem>>
          %dma_start3A_167 = tpu.memref_slice %arg4[%add3A_157] : memref<320000xi32, #tpu.memory_space<hbm>> -> memref<80xi32, #tpu.memory_space<hbm>>
          tpu.enqueue_dma source(%dma_start3A_167 : memref<80xi32, #tpu.memory_space<hbm>>) target(%dma_start3A_166 : memref<80xi32, #tpu.memory_space<vmem>>) target_semaphore(%run_scoped3A_159 : memref<!tpu.dma_semaphore, #tpu.memory_space<semaphore_mem>>)
          %dma_wait3A = arith.constant 0 : i32
          %dma_wait3A_168 = tpu.memref_slice %arg8[%run_scoped3A_158, %dma_wait3A] : memref<2x80xi32, #tpu.memory_space<vmem>> -> memref<1x80xi32, #tpu.memory_space<vmem>>
          %dma_wait3A_169 = tpu.memref_squeeze %dma_wait3A_168 : memref<1x80xi32, #tpu.memory_space<vmem>> -> memref<80xi32, #tpu.memory_space<vmem>>
          %dma_wait3A_170 = tpu.memref_slice %arg4[%add3A_157] : memref<320000xi32, #tpu.memory_space<hbm>> -> memref<80xi32, #tpu.memory_space<hbm>>
          %dma_wait3A_171 = arith.constant 0 : i32
          %dma_wait3A_172 = tpu.memref_slice %arg8[%run_scoped3A_158, %dma_wait3A_171] : memref<2x80xi32, #tpu.memory_space<vmem>> -> memref<1x80xi32, #tpu.memory_space<vmem>>
          %dma_wait3A_173 = tpu.memref_squeeze %dma_wait3A_172 : memref<1x80xi32, #tpu.memory_space<vmem>> -> memref<80xi32, #tpu.memory_space<vmem>>
          %dma_wait3A_174 = tpu.memref_slice %arg4[%add3A_157] : memref<320000xi32, #tpu.memory_space<hbm>> -> memref<80xi32, #tpu.memory_space<hbm>>
          tpu.wait_dma2 semaphore(%run_scoped3A_159 : memref<!tpu.dma_semaphore, #tpu.memory_space<semaphore_mem>>) src(%dma_wait3A_174 : memref<80xi32, #tpu.memory_space<hbm>>) dst(%dma_wait3A_173 : memref<80xi32, #tpu.memory_space<vmem>>)
          tpu.yield
        }) : () -> ()
      } else {
      }
      %lt3A_132 = arith.constant 125 : i32
      %lt3A_133 = arith.cmpi slt, %add3A_127, %lt3A_132 : i32
      %convert_element_type3A_134 = arith.extui %lt3A_133 : i1 to i32
      %cond3A_135 = arith.constant 0 : i32
      %cond3A_136 = arith.cmpi ne, %convert_element_type3A_134, %cond3A_135 : i32
      scf.if %cond3A_136 {
        %run_scoped3A_153 = arith.constant 0 : i32
        "tpu.region"() ({
          %run_scoped3A_154 = tpu.sem_alloc : memref<!tpu.dma_semaphore, #tpu.memory_space<semaphore_mem>>
          %dma_start3A_155 = arith.constant 0 : i32
          %dma_start3A_156 = tpu.memref_slice %arg8[%run_scoped3A_153, %dma_start3A_155] : memref<2x80xi32, #tpu.memory_space<vmem>> -> memref<1x80xi32, #tpu.memory_space<vmem>>
          %dma_start3A_157 = tpu.memref_squeeze %dma_start3A_156 : memref<1x80xi32, #tpu.memory_space<vmem>> -> memref<80xi32, #tpu.memory_space<vmem>>
          %dma_start3A_158 = arith.constant 0 : i32
          %dma_start3A_159 = arith.constant 0 : i32
          %dma_start3A_160 = tpu.memref_slice %arg11[%dma_start3A_158, %dma_start3A_159] : memref<10240x128xf32, #tpu.memory_space<vmem_shared>> -> memref<10240x128xf32, #tpu.memory_space<vmem_shared>>
          tpu.enqueue_indirect_dma source(%arg10 : memref<80x128xf32, #tpu.memory_space<vmem>>) target(%dma_start3A_160 : memref<10240x128xf32, #tpu.memory_space<vmem_shared>>) offsets(%dma_start3A_157 : memref<80xi32, #tpu.memory_space<vmem>>) semaphore(%run_scoped3A_154 : memref<!tpu.dma_semaphore, #tpu.memory_space<semaphore_mem>>) {add = true}
          %dma_wait3A = arith.constant 0 : i32
          %dma_wait3A_161 = tpu.memref_slice %arg8[%run_scoped3A_153, %dma_wait3A] : memref<2x80xi32, #tpu.memory_space<vmem>> -> memref<1x80xi32, #tpu.memory_space<vmem>>
          %dma_wait3A_162 = tpu.memref_squeeze %dma_wait3A_161 : memref<1x80xi32, #tpu.memory_space<vmem>> -> memref<80xi32, #tpu.memory_space<vmem>>
          %dma_wait3A_163 = arith.constant 0 : i32
          %dma_wait3A_164 = arith.constant 0 : i32
          %dma_wait3A_165 = tpu.memref_slice %arg11[%dma_wait3A_163, %dma_wait3A_164] : memref<10240x128xf32, #tpu.memory_space<vmem_shared>> -> memref<10240x128xf32, #tpu.memory_space<vmem_shared>>
          tpu.wait_indirect_dma semaphore(%run_scoped3A_154 : memref<!tpu.dma_semaphore, #tpu.memory_space<semaphore_mem>>) src(%arg10 : memref<80x128xf32, #tpu.memory_space<vmem>>) dst(%dma_wait3A_165 : memref<10240x128xf32, #tpu.memory_space<vmem_shared>>)
          tpu.yield
        }) : () -> ()
      } else {
      }
      %mul3A_137 = arith.constant 2 : i32
      %mul3A_138 = arith.muli %scan3A_123, %mul3A_137 : i32
      %add3A_139 = arith.constant 1 : i32
      %add3A_140 = arith.addi %mul3A_138, %add3A_139 : i32
      %add3A_141 = arith.constant 1 : i32
      %add3A_142 = arith.addi %add3A_140, %add3A_141 : i32
      %lt3A_143 = arith.constant 125 : i32
      %lt3A_144 = arith.cmpi slt, %add3A_142, %lt3A_143 : i32
      %convert_element_type3A_145 = arith.extui %lt3A_144 : i1 to i32
      %cond3A_146 = arith.constant 0 : i32
      %cond3A_147 = arith.cmpi ne, %convert_element_type3A_145, %cond3A_146 : i32
      scf.if %cond3A_147 {
        %add3A_153 = arith.constant 1 : i32
        %add3A_154 = arith.addi %add3A_140, %add3A_153 : i32
        %mul3A_155 = arith.constant 80 : i32
        %mul3A_156 = arith.muli %add3A_154, %mul3A_155 : i32
        %add3A_157 = arith.addi %mul3A_4, %mul3A_156 : i32
        %run_scoped3A_158 = arith.constant 0 : i32
        "tpu.region"() ({
          %run_scoped3A_159 = tpu.sem_alloc : memref<!tpu.dma_semaphore, #tpu.memory_space<semaphore_mem>>
          %dma_start3A_160 = arith.constant 0 : i32
          %dma_start3A_161 = tpu.memref_slice %arg8[%run_scoped3A_158, %dma_start3A_160] : memref<2x80xi32, #tpu.memory_space<vmem>> -> memref<1x80xi32, #tpu.memory_space<vmem>>
          %dma_start3A_162 = tpu.memref_squeeze %dma_start3A_161 : memref<1x80xi32, #tpu.memory_space<vmem>> -> memref<80xi32, #tpu.memory_space<vmem>>
          %dma_start3A_163 = tpu.memref_slice %arg4[%add3A_157] : memref<320000xi32, #tpu.memory_space<hbm>> -> memref<80xi32, #tpu.memory_space<hbm>>
          %dma_start3A_164 = arith.constant 0 : i32
          %dma_start3A_165 = tpu.memref_slice %arg8[%run_scoped3A_158, %dma_start3A_164] : memref<2x80xi32, #tpu.memory_space<vmem>> -> memref<1x80xi32, #tpu.memory_space<vmem>>
          %dma_start3A_166 = tpu.memref_squeeze %dma_start3A_165 : memref<1x80xi32, #tpu.memory_space<vmem>> -> memref<80xi32, #tpu.memory_space<vmem>>
          %dma_start3A_167 = tpu.memref_slice %arg4[%add3A_157] : memref<320000xi32, #tpu.memory_space<hbm>> -> memref<80xi32, #tpu.memory_space<hbm>>
          tpu.enqueue_dma source(%dma_start3A_167 : memref<80xi32, #tpu.memory_space<hbm>>) target(%dma_start3A_166 : memref<80xi32, #tpu.memory_space<vmem>>) target_semaphore(%run_scoped3A_159 : memref<!tpu.dma_semaphore, #tpu.memory_space<semaphore_mem>>)
          %dma_wait3A = arith.constant 0 : i32
          %dma_wait3A_168 = tpu.memref_slice %arg8[%run_scoped3A_158, %dma_wait3A] : memref<2x80xi32, #tpu.memory_space<vmem>> -> memref<1x80xi32, #tpu.memory_space<vmem>>
          %dma_wait3A_169 = tpu.memref_squeeze %dma_wait3A_168 : memref<1x80xi32, #tpu.memory_space<vmem>> -> memref<80xi32, #tpu.memory_space<vmem>>
          %dma_wait3A_170 = tpu.memref_slice %arg4[%add3A_157] : memref<320000xi32, #tpu.memory_space<hbm>> -> memref<80xi32, #tpu.memory_space<hbm>>
          %dma_wait3A_171 = arith.constant 0 : i32
          %dma_wait3A_172 = tpu.memref_slice %arg8[%run_scoped3A_158, %dma_wait3A_171] : memref<2x80xi32, #tpu.memory_space<vmem>> -> memref<1x80xi32, #tpu.memory_space<vmem>>
          %dma_wait3A_173 = tpu.memref_squeeze %dma_wait3A_172 : memref<1x80xi32, #tpu.memory_space<vmem>> -> memref<80xi32, #tpu.memory_space<vmem>>
          %dma_wait3A_174 = tpu.memref_slice %arg4[%add3A_157] : memref<320000xi32, #tpu.memory_space<hbm>> -> memref<80xi32, #tpu.memory_space<hbm>>
          tpu.wait_dma2 semaphore(%run_scoped3A_159 : memref<!tpu.dma_semaphore, #tpu.memory_space<semaphore_mem>>) src(%dma_wait3A_174 : memref<80xi32, #tpu.memory_space<hbm>>) dst(%dma_wait3A_173 : memref<80xi32, #tpu.memory_space<vmem>>)
          tpu.yield
        }) : () -> ()
      } else {
      }
      %lt3A_148 = arith.constant 125 : i32
      %lt3A_149 = arith.cmpi slt, %add3A_140, %lt3A_148 : i32
      %convert_element_type3A_150 = arith.extui %lt3A_149 : i1 to i32
      %cond3A_151 = arith.constant 0 : i32
      %cond3A_152 = arith.cmpi ne, %convert_element_type3A_150, %cond3A_151 : i32
      scf.if %cond3A_152 {
        %run_scoped3A_153 = arith.constant 1 : i32
        "tpu.region"() ({
          %run_scoped3A_154 = tpu.sem_alloc : memref<!tpu.dma_semaphore, #tpu.memory_space<semaphore_mem>>
          %dma_start3A_155 = arith.constant 0 : i32
          %dma_start3A_156 = tpu.memref_slice %arg8[%run_scoped3A_153, %dma_start3A_155] : memref<2x80xi32, #tpu.memory_space<vmem>> -> memref<1x80xi32, #tpu.memory_space<vmem>>
          %dma_start3A_157 = tpu.memref_squeeze %dma_start3A_156 : memref<1x80xi32, #tpu.memory_space<vmem>> -> memref<80xi32, #tpu.memory_space<vmem>>
          %dma_start3A_158 = arith.constant 0 : i32
          %dma_start3A_159 = arith.constant 0 : i32
          %dma_start3A_160 = tpu.memref_slice %arg11[%dma_start3A_158, %dma_start3A_159] : memref<10240x128xf32, #tpu.memory_space<vmem_shared>> -> memref<10240x128xf32, #tpu.memory_space<vmem_shared>>
          tpu.enqueue_indirect_dma source(%arg10 : memref<80x128xf32, #tpu.memory_space<vmem>>) target(%dma_start3A_160 : memref<10240x128xf32, #tpu.memory_space<vmem_shared>>) offsets(%dma_start3A_157 : memref<80xi32, #tpu.memory_space<vmem>>) semaphore(%run_scoped3A_154 : memref<!tpu.dma_semaphore, #tpu.memory_space<semaphore_mem>>) {add = true}
          %dma_wait3A = arith.constant 0 : i32
          %dma_wait3A_161 = tpu.memref_slice %arg8[%run_scoped3A_153, %dma_wait3A] : memref<2x80xi32, #tpu.memory_space<vmem>> -> memref<1x80xi32, #tpu.memory_space<vmem>>
          %dma_wait3A_162 = tpu.memref_squeeze %dma_wait3A_161 : memref<1x80xi32, #tpu.memory_space<vmem>> -> memref<80xi32, #tpu.memory_space<vmem>>
          %dma_wait3A_163 = arith.constant 0 : i32
          %dma_wait3A_164 = arith.constant 0 : i32
          %dma_wait3A_165 = tpu.memref_slice %arg11[%dma_wait3A_163, %dma_wait3A_164] : memref<10240x128xf32, #tpu.memory_space<vmem_shared>> -> memref<10240x128xf32, #tpu.memory_space<vmem_shared>>
          tpu.wait_indirect_dma semaphore(%run_scoped3A_154 : memref<!tpu.dma_semaphore, #tpu.memory_space<semaphore_mem>>) src(%arg10 : memref<80x128xf32, #tpu.memory_space<vmem>>) dst(%dma_wait3A_165 : memref<10240x128xf32, #tpu.memory_space<vmem_shared>>)
          tpu.yield
        }) : () -> ()
      } else {
      }
    }
    %scan3A_99 = arith.constant 63 : i32
    %barrier3A_100 = arith.constant 0 : index
    tpu.barrier barrier_id(%barrier3A_100)
    %scan3A_101 = arith.constant 0 : i32
    %scan3A_102 = arith.constant 0 : i32
    %scan3A_103 = arith.constant 640 : i32
    %scan3A_104 = arith.addi %scan3A_102, %scan3A_103 : i32
    %scan3A_105 = arith.constant 1 : i32
    scf.for %scan3A_123 = %scan3A_102 to %scan3A_104 step %scan3A_105  : i32 {
      %broadcast_in_dim3A = arith.constant 0.000000e+00 : f32
      %broadcast_in_dim3A_124 = vector.broadcast %broadcast_in_dim3A : f32 to vector<16xf32>
      %jit3A = arith.constant 8 : i32
      %div3A = arith.divsi %scan3A_123, %jit3A : i32
      %sign3A = arith.constant 0 : i32
      %sign3A_125 = arith.cmpi sgt, %scan3A_123, %sign3A : i32
      %sign3A_126 = arith.extui %sign3A_125 : i1 to i32
      %sign3A_127 = arith.constant 0 : i32
      %sign3A_128 = arith.cmpi slt, %scan3A_123, %sign3A_127 : i32
      %sign3A_129 = arith.extui %sign3A_128 : i1 to i32
      %sign3A_130 = arith.subi %sign3A_126, %sign3A_129 : i32
      %sign3A_131 = arith.constant 0 : i32
      %sign3A_132 = arith.cmpi sgt, %jit3A, %sign3A_131 : i32
      %sign3A_133 = arith.extui %sign3A_132 : i1 to i32
      %sign3A_134 = arith.constant 0 : i32
      %sign3A_135 = arith.cmpi slt, %jit3A, %sign3A_134 : i32
      %sign3A_136 = arith.extui %sign3A_135 : i1 to i32
      %sign3A_137 = arith.subi %sign3A_133, %sign3A_136 : i32
      %ne3A = arith.cmpi ne, %sign3A_130, %sign3A_137 : i32
      %rem3A = arith.remsi %scan3A_123, %jit3A : i32
      %ne3A_138 = arith.constant 0 : i32
      %ne3A_139 = arith.cmpi ne, %rem3A, %ne3A_138 : i32
      %and3A = arith.andi %ne3A, %ne3A_139 : i1
      %sub3A = arith.constant 1 : i32
      %sub3A_140 = arith.subi %div3A, %sub3A : i32
      %select_n3A = arith.select %and3A, %sub3A_140, %div3A : i32
      %jit3A_141 = arith.constant 8 : i32
      %eq3A = arith.constant 0 : i32
      %eq3A_142 = arith.cmpi eq, %jit3A_141, %eq3A : i32
      %jit3A_143 = arith.constant 1 : i32
      %select_n3A_144 = arith.select %eq3A_142, %jit3A_143, %jit3A_141 : i32
      %rem3A_145 = arith.remsi %scan3A_123, %select_n3A_144 : i32
      %ne3A_146 = arith.constant 0 : i32
      %ne3A_147 = arith.cmpi ne, %rem3A_145, %ne3A_146 : i32
      %lt3A = arith.constant 0 : i32
      %lt3A_148 = arith.cmpi slt, %rem3A_145, %lt3A : i32
      %lt3A_149 = arith.constant 0 : i32
      %lt3A_150 = arith.cmpi slt, %select_n3A_144, %lt3A_149 : i32
      %ne3A_151 = arith.xori %lt3A_148, %lt3A_150 : i1
      %and3A_152 = arith.andi %ne3A_151, %ne3A_147 : i1
      %add3A_153 = arith.addi %rem3A_145, %select_n3A_144 : i32
      %select_n3A_154 = arith.select %and3A_152, %add3A_153, %rem3A_145 : i32
      %mul3A_155 = arith.constant 16 : i32
      %mul3A_156 = arith.muli %select_n3A_154, %mul3A_155 : i32
      %swap3A = arith.index_cast %select_n3A : i32 to index
      %swap3A_157 = arith.index_cast %mul3A_156 : i32 to index
      %swap3A_158 = tpu.vector_load %arg10[%swap3A, %swap3A_157] {strides = array<i32>} : memref<80x128xf32, #tpu.memory_space<vmem>>, vector<1x16xf32>,
      %swap3A_159 = vector.shape_cast %swap3A_158 : vector<1x16xf32> to vector<16xf32>
      %swap3A_160 = vector.shape_cast %broadcast_in_dim3A_124 : vector<16xf32> to vector<1x16xf32>
      tpu.vector_store %arg10[%swap3A, %swap3A_157], %swap3A_160 {strides = array<i32>} : memref<80x128xf32, #tpu.memory_space<vmem>>, vector<1x16xf32>,
    }
    %scan3A_106 = arith.constant 640 : i32
    %add3A_107 = arith.constant 0 : i32
    %add3A_108 = arith.addi %mul3A_2, %add3A_107 : i32
    "tpu.region"() ({
      %run_scoped3A_123 = tpu.sem_alloc : memref<!tpu.dma_semaphore, #tpu.memory_space<semaphore_mem>>
      %dma_start3A_124 = arith.constant 0 : i32
      %dma_start3A_125 = tpu.memref_slice %arg11[%add3A_108, %dma_start3A_124] : memref<10240x128xf32, #tpu.memory_space<vmem_shared>> -> memref<80x128xf32, #tpu.memory_space<vmem_shared>>
      %dma_start3A_126 = arith.constant 0 : i32
      %dma_start3A_127 = tpu.memref_slice %arg11[%add3A_108, %dma_start3A_126] : memref<10240x128xf32, #tpu.memory_space<vmem_shared>> -> memref<80x128xf32, #tpu.memory_space<vmem_shared>>
      tpu.enqueue_dma source(%dma_start3A_127 : memref<80x128xf32, #tpu.memory_space<vmem_shared>>) target(%arg10 : memref<80x128xf32, #tpu.memory_space<vmem>>) target_semaphore(%run_scoped3A_123 : memref<!tpu.dma_semaphore, #tpu.memory_space<semaphore_mem>>)
      %dma_wait3A = arith.constant 0 : i32
      %dma_wait3A_128 = tpu.memref_slice %arg11[%add3A_108, %dma_wait3A] : memref<10240x128xf32, #tpu.memory_space<vmem_shared>> -> memref<80x128xf32, #tpu.memory_space<vmem_shared>>
      %dma_wait3A_129 = arith.constant 0 : i32
      %dma_wait3A_130 = tpu.memref_slice %arg11[%add3A_108, %dma_wait3A_129] : memref<10240x128xf32, #tpu.memory_space<vmem_shared>> -> memref<80x128xf32, #tpu.memory_space<vmem_shared>>
      tpu.wait_dma2 semaphore(%run_scoped3A_123 : memref<!tpu.dma_semaphore, #tpu.memory_space<semaphore_mem>>) src(%dma_wait3A_130 : memref<80x128xf32, #tpu.memory_space<vmem_shared>>) dst(%arg10 : memref<80x128xf32, #tpu.memory_space<vmem>>)
      tpu.yield
    }) : () -> ()
    "tpu.region"() ({
      %run_scoped3A_123 = tpu.sem_alloc : memref<!tpu.dma_semaphore, #tpu.memory_space<semaphore_mem>>
      %dma_start3A_124 = arith.constant 0 : i32
      %dma_start3A_125 = tpu.memref_slice %arg6[%arg0, %add3A_108, %dma_start3A_124] : memref<2x10240x128xf32, #tpu.memory_space<hbm>> -> memref<1x80x128xf32, #tpu.memory_space<hbm>>
      %dma_start3A_126 = tpu.memref_squeeze %dma_start3A_125 : memref<1x80x128xf32, #tpu.memory_space<hbm>> -> memref<80x128xf32, #tpu.memory_space<hbm>>
      %dma_start3A_127 = arith.constant 0 : i32
      %dma_start3A_128 = tpu.memref_slice %arg6[%arg0, %add3A_108, %dma_start3A_127] : memref<2x10240x128xf32, #tpu.memory_space<hbm>> -> memref<1x80x128xf32, #tpu.memory_space<hbm>>
      %dma_start3A_129 = tpu.memref_squeeze %dma_start3A_128 : memref<1x80x128xf32, #tpu.memory_space<hbm>> -> memref<80x128xf32, #tpu.memory_space<hbm>>
      tpu.enqueue_dma source(%arg10 : memref<80x128xf32, #tpu.memory_space<vmem>>) target(%dma_start3A_129 : memref<80x128xf32, #tpu.memory_space<hbm>>) target_semaphore(%run_scoped3A_123 : memref<!tpu.dma_semaphore, #tpu.memory_space<semaphore_mem>>)
      %dma_wait3A = arith.constant 0 : i32
      %dma_wait3A_130 = tpu.memref_slice %arg6[%arg0, %add3A_108, %dma_wait3A] : memref<2x10240x128xf32, #tpu.memory_space<hbm>> -> memref<1x80x128xf32, #tpu.memory_space<hbm>>
      %dma_wait3A_131 = tpu.memref_squeeze %dma_wait3A_130 : memref<1x80x128xf32, #tpu.memory_space<hbm>> -> memref<80x128xf32, #tpu.memory_space<hbm>>
      %dma_wait3A_132 = arith.constant 0 : i32
      %dma_wait3A_133 = tpu.memref_slice %arg6[%arg0, %add3A_108, %dma_wait3A_132] : memref<2x10240x128xf32, #tpu.memory_space<hbm>> -> memref<1x80x128xf32, #tpu.memory_space<hbm>>
      %dma_wait3A_134 = tpu.memref_squeeze %dma_wait3A_133 : memref<1x80x128xf32, #tpu.memory_space<hbm>> -> memref<80x128xf32, #tpu.memory_space<hbm>>
      tpu.wait_dma2 semaphore(%run_scoped3A_123 : memref<!tpu.dma_semaphore, #tpu.memory_space<semaphore_mem>>) src(%arg10 : memref<80x128xf32, #tpu.memory_space<vmem>>) dst(%dma_wait3A_134 : memref<80x128xf32, #tpu.memory_space<hbm>>)
      tpu.yield
    }) : () -> ()
    %add3A_109 = arith.constant 80 : i32
    %add3A_110 = arith.addi %mul3A_2, %add3A_109 : i32
    "tpu.region"() ({
      %run_scoped3A_123 = tpu.sem_alloc : memref<!tpu.dma_semaphore, #tpu.memory_space<semaphore_mem>>
      %dma_start3A_124 = arith.constant 0 : i32
      %dma_start3A_125 = tpu.memref_slice %arg11[%add3A_110, %dma_start3A_124] : memref<10240x128xf32, #tpu.memory_space<vmem_shared>> -> memref<80x128xf32, #tpu.memory_space<vmem_shared>>
      %dma_start3A_126 = arith.constant 0 : i32
      %dma_start3A_127 = tpu.memref_slice %arg11[%add3A_110, %dma_start3A_126] : memref<10240x128xf32, #tpu.memory_space<vmem_shared>> -> memref<80x128xf32, #tpu.memory_space<vmem_shared>>
      tpu.enqueue_dma source(%dma_start3A_127 : memref<80x128xf32, #tpu.memory_space<vmem_shared>>) target(%arg10 : memref<80x128xf32, #tpu.memory_space<vmem>>) target_semaphore(%run_scoped3A_123 : memref<!tpu.dma_semaphore, #tpu.memory_space<semaphore_mem>>)
      %dma_wait3A = arith.constant 0 : i32
      %dma_wait3A_128 = tpu.memref_slice %arg11[%add3A_110, %dma_wait3A] : memref<10240x128xf32, #tpu.memory_space<vmem_shared>> -> memref<80x128xf32, #tpu.memory_space<vmem_shared>>
      %dma_wait3A_129 = arith.constant 0 : i32
      %dma_wait3A_130 = tpu.memref_slice %arg11[%add3A_110, %dma_wait3A_129] : memref<10240x128xf32, #tpu.memory_space<vmem_shared>> -> memref<80x128xf32, #tpu.memory_space<vmem_shared>>
      tpu.wait_dma2 semaphore(%run_scoped3A_123 : memref<!tpu.dma_semaphore, #tpu.memory_space<semaphore_mem>>) src(%dma_wait3A_130 : memref<80x128xf32, #tpu.memory_space<vmem_shared>>) dst(%arg10 : memref<80x128xf32, #tpu.memory_space<vmem>>)
      tpu.yield
    }) : () -> ()
    "tpu.region"() ({
      %run_scoped3A_123 = tpu.sem_alloc : memref<!tpu.dma_semaphore, #tpu.memory_space<semaphore_mem>>
      %dma_start3A_124 = arith.constant 0 : i32
      %dma_start3A_125 = tpu.memref_slice %arg6[%arg0, %add3A_110, %dma_start3A_124] : memref<2x10240x128xf32, #tpu.memory_space<hbm>> -> memref<1x80x128xf32, #tpu.memory_space<hbm>>
      %dma_start3A_126 = tpu.memref_squeeze %dma_start3A_125 : memref<1x80x128xf32, #tpu.memory_space<hbm>> -> memref<80x128xf32, #tpu.memory_space<hbm>>
      %dma_start3A_127 = arith.constant 0 : i32
      %dma_start3A_128 = tpu.memref_slice %arg6[%arg0, %add3A_110, %dma_start3A_127] : memref<2x10240x128xf32, #tpu.memory_space<hbm>> -> memref<1x80x128xf32, #tpu.memory_space<hbm>>
      %dma_start3A_129 = tpu.memref_squeeze %dma_start3A_128 : memref<1x80x128xf32, #tpu.memory_space<hbm>> -> memref<80x128xf32, #tpu.memory_space<hbm>>
      tpu.enqueue_dma source(%arg10 : memref<80x128xf32, #tpu.memory_space<vmem>>) target(%dma_start3A_129 : memref<80x128xf32, #tpu.memory_space<hbm>>) target_semaphore(%run_scoped3A_123 : memref<!tpu.dma_semaphore, #tpu.memory_space<semaphore_mem>>)
      %dma_wait3A = arith.constant 0 : i32
      %dma_wait3A_130 = tpu.memref_slice %arg6[%arg0, %add3A_110, %dma_wait3A] : memref<2x10240x128xf32, #tpu.memory_space<hbm>> -> memref<1x80x128xf32, #tpu.memory_space<hbm>>
      %dma_wait3A_131 = tpu.memref_squeeze %dma_wait3A_130 : memref<1x80x128xf32, #tpu.memory_space<hbm>> -> memref<80x128xf32, #tpu.memory_space<hbm>>
      %dma_wait3A_132 = arith.constant 0 : i32
      %dma_wait3A_133 = tpu.memref_slice %arg6[%arg0, %add3A_110, %dma_wait3A_132] : memref<2x10240x128xf32, #tpu.memory_space<hbm>> -> memref<1x80x128xf32, #tpu.memory_space<hbm>>
      %dma_wait3A_134 = tpu.memref_squeeze %dma_wait3A_133 : memref<1x80x128xf32, #tpu.memory_space<hbm>> -> memref<80x128xf32, #tpu.memory_space<hbm>>
      tpu.wait_dma2 semaphore(%run_scoped3A_123 : memref<!tpu.dma_semaphore, #tpu.memory_space<semaphore_mem>>) src(%arg10 : memref<80x128xf32, #tpu.memory_space<vmem>>) dst(%dma_wait3A_134 : memref<80x128xf32, #tpu.memory_space<hbm>>)
      tpu.yield
    }) : () -> ()
    %add3A_111 = arith.constant 160 : i32
    %add3A_112 = arith.addi %mul3A_2, %add3A_111 : i32
    "tpu.region"() ({
      %run_scoped3A_123 = tpu.sem_alloc : memref<!tpu.dma_semaphore, #tpu.memory_space<semaphore_mem>>
      %dma_start3A_124 = arith.constant 0 : i32
      %dma_start3A_125 = tpu.memref_slice %arg11[%add3A_112, %dma_start3A_124] : memref<10240x128xf32, #tpu.memory_space<vmem_shared>> -> memref<80x128xf32, #tpu.memory_space<vmem_shared>>
      %dma_start3A_126 = arith.constant 0 : i32
      %dma_start3A_127 = tpu.memref_slice %arg11[%add3A_112, %dma_start3A_126] : memref<10240x128xf32, #tpu.memory_space<vmem_shared>> -> memref<80x128xf32, #tpu.memory_space<vmem_shared>>
      tpu.enqueue_dma source(%dma_start3A_127 : memref<80x128xf32, #tpu.memory_space<vmem_shared>>) target(%arg10 : memref<80x128xf32, #tpu.memory_space<vmem>>) target_semaphore(%run_scoped3A_123 : memref<!tpu.dma_semaphore, #tpu.memory_space<semaphore_mem>>)
      %dma_wait3A = arith.constant 0 : i32
      %dma_wait3A_128 = tpu.memref_slice %arg11[%add3A_112, %dma_wait3A] : memref<10240x128xf32, #tpu.memory_space<vmem_shared>> -> memref<80x128xf32, #tpu.memory_space<vmem_shared>>
      %dma_wait3A_129 = arith.constant 0 : i32
      %dma_wait3A_130 = tpu.memref_slice %arg11[%add3A_112, %dma_wait3A_129] : memref<10240x128xf32, #tpu.memory_space<vmem_shared>> -> memref<80x128xf32, #tpu.memory_space<vmem_shared>>
      tpu.wait_dma2 semaphore(%run_scoped3A_123 : memref<!tpu.dma_semaphore, #tpu.memory_space<semaphore_mem>>) src(%dma_wait3A_130 : memref<80x128xf32, #tpu.memory_space<vmem_shared>>) dst(%arg10 : memref<80x128xf32, #tpu.memory_space<vmem>>)
      tpu.yield
    }) : () -> ()
    "tpu.region"() ({
      %run_scoped3A_123 = tpu.sem_alloc : memref<!tpu.dma_semaphore, #tpu.memory_space<semaphore_mem>>
      %dma_start3A_124 = arith.constant 0 : i32
      %dma_start3A_125 = tpu.memref_slice %arg6[%arg0, %add3A_112, %dma_start3A_124] : memref<2x10240x128xf32, #tpu.memory_space<hbm>> -> memref<1x80x128xf32, #tpu.memory_space<hbm>>
      %dma_start3A_126 = tpu.memref_squeeze %dma_start3A_125 : memref<1x80x128xf32, #tpu.memory_space<hbm>> -> memref<80x128xf32, #tpu.memory_space<hbm>>
      %dma_start3A_127 = arith.constant 0 : i32
      %dma_start3A_128 = tpu.memref_slice %arg6[%arg0, %add3A_112, %dma_start3A_127] : memref<2x10240x128xf32, #tpu.memory_space<hbm>> -> memref<1x80x128xf32, #tpu.memory_space<hbm>>
      %dma_start3A_129 = tpu.memref_squeeze %dma_start3A_128 : memref<1x80x128xf32, #tpu.memory_space<hbm>> -> memref<80x128xf32, #tpu.memory_space<hbm>>
      tpu.enqueue_dma source(%arg10 : memref<80x128xf32, #tpu.memory_space<vmem>>) target(%dma_start3A_129 : memref<80x128xf32, #tpu.memory_space<hbm>>) target_semaphore(%run_scoped3A_123 : memref<!tpu.dma_semaphore, #tpu.memory_space<semaphore_mem>>)
      %dma_wait3A = arith.constant 0 : i32
      %dma_wait3A_130 = tpu.memref_slice %arg6[%arg0, %add3A_112, %dma_wait3A] : memref<2x10240x128xf32, #tpu.memory_space<hbm>> -> memref<1x80x128xf32, #tpu.memory_space<hbm>>
      %dma_wait3A_131 = tpu.memref_squeeze %dma_wait3A_130 : memref<1x80x128xf32, #tpu.memory_space<hbm>> -> memref<80x128xf32, #tpu.memory_space<hbm>>
      %dma_wait3A_132 = arith.constant 0 : i32
      %dma_wait3A_133 = tpu.memref_slice %arg6[%arg0, %add3A_112, %dma_wait3A_132] : memref<2x10240x128xf32, #tpu.memory_space<hbm>> -> memref<1x80x128xf32, #tpu.memory_space<hbm>>
      %dma_wait3A_134 = tpu.memref_squeeze %dma_wait3A_133 : memref<1x80x128xf32, #tpu.memory_space<hbm>> -> memref<80x128xf32, #tpu.memory_space<hbm>>
      tpu.wait_dma2 semaphore(%run_scoped3A_123 : memref<!tpu.dma_semaphore, #tpu.memory_space<semaphore_mem>>) src(%arg10 : memref<80x128xf32, #tpu.memory_space<vmem>>) dst(%dma_wait3A_134 : memref<80x128xf32, #tpu.memory_space<hbm>>)
      tpu.yield
    }) : () -> ()
    %add3A_113 = arith.constant 240 : i32
    %add3A_114 = arith.addi %mul3A_2, %add3A_113 : i32
    "tpu.region"() ({
      %run_scoped3A_123 = tpu.sem_alloc : memref<!tpu.dma_semaphore, #tpu.memory_space<semaphore_mem>>
      %dma_start3A_124 = arith.constant 0 : i32
      %dma_start3A_125 = tpu.memref_slice %arg11[%add3A_114, %dma_start3A_124] : memref<10240x128xf32, #tpu.memory_space<vmem_shared>> -> memref<80x128xf32, #tpu.memory_space<vmem_shared>>
      %dma_start3A_126 = arith.constant 0 : i32
      %dma_start3A_127 = tpu.memref_slice %arg11[%add3A_114, %dma_start3A_126] : memref<10240x128xf32, #tpu.memory_space<vmem_shared>> -> memref<80x128xf32, #tpu.memory_space<vmem_shared>>
      tpu.enqueue_dma source(%dma_start3A_127 : memref<80x128xf32, #tpu.memory_space<vmem_shared>>) target(%arg10 : memref<80x128xf32, #tpu.memory_space<vmem>>) target_semaphore(%run_scoped3A_123 : memref<!tpu.dma_semaphore, #tpu.memory_space<semaphore_mem>>)
      %dma_wait3A = arith.constant 0 : i32
      %dma_wait3A_128 = tpu.memref_slice %arg11[%add3A_114, %dma_wait3A] : memref<10240x128xf32, #tpu.memory_space<vmem_shared>> -> memref<80x128xf32, #tpu.memory_space<vmem_shared>>
      %dma_wait3A_129 = arith.constant 0 : i32
      %dma_wait3A_130 = tpu.memref_slice %arg11[%add3A_114, %dma_wait3A_129] : memref<10240x128xf32, #tpu.memory_space<vmem_shared>> -> memref<80x128xf32, #tpu.memory_space<vmem_shared>>
      tpu.wait_dma2 semaphore(%run_scoped3A_123 : memref<!tpu.dma_semaphore, #tpu.memory_space<semaphore_mem>>) src(%dma_wait3A_130 : memref<80x128xf32, #tpu.memory_space<vmem_shared>>) dst(%arg10 : memref<80x128xf32, #tpu.memory_space<vmem>>)
      tpu.yield
    }) : () -> ()
    "tpu.region"() ({
      %run_scoped3A_123 = tpu.sem_alloc : memref<!tpu.dma_semaphore, #tpu.memory_space<semaphore_mem>>
      %dma_start3A_124 = arith.constant 0 : i32
      %dma_start3A_125 = tpu.memref_slice %arg6[%arg0, %add3A_114, %dma_start3A_124] : memref<2x10240x128xf32, #tpu.memory_space<hbm>> -> memref<1x80x128xf32, #tpu.memory_space<hbm>>
      %dma_start3A_126 = tpu.memref_squeeze %dma_start3A_125 : memref<1x80x128xf32, #tpu.memory_space<hbm>> -> memref<80x128xf32, #tpu.memory_space<hbm>>
      %dma_start3A_127 = arith.constant 0 : i32
      %dma_start3A_128 = tpu.memref_slice %arg6[%arg0, %add3A_114, %dma_start3A_127] : memref<2x10240x128xf32, #tpu.memory_space<hbm>> -> memref<1x80x128xf32, #tpu.memory_space<hbm>>
      %dma_start3A_129 = tpu.memref_squeeze %dma_start3A_128 : memref<1x80x128xf32, #tpu.memory_space<hbm>> -> memref<80x128xf32, #tpu.memory_space<hbm>>
      tpu.enqueue_dma source(%arg10 : memref<80x128xf32, #tpu.memory_space<vmem>>) target(%dma_start3A_129 : memref<80x128xf32, #tpu.memory_space<hbm>>) target_semaphore(%run_scoped3A_123 : memref<!tpu.dma_semaphore, #tpu.memory_space<semaphore_mem>>)
      %dma_wait3A = arith.constant 0 : i32
      %dma_wait3A_130 = tpu.memref_slice %arg6[%arg0, %add3A_114, %dma_wait3A] : memref<2x10240x128xf32, #tpu.memory_space<hbm>> -> memref<1x80x128xf32, #tpu.memory_space<hbm>>
      %dma_wait3A_131 = tpu.memref_squeeze %dma_wait3A_130 : memref<1x80x128xf32, #tpu.memory_space<hbm>> -> memref<80x128xf32, #tpu.memory_space<hbm>>
      %dma_wait3A_132 = arith.constant 0 : i32
      %dma_wait3A_133 = tpu.memref_slice %arg6[%arg0, %add3A_114, %dma_wait3A_132] : memref<2x10240x128xf32, #tpu.memory_space<hbm>> -> memref<1x80x128xf32, #tpu.memory_space<hbm>>
      %dma_wait3A_134 = tpu.memref_squeeze %dma_wait3A_133 : memref<1x80x128xf32, #tpu.memory_space<hbm>> -> memref<80x128xf32, #tpu.memory_space<hbm>>
      tpu.wait_dma2 semaphore(%run_scoped3A_123 : memref<!tpu.dma_semaphore, #tpu.memory_space<semaphore_mem>>) src(%arg10 : memref<80x128xf32, #tpu.memory_space<vmem>>) dst(%dma_wait3A_134 : memref<80x128xf32, #tpu.memory_space<hbm>>)
      tpu.yield
    }) : () -> ()
    %add3A_115 = arith.constant 320 : i32
    %add3A_116 = arith.addi %mul3A_2, %add3A_115 : i32
    "tpu.region"() ({
      %run_scoped3A_123 = tpu.sem_alloc : memref<!tpu.dma_semaphore, #tpu.memory_space<semaphore_mem>>
      %dma_start3A_124 = arith.constant 0 : i32
      %dma_start3A_125 = tpu.memref_slice %arg11[%add3A_116, %dma_start3A_124] : memref<10240x128xf32, #tpu.memory_space<vmem_shared>> -> memref<80x128xf32, #tpu.memory_space<vmem_shared>>
      %dma_start3A_126 = arith.constant 0 : i32
      %dma_start3A_127 = tpu.memref_slice %arg11[%add3A_116, %dma_start3A_126] : memref<10240x128xf32, #tpu.memory_space<vmem_shared>> -> memref<80x128xf32, #tpu.memory_space<vmem_shared>>
      tpu.enqueue_dma source(%dma_start3A_127 : memref<80x128xf32, #tpu.memory_space<vmem_shared>>) target(%arg10 : memref<80x128xf32, #tpu.memory_space<vmem>>) target_semaphore(%run_scoped3A_123 : memref<!tpu.dma_semaphore, #tpu.memory_space<semaphore_mem>>)
      %dma_wait3A = arith.constant 0 : i32
      %dma_wait3A_128 = tpu.memref_slice %arg11[%add3A_116, %dma_wait3A] : memref<10240x128xf32, #tpu.memory_space<vmem_shared>> -> memref<80x128xf32, #tpu.memory_space<vmem_shared>>
      %dma_wait3A_129 = arith.constant 0 : i32
      %dma_wait3A_130 = tpu.memref_slice %arg11[%add3A_116, %dma_wait3A_129] : memref<10240x128xf32, #tpu.memory_space<vmem_shared>> -> memref<80x128xf32, #tpu.memory_space<vmem_shared>>
      tpu.wait_dma2 semaphore(%run_scoped3A_123 : memref<!tpu.dma_semaphore, #tpu.memory_space<semaphore_mem>>) src(%dma_wait3A_130 : memref<80x128xf32, #tpu.memory_space<vmem_shared>>) dst(%arg10 : memref<80x128xf32, #tpu.memory_space<vmem>>)
      tpu.yield
    }) : () -> ()
    "tpu.region"() ({
      %run_scoped3A_123 = tpu.sem_alloc : memref<!tpu.dma_semaphore, #tpu.memory_space<semaphore_mem>>
      %dma_start3A_124 = arith.constant 0 : i32
      %dma_start3A_125 = tpu.memref_slice %arg6[%arg0, %add3A_116, %dma_start3A_124] : memref<2x10240x128xf32, #tpu.memory_space<hbm>> -> memref<1x80x128xf32, #tpu.memory_space<hbm>>
      %dma_start3A_126 = tpu.memref_squeeze %dma_start3A_125 : memref<1x80x128xf32, #tpu.memory_space<hbm>> -> memref<80x128xf32, #tpu.memory_space<hbm>>
      %dma_start3A_127 = arith.constant 0 : i32
      %dma_start3A_128 = tpu.memref_slice %arg6[%arg0, %add3A_116, %dma_start3A_127] : memref<2x10240x128xf32, #tpu.memory_space<hbm>> -> memref<1x80x128xf32, #tpu.memory_space<hbm>>
      %dma_start3A_129 = tpu.memref_squeeze %dma_start3A_128 : memref<1x80x128xf32, #tpu.memory_space<hbm>> -> memref<80x128xf32, #tpu.memory_space<hbm>>
      tpu.enqueue_dma source(%arg10 : memref<80x128xf32, #tpu.memory_space<vmem>>) target(%dma_start3A_129 : memref<80x128xf32, #tpu.memory_space<hbm>>) target_semaphore(%run_scoped3A_123 : memref<!tpu.dma_semaphore, #tpu.memory_space<semaphore_mem>>)
      %dma_wait3A = arith.constant 0 : i32
      %dma_wait3A_130 = tpu.memref_slice %arg6[%arg0, %add3A_116, %dma_wait3A] : memref<2x10240x128xf32, #tpu.memory_space<hbm>> -> memref<1x80x128xf32, #tpu.memory_space<hbm>>
      %dma_wait3A_131 = tpu.memref_squeeze %dma_wait3A_130 : memref<1x80x128xf32, #tpu.memory_space<hbm>> -> memref<80x128xf32, #tpu.memory_space<hbm>>
      %dma_wait3A_132 = arith.constant 0 : i32
      %dma_wait3A_133 = tpu.memref_slice %arg6[%arg0, %add3A_116, %dma_wait3A_132] : memref<2x10240x128xf32, #tpu.memory_space<hbm>> -> memref<1x80x128xf32, #tpu.memory_space<hbm>>
      %dma_wait3A_134 = tpu.memref_squeeze %dma_wait3A_133 : memref<1x80x128xf32, #tpu.memory_space<hbm>> -> memref<80x128xf32, #tpu.memory_space<hbm>>
      tpu.wait_dma2 semaphore(%run_scoped3A_123 : memref<!tpu.dma_semaphore, #tpu.memory_space<semaphore_mem>>) src(%arg10 : memref<80x128xf32, #tpu.memory_space<vmem>>) dst(%dma_wait3A_134 : memref<80x128xf32, #tpu.memory_space<hbm>>)
      tpu.yield
    }) : () -> ()
    %add3A_117 = arith.constant 400 : i32
    %add3A_118 = arith.addi %mul3A_2, %add3A_117 : i32
    "tpu.region"() ({
      %run_scoped3A_123 = tpu.sem_alloc : memref<!tpu.dma_semaphore, #tpu.memory_space<semaphore_mem>>
      %dma_start3A_124 = arith.constant 0 : i32
      %dma_start3A_125 = tpu.memref_slice %arg11[%add3A_118, %dma_start3A_124] : memref<10240x128xf32, #tpu.memory_space<vmem_shared>> -> memref<80x128xf32, #tpu.memory_space<vmem_shared>>
      %dma_start3A_126 = arith.constant 0 : i32
      %dma_start3A_127 = tpu.memref_slice %arg11[%add3A_118, %dma_start3A_126] : memref<10240x128xf32, #tpu.memory_space<vmem_shared>> -> memref<80x128xf32, #tpu.memory_space<vmem_shared>>
      tpu.enqueue_dma source(%dma_start3A_127 : memref<80x128xf32, #tpu.memory_space<vmem_shared>>) target(%arg10 : memref<80x128xf32, #tpu.memory_space<vmem>>) target_semaphore(%run_scoped3A_123 : memref<!tpu.dma_semaphore, #tpu.memory_space<semaphore_mem>>)
      %dma_wait3A = arith.constant 0 : i32
      %dma_wait3A_128 = tpu.memref_slice %arg11[%add3A_118, %dma_wait3A] : memref<10240x128xf32, #tpu.memory_space<vmem_shared>> -> memref<80x128xf32, #tpu.memory_space<vmem_shared>>
      %dma_wait3A_129 = arith.constant 0 : i32
      %dma_wait3A_130 = tpu.memref_slice %arg11[%add3A_118, %dma_wait3A_129] : memref<10240x128xf32, #tpu.memory_space<vmem_shared>> -> memref<80x128xf32, #tpu.memory_space<vmem_shared>>
      tpu.wait_dma2 semaphore(%run_scoped3A_123 : memref<!tpu.dma_semaphore, #tpu.memory_space<semaphore_mem>>) src(%dma_wait3A_130 : memref<80x128xf32, #tpu.memory_space<vmem_shared>>) dst(%arg10 : memref<80x128xf32, #tpu.memory_space<vmem>>)
      tpu.yield
    }) : () -> ()
    "tpu.region"() ({
      %run_scoped3A_123 = tpu.sem_alloc : memref<!tpu.dma_semaphore, #tpu.memory_space<semaphore_mem>>
      %dma_start3A_124 = arith.constant 0 : i32
      %dma_start3A_125 = tpu.memref_slice %arg6[%arg0, %add3A_118, %dma_start3A_124] : memref<2x10240x128xf32, #tpu.memory_space<hbm>> -> memref<1x80x128xf32, #tpu.memory_space<hbm>>
      %dma_start3A_126 = tpu.memref_squeeze %dma_start3A_125 : memref<1x80x128xf32, #tpu.memory_space<hbm>> -> memref<80x128xf32, #tpu.memory_space<hbm>>
      %dma_start3A_127 = arith.constant 0 : i32
      %dma_start3A_128 = tpu.memref_slice %arg6[%arg0, %add3A_118, %dma_start3A_127] : memref<2x10240x128xf32, #tpu.memory_space<hbm>> -> memref<1x80x128xf32, #tpu.memory_space<hbm>>
      %dma_start3A_129 = tpu.memref_squeeze %dma_start3A_128 : memref<1x80x128xf32, #tpu.memory_space<hbm>> -> memref<80x128xf32, #tpu.memory_space<hbm>>
      tpu.enqueue_dma source(%arg10 : memref<80x128xf32, #tpu.memory_space<vmem>>) target(%dma_start3A_129 : memref<80x128xf32, #tpu.memory_space<hbm>>) target_semaphore(%run_scoped3A_123 : memref<!tpu.dma_semaphore, #tpu.memory_space<semaphore_mem>>)
      %dma_wait3A = arith.constant 0 : i32
      %dma_wait3A_130 = tpu.memref_slice %arg6[%arg0, %add3A_118, %dma_wait3A] : memref<2x10240x128xf32, #tpu.memory_space<hbm>> -> memref<1x80x128xf32, #tpu.memory_space<hbm>>
      %dma_wait3A_131 = tpu.memref_squeeze %dma_wait3A_130 : memref<1x80x128xf32, #tpu.memory_space<hbm>> -> memref<80x128xf32, #tpu.memory_space<hbm>>
      %dma_wait3A_132 = arith.constant 0 : i32
      %dma_wait3A_133 = tpu.memref_slice %arg6[%arg0, %add3A_118, %dma_wait3A_132] : memref<2x10240x128xf32, #tpu.memory_space<hbm>> -> memref<1x80x128xf32, #tpu.memory_space<hbm>>
      %dma_wait3A_134 = tpu.memref_squeeze %dma_wait3A_133 : memref<1x80x128xf32, #tpu.memory_space<hbm>> -> memref<80x128xf32, #tpu.memory_space<hbm>>
      tpu.wait_dma2 semaphore(%run_scoped3A_123 : memref<!tpu.dma_semaphore, #tpu.memory_space<semaphore_mem>>) src(%arg10 : memref<80x128xf32, #tpu.memory_space<vmem>>) dst(%dma_wait3A_134 : memref<80x128xf32, #tpu.memory_space<hbm>>)
      tpu.yield
    }) : () -> ()
    %add3A_119 = arith.constant 480 : i32
    %add3A_120 = arith.addi %mul3A_2, %add3A_119 : i32
    "tpu.region"() ({
      %run_scoped3A_123 = tpu.sem_alloc : memref<!tpu.dma_semaphore, #tpu.memory_space<semaphore_mem>>
      %dma_start3A_124 = arith.constant 0 : i32
      %dma_start3A_125 = tpu.memref_slice %arg11[%add3A_120, %dma_start3A_124] : memref<10240x128xf32, #tpu.memory_space<vmem_shared>> -> memref<80x128xf32, #tpu.memory_space<vmem_shared>>
      %dma_start3A_126 = arith.constant 0 : i32
      %dma_start3A_127 = tpu.memref_slice %arg11[%add3A_120, %dma_start3A_126] : memref<10240x128xf32, #tpu.memory_space<vmem_shared>> -> memref<80x128xf32, #tpu.memory_space<vmem_shared>>
      tpu.enqueue_dma source(%dma_start3A_127 : memref<80x128xf32, #tpu.memory_space<vmem_shared>>) target(%arg10 : memref<80x128xf32, #tpu.memory_space<vmem>>) target_semaphore(%run_scoped3A_123 : memref<!tpu.dma_semaphore, #tpu.memory_space<semaphore_mem>>)
      %dma_wait3A = arith.constant 0 : i32
      %dma_wait3A_128 = tpu.memref_slice %arg11[%add3A_120, %dma_wait3A] : memref<10240x128xf32, #tpu.memory_space<vmem_shared>> -> memref<80x128xf32, #tpu.memory_space<vmem_shared>>
      %dma_wait3A_129 = arith.constant 0 : i32
      %dma_wait3A_130 = tpu.memref_slice %arg11[%add3A_120, %dma_wait3A_129] : memref<10240x128xf32, #tpu.memory_space<vmem_shared>> -> memref<80x128xf32, #tpu.memory_space<vmem_shared>>
      tpu.wait_dma2 semaphore(%run_scoped3A_123 : memref<!tpu.dma_semaphore, #tpu.memory_space<semaphore_mem>>) src(%dma_wait3A_130 : memref<80x128xf32, #tpu.memory_space<vmem_shared>>) dst(%arg10 : memref<80x128xf32, #tpu.memory_space<vmem>>)
      tpu.yield
    }) : () -> ()
    "tpu.region"() ({
      %run_scoped3A_123 = tpu.sem_alloc : memref<!tpu.dma_semaphore, #tpu.memory_space<semaphore_mem>>
      %dma_start3A_124 = arith.constant 0 : i32
      %dma_start3A_125 = tpu.memref_slice %arg6[%arg0, %add3A_120, %dma_start3A_124] : memref<2x10240x128xf32, #tpu.memory_space<hbm>> -> memref<1x80x128xf32, #tpu.memory_space<hbm>>
      %dma_start3A_126 = tpu.memref_squeeze %dma_start3A_125 : memref<1x80x128xf32, #tpu.memory_space<hbm>> -> memref<80x128xf32, #tpu.memory_space<hbm>>
      %dma_start3A_127 = arith.constant 0 : i32
      %dma_start3A_128 = tpu.memref_slice %arg6[%arg0, %add3A_120, %dma_start3A_127] : memref<2x10240x128xf32, #tpu.memory_space<hbm>> -> memref<1x80x128xf32, #tpu.memory_space<hbm>>
      %dma_start3A_129 = tpu.memref_squeeze %dma_start3A_128 : memref<1x80x128xf32, #tpu.memory_space<hbm>> -> memref<80x128xf32, #tpu.memory_space<hbm>>
      tpu.enqueue_dma source(%arg10 : memref<80x128xf32, #tpu.memory_space<vmem>>) target(%dma_start3A_129 : memref<80x128xf32, #tpu.memory_space<hbm>>) target_semaphore(%run_scoped3A_123 : memref<!tpu.dma_semaphore, #tpu.memory_space<semaphore_mem>>)
      %dma_wait3A = arith.constant 0 : i32
      %dma_wait3A_130 = tpu.memref_slice %arg6[%arg0, %add3A_120, %dma_wait3A] : memref<2x10240x128xf32, #tpu.memory_space<hbm>> -> memref<1x80x128xf32, #tpu.memory_space<hbm>>
      %dma_wait3A_131 = tpu.memref_squeeze %dma_wait3A_130 : memref<1x80x128xf32, #tpu.memory_space<hbm>> -> memref<80x128xf32, #tpu.memory_space<hbm>>
      %dma_wait3A_132 = arith.constant 0 : i32
      %dma_wait3A_133 = tpu.memref_slice %arg6[%arg0, %add3A_120, %dma_wait3A_132] : memref<2x10240x128xf32, #tpu.memory_space<hbm>> -> memref<1x80x128xf32, #tpu.memory_space<hbm>>
      %dma_wait3A_134 = tpu.memref_squeeze %dma_wait3A_133 : memref<1x80x128xf32, #tpu.memory_space<hbm>> -> memref<80x128xf32, #tpu.memory_space<hbm>>
      tpu.wait_dma2 semaphore(%run_scoped3A_123 : memref<!tpu.dma_semaphore, #tpu.memory_space<semaphore_mem>>) src(%arg10 : memref<80x128xf32, #tpu.memory_space<vmem>>) dst(%dma_wait3A_134 : memref<80x128xf32, #tpu.memory_space<hbm>>)
      tpu.yield
    }) : () -> ()
    %add3A_121 = arith.constant 560 : i32
    %add3A_122 = arith.addi %mul3A_2, %add3A_121 : i32
    "tpu.region"() ({
      %run_scoped3A_123 = tpu.sem_alloc : memref<!tpu.dma_semaphore, #tpu.memory_space<semaphore_mem>>
      %dma_start3A_124 = arith.constant 0 : i32
      %dma_start3A_125 = tpu.memref_slice %arg11[%add3A_122, %dma_start3A_124] : memref<10240x128xf32, #tpu.memory_space<vmem_shared>> -> memref<80x128xf32, #tpu.memory_space<vmem_shared>>
      %dma_start3A_126 = arith.constant 0 : i32
      %dma_start3A_127 = tpu.memref_slice %arg11[%add3A_122, %dma_start3A_126] : memref<10240x128xf32, #tpu.memory_space<vmem_shared>> -> memref<80x128xf32, #tpu.memory_space<vmem_shared>>
      tpu.enqueue_dma source(%dma_start3A_127 : memref<80x128xf32, #tpu.memory_space<vmem_shared>>) target(%arg10 : memref<80x128xf32, #tpu.memory_space<vmem>>) target_semaphore(%run_scoped3A_123 : memref<!tpu.dma_semaphore, #tpu.memory_space<semaphore_mem>>)
      %dma_wait3A = arith.constant 0 : i32
      %dma_wait3A_128 = tpu.memref_slice %arg11[%add3A_122, %dma_wait3A] : memref<10240x128xf32, #tpu.memory_space<vmem_shared>> -> memref<80x128xf32, #tpu.memory_space<vmem_shared>>
      %dma_wait3A_129 = arith.constant 0 : i32
      %dma_wait3A_130 = tpu.memref_slice %arg11[%add3A_122, %dma_wait3A_129] : memref<10240x128xf32, #tpu.memory_space<vmem_shared>> -> memref<80x128xf32, #tpu.memory_space<vmem_shared>>
      tpu.wait_dma2 semaphore(%run_scoped3A_123 : memref<!tpu.dma_semaphore, #tpu.memory_space<semaphore_mem>>) src(%dma_wait3A_130 : memref<80x128xf32, #tpu.memory_space<vmem_shared>>) dst(%arg10 : memref<80x128xf32, #tpu.memory_space<vmem>>)
      tpu.yield
    }) : () -> ()
    "tpu.region"() ({
      %run_scoped3A_123 = tpu.sem_alloc : memref<!tpu.dma_semaphore, #tpu.memory_space<semaphore_mem>>
      %dma_start3A_124 = arith.constant 0 : i32
      %dma_start3A_125 = tpu.memref_slice %arg6[%arg0, %add3A_122, %dma_start3A_124] : memref<2x10240x128xf32, #tpu.memory_space<hbm>> -> memref<1x80x128xf32, #tpu.memory_space<hbm>>
      %dma_start3A_126 = tpu.memref_squeeze %dma_start3A_125 : memref<1x80x128xf32, #tpu.memory_space<hbm>> -> memref<80x128xf32, #tpu.memory_space<hbm>>
      %dma_start3A_127 = arith.constant 0 : i32
      %dma_start3A_128 = tpu.memref_slice %arg6[%arg0, %add3A_122, %dma_start3A_127] : memref<2x10240x128xf32, #tpu.memory_space<hbm>> -> memref<1x80x128xf32, #tpu.memory_space<hbm>>
      %dma_start3A_129 = tpu.memref_squeeze %dma_start3A_128 : memref<1x80x128xf32, #tpu.memory_space<hbm>> -> memref<80x128xf32, #tpu.memory_space<hbm>>
      tpu.enqueue_dma source(%arg10 : memref<80x128xf32, #tpu.memory_space<vmem>>) target(%dma_start3A_129 : memref<80x128xf32, #tpu.memory_space<hbm>>) target_semaphore(%run_scoped3A_123 : memref<!tpu.dma_semaphore, #tpu.memory_space<semaphore_mem>>)
      %dma_wait3A = arith.constant 0 : i32
      %dma_wait3A_130 = tpu.memref_slice %arg6[%arg0, %add3A_122, %dma_wait3A] : memref<2x10240x128xf32, #tpu.memory_space<hbm>> -> memref<1x80x128xf32, #tpu.memory_space<hbm>>
      %dma_wait3A_131 = tpu.memref_squeeze %dma_wait3A_130 : memref<1x80x128xf32, #tpu.memory_space<hbm>> -> memref<80x128xf32, #tpu.memory_space<hbm>>
      %dma_wait3A_132 = arith.constant 0 : i32
      %dma_wait3A_133 = tpu.memref_slice %arg6[%arg0, %add3A_122, %dma_wait3A_132] : memref<2x10240x128xf32, #tpu.memory_space<hbm>> -> memref<1x80x128xf32, #tpu.memory_space<hbm>>
      %dma_wait3A_134 = tpu.memref_squeeze %dma_wait3A_133 : memref<1x80x128xf32, #tpu.memory_space<hbm>> -> memref<80x128xf32, #tpu.memory_space<hbm>>
      tpu.wait_dma2 semaphore(%run_scoped3A_123 : memref<!tpu.dma_semaphore, #tpu.memory_space<semaphore_mem>>) src(%arg10 : memref<80x128xf32, #tpu.memory_space<vmem>>) dst(%dma_wait3A_134 : memref<80x128xf32, #tpu.memory_space<hbm>>)
      tpu.yield
    }) : () -> ()
    return
  }
}

#map = affine_map<(d0, d1) -> (0, 0)>
#map1 = affine_map<(d0, d1) -> (0)>
#map2 = affine_map<(d0, d1) -> (0, 0, 0)>
module attributes {stable_mosaic.version = 14 : i64} {
  func.func @seg(%arg0: i32, %arg1: i32, %arg2: memref<10240x128xf32, #tpu.memory_space<hbm>>, %arg3: memref<320000xi32, #tpu.memory_space<hbm>>, %arg4: memref<320000xi32, #tpu.memory_space<hbm>>, %arg5: memref<2x10240x128xf32, #tpu.memory_space<hbm>>, %arg6: memref<2x80xi32, #tpu.memory_space<vmem>>, %arg7: memref<2x80xi32, #tpu.memory_space<vmem>>, %arg8: memref<2x80x128xf32, #tpu.memory_space<vmem>>, %arg9: memref<80x128xf32, #tpu.memory_space<vmem>>, %arg10: memref<10240x128xf32, #tpu.memory_space<vmem_shared>>, %arg11: memref<!tpu.dma_semaphore, #tpu.memory_space<semaphore_mem>>, %arg12: memref<!tpu.dma_semaphore, #tpu.memory_space<semaphore_mem>>) attributes {dimension_semantics = [#tpu.dimension_semantics<core_parallel>, #tpu.dimension_semantics<subcore_parallel>], iteration_bounds = array<i64: 2, 16>, scalar_prefetch = 0 : i64, scratch_operands = 7 : i64, tpu.core_type = #tpu.core_type<sc_vector_subcore>, window_params = [{transform_indices = #map}, {transform_indices = #map1}, {transform_indices = #map1}, {transform_indices = #map2}]} {
    %mul3A = arith.constant 2 : i32
    %mul3A_0 = arith.muli %arg1, %mul3A : i32
    %add3A = arith.addi %mul3A_0, %arg0 : i32
    %mul3A_1 = arith.constant 640 : i32
    %mul3A_2 = arith.muli %arg1, %mul3A_1 : i32
    %mul3A_3 = arith.constant 10000 : i32
    %mul3A_4 = arith.muli %add3A, %mul3A_3 : i32
    %scan3A = arith.constant 0 : i32
    %scan3A_5 = arith.constant 0 : i32
    %scan3A_6 = arith.constant 640 : i32
    %scan3A_7 = arith.addi %scan3A_5, %scan3A_6 : i32
    %scan3A_8 = arith.constant 1 : i32
    scf.for %scan3A_63 = %scan3A_5 to %scan3A_7 step %scan3A_8  : i32 {
      %broadcast_in_dim3A = arith.constant 0.000000e+00 : f32
      %broadcast_in_dim3A_64 = vector.broadcast %broadcast_in_dim3A : f32 to vector<16xf32>
      %jit3A = arith.constant 8 : i32
      %div3A = arith.divsi %scan3A_63, %jit3A : i32
      %sign3A = arith.constant 0 : i32
      %sign3A_65 = arith.cmpi sgt, %scan3A_63, %sign3A : i32
      %sign3A_66 = arith.extui %sign3A_65 : i1 to i32
      %sign3A_67 = arith.constant 0 : i32
      %sign3A_68 = arith.cmpi slt, %scan3A_63, %sign3A_67 : i32
      %sign3A_69 = arith.extui %sign3A_68 : i1 to i32
      %sign3A_70 = arith.subi %sign3A_66, %sign3A_69 : i32
      %sign3A_71 = arith.constant 0 : i32
      %sign3A_72 = arith.cmpi sgt, %jit3A, %sign3A_71 : i32
      %sign3A_73 = arith.extui %sign3A_72 : i1 to i32
      %sign3A_74 = arith.constant 0 : i32
      %sign3A_75 = arith.cmpi slt, %jit3A, %sign3A_74 : i32
      %sign3A_76 = arith.extui %sign3A_75 : i1 to i32
      %sign3A_77 = arith.subi %sign3A_73, %sign3A_76 : i32
      %ne3A = arith.cmpi ne, %sign3A_70, %sign3A_77 : i32
      %rem3A = arith.remsi %scan3A_63, %jit3A : i32
      %ne3A_78 = arith.constant 0 : i32
      %ne3A_79 = arith.cmpi ne, %rem3A, %ne3A_78 : i32
      %and3A = arith.andi %ne3A, %ne3A_79 : i1
      %sub3A = arith.constant 1 : i32
      %sub3A_80 = arith.subi %div3A, %sub3A : i32
      %select_n3A = arith.select %and3A, %sub3A_80, %div3A : i32
      %jit3A_81 = arith.constant 8 : i32
      %eq3A = arith.constant 0 : i32
      %eq3A_82 = arith.cmpi eq, %jit3A_81, %eq3A : i32
      %jit3A_83 = arith.constant 1 : i32
      %select_n3A_84 = arith.select %eq3A_82, %jit3A_83, %jit3A_81 : i32
      %rem3A_85 = arith.remsi %scan3A_63, %select_n3A_84 : i32
      %ne3A_86 = arith.constant 0 : i32
      %ne3A_87 = arith.cmpi ne, %rem3A_85, %ne3A_86 : i32
      %lt3A = arith.constant 0 : i32
      %lt3A_88 = arith.cmpi slt, %rem3A_85, %lt3A : i32
      %lt3A_89 = arith.constant 0 : i32
      %lt3A_90 = arith.cmpi slt, %select_n3A_84, %lt3A_89 : i32
      %ne3A_91 = arith.xori %lt3A_88, %lt3A_90 : i1
      %and3A_92 = arith.andi %ne3A_91, %ne3A_87 : i1
      %add3A_93 = arith.addi %rem3A_85, %select_n3A_84 : i32
      %select_n3A_94 = arith.select %and3A_92, %add3A_93, %rem3A_85 : i32
      %mul3A_95 = arith.constant 16 : i32
      %mul3A_96 = arith.muli %select_n3A_94, %mul3A_95 : i32
      %swap3A = arith.index_cast %select_n3A : i32 to index
      %swap3A_97 = arith.index_cast %mul3A_96 : i32 to index
      %swap3A_98 = tpu.vector_load %arg9[%swap3A, %swap3A_97] {strides = array<i32>} : memref<80x128xf32, #tpu.memory_space<vmem>>, vector<1x16xf32>,
      %swap3A_99 = vector.shape_cast %swap3A_98 : vector<1x16xf32> to vector<16xf32>
      %swap3A_100 = vector.shape_cast %broadcast_in_dim3A_64 : vector<16xf32> to vector<1x16xf32>
      tpu.vector_store %arg9[%swap3A, %swap3A_97], %swap3A_100 {strides = array<i32>} : memref<80x128xf32, #tpu.memory_space<vmem>>, vector<1x16xf32>,
    }
    %scan3A_9 = arith.constant 640 : i32
    %add3A_10 = arith.constant 0 : i32
    %add3A_11 = arith.addi %mul3A_2, %add3A_10 : i32
    "tpu.region"() ({
      %run_scoped3A_63 = tpu.sem_alloc : memref<!tpu.dma_semaphore, #tpu.memory_space<semaphore_mem>>
      %dma_start3A_64 = arith.constant 0 : i32
      %dma_start3A_65 = tpu.memref_slice %arg10[%add3A_11, %dma_start3A_64] : memref<10240x128xf32, #tpu.memory_space<vmem_shared>> -> memref<80x128xf32, #tpu.memory_space<vmem_shared>>
      %dma_start3A_66 = arith.constant 0 : i32
      %dma_start3A_67 = tpu.memref_slice %arg10[%add3A_11, %dma_start3A_66] : memref<10240x128xf32, #tpu.memory_space<vmem_shared>> -> memref<80x128xf32, #tpu.memory_space<vmem_shared>>
      tpu.enqueue_dma source(%arg9 : memref<80x128xf32, #tpu.memory_space<vmem>>) target(%dma_start3A_67 : memref<80x128xf32, #tpu.memory_space<vmem_shared>>) target_semaphore(%run_scoped3A_63 : memref<!tpu.dma_semaphore, #tpu.memory_space<semaphore_mem>>)
      %dma_wait3A = arith.constant 0 : i32
      %dma_wait3A_68 = tpu.memref_slice %arg10[%add3A_11, %dma_wait3A] : memref<10240x128xf32, #tpu.memory_space<vmem_shared>> -> memref<80x128xf32, #tpu.memory_space<vmem_shared>>
      %dma_wait3A_69 = arith.constant 0 : i32
      %dma_wait3A_70 = tpu.memref_slice %arg10[%add3A_11, %dma_wait3A_69] : memref<10240x128xf32, #tpu.memory_space<vmem_shared>> -> memref<80x128xf32, #tpu.memory_space<vmem_shared>>
      tpu.wait_dma2 semaphore(%run_scoped3A_63 : memref<!tpu.dma_semaphore, #tpu.memory_space<semaphore_mem>>) src(%arg9 : memref<80x128xf32, #tpu.memory_space<vmem>>) dst(%dma_wait3A_70 : memref<80x128xf32, #tpu.memory_space<vmem_shared>>)
      tpu.yield
    }) : () -> ()
    %add3A_12 = arith.constant 80 : i32
    %add3A_13 = arith.addi %mul3A_2, %add3A_12 : i32
    "tpu.region"() ({
      %run_scoped3A_63 = tpu.sem_alloc : memref<!tpu.dma_semaphore, #tpu.memory_space<semaphore_mem>>
      %dma_start3A_64 = arith.constant 0 : i32
      %dma_start3A_65 = tpu.memref_slice %arg10[%add3A_13, %dma_start3A_64] : memref<10240x128xf32, #tpu.memory_space<vmem_shared>> -> memref<80x128xf32, #tpu.memory_space<vmem_shared>>
      %dma_start3A_66 = arith.constant 0 : i32
      %dma_start3A_67 = tpu.memref_slice %arg10[%add3A_13, %dma_start3A_66] : memref<10240x128xf32, #tpu.memory_space<vmem_shared>> -> memref<80x128xf32, #tpu.memory_space<vmem_shared>>
      tpu.enqueue_dma source(%arg9 : memref<80x128xf32, #tpu.memory_space<vmem>>) target(%dma_start3A_67 : memref<80x128xf32, #tpu.memory_space<vmem_shared>>) target_semaphore(%run_scoped3A_63 : memref<!tpu.dma_semaphore, #tpu.memory_space<semaphore_mem>>)
      %dma_wait3A = arith.constant 0 : i32
      %dma_wait3A_68 = tpu.memref_slice %arg10[%add3A_13, %dma_wait3A] : memref<10240x128xf32, #tpu.memory_space<vmem_shared>> -> memref<80x128xf32, #tpu.memory_space<vmem_shared>>
      %dma_wait3A_69 = arith.constant 0 : i32
      %dma_wait3A_70 = tpu.memref_slice %arg10[%add3A_13, %dma_wait3A_69] : memref<10240x128xf32, #tpu.memory_space<vmem_shared>> -> memref<80x128xf32, #tpu.memory_space<vmem_shared>>
      tpu.wait_dma2 semaphore(%run_scoped3A_63 : memref<!tpu.dma_semaphore, #tpu.memory_space<semaphore_mem>>) src(%arg9 : memref<80x128xf32, #tpu.memory_space<vmem>>) dst(%dma_wait3A_70 : memref<80x128xf32, #tpu.memory_space<vmem_shared>>)
      tpu.yield
    }) : () -> ()
    %add3A_14 = arith.constant 160 : i32
    %add3A_15 = arith.addi %mul3A_2, %add3A_14 : i32
    "tpu.region"() ({
      %run_scoped3A_63 = tpu.sem_alloc : memref<!tpu.dma_semaphore, #tpu.memory_space<semaphore_mem>>
      %dma_start3A_64 = arith.constant 0 : i32
      %dma_start3A_65 = tpu.memref_slice %arg10[%add3A_15, %dma_start3A_64] : memref<10240x128xf32, #tpu.memory_space<vmem_shared>> -> memref<80x128xf32, #tpu.memory_space<vmem_shared>>
      %dma_start3A_66 = arith.constant 0 : i32
      %dma_start3A_67 = tpu.memref_slice %arg10[%add3A_15, %dma_start3A_66] : memref<10240x128xf32, #tpu.memory_space<vmem_shared>> -> memref<80x128xf32, #tpu.memory_space<vmem_shared>>
      tpu.enqueue_dma source(%arg9 : memref<80x128xf32, #tpu.memory_space<vmem>>) target(%dma_start3A_67 : memref<80x128xf32, #tpu.memory_space<vmem_shared>>) target_semaphore(%run_scoped3A_63 : memref<!tpu.dma_semaphore, #tpu.memory_space<semaphore_mem>>)
      %dma_wait3A = arith.constant 0 : i32
      %dma_wait3A_68 = tpu.memref_slice %arg10[%add3A_15, %dma_wait3A] : memref<10240x128xf32, #tpu.memory_space<vmem_shared>> -> memref<80x128xf32, #tpu.memory_space<vmem_shared>>
      %dma_wait3A_69 = arith.constant 0 : i32
      %dma_wait3A_70 = tpu.memref_slice %arg10[%add3A_15, %dma_wait3A_69] : memref<10240x128xf32, #tpu.memory_space<vmem_shared>> -> memref<80x128xf32, #tpu.memory_space<vmem_shared>>
      tpu.wait_dma2 semaphore(%run_scoped3A_63 : memref<!tpu.dma_semaphore, #tpu.memory_space<semaphore_mem>>) src(%arg9 : memref<80x128xf32, #tpu.memory_space<vmem>>) dst(%dma_wait3A_70 : memref<80x128xf32, #tpu.memory_space<vmem_shared>>)
      tpu.yield
    }) : () -> ()
    %add3A_16 = arith.constant 240 : i32
    %add3A_17 = arith.addi %mul3A_2, %add3A_16 : i32
    "tpu.region"() ({
      %run_scoped3A_63 = tpu.sem_alloc : memref<!tpu.dma_semaphore, #tpu.memory_space<semaphore_mem>>
      %dma_start3A_64 = arith.constant 0 : i32
      %dma_start3A_65 = tpu.memref_slice %arg10[%add3A_17, %dma_start3A_64] : memref<10240x128xf32, #tpu.memory_space<vmem_shared>> -> memref<80x128xf32, #tpu.memory_space<vmem_shared>>
      %dma_start3A_66 = arith.constant 0 : i32
      %dma_start3A_67 = tpu.memref_slice %arg10[%add3A_17, %dma_start3A_66] : memref<10240x128xf32, #tpu.memory_space<vmem_shared>> -> memref<80x128xf32, #tpu.memory_space<vmem_shared>>
      tpu.enqueue_dma source(%arg9 : memref<80x128xf32, #tpu.memory_space<vmem>>) target(%dma_start3A_67 : memref<80x128xf32, #tpu.memory_space<vmem_shared>>) target_semaphore(%run_scoped3A_63 : memref<!tpu.dma_semaphore, #tpu.memory_space<semaphore_mem>>)
      %dma_wait3A = arith.constant 0 : i32
      %dma_wait3A_68 = tpu.memref_slice %arg10[%add3A_17, %dma_wait3A] : memref<10240x128xf32, #tpu.memory_space<vmem_shared>> -> memref<80x128xf32, #tpu.memory_space<vmem_shared>>
      %dma_wait3A_69 = arith.constant 0 : i32
      %dma_wait3A_70 = tpu.memref_slice %arg10[%add3A_17, %dma_wait3A_69] : memref<10240x128xf32, #tpu.memory_space<vmem_shared>> -> memref<80x128xf32, #tpu.memory_space<vmem_shared>>
      tpu.wait_dma2 semaphore(%run_scoped3A_63 : memref<!tpu.dma_semaphore, #tpu.memory_space<semaphore_mem>>) src(%arg9 : memref<80x128xf32, #tpu.memory_space<vmem>>) dst(%dma_wait3A_70 : memref<80x128xf32, #tpu.memory_space<vmem_shared>>)
      tpu.yield
    }) : () -> ()
    %add3A_18 = arith.constant 320 : i32
    %add3A_19 = arith.addi %mul3A_2, %add3A_18 : i32
    "tpu.region"() ({
      %run_scoped3A_63 = tpu.sem_alloc : memref<!tpu.dma_semaphore, #tpu.memory_space<semaphore_mem>>
      %dma_start3A_64 = arith.constant 0 : i32
      %dma_start3A_65 = tpu.memref_slice %arg10[%add3A_19, %dma_start3A_64] : memref<10240x128xf32, #tpu.memory_space<vmem_shared>> -> memref<80x128xf32, #tpu.memory_space<vmem_shared>>
      %dma_start3A_66 = arith.constant 0 : i32
      %dma_start3A_67 = tpu.memref_slice %arg10[%add3A_19, %dma_start3A_66] : memref<10240x128xf32, #tpu.memory_space<vmem_shared>> -> memref<80x128xf32, #tpu.memory_space<vmem_shared>>
      tpu.enqueue_dma source(%arg9 : memref<80x128xf32, #tpu.memory_space<vmem>>) target(%dma_start3A_67 : memref<80x128xf32, #tpu.memory_space<vmem_shared>>) target_semaphore(%run_scoped3A_63 : memref<!tpu.dma_semaphore, #tpu.memory_space<semaphore_mem>>)
      %dma_wait3A = arith.constant 0 : i32
      %dma_wait3A_68 = tpu.memref_slice %arg10[%add3A_19, %dma_wait3A] : memref<10240x128xf32, #tpu.memory_space<vmem_shared>> -> memref<80x128xf32, #tpu.memory_space<vmem_shared>>
      %dma_wait3A_69 = arith.constant 0 : i32
      %dma_wait3A_70 = tpu.memref_slice %arg10[%add3A_19, %dma_wait3A_69] : memref<10240x128xf32, #tpu.memory_space<vmem_shared>> -> memref<80x128xf32, #tpu.memory_space<vmem_shared>>
      tpu.wait_dma2 semaphore(%run_scoped3A_63 : memref<!tpu.dma_semaphore, #tpu.memory_space<semaphore_mem>>) src(%arg9 : memref<80x128xf32, #tpu.memory_space<vmem>>) dst(%dma_wait3A_70 : memref<80x128xf32, #tpu.memory_space<vmem_shared>>)
      tpu.yield
    }) : () -> ()
    %add3A_20 = arith.constant 400 : i32
    %add3A_21 = arith.addi %mul3A_2, %add3A_20 : i32
    "tpu.region"() ({
      %run_scoped3A_63 = tpu.sem_alloc : memref<!tpu.dma_semaphore, #tpu.memory_space<semaphore_mem>>
      %dma_start3A_64 = arith.constant 0 : i32
      %dma_start3A_65 = tpu.memref_slice %arg10[%add3A_21, %dma_start3A_64] : memref<10240x128xf32, #tpu.memory_space<vmem_shared>> -> memref<80x128xf32, #tpu.memory_space<vmem_shared>>
      %dma_start3A_66 = arith.constant 0 : i32
      %dma_start3A_67 = tpu.memref_slice %arg10[%add3A_21, %dma_start3A_66] : memref<10240x128xf32, #tpu.memory_space<vmem_shared>> -> memref<80x128xf32, #tpu.memory_space<vmem_shared>>
      tpu.enqueue_dma source(%arg9 : memref<80x128xf32, #tpu.memory_space<vmem>>) target(%dma_start3A_67 : memref<80x128xf32, #tpu.memory_space<vmem_shared>>) target_semaphore(%run_scoped3A_63 : memref<!tpu.dma_semaphore, #tpu.memory_space<semaphore_mem>>)
      %dma_wait3A = arith.constant 0 : i32
      %dma_wait3A_68 = tpu.memref_slice %arg10[%add3A_21, %dma_wait3A] : memref<10240x128xf32, #tpu.memory_space<vmem_shared>> -> memref<80x128xf32, #tpu.memory_space<vmem_shared>>
      %dma_wait3A_69 = arith.constant 0 : i32
      %dma_wait3A_70 = tpu.memref_slice %arg10[%add3A_21, %dma_wait3A_69] : memref<10240x128xf32, #tpu.memory_space<vmem_shared>> -> memref<80x128xf32, #tpu.memory_space<vmem_shared>>
      tpu.wait_dma2 semaphore(%run_scoped3A_63 : memref<!tpu.dma_semaphore, #tpu.memory_space<semaphore_mem>>) src(%arg9 : memref<80x128xf32, #tpu.memory_space<vmem>>) dst(%dma_wait3A_70 : memref<80x128xf32, #tpu.memory_space<vmem_shared>>)
      tpu.yield
    }) : () -> ()
    %add3A_22 = arith.constant 480 : i32
    %add3A_23 = arith.addi %mul3A_2, %add3A_22 : i32
    "tpu.region"() ({
      %run_scoped3A_63 = tpu.sem_alloc : memref<!tpu.dma_semaphore, #tpu.memory_space<semaphore_mem>>
      %dma_start3A_64 = arith.constant 0 : i32
      %dma_start3A_65 = tpu.memref_slice %arg10[%add3A_23, %dma_start3A_64] : memref<10240x128xf32, #tpu.memory_space<vmem_shared>> -> memref<80x128xf32, #tpu.memory_space<vmem_shared>>
      %dma_start3A_66 = arith.constant 0 : i32
      %dma_start3A_67 = tpu.memref_slice %arg10[%add3A_23, %dma_start3A_66] : memref<10240x128xf32, #tpu.memory_space<vmem_shared>> -> memref<80x128xf32, #tpu.memory_space<vmem_shared>>
      tpu.enqueue_dma source(%arg9 : memref<80x128xf32, #tpu.memory_space<vmem>>) target(%dma_start3A_67 : memref<80x128xf32, #tpu.memory_space<vmem_shared>>) target_semaphore(%run_scoped3A_63 : memref<!tpu.dma_semaphore, #tpu.memory_space<semaphore_mem>>)
      %dma_wait3A = arith.constant 0 : i32
      %dma_wait3A_68 = tpu.memref_slice %arg10[%add3A_23, %dma_wait3A] : memref<10240x128xf32, #tpu.memory_space<vmem_shared>> -> memref<80x128xf32, #tpu.memory_space<vmem_shared>>
      %dma_wait3A_69 = arith.constant 0 : i32
      %dma_wait3A_70 = tpu.memref_slice %arg10[%add3A_23, %dma_wait3A_69] : memref<10240x128xf32, #tpu.memory_space<vmem_shared>> -> memref<80x128xf32, #tpu.memory_space<vmem_shared>>
      tpu.wait_dma2 semaphore(%run_scoped3A_63 : memref<!tpu.dma_semaphore, #tpu.memory_space<semaphore_mem>>) src(%arg9 : memref<80x128xf32, #tpu.memory_space<vmem>>) dst(%dma_wait3A_70 : memref<80x128xf32, #tpu.memory_space<vmem_shared>>)
      tpu.yield
    }) : () -> ()
    %add3A_24 = arith.constant 560 : i32
    %add3A_25 = arith.addi %mul3A_2, %add3A_24 : i32
    "tpu.region"() ({
      %run_scoped3A_63 = tpu.sem_alloc : memref<!tpu.dma_semaphore, #tpu.memory_space<semaphore_mem>>
      %dma_start3A_64 = arith.constant 0 : i32
      %dma_start3A_65 = tpu.memref_slice %arg10[%add3A_25, %dma_start3A_64] : memref<10240x128xf32, #tpu.memory_space<vmem_shared>> -> memref<80x128xf32, #tpu.memory_space<vmem_shared>>
      %dma_start3A_66 = arith.constant 0 : i32
      %dma_start3A_67 = tpu.memref_slice %arg10[%add3A_25, %dma_start3A_66] : memref<10240x128xf32, #tpu.memory_space<vmem_shared>> -> memref<80x128xf32, #tpu.memory_space<vmem_shared>>
      tpu.enqueue_dma source(%arg9 : memref<80x128xf32, #tpu.memory_space<vmem>>) target(%dma_start3A_67 : memref<80x128xf32, #tpu.memory_space<vmem_shared>>) target_semaphore(%run_scoped3A_63 : memref<!tpu.dma_semaphore, #tpu.memory_space<semaphore_mem>>)
      %dma_wait3A = arith.constant 0 : i32
      %dma_wait3A_68 = tpu.memref_slice %arg10[%add3A_25, %dma_wait3A] : memref<10240x128xf32, #tpu.memory_space<vmem_shared>> -> memref<80x128xf32, #tpu.memory_space<vmem_shared>>
      %dma_wait3A_69 = arith.constant 0 : i32
      %dma_wait3A_70 = tpu.memref_slice %arg10[%add3A_25, %dma_wait3A_69] : memref<10240x128xf32, #tpu.memory_space<vmem_shared>> -> memref<80x128xf32, #tpu.memory_space<vmem_shared>>
      tpu.wait_dma2 semaphore(%run_scoped3A_63 : memref<!tpu.dma_semaphore, #tpu.memory_space<semaphore_mem>>) src(%arg9 : memref<80x128xf32, #tpu.memory_space<vmem>>) dst(%dma_wait3A_70 : memref<80x128xf32, #tpu.memory_space<vmem_shared>>)
      tpu.yield
    }) : () -> ()
    %barrier3A = arith.constant 0 : index
    tpu.barrier barrier_id(%barrier3A)
    %add3A_26 = arith.constant 0 : i32
    %add3A_27 = arith.addi %mul3A_4, %add3A_26 : i32
    %run_scoped3A = arith.constant 0 : i32
    "tpu.region"() ({
      %run_scoped3A_63 = tpu.sem_alloc : memref<!tpu.dma_semaphore, #tpu.memory_space<semaphore_mem>>
      %dma_start3A_64 = arith.constant 0 : i32
      %dma_start3A_65 = tpu.memref_slice %arg6[%run_scoped3A, %dma_start3A_64] : memref<2x80xi32, #tpu.memory_space<vmem>> -> memref<1x80xi32, #tpu.memory_space<vmem>>
      %dma_start3A_66 = tpu.memref_squeeze %dma_start3A_65 : memref<1x80xi32, #tpu.memory_space<vmem>> -> memref<80xi32, #tpu.memory_space<vmem>>
      %dma_start3A_67 = tpu.memref_slice %arg3[%add3A_27] : memref<320000xi32, #tpu.memory_space<hbm>> -> memref<80xi32, #tpu.memory_space<hbm>>
      %dma_start3A_68 = arith.constant 0 : i32
      %dma_start3A_69 = tpu.memref_slice %arg6[%run_scoped3A, %dma_start3A_68] : memref<2x80xi32, #tpu.memory_space<vmem>> -> memref<1x80xi32, #tpu.memory_space<vmem>>
      %dma_start3A_70 = tpu.memref_squeeze %dma_start3A_69 : memref<1x80xi32, #tpu.memory_space<vmem>> -> memref<80xi32, #tpu.memory_space<vmem>>
      %dma_start3A_71 = tpu.memref_slice %arg3[%add3A_27] : memref<320000xi32, #tpu.memory_space<hbm>> -> memref<80xi32, #tpu.memory_space<hbm>>
      tpu.enqueue_dma source(%dma_start3A_71 : memref<80xi32, #tpu.memory_space<hbm>>) target(%dma_start3A_70 : memref<80xi32, #tpu.memory_space<vmem>>) target_semaphore(%run_scoped3A_63 : memref<!tpu.dma_semaphore, #tpu.memory_space<semaphore_mem>>)
      %dma_wait3A = arith.constant 0 : i32
      %dma_wait3A_72 = tpu.memref_slice %arg6[%run_scoped3A, %dma_wait3A] : memref<2x80xi32, #tpu.memory_space<vmem>> -> memref<1x80xi32, #tpu.memory_space<vmem>>
      %dma_wait3A_73 = tpu.memref_squeeze %dma_wait3A_72 : memref<1x80xi32, #tpu.memory_space<vmem>> -> memref<80xi32, #tpu.memory_space<vmem>>
      %dma_wait3A_74 = tpu.memref_slice %arg3[%add3A_27] : memref<320000xi32, #tpu.memory_space<hbm>> -> memref<80xi32, #tpu.memory_space<hbm>>
      %dma_wait3A_75 = arith.constant 0 : i32
      %dma_wait3A_76 = tpu.memref_slice %arg6[%run_scoped3A, %dma_wait3A_75] : memref<2x80xi32, #tpu.memory_space<vmem>> -> memref<1x80xi32, #tpu.memory_space<vmem>>
      %dma_wait3A_77 = tpu.memref_squeeze %dma_wait3A_76 : memref<1x80xi32, #tpu.memory_space<vmem>> -> memref<80xi32, #tpu.memory_space<vmem>>
      %dma_wait3A_78 = tpu.memref_slice %arg3[%add3A_27] : memref<320000xi32, #tpu.memory_space<hbm>> -> memref<80xi32, #tpu.memory_space<hbm>>
      tpu.wait_dma2 semaphore(%run_scoped3A_63 : memref<!tpu.dma_semaphore, #tpu.memory_space<semaphore_mem>>) src(%dma_wait3A_78 : memref<80xi32, #tpu.memory_space<hbm>>) dst(%dma_wait3A_77 : memref<80xi32, #tpu.memory_space<vmem>>)
      tpu.yield
    }) : () -> ()
    %run_scoped3A_28 = arith.constant 0 : i32
    "tpu.region"() ({
      %run_scoped3A_63 = tpu.sem_alloc : memref<!tpu.dma_semaphore, #tpu.memory_space<semaphore_mem>>
      %dma_start3A_64 = arith.constant 0 : i32
      %dma_start3A_65 = tpu.memref_slice %arg7[%run_scoped3A_28, %dma_start3A_64] : memref<2x80xi32, #tpu.memory_space<vmem>> -> memref<1x80xi32, #tpu.memory_space<vmem>>
      %dma_start3A_66 = tpu.memref_squeeze %dma_start3A_65 : memref<1x80xi32, #tpu.memory_space<vmem>> -> memref<80xi32, #tpu.memory_space<vmem>>
      %dma_start3A_67 = tpu.memref_slice %arg4[%add3A_27] : memref<320000xi32, #tpu.memory_space<hbm>> -> memref<80xi32, #tpu.memory_space<hbm>>
      %dma_start3A_68 = arith.constant 0 : i32
      %dma_start3A_69 = tpu.memref_slice %arg7[%run_scoped3A_28, %dma_start3A_68] : memref<2x80xi32, #tpu.memory_space<vmem>> -> memref<1x80xi32, #tpu.memory_space<vmem>>
      %dma_start3A_70 = tpu.memref_squeeze %dma_start3A_69 : memref<1x80xi32, #tpu.memory_space<vmem>> -> memref<80xi32, #tpu.memory_space<vmem>>
      %dma_start3A_71 = tpu.memref_slice %arg4[%add3A_27] : memref<320000xi32, #tpu.memory_space<hbm>> -> memref<80xi32, #tpu.memory_space<hbm>>
      tpu.enqueue_dma source(%dma_start3A_71 : memref<80xi32, #tpu.memory_space<hbm>>) target(%dma_start3A_70 : memref<80xi32, #tpu.memory_space<vmem>>) target_semaphore(%run_scoped3A_63 : memref<!tpu.dma_semaphore, #tpu.memory_space<semaphore_mem>>)
      %dma_wait3A = arith.constant 0 : i32
      %dma_wait3A_72 = tpu.memref_slice %arg7[%run_scoped3A_28, %dma_wait3A] : memref<2x80xi32, #tpu.memory_space<vmem>> -> memref<1x80xi32, #tpu.memory_space<vmem>>
      %dma_wait3A_73 = tpu.memref_squeeze %dma_wait3A_72 : memref<1x80xi32, #tpu.memory_space<vmem>> -> memref<80xi32, #tpu.memory_space<vmem>>
      %dma_wait3A_74 = tpu.memref_slice %arg4[%add3A_27] : memref<320000xi32, #tpu.memory_space<hbm>> -> memref<80xi32, #tpu.memory_space<hbm>>
      %dma_wait3A_75 = arith.constant 0 : i32
      %dma_wait3A_76 = tpu.memref_slice %arg7[%run_scoped3A_28, %dma_wait3A_75] : memref<2x80xi32, #tpu.memory_space<vmem>> -> memref<1x80xi32, #tpu.memory_space<vmem>>
      %dma_wait3A_77 = tpu.memref_squeeze %dma_wait3A_76 : memref<1x80xi32, #tpu.memory_space<vmem>> -> memref<80xi32, #tpu.memory_space<vmem>>
      %dma_wait3A_78 = tpu.memref_slice %arg4[%add3A_27] : memref<320000xi32, #tpu.memory_space<hbm>> -> memref<80xi32, #tpu.memory_space<hbm>>
      tpu.wait_dma2 semaphore(%run_scoped3A_63 : memref<!tpu.dma_semaphore, #tpu.memory_space<semaphore_mem>>) src(%dma_wait3A_78 : memref<80xi32, #tpu.memory_space<hbm>>) dst(%dma_wait3A_77 : memref<80xi32, #tpu.memory_space<vmem>>)
      tpu.yield
    }) : () -> ()
    %dma_start3A = arith.constant 0 : i32
    %dma_start3A_29 = arith.constant 0 : i32
    %dma_start3A_30 = arith.constant 0 : i32
    %dma_start3A_31 = arith.constant 0 : i32
    %dma_start3A_32 = tpu.memref_slice %arg8[%dma_start3A_29, %dma_start3A_30, %dma_start3A_31] : memref<2x80x128xf32, #tpu.memory_space<vmem>> -> memref<1x80x128xf32, #tpu.memory_space<vmem>>
    %dma_start3A_33 = tpu.memref_squeeze %dma_start3A_32 : memref<1x80x128xf32, #tpu.memory_space<vmem>> -> memref<80x128xf32, #tpu.memory_space<vmem>>
    %dma_start3A_34 = arith.constant 0 : i32
    %dma_start3A_35 = tpu.memref_slice %arg6[%dma_start3A, %dma_start3A_34] : memref<2x80xi32, #tpu.memory_space<vmem>> -> memref<1x80xi32, #tpu.memory_space<vmem>>
    %dma_start3A_36 = tpu.memref_squeeze %dma_start3A_35 : memref<1x80xi32, #tpu.memory_space<vmem>> -> memref<80xi32, #tpu.memory_space<vmem>>
    %dma_start3A_37 = arith.constant 0 : i32
    %dma_start3A_38 = arith.constant 0 : i32
    %dma_start3A_39 = tpu.memref_slice %arg2[%dma_start3A_37, %dma_start3A_38] : memref<10240x128xf32, #tpu.memory_space<hbm>> -> memref<10240x128xf32, #tpu.memory_space<hbm>>
    tpu.enqueue_indirect_dma source(%dma_start3A_39 : memref<10240x128xf32, #tpu.memory_space<hbm>>) target(%dma_start3A_33 : memref<80x128xf32, #tpu.memory_space<vmem>>) offsets(%dma_start3A_36 : memref<80xi32, #tpu.memory_space<vmem>>) semaphore(%arg11 : memref<!tpu.dma_semaphore, #tpu.memory_space<semaphore_mem>>)
    %scan3A_40 = arith.constant 0 : i32
    %scan3A_41 = arith.constant 0 : i32
    %scan3A_42 = arith.constant 63 : i32
    %scan3A_43 = arith.addi %scan3A_41, %scan3A_42 : i32
    %scan3A_44 = arith.constant 1 : i32
    scf.for %scan3A_63 = %scan3A_41 to %scan3A_43 step %scan3A_44  : i32 {
      %mul3A_64 = arith.constant 2 : i32
      %mul3A_65 = arith.muli %scan3A_63, %mul3A_64 : i32
      %add3A_66 = arith.constant 0 : i32
      %add3A_67 = arith.addi %mul3A_65, %add3A_66 : i32
      %add3A_68 = arith.constant 1 : i32
      %add3A_69 = arith.addi %add3A_67, %add3A_68 : i32
      %lt3A = arith.constant 125 : i32
      %lt3A_70 = arith.cmpi slt, %add3A_69, %lt3A : i32
      %convert_element_type3A = arith.extui %lt3A_70 : i1 to i32
      %cond3A = arith.constant 0 : i32
      %cond3A_71 = arith.cmpi ne, %convert_element_type3A, %cond3A : i32
      scf.if %cond3A_71 {
        %add3A_93 = arith.constant 1 : i32
        %add3A_94 = arith.addi %add3A_67, %add3A_93 : i32
        %mul3A_95 = arith.constant 80 : i32
        %mul3A_96 = arith.muli %add3A_94, %mul3A_95 : i32
        %add3A_97 = arith.addi %mul3A_4, %mul3A_96 : i32
        %run_scoped3A_98 = arith.constant 1 : i32
        "tpu.region"() ({
          %run_scoped3A_112 = tpu.sem_alloc : memref<!tpu.dma_semaphore, #tpu.memory_space<semaphore_mem>>
          %dma_start3A_113 = arith.constant 0 : i32
          %dma_start3A_114 = tpu.memref_slice %arg6[%run_scoped3A_98, %dma_start3A_113] : memref<2x80xi32, #tpu.memory_space<vmem>> -> memref<1x80xi32, #tpu.memory_space<vmem>>
          %dma_start3A_115 = tpu.memref_squeeze %dma_start3A_114 : memref<1x80xi32, #tpu.memory_space<vmem>> -> memref<80xi32, #tpu.memory_space<vmem>>
          %dma_start3A_116 = tpu.memref_slice %arg3[%add3A_97] : memref<320000xi32, #tpu.memory_space<hbm>> -> memref<80xi32, #tpu.memory_space<hbm>>
          %dma_start3A_117 = arith.constant 0 : i32
          %dma_start3A_118 = tpu.memref_slice %arg6[%run_scoped3A_98, %dma_start3A_117] : memref<2x80xi32, #tpu.memory_space<vmem>> -> memref<1x80xi32, #tpu.memory_space<vmem>>
          %dma_start3A_119 = tpu.memref_squeeze %dma_start3A_118 : memref<1x80xi32, #tpu.memory_space<vmem>> -> memref<80xi32, #tpu.memory_space<vmem>>
          %dma_start3A_120 = tpu.memref_slice %arg3[%add3A_97] : memref<320000xi32, #tpu.memory_space<hbm>> -> memref<80xi32, #tpu.memory_space<hbm>>
          tpu.enqueue_dma source(%dma_start3A_120 : memref<80xi32, #tpu.memory_space<hbm>>) target(%dma_start3A_119 : memref<80xi32, #tpu.memory_space<vmem>>) target_semaphore(%run_scoped3A_112 : memref<!tpu.dma_semaphore, #tpu.memory_space<semaphore_mem>>)
          %dma_wait3A = arith.constant 0 : i32
          %dma_wait3A_121 = tpu.memref_slice %arg6[%run_scoped3A_98, %dma_wait3A] : memref<2x80xi32, #tpu.memory_space<vmem>> -> memref<1x80xi32, #tpu.memory_space<vmem>>
          %dma_wait3A_122 = tpu.memref_squeeze %dma_wait3A_121 : memref<1x80xi32, #tpu.memory_space<vmem>> -> memref<80xi32, #tpu.memory_space<vmem>>
          %dma_wait3A_123 = tpu.memref_slice %arg3[%add3A_97] : memref<320000xi32, #tpu.memory_space<hbm>> -> memref<80xi32, #tpu.memory_space<hbm>>
          %dma_wait3A_124 = arith.constant 0 : i32
          %dma_wait3A_125 = tpu.memref_slice %arg6[%run_scoped3A_98, %dma_wait3A_124] : memref<2x80xi32, #tpu.memory_space<vmem>> -> memref<1x80xi32, #tpu.memory_space<vmem>>
          %dma_wait3A_126 = tpu.memref_squeeze %dma_wait3A_125 : memref<1x80xi32, #tpu.memory_space<vmem>> -> memref<80xi32, #tpu.memory_space<vmem>>
          %dma_wait3A_127 = tpu.memref_slice %arg3[%add3A_97] : memref<320000xi32, #tpu.memory_space<hbm>> -> memref<80xi32, #tpu.memory_space<hbm>>
          tpu.wait_dma2 semaphore(%run_scoped3A_112 : memref<!tpu.dma_semaphore, #tpu.memory_space<semaphore_mem>>) src(%dma_wait3A_127 : memref<80xi32, #tpu.memory_space<hbm>>) dst(%dma_wait3A_126 : memref<80xi32, #tpu.memory_space<vmem>>)
          tpu.yield
        }) : () -> ()
        %run_scoped3A_99 = arith.constant 1 : i32
        "tpu.region"() ({
          %run_scoped3A_112 = tpu.sem_alloc : memref<!tpu.dma_semaphore, #tpu.memory_space<semaphore_mem>>
          %dma_start3A_113 = arith.constant 0 : i32
          %dma_start3A_114 = tpu.memref_slice %arg7[%run_scoped3A_99, %dma_start3A_113] : memref<2x80xi32, #tpu.memory_space<vmem>> -> memref<1x80xi32, #tpu.memory_space<vmem>>
          %dma_start3A_115 = tpu.memref_squeeze %dma_start3A_114 : memref<1x80xi32, #tpu.memory_space<vmem>> -> memref<80xi32, #tpu.memory_space<vmem>>
          %dma_start3A_116 = tpu.memref_slice %arg4[%add3A_97] : memref<320000xi32, #tpu.memory_space<hbm>> -> memref<80xi32, #tpu.memory_space<hbm>>
          %dma_start3A_117 = arith.constant 0 : i32
          %dma_start3A_118 = tpu.memref_slice %arg7[%run_scoped3A_99, %dma_start3A_117] : memref<2x80xi32, #tpu.memory_space<vmem>> -> memref<1x80xi32, #tpu.memory_space<vmem>>
          %dma_start3A_119 = tpu.memref_squeeze %dma_start3A_118 : memref<1x80xi32, #tpu.memory_space<vmem>> -> memref<80xi32, #tpu.memory_space<vmem>>
          %dma_start3A_120 = tpu.memref_slice %arg4[%add3A_97] : memref<320000xi32, #tpu.memory_space<hbm>> -> memref<80xi32, #tpu.memory_space<hbm>>
          tpu.enqueue_dma source(%dma_start3A_120 : memref<80xi32, #tpu.memory_space<hbm>>) target(%dma_start3A_119 : memref<80xi32, #tpu.memory_space<vmem>>) target_semaphore(%run_scoped3A_112 : memref<!tpu.dma_semaphore, #tpu.memory_space<semaphore_mem>>)
          %dma_wait3A = arith.constant 0 : i32
          %dma_wait3A_121 = tpu.memref_slice %arg7[%run_scoped3A_99, %dma_wait3A] : memref<2x80xi32, #tpu.memory_space<vmem>> -> memref<1x80xi32, #tpu.memory_space<vmem>>
          %dma_wait3A_122 = tpu.memref_squeeze %dma_wait3A_121 : memref<1x80xi32, #tpu.memory_space<vmem>> -> memref<80xi32, #tpu.memory_space<vmem>>
          %dma_wait3A_123 = tpu.memref_slice %arg4[%add3A_97] : memref<320000xi32, #tpu.memory_space<hbm>> -> memref<80xi32, #tpu.memory_space<hbm>>
          %dma_wait3A_124 = arith.constant 0 : i32
          %dma_wait3A_125 = tpu.memref_slice %arg7[%run_scoped3A_99, %dma_wait3A_124] : memref<2x80xi32, #tpu.memory_space<vmem>> -> memref<1x80xi32, #tpu.memory_space<vmem>>
          %dma_wait3A_126 = tpu.memref_squeeze %dma_wait3A_125 : memref<1x80xi32, #tpu.memory_space<vmem>> -> memref<80xi32, #tpu.memory_space<vmem>>
          %dma_wait3A_127 = tpu.memref_slice %arg4[%add3A_97] : memref<320000xi32, #tpu.memory_space<hbm>> -> memref<80xi32, #tpu.memory_space<hbm>>
          tpu.wait_dma2 semaphore(%run_scoped3A_112 : memref<!tpu.dma_semaphore, #tpu.memory_space<semaphore_mem>>) src(%dma_wait3A_127 : memref<80xi32, #tpu.memory_space<hbm>>) dst(%dma_wait3A_126 : memref<80xi32, #tpu.memory_space<vmem>>)
          tpu.yield
        }) : () -> ()
        %dma_start3A_100 = arith.constant 1 : i32
        %dma_start3A_101 = arith.constant 1 : i32
        %dma_start3A_102 = arith.constant 0 : i32
        %dma_start3A_103 = arith.constant 0 : i32
        %dma_start3A_104 = tpu.memref_slice %arg8[%dma_start3A_101, %dma_start3A_102, %dma_start3A_103] : memref<2x80x128xf32, #tpu.memory_space<vmem>> -> memref<1x80x128xf32, #tpu.memory_space<vmem>>
        %dma_start3A_105 = tpu.memref_squeeze %dma_start3A_104 : memref<1x80x128xf32, #tpu.memory_space<vmem>> -> memref<80x128xf32, #tpu.memory_space<vmem>>
        %dma_start3A_106 = arith.constant 0 : i32
        %dma_start3A_107 = tpu.memref_slice %arg6[%dma_start3A_100, %dma_start3A_106] : memref<2x80xi32, #tpu.memory_space<vmem>> -> memref<1x80xi32, #tpu.memory_space<vmem>>
        %dma_start3A_108 = tpu.memref_squeeze %dma_start3A_107 : memref<1x80xi32, #tpu.memory_space<vmem>> -> memref<80xi32, #tpu.memory_space<vmem>>
        %dma_start3A_109 = arith.constant 0 : i32
        %dma_start3A_110 = arith.constant 0 : i32
        %dma_start3A_111 = tpu.memref_slice %arg2[%dma_start3A_109, %dma_start3A_110] : memref<10240x128xf32, #tpu.memory_space<hbm>> -> memref<10240x128xf32, #tpu.memory_space<hbm>>
        tpu.enqueue_indirect_dma source(%dma_start3A_111 : memref<10240x128xf32, #tpu.memory_space<hbm>>) target(%dma_start3A_105 : memref<80x128xf32, #tpu.memory_space<vmem>>) offsets(%dma_start3A_108 : memref<80xi32, #tpu.memory_space<vmem>>) semaphore(%arg12 : memref<!tpu.dma_semaphore, #tpu.memory_space<semaphore_mem>>)
      } else {
      }
      %lt3A_72 = arith.constant 125 : i32
      %lt3A_73 = arith.cmpi slt, %add3A_67, %lt3A_72 : i32
      %convert_element_type3A_74 = arith.extui %lt3A_73 : i1 to i32
      %cond3A_75 = arith.constant 0 : i32
      %cond3A_76 = arith.cmpi ne, %convert_element_type3A_74, %cond3A_75 : i32
      scf.if %cond3A_76 {
        %dma_wait3A = arith.constant 0 : i32
        %dma_wait3A_93 = arith.constant 0 : i32
        %dma_wait3A_94 = arith.constant 0 : i32
        %dma_wait3A_95 = arith.constant 0 : i32
        %dma_wait3A_96 = tpu.memref_slice %arg8[%dma_wait3A_93, %dma_wait3A_94, %dma_wait3A_95] : memref<2x80x128xf32, #tpu.memory_space<vmem>> -> memref<1x80x128xf32, #tpu.memory_space<vmem>>
        %dma_wait3A_97 = tpu.memref_squeeze %dma_wait3A_96 : memref<1x80x128xf32, #tpu.memory_space<vmem>> -> memref<80x128xf32, #tpu.memory_space<vmem>>
        %dma_wait3A_98 = arith.constant 0 : i32
        %dma_wait3A_99 = tpu.memref_slice %arg6[%dma_wait3A, %dma_wait3A_98] : memref<2x80xi32, #tpu.memory_space<vmem>> -> memref<1x80xi32, #tpu.memory_space<vmem>>
        %dma_wait3A_100 = tpu.memref_squeeze %dma_wait3A_99 : memref<1x80xi32, #tpu.memory_space<vmem>> -> memref<80xi32, #tpu.memory_space<vmem>>
        %dma_wait3A_101 = arith.constant 0 : i32
        %dma_wait3A_102 = arith.constant 0 : i32
        %dma_wait3A_103 = tpu.memref_slice %arg2[%dma_wait3A_101, %dma_wait3A_102] : memref<10240x128xf32, #tpu.memory_space<hbm>> -> memref<10240x128xf32, #tpu.memory_space<hbm>>
        tpu.wait_indirect_dma semaphore(%arg11 : memref<!tpu.dma_semaphore, #tpu.memory_space<semaphore_mem>>) src(%dma_wait3A_103 : memref<10240x128xf32, #tpu.memory_space<hbm>>) dst(%dma_wait3A_97 : memref<80x128xf32, #tpu.memory_space<vmem>>)
        %run_scoped3A_104 = arith.constant 0 : i32
        %run_scoped3A_105 = arith.constant 0 : i32
        "tpu.region"() ({
          %run_scoped3A_106 = tpu.sem_alloc : memref<!tpu.dma_semaphore, #tpu.memory_space<semaphore_mem>>
          %dma_start3A_107 = arith.constant 0 : i32
          %dma_start3A_108 = arith.constant 0 : i32
          %dma_start3A_109 = tpu.memref_slice %arg8[%run_scoped3A_104, %dma_start3A_107, %dma_start3A_108] : memref<2x80x128xf32, #tpu.memory_space<vmem>> -> memref<1x80x128xf32, #tpu.memory_space<vmem>>
          %dma_start3A_110 = tpu.memref_squeeze %dma_start3A_109 : memref<1x80x128xf32, #tpu.memory_space<vmem>> -> memref<80x128xf32, #tpu.memory_space<vmem>>
          %dma_start3A_111 = arith.constant 0 : i32
          %dma_start3A_112 = tpu.memref_slice %arg7[%run_scoped3A_105, %dma_start3A_111] : memref<2x80xi32, #tpu.memory_space<vmem>> -> memref<1x80xi32, #tpu.memory_space<vmem>>
          %dma_start3A_113 = tpu.memref_squeeze %dma_start3A_112 : memref<1x80xi32, #tpu.memory_space<vmem>> -> memref<80xi32, #tpu.memory_space<vmem>>
          %dma_start3A_114 = arith.constant 0 : i32
          %dma_start3A_115 = arith.constant 0 : i32
          %dma_start3A_116 = tpu.memref_slice %arg10[%dma_start3A_114, %dma_start3A_115] : memref<10240x128xf32, #tpu.memory_space<vmem_shared>> -> memref<10240x128xf32, #tpu.memory_space<vmem_shared>>
          tpu.enqueue_indirect_dma source(%dma_start3A_110 : memref<80x128xf32, #tpu.memory_space<vmem>>) target(%dma_start3A_116 : memref<10240x128xf32, #tpu.memory_space<vmem_shared>>) offsets(%dma_start3A_113 : memref<80xi32, #tpu.memory_space<vmem>>) semaphore(%run_scoped3A_106 : memref<!tpu.dma_semaphore, #tpu.memory_space<semaphore_mem>>) {add = true}
          %dma_wait3A_117 = arith.constant 0 : i32
          %dma_wait3A_118 = arith.constant 0 : i32
          %dma_wait3A_119 = tpu.memref_slice %arg8[%run_scoped3A_104, %dma_wait3A_117, %dma_wait3A_118] : memref<2x80x128xf32, #tpu.memory_space<vmem>> -> memref<1x80x128xf32, #tpu.memory_space<vmem>>
          %dma_wait3A_120 = tpu.memref_squeeze %dma_wait3A_119 : memref<1x80x128xf32, #tpu.memory_space<vmem>> -> memref<80x128xf32, #tpu.memory_space<vmem>>
          %dma_wait3A_121 = arith.constant 0 : i32
          %dma_wait3A_122 = tpu.memref_slice %arg7[%run_scoped3A_105, %dma_wait3A_121] : memref<2x80xi32, #tpu.memory_space<vmem>> -> memref<1x80xi32, #tpu.memory_space<vmem>>
          %dma_wait3A_123 = tpu.memref_squeeze %dma_wait3A_122 : memref<1x80xi32, #tpu.memory_space<vmem>> -> memref<80xi32, #tpu.memory_space<vmem>>
          %dma_wait3A_124 = arith.constant 0 : i32
          %dma_wait3A_125 = arith.constant 0 : i32
          %dma_wait3A_126 = tpu.memref_slice %arg10[%dma_wait3A_124, %dma_wait3A_125] : memref<10240x128xf32, #tpu.memory_space<vmem_shared>> -> memref<10240x128xf32, #tpu.memory_space<vmem_shared>>
          tpu.wait_indirect_dma semaphore(%run_scoped3A_106 : memref<!tpu.dma_semaphore, #tpu.memory_space<semaphore_mem>>) src(%dma_wait3A_120 : memref<80x128xf32, #tpu.memory_space<vmem>>) dst(%dma_wait3A_126 : memref<10240x128xf32, #tpu.memory_space<vmem_shared>>)
          tpu.yield
        }) : () -> ()
      } else {
      }
      %mul3A_77 = arith.constant 2 : i32
      %mul3A_78 = arith.muli %scan3A_63, %mul3A_77 : i32
      %add3A_79 = arith.constant 1 : i32
      %add3A_80 = arith.addi %mul3A_78, %add3A_79 : i32
      %add3A_81 = arith.constant 1 : i32
      %add3A_82 = arith.addi %add3A_80, %add3A_81 : i32
      %lt3A_83 = arith.constant 125 : i32
      %lt3A_84 = arith.cmpi slt, %add3A_82, %lt3A_83 : i32
      %convert_element_type3A_85 = arith.extui %lt3A_84 : i1 to i32
      %cond3A_86 = arith.constant 0 : i32
      %cond3A_87 = arith.cmpi ne, %convert_element_type3A_85, %cond3A_86 : i32
      scf.if %cond3A_87 {
        %add3A_93 = arith.constant 1 : i32
        %add3A_94 = arith.addi %add3A_80, %add3A_93 : i32
        %mul3A_95 = arith.constant 80 : i32
        %mul3A_96 = arith.muli %add3A_94, %mul3A_95 : i32
        %add3A_97 = arith.addi %mul3A_4, %mul3A_96 : i32
        %run_scoped3A_98 = arith.constant 0 : i32
        "tpu.region"() ({
          %run_scoped3A_112 = tpu.sem_alloc : memref<!tpu.dma_semaphore, #tpu.memory_space<semaphore_mem>>
          %dma_start3A_113 = arith.constant 0 : i32
          %dma_start3A_114 = tpu.memref_slice %arg6[%run_scoped3A_98, %dma_start3A_113] : memref<2x80xi32, #tpu.memory_space<vmem>> -> memref<1x80xi32, #tpu.memory_space<vmem>>
          %dma_start3A_115 = tpu.memref_squeeze %dma_start3A_114 : memref<1x80xi32, #tpu.memory_space<vmem>> -> memref<80xi32, #tpu.memory_space<vmem>>
          %dma_start3A_116 = tpu.memref_slice %arg3[%add3A_97] : memref<320000xi32, #tpu.memory_space<hbm>> -> memref<80xi32, #tpu.memory_space<hbm>>
          %dma_start3A_117 = arith.constant 0 : i32
          %dma_start3A_118 = tpu.memref_slice %arg6[%run_scoped3A_98, %dma_start3A_117] : memref<2x80xi32, #tpu.memory_space<vmem>> -> memref<1x80xi32, #tpu.memory_space<vmem>>
          %dma_start3A_119 = tpu.memref_squeeze %dma_start3A_118 : memref<1x80xi32, #tpu.memory_space<vmem>> -> memref<80xi32, #tpu.memory_space<vmem>>
          %dma_start3A_120 = tpu.memref_slice %arg3[%add3A_97] : memref<320000xi32, #tpu.memory_space<hbm>> -> memref<80xi32, #tpu.memory_space<hbm>>
          tpu.enqueue_dma source(%dma_start3A_120 : memref<80xi32, #tpu.memory_space<hbm>>) target(%dma_start3A_119 : memref<80xi32, #tpu.memory_space<vmem>>) target_semaphore(%run_scoped3A_112 : memref<!tpu.dma_semaphore, #tpu.memory_space<semaphore_mem>>)
          %dma_wait3A = arith.constant 0 : i32
          %dma_wait3A_121 = tpu.memref_slice %arg6[%run_scoped3A_98, %dma_wait3A] : memref<2x80xi32, #tpu.memory_space<vmem>> -> memref<1x80xi32, #tpu.memory_space<vmem>>
          %dma_wait3A_122 = tpu.memref_squeeze %dma_wait3A_121 : memref<1x80xi32, #tpu.memory_space<vmem>> -> memref<80xi32, #tpu.memory_space<vmem>>
          %dma_wait3A_123 = tpu.memref_slice %arg3[%add3A_97] : memref<320000xi32, #tpu.memory_space<hbm>> -> memref<80xi32, #tpu.memory_space<hbm>>
          %dma_wait3A_124 = arith.constant 0 : i32
          %dma_wait3A_125 = tpu.memref_slice %arg6[%run_scoped3A_98, %dma_wait3A_124] : memref<2x80xi32, #tpu.memory_space<vmem>> -> memref<1x80xi32, #tpu.memory_space<vmem>>
          %dma_wait3A_126 = tpu.memref_squeeze %dma_wait3A_125 : memref<1x80xi32, #tpu.memory_space<vmem>> -> memref<80xi32, #tpu.memory_space<vmem>>
          %dma_wait3A_127 = tpu.memref_slice %arg3[%add3A_97] : memref<320000xi32, #tpu.memory_space<hbm>> -> memref<80xi32, #tpu.memory_space<hbm>>
          tpu.wait_dma2 semaphore(%run_scoped3A_112 : memref<!tpu.dma_semaphore, #tpu.memory_space<semaphore_mem>>) src(%dma_wait3A_127 : memref<80xi32, #tpu.memory_space<hbm>>) dst(%dma_wait3A_126 : memref<80xi32, #tpu.memory_space<vmem>>)
          tpu.yield
        }) : () -> ()
        %run_scoped3A_99 = arith.constant 0 : i32
        "tpu.region"() ({
          %run_scoped3A_112 = tpu.sem_alloc : memref<!tpu.dma_semaphore, #tpu.memory_space<semaphore_mem>>
          %dma_start3A_113 = arith.constant 0 : i32
          %dma_start3A_114 = tpu.memref_slice %arg7[%run_scoped3A_99, %dma_start3A_113] : memref<2x80xi32, #tpu.memory_space<vmem>> -> memref<1x80xi32, #tpu.memory_space<vmem>>
          %dma_start3A_115 = tpu.memref_squeeze %dma_start3A_114 : memref<1x80xi32, #tpu.memory_space<vmem>> -> memref<80xi32, #tpu.memory_space<vmem>>
          %dma_start3A_116 = tpu.memref_slice %arg4[%add3A_97] : memref<320000xi32, #tpu.memory_space<hbm>> -> memref<80xi32, #tpu.memory_space<hbm>>
          %dma_start3A_117 = arith.constant 0 : i32
          %dma_start3A_118 = tpu.memref_slice %arg7[%run_scoped3A_99, %dma_start3A_117] : memref<2x80xi32, #tpu.memory_space<vmem>> -> memref<1x80xi32, #tpu.memory_space<vmem>>
          %dma_start3A_119 = tpu.memref_squeeze %dma_start3A_118 : memref<1x80xi32, #tpu.memory_space<vmem>> -> memref<80xi32, #tpu.memory_space<vmem>>
          %dma_start3A_120 = tpu.memref_slice %arg4[%add3A_97] : memref<320000xi32, #tpu.memory_space<hbm>> -> memref<80xi32, #tpu.memory_space<hbm>>
          tpu.enqueue_dma source(%dma_start3A_120 : memref<80xi32, #tpu.memory_space<hbm>>) target(%dma_start3A_119 : memref<80xi32, #tpu.memory_space<vmem>>) target_semaphore(%run_scoped3A_112 : memref<!tpu.dma_semaphore, #tpu.memory_space<semaphore_mem>>)
          %dma_wait3A = arith.constant 0 : i32
          %dma_wait3A_121 = tpu.memref_slice %arg7[%run_scoped3A_99, %dma_wait3A] : memref<2x80xi32, #tpu.memory_space<vmem>> -> memref<1x80xi32, #tpu.memory_space<vmem>>
          %dma_wait3A_122 = tpu.memref_squeeze %dma_wait3A_121 : memref<1x80xi32, #tpu.memory_space<vmem>> -> memref<80xi32, #tpu.memory_space<vmem>>
          %dma_wait3A_123 = tpu.memref_slice %arg4[%add3A_97] : memref<320000xi32, #tpu.memory_space<hbm>> -> memref<80xi32, #tpu.memory_space<hbm>>
          %dma_wait3A_124 = arith.constant 0 : i32
          %dma_wait3A_125 = tpu.memref_slice %arg7[%run_scoped3A_99, %dma_wait3A_124] : memref<2x80xi32, #tpu.memory_space<vmem>> -> memref<1x80xi32, #tpu.memory_space<vmem>>
          %dma_wait3A_126 = tpu.memref_squeeze %dma_wait3A_125 : memref<1x80xi32, #tpu.memory_space<vmem>> -> memref<80xi32, #tpu.memory_space<vmem>>
          %dma_wait3A_127 = tpu.memref_slice %arg4[%add3A_97] : memref<320000xi32, #tpu.memory_space<hbm>> -> memref<80xi32, #tpu.memory_space<hbm>>
          tpu.wait_dma2 semaphore(%run_scoped3A_112 : memref<!tpu.dma_semaphore, #tpu.memory_space<semaphore_mem>>) src(%dma_wait3A_127 : memref<80xi32, #tpu.memory_space<hbm>>) dst(%dma_wait3A_126 : memref<80xi32, #tpu.memory_space<vmem>>)
          tpu.yield
        }) : () -> ()
        %dma_start3A_100 = arith.constant 0 : i32
        %dma_start3A_101 = arith.constant 0 : i32
        %dma_start3A_102 = arith.constant 0 : i32
        %dma_start3A_103 = arith.constant 0 : i32
        %dma_start3A_104 = tpu.memref_slice %arg8[%dma_start3A_101, %dma_start3A_102, %dma_start3A_103] : memref<2x80x128xf32, #tpu.memory_space<vmem>> -> memref<1x80x128xf32, #tpu.memory_space<vmem>>
        %dma_start3A_105 = tpu.memref_squeeze %dma_start3A_104 : memref<1x80x128xf32, #tpu.memory_space<vmem>> -> memref<80x128xf32, #tpu.memory_space<vmem>>
        %dma_start3A_106 = arith.constant 0 : i32
        %dma_start3A_107 = tpu.memref_slice %arg6[%dma_start3A_100, %dma_start3A_106] : memref<2x80xi32, #tpu.memory_space<vmem>> -> memref<1x80xi32, #tpu.memory_space<vmem>>
        %dma_start3A_108 = tpu.memref_squeeze %dma_start3A_107 : memref<1x80xi32, #tpu.memory_space<vmem>> -> memref<80xi32, #tpu.memory_space<vmem>>
        %dma_start3A_109 = arith.constant 0 : i32
        %dma_start3A_110 = arith.constant 0 : i32
        %dma_start3A_111 = tpu.memref_slice %arg2[%dma_start3A_109, %dma_start3A_110] : memref<10240x128xf32, #tpu.memory_space<hbm>> -> memref<10240x128xf32, #tpu.memory_space<hbm>>
        tpu.enqueue_indirect_dma source(%dma_start3A_111 : memref<10240x128xf32, #tpu.memory_space<hbm>>) target(%dma_start3A_105 : memref<80x128xf32, #tpu.memory_space<vmem>>) offsets(%dma_start3A_108 : memref<80xi32, #tpu.memory_space<vmem>>) semaphore(%arg11 : memref<!tpu.dma_semaphore, #tpu.memory_space<semaphore_mem>>)
      } else {
      }
      %lt3A_88 = arith.constant 125 : i32
      %lt3A_89 = arith.cmpi slt, %add3A_80, %lt3A_88 : i32
      %convert_element_type3A_90 = arith.extui %lt3A_89 : i1 to i32
      %cond3A_91 = arith.constant 0 : i32
      %cond3A_92 = arith.cmpi ne, %convert_element_type3A_90, %cond3A_91 : i32
      scf.if %cond3A_92 {
        %dma_wait3A = arith.constant 1 : i32
        %dma_wait3A_93 = arith.constant 1 : i32
        %dma_wait3A_94 = arith.constant 0 : i32
        %dma_wait3A_95 = arith.constant 0 : i32
        %dma_wait3A_96 = tpu.memref_slice %arg8[%dma_wait3A_93, %dma_wait3A_94, %dma_wait3A_95] : memref<2x80x128xf32, #tpu.memory_space<vmem>> -> memref<1x80x128xf32, #tpu.memory_space<vmem>>
        %dma_wait3A_97 = tpu.memref_squeeze %dma_wait3A_96 : memref<1x80x128xf32, #tpu.memory_space<vmem>> -> memref<80x128xf32, #tpu.memory_space<vmem>>
        %dma_wait3A_98 = arith.constant 0 : i32
        %dma_wait3A_99 = tpu.memref_slice %arg6[%dma_wait3A, %dma_wait3A_98] : memref<2x80xi32, #tpu.memory_space<vmem>> -> memref<1x80xi32, #tpu.memory_space<vmem>>
        %dma_wait3A_100 = tpu.memref_squeeze %dma_wait3A_99 : memref<1x80xi32, #tpu.memory_space<vmem>> -> memref<80xi32, #tpu.memory_space<vmem>>
        %dma_wait3A_101 = arith.constant 0 : i32
        %dma_wait3A_102 = arith.constant 0 : i32
        %dma_wait3A_103 = tpu.memref_slice %arg2[%dma_wait3A_101, %dma_wait3A_102] : memref<10240x128xf32, #tpu.memory_space<hbm>> -> memref<10240x128xf32, #tpu.memory_space<hbm>>
        tpu.wait_indirect_dma semaphore(%arg12 : memref<!tpu.dma_semaphore, #tpu.memory_space<semaphore_mem>>) src(%dma_wait3A_103 : memref<10240x128xf32, #tpu.memory_space<hbm>>) dst(%dma_wait3A_97 : memref<80x128xf32, #tpu.memory_space<vmem>>)
        %run_scoped3A_104 = arith.constant 1 : i32
        %run_scoped3A_105 = arith.constant 1 : i32
        "tpu.region"() ({
          %run_scoped3A_106 = tpu.sem_alloc : memref<!tpu.dma_semaphore, #tpu.memory_space<semaphore_mem>>
          %dma_start3A_107 = arith.constant 0 : i32
          %dma_start3A_108 = arith.constant 0 : i32
          %dma_start3A_109 = tpu.memref_slice %arg8[%run_scoped3A_104, %dma_start3A_107, %dma_start3A_108] : memref<2x80x128xf32, #tpu.memory_space<vmem>> -> memref<1x80x128xf32, #tpu.memory_space<vmem>>
          %dma_start3A_110 = tpu.memref_squeeze %dma_start3A_109 : memref<1x80x128xf32, #tpu.memory_space<vmem>> -> memref<80x128xf32, #tpu.memory_space<vmem>>
          %dma_start3A_111 = arith.constant 0 : i32
          %dma_start3A_112 = tpu.memref_slice %arg7[%run_scoped3A_105, %dma_start3A_111] : memref<2x80xi32, #tpu.memory_space<vmem>> -> memref<1x80xi32, #tpu.memory_space<vmem>>
          %dma_start3A_113 = tpu.memref_squeeze %dma_start3A_112 : memref<1x80xi32, #tpu.memory_space<vmem>> -> memref<80xi32, #tpu.memory_space<vmem>>
          %dma_start3A_114 = arith.constant 0 : i32
          %dma_start3A_115 = arith.constant 0 : i32
          %dma_start3A_116 = tpu.memref_slice %arg10[%dma_start3A_114, %dma_start3A_115] : memref<10240x128xf32, #tpu.memory_space<vmem_shared>> -> memref<10240x128xf32, #tpu.memory_space<vmem_shared>>
          tpu.enqueue_indirect_dma source(%dma_start3A_110 : memref<80x128xf32, #tpu.memory_space<vmem>>) target(%dma_start3A_116 : memref<10240x128xf32, #tpu.memory_space<vmem_shared>>) offsets(%dma_start3A_113 : memref<80xi32, #tpu.memory_space<vmem>>) semaphore(%run_scoped3A_106 : memref<!tpu.dma_semaphore, #tpu.memory_space<semaphore_mem>>) {add = true}
          %dma_wait3A_117 = arith.constant 0 : i32
          %dma_wait3A_118 = arith.constant 0 : i32
          %dma_wait3A_119 = tpu.memref_slice %arg8[%run_scoped3A_104, %dma_wait3A_117, %dma_wait3A_118] : memref<2x80x128xf32, #tpu.memory_space<vmem>> -> memref<1x80x128xf32, #tpu.memory_space<vmem>>
          %dma_wait3A_120 = tpu.memref_squeeze %dma_wait3A_119 : memref<1x80x128xf32, #tpu.memory_space<vmem>> -> memref<80x128xf32, #tpu.memory_space<vmem>>
          %dma_wait3A_121 = arith.constant 0 : i32
          %dma_wait3A_122 = tpu.memref_slice %arg7[%run_scoped3A_105, %dma_wait3A_121] : memref<2x80xi32, #tpu.memory_space<vmem>> -> memref<1x80xi32, #tpu.memory_space<vmem>>
          %dma_wait3A_123 = tpu.memref_squeeze %dma_wait3A_122 : memref<1x80xi32, #tpu.memory_space<vmem>> -> memref<80xi32, #tpu.memory_space<vmem>>
          %dma_wait3A_124 = arith.constant 0 : i32
          %dma_wait3A_125 = arith.constant 0 : i32
          %dma_wait3A_126 = tpu.memref_slice %arg10[%dma_wait3A_124, %dma_wait3A_125] : memref<10240x128xf32, #tpu.memory_space<vmem_shared>> -> memref<10240x128xf32, #tpu.memory_space<vmem_shared>>
          tpu.wait_indirect_dma semaphore(%run_scoped3A_106 : memref<!tpu.dma_semaphore, #tpu.memory_space<semaphore_mem>>) src(%dma_wait3A_120 : memref<80x128xf32, #tpu.memory_space<vmem>>) dst(%dma_wait3A_126 : memref<10240x128xf32, #tpu.memory_space<vmem_shared>>)
          tpu.yield
        }) : () -> ()
      } else {
      }
    }
    %scan3A_45 = arith.constant 63 : i32
    %barrier3A_46 = arith.constant 0 : index
    tpu.barrier barrier_id(%barrier3A_46)
    %add3A_47 = arith.constant 0 : i32
    %add3A_48 = arith.addi %mul3A_2, %add3A_47 : i32
    "tpu.region"() ({
      %run_scoped3A_63 = tpu.sem_alloc : memref<!tpu.dma_semaphore, #tpu.memory_space<semaphore_mem>>
      %dma_start3A_64 = arith.constant 0 : i32
      %dma_start3A_65 = tpu.memref_slice %arg10[%add3A_48, %dma_start3A_64] : memref<10240x128xf32, #tpu.memory_space<vmem_shared>> -> memref<80x128xf32, #tpu.memory_space<vmem_shared>>
      %dma_start3A_66 = arith.constant 0 : i32
      %dma_start3A_67 = tpu.memref_slice %arg10[%add3A_48, %dma_start3A_66] : memref<10240x128xf32, #tpu.memory_space<vmem_shared>> -> memref<80x128xf32, #tpu.memory_space<vmem_shared>>
      tpu.enqueue_dma source(%dma_start3A_67 : memref<80x128xf32, #tpu.memory_space<vmem_shared>>) target(%arg9 : memref<80x128xf32, #tpu.memory_space<vmem>>) target_semaphore(%run_scoped3A_63 : memref<!tpu.dma_semaphore, #tpu.memory_space<semaphore_mem>>)
      %dma_wait3A = arith.constant 0 : i32
      %dma_wait3A_68 = tpu.memref_slice %arg10[%add3A_48, %dma_wait3A] : memref<10240x128xf32, #tpu.memory_space<vmem_shared>> -> memref<80x128xf32, #tpu.memory_space<vmem_shared>>
      %dma_wait3A_69 = arith.constant 0 : i32
      %dma_wait3A_70 = tpu.memref_slice %arg10[%add3A_48, %dma_wait3A_69] : memref<10240x128xf32, #tpu.memory_space<vmem_shared>> -> memref<80x128xf32, #tpu.memory_space<vmem_shared>>
      tpu.wait_dma2 semaphore(%run_scoped3A_63 : memref<!tpu.dma_semaphore, #tpu.memory_space<semaphore_mem>>) src(%dma_wait3A_70 : memref<80x128xf32, #tpu.memory_space<vmem_shared>>) dst(%arg9 : memref<80x128xf32, #tpu.memory_space<vmem>>)
      tpu.yield
    }) : () -> ()
    "tpu.region"() ({
      %run_scoped3A_63 = tpu.sem_alloc : memref<!tpu.dma_semaphore, #tpu.memory_space<semaphore_mem>>
      %dma_start3A_64 = arith.constant 0 : i32
      %dma_start3A_65 = tpu.memref_slice %arg5[%arg0, %add3A_48, %dma_start3A_64] : memref<2x10240x128xf32, #tpu.memory_space<hbm>> -> memref<1x80x128xf32, #tpu.memory_space<hbm>>
      %dma_start3A_66 = tpu.memref_squeeze %dma_start3A_65 : memref<1x80x128xf32, #tpu.memory_space<hbm>> -> memref<80x128xf32, #tpu.memory_space<hbm>>
      %dma_start3A_67 = arith.constant 0 : i32
      %dma_start3A_68 = tpu.memref_slice %arg5[%arg0, %add3A_48, %dma_start3A_67] : memref<2x10240x128xf32, #tpu.memory_space<hbm>> -> memref<1x80x128xf32, #tpu.memory_space<hbm>>
      %dma_start3A_69 = tpu.memref_squeeze %dma_start3A_68 : memref<1x80x128xf32, #tpu.memory_space<hbm>> -> memref<80x128xf32, #tpu.memory_space<hbm>>
      tpu.enqueue_dma source(%arg9 : memref<80x128xf32, #tpu.memory_space<vmem>>) target(%dma_start3A_69 : memref<80x128xf32, #tpu.memory_space<hbm>>) target_semaphore(%run_scoped3A_63 : memref<!tpu.dma_semaphore, #tpu.memory_space<semaphore_mem>>)
      %dma_wait3A = arith.constant 0 : i32
      %dma_wait3A_70 = tpu.memref_slice %arg5[%arg0, %add3A_48, %dma_wait3A] : memref<2x10240x128xf32, #tpu.memory_space<hbm>> -> memref<1x80x128xf32, #tpu.memory_space<hbm>>
      %dma_wait3A_71 = tpu.memref_squeeze %dma_wait3A_70 : memref<1x80x128xf32, #tpu.memory_space<hbm>> -> memref<80x128xf32, #tpu.memory_space<hbm>>
      %dma_wait3A_72 = arith.constant 0 : i32
      %dma_wait3A_73 = tpu.memref_slice %arg5[%arg0, %add3A_48, %dma_wait3A_72] : memref<2x10240x128xf32, #tpu.memory_space<hbm>> -> memref<1x80x128xf32, #tpu.memory_space<hbm>>
      %dma_wait3A_74 = tpu.memref_squeeze %dma_wait3A_73 : memref<1x80x128xf32, #tpu.memory_space<hbm>> -> memref<80x128xf32, #tpu.memory_space<hbm>>
      tpu.wait_dma2 semaphore(%run_scoped3A_63 : memref<!tpu.dma_semaphore, #tpu.memory_space<semaphore_mem>>) src(%arg9 : memref<80x128xf32, #tpu.memory_space<vmem>>) dst(%dma_wait3A_74 : memref<80x128xf32, #tpu.memory_space<hbm>>)
      tpu.yield
    }) : () -> ()
    %add3A_49 = arith.constant 80 : i32
    %add3A_50 = arith.addi %mul3A_2, %add3A_49 : i32
    "tpu.region"() ({
      %run_scoped3A_63 = tpu.sem_alloc : memref<!tpu.dma_semaphore, #tpu.memory_space<semaphore_mem>>
      %dma_start3A_64 = arith.constant 0 : i32
      %dma_start3A_65 = tpu.memref_slice %arg10[%add3A_50, %dma_start3A_64] : memref<10240x128xf32, #tpu.memory_space<vmem_shared>> -> memref<80x128xf32, #tpu.memory_space<vmem_shared>>
      %dma_start3A_66 = arith.constant 0 : i32
      %dma_start3A_67 = tpu.memref_slice %arg10[%add3A_50, %dma_start3A_66] : memref<10240x128xf32, #tpu.memory_space<vmem_shared>> -> memref<80x128xf32, #tpu.memory_space<vmem_shared>>
      tpu.enqueue_dma source(%dma_start3A_67 : memref<80x128xf32, #tpu.memory_space<vmem_shared>>) target(%arg9 : memref<80x128xf32, #tpu.memory_space<vmem>>) target_semaphore(%run_scoped3A_63 : memref<!tpu.dma_semaphore, #tpu.memory_space<semaphore_mem>>)
      %dma_wait3A = arith.constant 0 : i32
      %dma_wait3A_68 = tpu.memref_slice %arg10[%add3A_50, %dma_wait3A] : memref<10240x128xf32, #tpu.memory_space<vmem_shared>> -> memref<80x128xf32, #tpu.memory_space<vmem_shared>>
      %dma_wait3A_69 = arith.constant 0 : i32
      %dma_wait3A_70 = tpu.memref_slice %arg10[%add3A_50, %dma_wait3A_69] : memref<10240x128xf32, #tpu.memory_space<vmem_shared>> -> memref<80x128xf32, #tpu.memory_space<vmem_shared>>
      tpu.wait_dma2 semaphore(%run_scoped3A_63 : memref<!tpu.dma_semaphore, #tpu.memory_space<semaphore_mem>>) src(%dma_wait3A_70 : memref<80x128xf32, #tpu.memory_space<vmem_shared>>) dst(%arg9 : memref<80x128xf32, #tpu.memory_space<vmem>>)
      tpu.yield
    }) : () -> ()
    "tpu.region"() ({
      %run_scoped3A_63 = tpu.sem_alloc : memref<!tpu.dma_semaphore, #tpu.memory_space<semaphore_mem>>
      %dma_start3A_64 = arith.constant 0 : i32
      %dma_start3A_65 = tpu.memref_slice %arg5[%arg0, %add3A_50, %dma_start3A_64] : memref<2x10240x128xf32, #tpu.memory_space<hbm>> -> memref<1x80x128xf32, #tpu.memory_space<hbm>>
      %dma_start3A_66 = tpu.memref_squeeze %dma_start3A_65 : memref<1x80x128xf32, #tpu.memory_space<hbm>> -> memref<80x128xf32, #tpu.memory_space<hbm>>
      %dma_start3A_67 = arith.constant 0 : i32
      %dma_start3A_68 = tpu.memref_slice %arg5[%arg0, %add3A_50, %dma_start3A_67] : memref<2x10240x128xf32, #tpu.memory_space<hbm>> -> memref<1x80x128xf32, #tpu.memory_space<hbm>>
      %dma_start3A_69 = tpu.memref_squeeze %dma_start3A_68 : memref<1x80x128xf32, #tpu.memory_space<hbm>> -> memref<80x128xf32, #tpu.memory_space<hbm>>
      tpu.enqueue_dma source(%arg9 : memref<80x128xf32, #tpu.memory_space<vmem>>) target(%dma_start3A_69 : memref<80x128xf32, #tpu.memory_space<hbm>>) target_semaphore(%run_scoped3A_63 : memref<!tpu.dma_semaphore, #tpu.memory_space<semaphore_mem>>)
      %dma_wait3A = arith.constant 0 : i32
      %dma_wait3A_70 = tpu.memref_slice %arg5[%arg0, %add3A_50, %dma_wait3A] : memref<2x10240x128xf32, #tpu.memory_space<hbm>> -> memref<1x80x128xf32, #tpu.memory_space<hbm>>
      %dma_wait3A_71 = tpu.memref_squeeze %dma_wait3A_70 : memref<1x80x128xf32, #tpu.memory_space<hbm>> -> memref<80x128xf32, #tpu.memory_space<hbm>>
      %dma_wait3A_72 = arith.constant 0 : i32
      %dma_wait3A_73 = tpu.memref_slice %arg5[%arg0, %add3A_50, %dma_wait3A_72] : memref<2x10240x128xf32, #tpu.memory_space<hbm>> -> memref<1x80x128xf32, #tpu.memory_space<hbm>>
      %dma_wait3A_74 = tpu.memref_squeeze %dma_wait3A_73 : memref<1x80x128xf32, #tpu.memory_space<hbm>> -> memref<80x128xf32, #tpu.memory_space<hbm>>
      tpu.wait_dma2 semaphore(%run_scoped3A_63 : memref<!tpu.dma_semaphore, #tpu.memory_space<semaphore_mem>>) src(%arg9 : memref<80x128xf32, #tpu.memory_space<vmem>>) dst(%dma_wait3A_74 : memref<80x128xf32, #tpu.memory_space<hbm>>)
      tpu.yield
    }) : () -> ()
    %add3A_51 = arith.constant 160 : i32
    %add3A_52 = arith.addi %mul3A_2, %add3A_51 : i32
    "tpu.region"() ({
      %run_scoped3A_63 = tpu.sem_alloc : memref<!tpu.dma_semaphore, #tpu.memory_space<semaphore_mem>>
      %dma_start3A_64 = arith.constant 0 : i32
      %dma_start3A_65 = tpu.memref_slice %arg10[%add3A_52, %dma_start3A_64] : memref<10240x128xf32, #tpu.memory_space<vmem_shared>> -> memref<80x128xf32, #tpu.memory_space<vmem_shared>>
      %dma_start3A_66 = arith.constant 0 : i32
      %dma_start3A_67 = tpu.memref_slice %arg10[%add3A_52, %dma_start3A_66] : memref<10240x128xf32, #tpu.memory_space<vmem_shared>> -> memref<80x128xf32, #tpu.memory_space<vmem_shared>>
      tpu.enqueue_dma source(%dma_start3A_67 : memref<80x128xf32, #tpu.memory_space<vmem_shared>>) target(%arg9 : memref<80x128xf32, #tpu.memory_space<vmem>>) target_semaphore(%run_scoped3A_63 : memref<!tpu.dma_semaphore, #tpu.memory_space<semaphore_mem>>)
      %dma_wait3A = arith.constant 0 : i32
      %dma_wait3A_68 = tpu.memref_slice %arg10[%add3A_52, %dma_wait3A] : memref<10240x128xf32, #tpu.memory_space<vmem_shared>> -> memref<80x128xf32, #tpu.memory_space<vmem_shared>>
      %dma_wait3A_69 = arith.constant 0 : i32
      %dma_wait3A_70 = tpu.memref_slice %arg10[%add3A_52, %dma_wait3A_69] : memref<10240x128xf32, #tpu.memory_space<vmem_shared>> -> memref<80x128xf32, #tpu.memory_space<vmem_shared>>
      tpu.wait_dma2 semaphore(%run_scoped3A_63 : memref<!tpu.dma_semaphore, #tpu.memory_space<semaphore_mem>>) src(%dma_wait3A_70 : memref<80x128xf32, #tpu.memory_space<vmem_shared>>) dst(%arg9 : memref<80x128xf32, #tpu.memory_space<vmem>>)
      tpu.yield
    }) : () -> ()
    "tpu.region"() ({
      %run_scoped3A_63 = tpu.sem_alloc : memref<!tpu.dma_semaphore, #tpu.memory_space<semaphore_mem>>
      %dma_start3A_64 = arith.constant 0 : i32
      %dma_start3A_65 = tpu.memref_slice %arg5[%arg0, %add3A_52, %dma_start3A_64] : memref<2x10240x128xf32, #tpu.memory_space<hbm>> -> memref<1x80x128xf32, #tpu.memory_space<hbm>>
      %dma_start3A_66 = tpu.memref_squeeze %dma_start3A_65 : memref<1x80x128xf32, #tpu.memory_space<hbm>> -> memref<80x128xf32, #tpu.memory_space<hbm>>
      %dma_start3A_67 = arith.constant 0 : i32
      %dma_start3A_68 = tpu.memref_slice %arg5[%arg0, %add3A_52, %dma_start3A_67] : memref<2x10240x128xf32, #tpu.memory_space<hbm>> -> memref<1x80x128xf32, #tpu.memory_space<hbm>>
      %dma_start3A_69 = tpu.memref_squeeze %dma_start3A_68 : memref<1x80x128xf32, #tpu.memory_space<hbm>> -> memref<80x128xf32, #tpu.memory_space<hbm>>
      tpu.enqueue_dma source(%arg9 : memref<80x128xf32, #tpu.memory_space<vmem>>) target(%dma_start3A_69 : memref<80x128xf32, #tpu.memory_space<hbm>>) target_semaphore(%run_scoped3A_63 : memref<!tpu.dma_semaphore, #tpu.memory_space<semaphore_mem>>)
      %dma_wait3A = arith.constant 0 : i32
      %dma_wait3A_70 = tpu.memref_slice %arg5[%arg0, %add3A_52, %dma_wait3A] : memref<2x10240x128xf32, #tpu.memory_space<hbm>> -> memref<1x80x128xf32, #tpu.memory_space<hbm>>
      %dma_wait3A_71 = tpu.memref_squeeze %dma_wait3A_70 : memref<1x80x128xf32, #tpu.memory_space<hbm>> -> memref<80x128xf32, #tpu.memory_space<hbm>>
      %dma_wait3A_72 = arith.constant 0 : i32
      %dma_wait3A_73 = tpu.memref_slice %arg5[%arg0, %add3A_52, %dma_wait3A_72] : memref<2x10240x128xf32, #tpu.memory_space<hbm>> -> memref<1x80x128xf32, #tpu.memory_space<hbm>>
      %dma_wait3A_74 = tpu.memref_squeeze %dma_wait3A_73 : memref<1x80x128xf32, #tpu.memory_space<hbm>> -> memref<80x128xf32, #tpu.memory_space<hbm>>
      tpu.wait_dma2 semaphore(%run_scoped3A_63 : memref<!tpu.dma_semaphore, #tpu.memory_space<semaphore_mem>>) src(%arg9 : memref<80x128xf32, #tpu.memory_space<vmem>>) dst(%dma_wait3A_74 : memref<80x128xf32, #tpu.memory_space<hbm>>)
      tpu.yield
    }) : () -> ()
    %add3A_53 = arith.constant 240 : i32
    %add3A_54 = arith.addi %mul3A_2, %add3A_53 : i32
    "tpu.region"() ({
      %run_scoped3A_63 = tpu.sem_alloc : memref<!tpu.dma_semaphore, #tpu.memory_space<semaphore_mem>>
      %dma_start3A_64 = arith.constant 0 : i32
      %dma_start3A_65 = tpu.memref_slice %arg10[%add3A_54, %dma_start3A_64] : memref<10240x128xf32, #tpu.memory_space<vmem_shared>> -> memref<80x128xf32, #tpu.memory_space<vmem_shared>>
      %dma_start3A_66 = arith.constant 0 : i32
      %dma_start3A_67 = tpu.memref_slice %arg10[%add3A_54, %dma_start3A_66] : memref<10240x128xf32, #tpu.memory_space<vmem_shared>> -> memref<80x128xf32, #tpu.memory_space<vmem_shared>>
      tpu.enqueue_dma source(%dma_start3A_67 : memref<80x128xf32, #tpu.memory_space<vmem_shared>>) target(%arg9 : memref<80x128xf32, #tpu.memory_space<vmem>>) target_semaphore(%run_scoped3A_63 : memref<!tpu.dma_semaphore, #tpu.memory_space<semaphore_mem>>)
      %dma_wait3A = arith.constant 0 : i32
      %dma_wait3A_68 = tpu.memref_slice %arg10[%add3A_54, %dma_wait3A] : memref<10240x128xf32, #tpu.memory_space<vmem_shared>> -> memref<80x128xf32, #tpu.memory_space<vmem_shared>>
      %dma_wait3A_69 = arith.constant 0 : i32
      %dma_wait3A_70 = tpu.memref_slice %arg10[%add3A_54, %dma_wait3A_69] : memref<10240x128xf32, #tpu.memory_space<vmem_shared>> -> memref<80x128xf32, #tpu.memory_space<vmem_shared>>
      tpu.wait_dma2 semaphore(%run_scoped3A_63 : memref<!tpu.dma_semaphore, #tpu.memory_space<semaphore_mem>>) src(%dma_wait3A_70 : memref<80x128xf32, #tpu.memory_space<vmem_shared>>) dst(%arg9 : memref<80x128xf32, #tpu.memory_space<vmem>>)
      tpu.yield
    }) : () -> ()
    "tpu.region"() ({
      %run_scoped3A_63 = tpu.sem_alloc : memref<!tpu.dma_semaphore, #tpu.memory_space<semaphore_mem>>
      %dma_start3A_64 = arith.constant 0 : i32
      %dma_start3A_65 = tpu.memref_slice %arg5[%arg0, %add3A_54, %dma_start3A_64] : memref<2x10240x128xf32, #tpu.memory_space<hbm>> -> memref<1x80x128xf32, #tpu.memory_space<hbm>>
      %dma_start3A_66 = tpu.memref_squeeze %dma_start3A_65 : memref<1x80x128xf32, #tpu.memory_space<hbm>> -> memref<80x128xf32, #tpu.memory_space<hbm>>
      %dma_start3A_67 = arith.constant 0 : i32
      %dma_start3A_68 = tpu.memref_slice %arg5[%arg0, %add3A_54, %dma_start3A_67] : memref<2x10240x128xf32, #tpu.memory_space<hbm>> -> memref<1x80x128xf32, #tpu.memory_space<hbm>>
      %dma_start3A_69 = tpu.memref_squeeze %dma_start3A_68 : memref<1x80x128xf32, #tpu.memory_space<hbm>> -> memref<80x128xf32, #tpu.memory_space<hbm>>
      tpu.enqueue_dma source(%arg9 : memref<80x128xf32, #tpu.memory_space<vmem>>) target(%dma_start3A_69 : memref<80x128xf32, #tpu.memory_space<hbm>>) target_semaphore(%run_scoped3A_63 : memref<!tpu.dma_semaphore, #tpu.memory_space<semaphore_mem>>)
      %dma_wait3A = arith.constant 0 : i32
      %dma_wait3A_70 = tpu.memref_slice %arg5[%arg0, %add3A_54, %dma_wait3A] : memref<2x10240x128xf32, #tpu.memory_space<hbm>> -> memref<1x80x128xf32, #tpu.memory_space<hbm>>
      %dma_wait3A_71 = tpu.memref_squeeze %dma_wait3A_70 : memref<1x80x128xf32, #tpu.memory_space<hbm>> -> memref<80x128xf32, #tpu.memory_space<hbm>>
      %dma_wait3A_72 = arith.constant 0 : i32
      %dma_wait3A_73 = tpu.memref_slice %arg5[%arg0, %add3A_54, %dma_wait3A_72] : memref<2x10240x128xf32, #tpu.memory_space<hbm>> -> memref<1x80x128xf32, #tpu.memory_space<hbm>>
      %dma_wait3A_74 = tpu.memref_squeeze %dma_wait3A_73 : memref<1x80x128xf32, #tpu.memory_space<hbm>> -> memref<80x128xf32, #tpu.memory_space<hbm>>
      tpu.wait_dma2 semaphore(%run_scoped3A_63 : memref<!tpu.dma_semaphore, #tpu.memory_space<semaphore_mem>>) src(%arg9 : memref<80x128xf32, #tpu.memory_space<vmem>>) dst(%dma_wait3A_74 : memref<80x128xf32, #tpu.memory_space<hbm>>)
      tpu.yield
    }) : () -> ()
    %add3A_55 = arith.constant 320 : i32
    %add3A_56 = arith.addi %mul3A_2, %add3A_55 : i32
    "tpu.region"() ({
      %run_scoped3A_63 = tpu.sem_alloc : memref<!tpu.dma_semaphore, #tpu.memory_space<semaphore_mem>>
      %dma_start3A_64 = arith.constant 0 : i32
      %dma_start3A_65 = tpu.memref_slice %arg10[%add3A_56, %dma_start3A_64] : memref<10240x128xf32, #tpu.memory_space<vmem_shared>> -> memref<80x128xf32, #tpu.memory_space<vmem_shared>>
      %dma_start3A_66 = arith.constant 0 : i32
      %dma_start3A_67 = tpu.memref_slice %arg10[%add3A_56, %dma_start3A_66] : memref<10240x128xf32, #tpu.memory_space<vmem_shared>> -> memref<80x128xf32, #tpu.memory_space<vmem_shared>>
      tpu.enqueue_dma source(%dma_start3A_67 : memref<80x128xf32, #tpu.memory_space<vmem_shared>>) target(%arg9 : memref<80x128xf32, #tpu.memory_space<vmem>>) target_semaphore(%run_scoped3A_63 : memref<!tpu.dma_semaphore, #tpu.memory_space<semaphore_mem>>)
      %dma_wait3A = arith.constant 0 : i32
      %dma_wait3A_68 = tpu.memref_slice %arg10[%add3A_56, %dma_wait3A] : memref<10240x128xf32, #tpu.memory_space<vmem_shared>> -> memref<80x128xf32, #tpu.memory_space<vmem_shared>>
      %dma_wait3A_69 = arith.constant 0 : i32
      %dma_wait3A_70 = tpu.memref_slice %arg10[%add3A_56, %dma_wait3A_69] : memref<10240x128xf32, #tpu.memory_space<vmem_shared>> -> memref<80x128xf32, #tpu.memory_space<vmem_shared>>
      tpu.wait_dma2 semaphore(%run_scoped3A_63 : memref<!tpu.dma_semaphore, #tpu.memory_space<semaphore_mem>>) src(%dma_wait3A_70 : memref<80x128xf32, #tpu.memory_space<vmem_shared>>) dst(%arg9 : memref<80x128xf32, #tpu.memory_space<vmem>>)
      tpu.yield
    }) : () -> ()
    "tpu.region"() ({
      %run_scoped3A_63 = tpu.sem_alloc : memref<!tpu.dma_semaphore, #tpu.memory_space<semaphore_mem>>
      %dma_start3A_64 = arith.constant 0 : i32
      %dma_start3A_65 = tpu.memref_slice %arg5[%arg0, %add3A_56, %dma_start3A_64] : memref<2x10240x128xf32, #tpu.memory_space<hbm>> -> memref<1x80x128xf32, #tpu.memory_space<hbm>>
      %dma_start3A_66 = tpu.memref_squeeze %dma_start3A_65 : memref<1x80x128xf32, #tpu.memory_space<hbm>> -> memref<80x128xf32, #tpu.memory_space<hbm>>
      %dma_start3A_67 = arith.constant 0 : i32
      %dma_start3A_68 = tpu.memref_slice %arg5[%arg0, %add3A_56, %dma_start3A_67] : memref<2x10240x128xf32, #tpu.memory_space<hbm>> -> memref<1x80x128xf32, #tpu.memory_space<hbm>>
      %dma_start3A_69 = tpu.memref_squeeze %dma_start3A_68 : memref<1x80x128xf32, #tpu.memory_space<hbm>> -> memref<80x128xf32, #tpu.memory_space<hbm>>
      tpu.enqueue_dma source(%arg9 : memref<80x128xf32, #tpu.memory_space<vmem>>) target(%dma_start3A_69 : memref<80x128xf32, #tpu.memory_space<hbm>>) target_semaphore(%run_scoped3A_63 : memref<!tpu.dma_semaphore, #tpu.memory_space<semaphore_mem>>)
      %dma_wait3A = arith.constant 0 : i32
      %dma_wait3A_70 = tpu.memref_slice %arg5[%arg0, %add3A_56, %dma_wait3A] : memref<2x10240x128xf32, #tpu.memory_space<hbm>> -> memref<1x80x128xf32, #tpu.memory_space<hbm>>
      %dma_wait3A_71 = tpu.memref_squeeze %dma_wait3A_70 : memref<1x80x128xf32, #tpu.memory_space<hbm>> -> memref<80x128xf32, #tpu.memory_space<hbm>>
      %dma_wait3A_72 = arith.constant 0 : i32
      %dma_wait3A_73 = tpu.memref_slice %arg5[%arg0, %add3A_56, %dma_wait3A_72] : memref<2x10240x128xf32, #tpu.memory_space<hbm>> -> memref<1x80x128xf32, #tpu.memory_space<hbm>>
      %dma_wait3A_74 = tpu.memref_squeeze %dma_wait3A_73 : memref<1x80x128xf32, #tpu.memory_space<hbm>> -> memref<80x128xf32, #tpu.memory_space<hbm>>
      tpu.wait_dma2 semaphore(%run_scoped3A_63 : memref<!tpu.dma_semaphore, #tpu.memory_space<semaphore_mem>>) src(%arg9 : memref<80x128xf32, #tpu.memory_space<vmem>>) dst(%dma_wait3A_74 : memref<80x128xf32, #tpu.memory_space<hbm>>)
      tpu.yield
    }) : () -> ()
    %add3A_57 = arith.constant 400 : i32
    %add3A_58 = arith.addi %mul3A_2, %add3A_57 : i32
    "tpu.region"() ({
      %run_scoped3A_63 = tpu.sem_alloc : memref<!tpu.dma_semaphore, #tpu.memory_space<semaphore_mem>>
      %dma_start3A_64 = arith.constant 0 : i32
      %dma_start3A_65 = tpu.memref_slice %arg10[%add3A_58, %dma_start3A_64] : memref<10240x128xf32, #tpu.memory_space<vmem_shared>> -> memref<80x128xf32, #tpu.memory_space<vmem_shared>>
      %dma_start3A_66 = arith.constant 0 : i32
      %dma_start3A_67 = tpu.memref_slice %arg10[%add3A_58, %dma_start3A_66] : memref<10240x128xf32, #tpu.memory_space<vmem_shared>> -> memref<80x128xf32, #tpu.memory_space<vmem_shared>>
      tpu.enqueue_dma source(%dma_start3A_67 : memref<80x128xf32, #tpu.memory_space<vmem_shared>>) target(%arg9 : memref<80x128xf32, #tpu.memory_space<vmem>>) target_semaphore(%run_scoped3A_63 : memref<!tpu.dma_semaphore, #tpu.memory_space<semaphore_mem>>)
      %dma_wait3A = arith.constant 0 : i32
      %dma_wait3A_68 = tpu.memref_slice %arg10[%add3A_58, %dma_wait3A] : memref<10240x128xf32, #tpu.memory_space<vmem_shared>> -> memref<80x128xf32, #tpu.memory_space<vmem_shared>>
      %dma_wait3A_69 = arith.constant 0 : i32
      %dma_wait3A_70 = tpu.memref_slice %arg10[%add3A_58, %dma_wait3A_69] : memref<10240x128xf32, #tpu.memory_space<vmem_shared>> -> memref<80x128xf32, #tpu.memory_space<vmem_shared>>
      tpu.wait_dma2 semaphore(%run_scoped3A_63 : memref<!tpu.dma_semaphore, #tpu.memory_space<semaphore_mem>>) src(%dma_wait3A_70 : memref<80x128xf32, #tpu.memory_space<vmem_shared>>) dst(%arg9 : memref<80x128xf32, #tpu.memory_space<vmem>>)
      tpu.yield
    }) : () -> ()
    "tpu.region"() ({
      %run_scoped3A_63 = tpu.sem_alloc : memref<!tpu.dma_semaphore, #tpu.memory_space<semaphore_mem>>
      %dma_start3A_64 = arith.constant 0 : i32
      %dma_start3A_65 = tpu.memref_slice %arg5[%arg0, %add3A_58, %dma_start3A_64] : memref<2x10240x128xf32, #tpu.memory_space<hbm>> -> memref<1x80x128xf32, #tpu.memory_space<hbm>>
      %dma_start3A_66 = tpu.memref_squeeze %dma_start3A_65 : memref<1x80x128xf32, #tpu.memory_space<hbm>> -> memref<80x128xf32, #tpu.memory_space<hbm>>
      %dma_start3A_67 = arith.constant 0 : i32
      %dma_start3A_68 = tpu.memref_slice %arg5[%arg0, %add3A_58, %dma_start3A_67] : memref<2x10240x128xf32, #tpu.memory_space<hbm>> -> memref<1x80x128xf32, #tpu.memory_space<hbm>>
      %dma_start3A_69 = tpu.memref_squeeze %dma_start3A_68 : memref<1x80x128xf32, #tpu.memory_space<hbm>> -> memref<80x128xf32, #tpu.memory_space<hbm>>
      tpu.enqueue_dma source(%arg9 : memref<80x128xf32, #tpu.memory_space<vmem>>) target(%dma_start3A_69 : memref<80x128xf32, #tpu.memory_space<hbm>>) target_semaphore(%run_scoped3A_63 : memref<!tpu.dma_semaphore, #tpu.memory_space<semaphore_mem>>)
      %dma_wait3A = arith.constant 0 : i32
      %dma_wait3A_70 = tpu.memref_slice %arg5[%arg0, %add3A_58, %dma_wait3A] : memref<2x10240x128xf32, #tpu.memory_space<hbm>> -> memref<1x80x128xf32, #tpu.memory_space<hbm>>
      %dma_wait3A_71 = tpu.memref_squeeze %dma_wait3A_70 : memref<1x80x128xf32, #tpu.memory_space<hbm>> -> memref<80x128xf32, #tpu.memory_space<hbm>>
      %dma_wait3A_72 = arith.constant 0 : i32
      %dma_wait3A_73 = tpu.memref_slice %arg5[%arg0, %add3A_58, %dma_wait3A_72] : memref<2x10240x128xf32, #tpu.memory_space<hbm>> -> memref<1x80x128xf32, #tpu.memory_space<hbm>>
      %dma_wait3A_74 = tpu.memref_squeeze %dma_wait3A_73 : memref<1x80x128xf32, #tpu.memory_space<hbm>> -> memref<80x128xf32, #tpu.memory_space<hbm>>
      tpu.wait_dma2 semaphore(%run_scoped3A_63 : memref<!tpu.dma_semaphore, #tpu.memory_space<semaphore_mem>>) src(%arg9 : memref<80x128xf32, #tpu.memory_space<vmem>>) dst(%dma_wait3A_74 : memref<80x128xf32, #tpu.memory_space<hbm>>)
      tpu.yield
    }) : () -> ()
    %add3A_59 = arith.constant 480 : i32
    %add3A_60 = arith.addi %mul3A_2, %add3A_59 : i32
    "tpu.region"() ({
      %run_scoped3A_63 = tpu.sem_alloc : memref<!tpu.dma_semaphore, #tpu.memory_space<semaphore_mem>>
      %dma_start3A_64 = arith.constant 0 : i32
      %dma_start3A_65 = tpu.memref_slice %arg10[%add3A_60, %dma_start3A_64] : memref<10240x128xf32, #tpu.memory_space<vmem_shared>> -> memref<80x128xf32, #tpu.memory_space<vmem_shared>>
      %dma_start3A_66 = arith.constant 0 : i32
      %dma_start3A_67 = tpu.memref_slice %arg10[%add3A_60, %dma_start3A_66] : memref<10240x128xf32, #tpu.memory_space<vmem_shared>> -> memref<80x128xf32, #tpu.memory_space<vmem_shared>>
      tpu.enqueue_dma source(%dma_start3A_67 : memref<80x128xf32, #tpu.memory_space<vmem_shared>>) target(%arg9 : memref<80x128xf32, #tpu.memory_space<vmem>>) target_semaphore(%run_scoped3A_63 : memref<!tpu.dma_semaphore, #tpu.memory_space<semaphore_mem>>)
      %dma_wait3A = arith.constant 0 : i32
      %dma_wait3A_68 = tpu.memref_slice %arg10[%add3A_60, %dma_wait3A] : memref<10240x128xf32, #tpu.memory_space<vmem_shared>> -> memref<80x128xf32, #tpu.memory_space<vmem_shared>>
      %dma_wait3A_69 = arith.constant 0 : i32
      %dma_wait3A_70 = tpu.memref_slice %arg10[%add3A_60, %dma_wait3A_69] : memref<10240x128xf32, #tpu.memory_space<vmem_shared>> -> memref<80x128xf32, #tpu.memory_space<vmem_shared>>
      tpu.wait_dma2 semaphore(%run_scoped3A_63 : memref<!tpu.dma_semaphore, #tpu.memory_space<semaphore_mem>>) src(%dma_wait3A_70 : memref<80x128xf32, #tpu.memory_space<vmem_shared>>) dst(%arg9 : memref<80x128xf32, #tpu.memory_space<vmem>>)
      tpu.yield
    }) : () -> ()
    "tpu.region"() ({
      %run_scoped3A_63 = tpu.sem_alloc : memref<!tpu.dma_semaphore, #tpu.memory_space<semaphore_mem>>
      %dma_start3A_64 = arith.constant 0 : i32
      %dma_start3A_65 = tpu.memref_slice %arg5[%arg0, %add3A_60, %dma_start3A_64] : memref<2x10240x128xf32, #tpu.memory_space<hbm>> -> memref<1x80x128xf32, #tpu.memory_space<hbm>>
      %dma_start3A_66 = tpu.memref_squeeze %dma_start3A_65 : memref<1x80x128xf32, #tpu.memory_space<hbm>> -> memref<80x128xf32, #tpu.memory_space<hbm>>
      %dma_start3A_67 = arith.constant 0 : i32
      %dma_start3A_68 = tpu.memref_slice %arg5[%arg0, %add3A_60, %dma_start3A_67] : memref<2x10240x128xf32, #tpu.memory_space<hbm>> -> memref<1x80x128xf32, #tpu.memory_space<hbm>>
      %dma_start3A_69 = tpu.memref_squeeze %dma_start3A_68 : memref<1x80x128xf32, #tpu.memory_space<hbm>> -> memref<80x128xf32, #tpu.memory_space<hbm>>
      tpu.enqueue_dma source(%arg9 : memref<80x128xf32, #tpu.memory_space<vmem>>) target(%dma_start3A_69 : memref<80x128xf32, #tpu.memory_space<hbm>>) target_semaphore(%run_scoped3A_63 : memref<!tpu.dma_semaphore, #tpu.memory_space<semaphore_mem>>)
      %dma_wait3A = arith.constant 0 : i32
      %dma_wait3A_70 = tpu.memref_slice %arg5[%arg0, %add3A_60, %dma_wait3A] : memref<2x10240x128xf32, #tpu.memory_space<hbm>> -> memref<1x80x128xf32, #tpu.memory_space<hbm>>
      %dma_wait3A_71 = tpu.memref_squeeze %dma_wait3A_70 : memref<1x80x128xf32, #tpu.memory_space<hbm>> -> memref<80x128xf32, #tpu.memory_space<hbm>>
      %dma_wait3A_72 = arith.constant 0 : i32
      %dma_wait3A_73 = tpu.memref_slice %arg5[%arg0, %add3A_60, %dma_wait3A_72] : memref<2x10240x128xf32, #tpu.memory_space<hbm>> -> memref<1x80x128xf32, #tpu.memory_space<hbm>>
      %dma_wait3A_74 = tpu.memref_squeeze %dma_wait3A_73 : memref<1x80x128xf32, #tpu.memory_space<hbm>> -> memref<80x128xf32, #tpu.memory_space<hbm>>
      tpu.wait_dma2 semaphore(%run_scoped3A_63 : memref<!tpu.dma_semaphore, #tpu.memory_space<semaphore_mem>>) src(%arg9 : memref<80x128xf32, #tpu.memory_space<vmem>>) dst(%dma_wait3A_74 : memref<80x128xf32, #tpu.memory_space<hbm>>)
      tpu.yield
    }) : () -> ()
    %add3A_61 = arith.constant 560 : i32
    %add3A_62 = arith.addi %mul3A_2, %add3A_61 : i32
    "tpu.region"() ({
      %run_scoped3A_63 = tpu.sem_alloc : memref<!tpu.dma_semaphore, #tpu.memory_space<semaphore_mem>>
      %dma_start3A_64 = arith.constant 0 : i32
      %dma_start3A_65 = tpu.memref_slice %arg10[%add3A_62, %dma_start3A_64] : memref<10240x128xf32, #tpu.memory_space<vmem_shared>> -> memref<80x128xf32, #tpu.memory_space<vmem_shared>>
      %dma_start3A_66 = arith.constant 0 : i32
      %dma_start3A_67 = tpu.memref_slice %arg10[%add3A_62, %dma_start3A_66] : memref<10240x128xf32, #tpu.memory_space<vmem_shared>> -> memref<80x128xf32, #tpu.memory_space<vmem_shared>>
      tpu.enqueue_dma source(%dma_start3A_67 : memref<80x128xf32, #tpu.memory_space<vmem_shared>>) target(%arg9 : memref<80x128xf32, #tpu.memory_space<vmem>>) target_semaphore(%run_scoped3A_63 : memref<!tpu.dma_semaphore, #tpu.memory_space<semaphore_mem>>)
      %dma_wait3A = arith.constant 0 : i32
      %dma_wait3A_68 = tpu.memref_slice %arg10[%add3A_62, %dma_wait3A] : memref<10240x128xf32, #tpu.memory_space<vmem_shared>> -> memref<80x128xf32, #tpu.memory_space<vmem_shared>>
      %dma_wait3A_69 = arith.constant 0 : i32
      %dma_wait3A_70 = tpu.memref_slice %arg10[%add3A_62, %dma_wait3A_69] : memref<10240x128xf32, #tpu.memory_space<vmem_shared>> -> memref<80x128xf32, #tpu.memory_space<vmem_shared>>
      tpu.wait_dma2 semaphore(%run_scoped3A_63 : memref<!tpu.dma_semaphore, #tpu.memory_space<semaphore_mem>>) src(%dma_wait3A_70 : memref<80x128xf32, #tpu.memory_space<vmem_shared>>) dst(%arg9 : memref<80x128xf32, #tpu.memory_space<vmem>>)
      tpu.yield
    }) : () -> ()
    "tpu.region"() ({
      %run_scoped3A_63 = tpu.sem_alloc : memref<!tpu.dma_semaphore, #tpu.memory_space<semaphore_mem>>
      %dma_start3A_64 = arith.constant 0 : i32
      %dma_start3A_65 = tpu.memref_slice %arg5[%arg0, %add3A_62, %dma_start3A_64] : memref<2x10240x128xf32, #tpu.memory_space<hbm>> -> memref<1x80x128xf32, #tpu.memory_space<hbm>>
      %dma_start3A_66 = tpu.memref_squeeze %dma_start3A_65 : memref<1x80x128xf32, #tpu.memory_space<hbm>> -> memref<80x128xf32, #tpu.memory_space<hbm>>
      %dma_start3A_67 = arith.constant 0 : i32
      %dma_start3A_68 = tpu.memref_slice %arg5[%arg0, %add3A_62, %dma_start3A_67] : memref<2x10240x128xf32, #tpu.memory_space<hbm>> -> memref<1x80x128xf32, #tpu.memory_space<hbm>>
      %dma_start3A_69 = tpu.memref_squeeze %dma_start3A_68 : memref<1x80x128xf32, #tpu.memory_space<hbm>> -> memref<80x128xf32, #tpu.memory_space<hbm>>
      tpu.enqueue_dma source(%arg9 : memref<80x128xf32, #tpu.memory_space<vmem>>) target(%dma_start3A_69 : memref<80x128xf32, #tpu.memory_space<hbm>>) target_semaphore(%run_scoped3A_63 : memref<!tpu.dma_semaphore, #tpu.memory_space<semaphore_mem>>)
      %dma_wait3A = arith.constant 0 : i32
      %dma_wait3A_70 = tpu.memref_slice %arg5[%arg0, %add3A_62, %dma_wait3A] : memref<2x10240x128xf32, #tpu.memory_space<hbm>> -> memref<1x80x128xf32, #tpu.memory_space<hbm>>
      %dma_wait3A_71 = tpu.memref_squeeze %dma_wait3A_70 : memref<1x80x128xf32, #tpu.memory_space<hbm>> -> memref<80x128xf32, #tpu.memory_space<hbm>>
      %dma_wait3A_72 = arith.constant 0 : i32
      %dma_wait3A_73 = tpu.memref_slice %arg5[%arg0, %add3A_62, %dma_wait3A_72] : memref<2x10240x128xf32, #tpu.memory_space<hbm>> -> memref<1x80x128xf32, #tpu.memory_space<hbm>>
      %dma_wait3A_74 = tpu.memref_squeeze %dma_wait3A_73 : memref<1x80x128xf32, #tpu.memory_space<hbm>> -> memref<80x128xf32, #tpu.memory_space<hbm>>
      tpu.wait_dma2 semaphore(%run_scoped3A_63 : memref<!tpu.dma_semaphore, #tpu.memory_space<semaphore_mem>>) src(%arg9 : memref<80x128xf32, #tpu.memory_space<vmem>>) dst(%dma_wait3A_74 : memref<80x128xf32, #tpu.memory_space<hbm>>)
      tpu.yield
    }) : () -> ()
    return
  }
}

#map = affine_map<(d0, d1) -> (0, 0)>
#map1 = affine_map<(d0, d1) -> (0)>
#map2 = affine_map<(d0, d1) -> (0, 0, 0)>
module attributes {stable_mosaic.version = 14 : i64} {
  func.func @decode(%arg0: i32, %arg1: i32, %arg2: memref<10240x128xf32, #tpu.memory_space<hbm>>, %arg3: memref<10240x128xf32, #tpu.memory_space<hbm>>, %arg4: memref<100000xi32, #tpu.memory_space<hbm>>, %arg5: memref<100000xi32, #tpu.memory_space<hbm>>, %arg6: memref<128xf32, #tpu.memory_space<hbm>>, %arg7: memref<1250x10x128xf32, #tpu.memory_space<hbm>>, %arg8: memref<80xi32, #tpu.memory_space<vmem>>, %arg9: memref<80xi32, #tpu.memory_space<vmem>>, %arg10: memref<80x128xf32, #tpu.memory_space<vmem>>, %arg11: memref<80x128xf32, #tpu.memory_space<vmem>>, %arg12: memref<128xf32, #tpu.memory_space<vmem>>, %arg13: memref<10x128xf32, #tpu.memory_space<vmem>>, %arg14: memref<!tpu.dma_semaphore, #tpu.memory_space<semaphore_mem>>, %arg15: memref<!tpu.dma_semaphore, #tpu.memory_space<semaphore_mem>>) attributes {dimension_semantics = [#tpu.dimension_semantics<core_parallel>, #tpu.dimension_semantics<subcore_parallel>], iteration_bounds = array<i64: 2, 16>, scalar_prefetch = 0 : i64, scratch_operands = 8 : i64, tpu.core_type = #tpu.core_type<sc_vector_subcore>, window_params = [{transform_indices = #map}, {transform_indices = #map}, {transform_indices = #map1}, {transform_indices = #map1}, {transform_indices = #map1}, {transform_indices = #map2}]} {
    %mul3A = arith.constant 2 : i32
    %mul3A_0 = arith.muli %arg1, %mul3A : i32
    %add3A = arith.addi %mul3A_0, %arg0 : i32
    "tpu.region"() ({
      %run_scoped3A = tpu.sem_alloc : memref<!tpu.dma_semaphore, #tpu.memory_space<semaphore_mem>>
      tpu.enqueue_dma source(%arg6 : memref<128xf32, #tpu.memory_space<hbm>>) target(%arg12 : memref<128xf32, #tpu.memory_space<vmem>>) target_semaphore(%run_scoped3A : memref<!tpu.dma_semaphore, #tpu.memory_space<semaphore_mem>>)
      tpu.wait_dma2 semaphore(%run_scoped3A : memref<!tpu.dma_semaphore, #tpu.memory_space<semaphore_mem>>) src(%arg6 : memref<128xf32, #tpu.memory_space<hbm>>) dst(%arg12 : memref<128xf32, #tpu.memory_space<vmem>>)
      tpu.yield
    }) : () -> ()
    %scan3A = arith.constant 0 : i32
    %scan3A_1 = arith.constant 0 : i32
    %scan3A_2 = arith.constant 40 : i32
    %scan3A_3 = arith.addi %scan3A_1, %scan3A_2 : i32
    %scan3A_4 = arith.constant 1 : i32
    scf.for %scan3A_6 = %scan3A_1 to %scan3A_3 step %scan3A_4  : i32 {
      %mul3A_7 = arith.constant 32 : i32
      %mul3A_8 = arith.muli %scan3A_6, %mul3A_7 : i32
      %add3A_9 = arith.addi %add3A, %mul3A_8 : i32
      %lt3A = arith.constant 1250 : i32
      %lt3A_10 = arith.cmpi slt, %add3A_9, %lt3A : i32
      %convert_element_type3A = arith.extui %lt3A_10 : i1 to i32
      %cond3A = arith.constant 0 : i32
      %cond3A_11 = arith.cmpi ne, %convert_element_type3A, %cond3A : i32
      scf.if %cond3A_11 {
        %mul3A_12 = arith.constant 80 : i32
        %mul3A_13 = arith.muli %add3A_9, %mul3A_12 : i32
        "tpu.region"() ({
          %run_scoped3A = tpu.sem_alloc : memref<!tpu.dma_semaphore, #tpu.memory_space<semaphore_mem>>
          %dma_start3A_30 = tpu.memref_slice %arg4[%mul3A_13] : memref<100000xi32, #tpu.memory_space<hbm>> -> memref<80xi32, #tpu.memory_space<hbm>>
          %dma_start3A_31 = tpu.memref_slice %arg4[%mul3A_13] : memref<100000xi32, #tpu.memory_space<hbm>> -> memref<80xi32, #tpu.memory_space<hbm>>
          tpu.enqueue_dma source(%dma_start3A_31 : memref<80xi32, #tpu.memory_space<hbm>>) target(%arg8 : memref<80xi32, #tpu.memory_space<vmem>>) target_semaphore(%run_scoped3A : memref<!tpu.dma_semaphore, #tpu.memory_space<semaphore_mem>>)
          %dma_wait3A_32 = tpu.memref_slice %arg4[%mul3A_13] : memref<100000xi32, #tpu.memory_space<hbm>> -> memref<80xi32, #tpu.memory_space<hbm>>
          %dma_wait3A_33 = tpu.memref_slice %arg4[%mul3A_13] : memref<100000xi32, #tpu.memory_space<hbm>> -> memref<80xi32, #tpu.memory_space<hbm>>
          tpu.wait_dma2 semaphore(%run_scoped3A : memref<!tpu.dma_semaphore, #tpu.memory_space<semaphore_mem>>) src(%dma_wait3A_33 : memref<80xi32, #tpu.memory_space<hbm>>) dst(%arg8 : memref<80xi32, #tpu.memory_space<vmem>>)
          tpu.yield
        }) : () -> ()
        "tpu.region"() ({
          %run_scoped3A = tpu.sem_alloc : memref<!tpu.dma_semaphore, #tpu.memory_space<semaphore_mem>>
          %dma_start3A_30 = tpu.memref_slice %arg5[%mul3A_13] : memref<100000xi32, #tpu.memory_space<hbm>> -> memref<80xi32, #tpu.memory_space<hbm>>
          %dma_start3A_31 = tpu.memref_slice %arg5[%mul3A_13] : memref<100000xi32, #tpu.memory_space<hbm>> -> memref<80xi32, #tpu.memory_space<hbm>>
          tpu.enqueue_dma source(%dma_start3A_31 : memref<80xi32, #tpu.memory_space<hbm>>) target(%arg9 : memref<80xi32, #tpu.memory_space<vmem>>) target_semaphore(%run_scoped3A : memref<!tpu.dma_semaphore, #tpu.memory_space<semaphore_mem>>)
          %dma_wait3A_32 = tpu.memref_slice %arg5[%mul3A_13] : memref<100000xi32, #tpu.memory_space<hbm>> -> memref<80xi32, #tpu.memory_space<hbm>>
          %dma_wait3A_33 = tpu.memref_slice %arg5[%mul3A_13] : memref<100000xi32, #tpu.memory_space<hbm>> -> memref<80xi32, #tpu.memory_space<hbm>>
          tpu.wait_dma2 semaphore(%run_scoped3A : memref<!tpu.dma_semaphore, #tpu.memory_space<semaphore_mem>>) src(%dma_wait3A_33 : memref<80xi32, #tpu.memory_space<hbm>>) dst(%arg9 : memref<80xi32, #tpu.memory_space<vmem>>)
          tpu.yield
        }) : () -> ()
        %dma_start3A = arith.constant 0 : i32
        %dma_start3A_14 = arith.constant 0 : i32
        %dma_start3A_15 = tpu.memref_slice %arg2[%dma_start3A, %dma_start3A_14] : memref<10240x128xf32, #tpu.memory_space<hbm>> -> memref<10240x128xf32, #tpu.memory_space<hbm>>
        tpu.enqueue_indirect_dma source(%dma_start3A_15 : memref<10240x128xf32, #tpu.memory_space<hbm>>) target(%arg10 : memref<80x128xf32, #tpu.memory_space<vmem>>) offsets(%arg8 : memref<80xi32, #tpu.memory_space<vmem>>) semaphore(%arg14 : memref<!tpu.dma_semaphore, #tpu.memory_space<semaphore_mem>>)
        %dma_start3A_16 = arith.constant 0 : i32
        %dma_start3A_17 = arith.constant 0 : i32
        %dma_start3A_18 = tpu.memref_slice %arg3[%dma_start3A_16, %dma_start3A_17] : memref<10240x128xf32, #tpu.memory_space<hbm>> -> memref<10240x128xf32, #tpu.memory_space<hbm>>
        tpu.enqueue_indirect_dma source(%dma_start3A_18 : memref<10240x128xf32, #tpu.memory_space<hbm>>) target(%arg11 : memref<80x128xf32, #tpu.memory_space<vmem>>) offsets(%arg9 : memref<80xi32, #tpu.memory_space<vmem>>) semaphore(%arg15 : memref<!tpu.dma_semaphore, #tpu.memory_space<semaphore_mem>>)
        %dma_wait3A = arith.constant 0 : i32
        %dma_wait3A_19 = arith.constant 0 : i32
        %dma_wait3A_20 = tpu.memref_slice %arg2[%dma_wait3A, %dma_wait3A_19] : memref<10240x128xf32, #tpu.memory_space<hbm>> -> memref<10240x128xf32, #tpu.memory_space<hbm>>
        tpu.wait_indirect_dma semaphore(%arg14 : memref<!tpu.dma_semaphore, #tpu.memory_space<semaphore_mem>>) src(%dma_wait3A_20 : memref<10240x128xf32, #tpu.memory_space<hbm>>) dst(%arg10 : memref<80x128xf32, #tpu.memory_space<vmem>>)
        %dma_wait3A_21 = arith.constant 0 : i32
        %dma_wait3A_22 = arith.constant 0 : i32
        %dma_wait3A_23 = tpu.memref_slice %arg3[%dma_wait3A_21, %dma_wait3A_22] : memref<10240x128xf32, #tpu.memory_space<hbm>> -> memref<10240x128xf32, #tpu.memory_space<hbm>>
        tpu.wait_indirect_dma semaphore(%arg15 : memref<!tpu.dma_semaphore, #tpu.memory_space<semaphore_mem>>) src(%dma_wait3A_23 : memref<10240x128xf32, #tpu.memory_space<hbm>>) dst(%arg11 : memref<80x128xf32, #tpu.memory_space<vmem>>)
        %scan3A_24 = arith.constant 0 : i32
        %scan3A_25 = arith.constant 0 : i32
        %scan3A_26 = arith.constant 80 : i32
        %scan3A_27 = arith.addi %scan3A_25, %scan3A_26 : i32
        %scan3A_28 = arith.constant 1 : i32
        scf.for %scan3A_30 = %scan3A_25 to %scan3A_27 step %scan3A_28  : i32 {
          %broadcast_in_dim3A = arith.constant 0.000000e+00 : f32
          %broadcast_in_dim3A_31 = vector.broadcast %broadcast_in_dim3A : f32 to vector<16xf32>
          %get3A = arith.index_cast %scan3A_30 : i32 to index
          %get3A_32 = arith.constant 0 : index
          %get3A_33 = tpu.vector_load %arg10[%get3A, %get3A_32] {strides = array<i32>} : memref<80x128xf32, #tpu.memory_space<vmem>>, vector<1x16xf32>,
          %get3A_34 = vector.shape_cast %get3A_33 : vector<1x16xf32> to vector<16xf32>
          %get3A_35 = arith.index_cast %scan3A_30 : i32 to index
          %get3A_36 = arith.constant 0 : index
          %get3A_37 = tpu.vector_load %arg11[%get3A_35, %get3A_36] {strides = array<i32>} : memref<80x128xf32, #tpu.memory_space<vmem>>, vector<1x16xf32>,
          %get3A_38 = vector.shape_cast %get3A_37 : vector<1x16xf32> to vector<16xf32>
          %add3A_39 = arith.addf %get3A_34, %get3A_38 : vector<16xf32>
          %max3A = arith.constant 0.000000e+00 : f32
          %max3A_40 = vector.broadcast %max3A : f32 to vector<16xf32>
          %max3A_41 = arith.maximumf %add3A_39, %max3A_40 : vector<16xf32>
          %get3A_42 = arith.constant 0 : index
          %get3A_43 = tpu.vector_load %arg12[%get3A_42] {strides = array<i32>} : memref<128xf32, #tpu.memory_space<vmem>>, vector<16xf32>,
          %get3A_44 = vector.shape_cast %get3A_43 : vector<16xf32> to vector<16xf32>
          %mul3A_45 = arith.mulf %max3A_41, %get3A_44 : vector<16xf32>
          %add3A_46 = arith.addf %broadcast_in_dim3A_31, %mul3A_45 : vector<16xf32>
          %get3A_47 = arith.index_cast %scan3A_30 : i32 to index
          %get3A_48 = arith.constant 16 : index
          %get3A_49 = tpu.vector_load %arg10[%get3A_47, %get3A_48] {strides = array<i32>} : memref<80x128xf32, #tpu.memory_space<vmem>>, vector<1x16xf32>,
          %get3A_50 = vector.shape_cast %get3A_49 : vector<1x16xf32> to vector<16xf32>
          %get3A_51 = arith.index_cast %scan3A_30 : i32 to index
          %get3A_52 = arith.constant 16 : index
          %get3A_53 = tpu.vector_load %arg11[%get3A_51, %get3A_52] {strides = array<i32>} : memref<80x128xf32, #tpu.memory_space<vmem>>, vector<1x16xf32>,
          %get3A_54 = vector.shape_cast %get3A_53 : vector<1x16xf32> to vector<16xf32>
          %add3A_55 = arith.addf %get3A_50, %get3A_54 : vector<16xf32>
          %max3A_56 = arith.constant 0.000000e+00 : f32
          %max3A_57 = vector.broadcast %max3A_56 : f32 to vector<16xf32>
          %max3A_58 = arith.maximumf %add3A_55, %max3A_57 : vector<16xf32>
          %get3A_59 = arith.constant 16 : index
          %get3A_60 = tpu.vector_load %arg12[%get3A_59] {strides = array<i32>} : memref<128xf32, #tpu.memory_space<vmem>>, vector<16xf32>,
          %get3A_61 = vector.shape_cast %get3A_60 : vector<16xf32> to vector<16xf32>
          %mul3A_62 = arith.mulf %max3A_58, %get3A_61 : vector<16xf32>
          %add3A_63 = arith.addf %add3A_46, %mul3A_62 : vector<16xf32>
          %get3A_64 = arith.index_cast %scan3A_30 : i32 to index
          %get3A_65 = arith.constant 32 : index
          %get3A_66 = tpu.vector_load %arg10[%get3A_64, %get3A_65] {strides = array<i32>} : memref<80x128xf32, #tpu.memory_space<vmem>>, vector<1x16xf32>,
          %get3A_67 = vector.shape_cast %get3A_66 : vector<1x16xf32> to vector<16xf32>
          %get3A_68 = arith.index_cast %scan3A_30 : i32 to index
          %get3A_69 = arith.constant 32 : index
          %get3A_70 = tpu.vector_load %arg11[%get3A_68, %get3A_69] {strides = array<i32>} : memref<80x128xf32, #tpu.memory_space<vmem>>, vector<1x16xf32>,
          %get3A_71 = vector.shape_cast %get3A_70 : vector<1x16xf32> to vector<16xf32>
          %add3A_72 = arith.addf %get3A_67, %get3A_71 : vector<16xf32>
          %max3A_73 = arith.constant 0.000000e+00 : f32
          %max3A_74 = vector.broadcast %max3A_73 : f32 to vector<16xf32>
          %max3A_75 = arith.maximumf %add3A_72, %max3A_74 : vector<16xf32>
          %get3A_76 = arith.constant 32 : index
          %get3A_77 = tpu.vector_load %arg12[%get3A_76] {strides = array<i32>} : memref<128xf32, #tpu.memory_space<vmem>>, vector<16xf32>,
          %get3A_78 = vector.shape_cast %get3A_77 : vector<16xf32> to vector<16xf32>
          %mul3A_79 = arith.mulf %max3A_75, %get3A_78 : vector<16xf32>
          %add3A_80 = arith.addf %add3A_63, %mul3A_79 : vector<16xf32>
          %get3A_81 = arith.index_cast %scan3A_30 : i32 to index
          %get3A_82 = arith.constant 48 : index
          %get3A_83 = tpu.vector_load %arg10[%get3A_81, %get3A_82] {strides = array<i32>} : memref<80x128xf32, #tpu.memory_space<vmem>>, vector<1x16xf32>,
          %get3A_84 = vector.shape_cast %get3A_83 : vector<1x16xf32> to vector<16xf32>
          %get3A_85 = arith.index_cast %scan3A_30 : i32 to index
          %get3A_86 = arith.constant 48 : index
          %get3A_87 = tpu.vector_load %arg11[%get3A_85, %get3A_86] {strides = array<i32>} : memref<80x128xf32, #tpu.memory_space<vmem>>, vector<1x16xf32>,
          %get3A_88 = vector.shape_cast %get3A_87 : vector<1x16xf32> to vector<16xf32>
          %add3A_89 = arith.addf %get3A_84, %get3A_88 : vector<16xf32>
          %max3A_90 = arith.constant 0.000000e+00 : f32
          %max3A_91 = vector.broadcast %max3A_90 : f32 to vector<16xf32>
          %max3A_92 = arith.maximumf %add3A_89, %max3A_91 : vector<16xf32>
          %get3A_93 = arith.constant 48 : index
          %get3A_94 = tpu.vector_load %arg12[%get3A_93] {strides = array<i32>} : memref<128xf32, #tpu.memory_space<vmem>>, vector<16xf32>,
          %get3A_95 = vector.shape_cast %get3A_94 : vector<16xf32> to vector<16xf32>
          %mul3A_96 = arith.mulf %max3A_92, %get3A_95 : vector<16xf32>
          %add3A_97 = arith.addf %add3A_80, %mul3A_96 : vector<16xf32>
          %get3A_98 = arith.index_cast %scan3A_30 : i32 to index
          %get3A_99 = arith.constant 64 : index
          %get3A_100 = tpu.vector_load %arg10[%get3A_98, %get3A_99] {strides = array<i32>} : memref<80x128xf32, #tpu.memory_space<vmem>>, vector<1x16xf32>,
          %get3A_101 = vector.shape_cast %get3A_100 : vector<1x16xf32> to vector<16xf32>
          %get3A_102 = arith.index_cast %scan3A_30 : i32 to index
          %get3A_103 = arith.constant 64 : index
          %get3A_104 = tpu.vector_load %arg11[%get3A_102, %get3A_103] {strides = array<i32>} : memref<80x128xf32, #tpu.memory_space<vmem>>, vector<1x16xf32>,
          %get3A_105 = vector.shape_cast %get3A_104 : vector<1x16xf32> to vector<16xf32>
          %add3A_106 = arith.addf %get3A_101, %get3A_105 : vector<16xf32>
          %max3A_107 = arith.constant 0.000000e+00 : f32
          %max3A_108 = vector.broadcast %max3A_107 : f32 to vector<16xf32>
          %max3A_109 = arith.maximumf %add3A_106, %max3A_108 : vector<16xf32>
          %get3A_110 = arith.constant 64 : index
          %get3A_111 = tpu.vector_load %arg12[%get3A_110] {strides = array<i32>} : memref<128xf32, #tpu.memory_space<vmem>>, vector<16xf32>,
          %get3A_112 = vector.shape_cast %get3A_111 : vector<16xf32> to vector<16xf32>
          %mul3A_113 = arith.mulf %max3A_109, %get3A_112 : vector<16xf32>
          %add3A_114 = arith.addf %add3A_97, %mul3A_113 : vector<16xf32>
          %get3A_115 = arith.index_cast %scan3A_30 : i32 to index
          %get3A_116 = arith.constant 80 : index
          %get3A_117 = tpu.vector_load %arg10[%get3A_115, %get3A_116] {strides = array<i32>} : memref<80x128xf32, #tpu.memory_space<vmem>>, vector<1x16xf32>,
          %get3A_118 = vector.shape_cast %get3A_117 : vector<1x16xf32> to vector<16xf32>
          %get3A_119 = arith.index_cast %scan3A_30 : i32 to index
          %get3A_120 = arith.constant 80 : index
          %get3A_121 = tpu.vector_load %arg11[%get3A_119, %get3A_120] {strides = array<i32>} : memref<80x128xf32, #tpu.memory_space<vmem>>, vector<1x16xf32>,
          %get3A_122 = vector.shape_cast %get3A_121 : vector<1x16xf32> to vector<16xf32>
          %add3A_123 = arith.addf %get3A_118, %get3A_122 : vector<16xf32>
          %max3A_124 = arith.constant 0.000000e+00 : f32
          %max3A_125 = vector.broadcast %max3A_124 : f32 to vector<16xf32>
          %max3A_126 = arith.maximumf %add3A_123, %max3A_125 : vector<16xf32>
          %get3A_127 = arith.constant 80 : index
          %get3A_128 = tpu.vector_load %arg12[%get3A_127] {strides = array<i32>} : memref<128xf32, #tpu.memory_space<vmem>>, vector<16xf32>,
          %get3A_129 = vector.shape_cast %get3A_128 : vector<16xf32> to vector<16xf32>
          %mul3A_130 = arith.mulf %max3A_126, %get3A_129 : vector<16xf32>
          %add3A_131 = arith.addf %add3A_114, %mul3A_130 : vector<16xf32>
          %get3A_132 = arith.index_cast %scan3A_30 : i32 to index
          %get3A_133 = arith.constant 96 : index
          %get3A_134 = tpu.vector_load %arg10[%get3A_132, %get3A_133] {strides = array<i32>} : memref<80x128xf32, #tpu.memory_space<vmem>>, vector<1x16xf32>,
          %get3A_135 = vector.shape_cast %get3A_134 : vector<1x16xf32> to vector<16xf32>
          %get3A_136 = arith.index_cast %scan3A_30 : i32 to index
          %get3A_137 = arith.constant 96 : index
          %get3A_138 = tpu.vector_load %arg11[%get3A_136, %get3A_137] {strides = array<i32>} : memref<80x128xf32, #tpu.memory_space<vmem>>, vector<1x16xf32>,
          %get3A_139 = vector.shape_cast %get3A_138 : vector<1x16xf32> to vector<16xf32>
          %add3A_140 = arith.addf %get3A_135, %get3A_139 : vector<16xf32>
          %max3A_141 = arith.constant 0.000000e+00 : f32
          %max3A_142 = vector.broadcast %max3A_141 : f32 to vector<16xf32>
          %max3A_143 = arith.maximumf %add3A_140, %max3A_142 : vector<16xf32>
          %get3A_144 = arith.constant 96 : index
          %get3A_145 = tpu.vector_load %arg12[%get3A_144] {strides = array<i32>} : memref<128xf32, #tpu.memory_space<vmem>>, vector<16xf32>,
          %get3A_146 = vector.shape_cast %get3A_145 : vector<16xf32> to vector<16xf32>
          %mul3A_147 = arith.mulf %max3A_143, %get3A_146 : vector<16xf32>
          %add3A_148 = arith.addf %add3A_131, %mul3A_147 : vector<16xf32>
          %get3A_149 = arith.index_cast %scan3A_30 : i32 to index
          %get3A_150 = arith.constant 112 : index
          %get3A_151 = tpu.vector_load %arg10[%get3A_149, %get3A_150] {strides = array<i32>} : memref<80x128xf32, #tpu.memory_space<vmem>>, vector<1x16xf32>,
          %get3A_152 = vector.shape_cast %get3A_151 : vector<1x16xf32> to vector<16xf32>
          %get3A_153 = arith.index_cast %scan3A_30 : i32 to index
          %get3A_154 = arith.constant 112 : index
          %get3A_155 = tpu.vector_load %arg11[%get3A_153, %get3A_154] {strides = array<i32>} : memref<80x128xf32, #tpu.memory_space<vmem>>, vector<1x16xf32>,
          %get3A_156 = vector.shape_cast %get3A_155 : vector<1x16xf32> to vector<16xf32>
          %add3A_157 = arith.addf %get3A_152, %get3A_156 : vector<16xf32>
          %max3A_158 = arith.constant 0.000000e+00 : f32
          %max3A_159 = vector.broadcast %max3A_158 : f32 to vector<16xf32>
          %max3A_160 = arith.maximumf %add3A_157, %max3A_159 : vector<16xf32>
          %get3A_161 = arith.constant 112 : index
          %get3A_162 = tpu.vector_load %arg12[%get3A_161] {strides = array<i32>} : memref<128xf32, #tpu.memory_space<vmem>>, vector<16xf32>,
          %get3A_163 = vector.shape_cast %get3A_162 : vector<16xf32> to vector<16xf32>
          %mul3A_164 = arith.mulf %max3A_160, %get3A_163 : vector<16xf32>
          %add3A_165 = arith.addf %add3A_148, %mul3A_164 : vector<16xf32>
          %jit3A = arith.constant 8 : i32
          %div3A = arith.divsi %scan3A_30, %jit3A : i32
          %sign3A = arith.constant 0 : i32
          %sign3A_166 = arith.cmpi sgt, %scan3A_30, %sign3A : i32
          %sign3A_167 = arith.extui %sign3A_166 : i1 to i32
          %sign3A_168 = arith.constant 0 : i32
          %sign3A_169 = arith.cmpi slt, %scan3A_30, %sign3A_168 : i32
          %sign3A_170 = arith.extui %sign3A_169 : i1 to i32
          %sign3A_171 = arith.subi %sign3A_167, %sign3A_170 : i32
          %sign3A_172 = arith.constant 0 : i32
          %sign3A_173 = arith.cmpi sgt, %jit3A, %sign3A_172 : i32
          %sign3A_174 = arith.extui %sign3A_173 : i1 to i32
          %sign3A_175 = arith.constant 0 : i32
          %sign3A_176 = arith.cmpi slt, %jit3A, %sign3A_175 : i32
          %sign3A_177 = arith.extui %sign3A_176 : i1 to i32
          %sign3A_178 = arith.subi %sign3A_174, %sign3A_177 : i32
          %ne3A = arith.cmpi ne, %sign3A_171, %sign3A_178 : i32
          %rem3A = arith.remsi %scan3A_30, %jit3A : i32
          %ne3A_179 = arith.constant 0 : i32
          %ne3A_180 = arith.cmpi ne, %rem3A, %ne3A_179 : i32
          %and3A = arith.andi %ne3A, %ne3A_180 : i1
          %sub3A = arith.constant 1 : i32
          %sub3A_181 = arith.subi %div3A, %sub3A : i32
          %select_n3A = arith.select %and3A, %sub3A_181, %div3A : i32
          %jit3A_182 = arith.constant 8 : i32
          %eq3A = arith.constant 0 : i32
          %eq3A_183 = arith.cmpi eq, %jit3A_182, %eq3A : i32
          %jit3A_184 = arith.constant 1 : i32
          %select_n3A_185 = arith.select %eq3A_183, %jit3A_184, %jit3A_182 : i32
          %rem3A_186 = arith.remsi %scan3A_30, %select_n3A_185 : i32
          %ne3A_187 = arith.constant 0 : i32
          %ne3A_188 = arith.cmpi ne, %rem3A_186, %ne3A_187 : i32
          %lt3A_189 = arith.constant 0 : i32
          %lt3A_190 = arith.cmpi slt, %rem3A_186, %lt3A_189 : i32
          %lt3A_191 = arith.constant 0 : i32
          %lt3A_192 = arith.cmpi slt, %select_n3A_185, %lt3A_191 : i32
          %ne3A_193 = arith.xori %lt3A_190, %lt3A_192 : i1
          %and3A_194 = arith.andi %ne3A_193, %ne3A_188 : i1
          %add3A_195 = arith.addi %rem3A_186, %select_n3A_185 : i32
          %select_n3A_196 = arith.select %and3A_194, %add3A_195, %rem3A_186 : i32
          %mul3A_197 = arith.constant 16 : i32
          %mul3A_198 = arith.muli %select_n3A_196, %mul3A_197 : i32
          %swap3A = arith.index_cast %select_n3A : i32 to index
          %swap3A_199 = arith.index_cast %mul3A_198 : i32 to index
          %swap3A_200 = tpu.vector_load %arg13[%swap3A, %swap3A_199] {strides = array<i32>} : memref<10x128xf32, #tpu.memory_space<vmem>>, vector<1x16xf32>,
          %swap3A_201 = vector.shape_cast %swap3A_200 : vector<1x16xf32> to vector<16xf32>
          %swap3A_202 = vector.shape_cast %add3A_165 : vector<16xf32> to vector<1x16xf32>
          tpu.vector_store %arg13[%swap3A, %swap3A_199], %swap3A_202 {strides = array<i32>} : memref<10x128xf32, #tpu.memory_space<vmem>>, vector<1x16xf32>,
        }
        %scan3A_29 = arith.constant 80 : i32
        "tpu.region"() ({
          %run_scoped3A = tpu.sem_alloc : memref<!tpu.dma_semaphore, #tpu.memory_space<semaphore_mem>>
          %dma_start3A_30 = arith.constant 0 : i32
          %dma_start3A_31 = arith.constant 0 : i32
          %dma_start3A_32 = tpu.memref_slice %arg7[%add3A_9, %dma_start3A_30, %dma_start3A_31] : memref<1250x10x128xf32, #tpu.memory_space<hbm>> -> memref<1x10x128xf32, #tpu.memory_space<hbm>>
          %dma_start3A_33 = tpu.memref_squeeze %dma_start3A_32 : memref<1x10x128xf32, #tpu.memory_space<hbm>> -> memref<10x128xf32, #tpu.memory_space<hbm>>
          %dma_start3A_34 = arith.constant 0 : i32
          %dma_start3A_35 = arith.constant 0 : i32
          %dma_start3A_36 = tpu.memref_slice %arg7[%add3A_9, %dma_start3A_34, %dma_start3A_35] : memref<1250x10x128xf32, #tpu.memory_space<hbm>> -> memref<1x10x128xf32, #tpu.memory_space<hbm>>
          %dma_start3A_37 = tpu.memref_squeeze %dma_start3A_36 : memref<1x10x128xf32, #tpu.memory_space<hbm>> -> memref<10x128xf32, #tpu.memory_space<hbm>>
          tpu.enqueue_dma source(%arg13 : memref<10x128xf32, #tpu.memory_space<vmem>>) target(%dma_start3A_37 : memref<10x128xf32, #tpu.memory_space<hbm>>) target_semaphore(%run_scoped3A : memref<!tpu.dma_semaphore, #tpu.memory_space<semaphore_mem>>)
          %dma_wait3A_38 = arith.constant 0 : i32
          %dma_wait3A_39 = arith.constant 0 : i32
          %dma_wait3A_40 = tpu.memref_slice %arg7[%add3A_9, %dma_wait3A_38, %dma_wait3A_39] : memref<1250x10x128xf32, #tpu.memory_space<hbm>> -> memref<1x10x128xf32, #tpu.memory_space<hbm>>
          %dma_wait3A_41 = tpu.memref_squeeze %dma_wait3A_40 : memref<1x10x128xf32, #tpu.memory_space<hbm>> -> memref<10x128xf32, #tpu.memory_space<hbm>>
          %dma_wait3A_42 = arith.constant 0 : i32
          %dma_wait3A_43 = arith.constant 0 : i32
          %dma_wait3A_44 = tpu.memref_slice %arg7[%add3A_9, %dma_wait3A_42, %dma_wait3A_43] : memref<1250x10x128xf32, #tpu.memory_space<hbm>> -> memref<1x10x128xf32, #tpu.memory_space<hbm>>
          %dma_wait3A_45 = tpu.memref_squeeze %dma_wait3A_44 : memref<1x10x128xf32, #tpu.memory_space<hbm>> -> memref<10x128xf32, #tpu.memory_space<hbm>>
          tpu.wait_dma2 semaphore(%run_scoped3A : memref<!tpu.dma_semaphore, #tpu.memory_space<semaphore_mem>>) src(%arg13 : memref<10x128xf32, #tpu.memory_space<vmem>>) dst(%dma_wait3A_45 : memref<10x128xf32, #tpu.memory_space<hbm>>)
          tpu.yield
        }) : () -> ()
      } else {
      }
    }
    %scan3A_5 = arith.constant 40 : i32
    return
  }
}

module attributes {stable_mosaic.version = 14 : i64} {
  func.func @body(%arg0: i32, %arg1: memref<2x1024x128xf32, #tpu.memory_space<vmem>>, %arg2: memref<2x1024x128xf32, #tpu.memory_space<vmem>>, %arg3: memref<1024x128xf32, #tpu.memory_space<vmem>>, %arg4: memref<128x128xf32, #tpu.memory_space<vmem>>, %arg5: memref<128xf32, #tpu.memory_space<vmem>>, %arg6: memref<128x128xf32, #tpu.memory_space<vmem>>, %arg7: memref<1024x128xf32, #tpu.memory_space<vmem>>) attributes {dimension_semantics = [#tpu.dimension_semantics<arbitrary>], iteration_bounds = array<i64: 10>, scalar_prefetch = 0 : i64, scratch_operands = 0 : i64, tpu.core_type = #tpu.core_type<tc>, window_params = [{transform_indices = @transform_0, window_bounds = array<i64: 2, 1024, 128>}, {transform_indices = @transform_1, window_bounds = array<i64: 2, 1024, 128>}, {transform_indices = @transform_2, window_bounds = array<i64: 1024, 128>}, {pipeline_mode = #tpu.pipeline_mode<synchronous>, transform_indices = @transform_3, window_bounds = array<i64: 128, 128>}, {pipeline_mode = #tpu.pipeline_mode<synchronous>, transform_indices = @transform_4, window_bounds = array<i64: 128>}, {pipeline_mode = #tpu.pipeline_mode<synchronous>, transform_indices = @transform_5, window_bounds = array<i64: 128, 128>}, {transform_indices = @transform_6, window_bounds = array<i64: 1024, 128>}]} {
    %get3A = arith.constant 0 : index
    %get3A_0 = arith.constant 0 : index
    %get3A_1 = arith.constant 0 : index
    %get3A_2 = vector.load %arg1[%get3A, %get3A_0, %get3A_1] : memref<2x1024x128xf32, #tpu.memory_space<vmem>>, vector<1x1024x128xf32>
    %get3A_3 = vector.shape_cast %get3A_2 : vector<1x1024x128xf32> to vector<1024x128xf32>
    %get3A_4 = arith.constant 1 : index
    %get3A_5 = arith.constant 0 : index
    %get3A_6 = arith.constant 0 : index
    %get3A_7 = vector.load %arg1[%get3A_4, %get3A_5, %get3A_6] : memref<2x1024x128xf32, #tpu.memory_space<vmem>>, vector<1x1024x128xf32>
    %get3A_8 = vector.shape_cast %get3A_7 : vector<1x1024x128xf32> to vector<1024x128xf32>
    %add3A = arith.addf %get3A_3, %get3A_8 : vector<1024x128xf32>
    %get3A_9 = arith.constant 0 : index
    %get3A_10 = arith.constant 0 : index
    %get3A_11 = arith.constant 0 : index
    %get3A_12 = vector.load %arg2[%get3A_9, %get3A_10, %get3A_11] : memref<2x1024x128xf32, #tpu.memory_space<vmem>>, vector<1x1024x1xf32>
    %get3A_13 = vector.shape_cast %get3A_12 : vector<1x1024x1xf32> to vector<1024x1xf32>
    %get3A_14 = arith.constant 1 : index
    %get3A_15 = arith.constant 0 : index
    %get3A_16 = arith.constant 0 : index
    %get3A_17 = vector.load %arg2[%get3A_14, %get3A_15, %get3A_16] : memref<2x1024x128xf32, #tpu.memory_space<vmem>>, vector<1x1024x1xf32>
    %get3A_18 = vector.shape_cast %get3A_17 : vector<1x1024x1xf32> to vector<1024x1xf32>
    %add3A_19 = arith.addf %get3A_13, %get3A_18 : vector<1024x1xf32>
    %max3A = arith.constant 1.000000e+00 : f32
    %max3A_20 = vector.broadcast %max3A : f32 to vector<1024x1xf32>
    %max3A_21 = arith.maximumf %add3A_19, %max3A_20 : vector<1024x1xf32>
    %div3A = vector.broadcast %max3A_21 : vector<1024x1xf32> to vector<1024x128xf32>
    %div3A_22 = arith.divf %add3A, %div3A : vector<1024x128xf32>
    %get3A_23 = arith.constant 0 : index
    %get3A_24 = arith.constant 0 : index
    %get3A_25 = vector.load %arg4[%get3A_23, %get3A_24] : memref<128x128xf32, #tpu.memory_space<vmem>>, vector<128x128xf32>
    %dot_general3A = arith.constant dense<0.000000e+00> : vector<1024x128xf32>
    %dot_general3A_26 = tpu.matmul %div3A_22, %get3A_25, %dot_general3A {dimension_numbers = #tpu.dot_dimension_numbers<[1], [0], [0], [1], [0, 0, 1, 1], [], []>, transpose_lhs_hint = false} : vector<1024x128xf32>, vector<128x128xf32>, vector<1024x128xf32> -> vector<1024x128xf32>
    %get3A_27 = arith.constant 0 : index
    %get3A_28 = vector.load %arg5[%get3A_27] : memref<128xf32, #tpu.memory_space<vmem>>, vector<128xf32>
    %broadcast_in_dim3A = vector.shape_cast %get3A_28 : vector<128xf32> to vector<1x128xf32>
    %add3A_29 = vector.broadcast %broadcast_in_dim3A : vector<1x128xf32> to vector<1024x128xf32>
    %add3A_30 = arith.addf %dot_general3A_26, %add3A_29 : vector<1024x128xf32>
    %get3A_31 = arith.constant 0 : index
    %get3A_32 = arith.constant 0 : index
    %get3A_33 = vector.load %arg3[%get3A_31, %get3A_32] : memref<1024x128xf32, #tpu.memory_space<vmem>>, vector<1024x128xf32>
    %get3A_34 = arith.constant 0 : index
    %get3A_35 = arith.constant 0 : index
    %get3A_36 = vector.load %arg6[%get3A_34, %get3A_35] : memref<128x128xf32, #tpu.memory_space<vmem>>, vector<128x128xf32>
    %dot_general3A_37 = arith.constant dense<0.000000e+00> : vector<1024x128xf32>
    %dot_general3A_38 = tpu.matmul %get3A_33, %get3A_36, %dot_general3A_37 {dimension_numbers = #tpu.dot_dimension_numbers<[1], [0], [0], [1], [0, 0, 1, 1], [], []>, transpose_lhs_hint = false} : vector<1024x128xf32>, vector<128x128xf32>, vector<1024x128xf32> -> vector<1024x128xf32>
    %add3A_39 = arith.addf %add3A_30, %dot_general3A_38 : vector<1024x128xf32>
    %max3A_40 = arith.constant 0.000000e+00 : f32
    %max3A_41 = vector.broadcast %max3A_40 : f32 to vector<1024x128xf32>
    %max3A_42 = arith.maximumf %add3A_39, %max3A_41 : vector<1024x128xf32>
    %swap3A = arith.constant 0 : index
    %swap3A_43 = arith.constant 0 : index
    %swap3A_44 = vector.load %arg7[%swap3A, %swap3A_43] : memref<1024x128xf32, #tpu.memory_space<vmem>>, vector<1024x128xf32>
    tpu.vector_store %arg7[%swap3A, %swap3A_43], %max3A_42 {strides = array<i32>} : memref<1024x128xf32, #tpu.memory_space<vmem>>, vector<1024x128xf32>,
    return
  }
  func.func @transform_0(%arg0: i32) -> (i32, i32, i32) {
    %c0_i32 = arith.constant 0 : i32
    %c0_i32_0 = arith.constant 0 : i32
    %c0_i32_1 = arith.constant 0 : i32
    return %c0_i32, %arg0, %c0_i32_0 : i32, i32, i32
  }
  func.func @transform_1(%arg0: i32) -> (i32, i32, i32) {
    %c0_i32 = arith.constant 0 : i32
    %c0_i32_0 = arith.constant 0 : i32
    %c0_i32_1 = arith.constant 0 : i32
    return %c0_i32, %arg0, %c0_i32_0 : i32, i32, i32
  }
  func.func @transform_2(%arg0: i32) -> (i32, i32) {
    %c0_i32 = arith.constant 0 : i32
    %c0_i32_0 = arith.constant 0 : i32
    return %arg0, %c0_i32 : i32, i32
  }
  func.func @transform_3(%arg0: i32) -> (i32, i32) {
    %c0_i32 = arith.constant 0 : i32
    %c0_i32_0 = arith.constant 0 : i32
    %c0_i32_1 = arith.constant 0 : i32
    return %c0_i32, %c0_i32_0 : i32, i32
  }
  func.func @transform_4(%arg0: i32) -> i32 {
    %c0_i32 = arith.constant 0 : i32
    %c0_i32_0 = arith.constant 0 : i32
    return %c0_i32 : i32
  }
  func.func @transform_5(%arg0: i32) -> (i32, i32) {
    %c0_i32 = arith.constant 0 : i32
    %c0_i32_0 = arith.constant 0 : i32
    %c0_i32_1 = arith.constant 0 : i32
    return %c0_i32, %c0_i32_0 : i32, i32
  }
  func.func @transform_6(%arg0: i32) -> (i32, i32) {
    %c0_i32 = arith.constant 0 : i32
    %c0_i32_0 = arith.constant 0 : i32
    return %arg0, %c0_i32 : i32, i32
  }
}

module attributes {stable_mosaic.version = 14 : i64} {
  func.func @body(%arg0: i32, %arg1: memref<2x1024x128xf32, #tpu.memory_space<vmem>>, %arg2: memref<2x1024x128xf32, #tpu.memory_space<vmem>>, %arg3: memref<1024x128xf32, #tpu.memory_space<vmem>>, %arg4: memref<128x128xf32, #tpu.memory_space<vmem>>, %arg5: memref<128xf32, #tpu.memory_space<vmem>>, %arg6: memref<128x128xf32, #tpu.memory_space<vmem>>, %arg7: memref<128x128xf32, #tpu.memory_space<vmem>>, %arg8: memref<128x128xf32, #tpu.memory_space<vmem>>, %arg9: memref<128xf32, #tpu.memory_space<vmem>>, %arg10: memref<1024x128xf32, #tpu.memory_space<vmem>>, %arg11: memref<1024x128xf32, #tpu.memory_space<vmem>>) attributes {dimension_semantics = [#tpu.dimension_semantics<arbitrary>], iteration_bounds = array<i64: 10>, scalar_prefetch = 0 : i64, scratch_operands = 0 : i64, tpu.core_type = #tpu.core_type<tc>, window_params = [{transform_indices = @transform_0, window_bounds = array<i64: 2, 1024, 128>}, {transform_indices = @transform_1, window_bounds = array<i64: 2, 1024, 128>}, {transform_indices = @transform_2, window_bounds = array<i64: 1024, 128>}, {pipeline_mode = #tpu.pipeline_mode<synchronous>, transform_indices = @transform_3, window_bounds = array<i64: 128, 128>}, {pipeline_mode = #tpu.pipeline_mode<synchronous>, transform_indices = @transform_4, window_bounds = array<i64: 128>}, {pipeline_mode = #tpu.pipeline_mode<synchronous>, transform_indices = @transform_5, window_bounds = array<i64: 128, 128>}, {pipeline_mode = #tpu.pipeline_mode<synchronous>, transform_indices = @transform_6, window_bounds = array<i64: 128, 128>}, {pipeline_mode = #tpu.pipeline_mode<synchronous>, transform_indices = @transform_7, window_bounds = array<i64: 128, 128>}, {pipeline_mode = #tpu.pipeline_mode<synchronous>, transform_indices = @transform_8, window_bounds = array<i64: 128>}, {transform_indices = @transform_9, window_bounds = array<i64: 1024, 128>}, {transform_indices = @transform_10, window_bounds = array<i64: 1024, 128>}]} {
    %get3A = arith.constant 0 : index
    %get3A_0 = arith.constant 0 : index
    %get3A_1 = arith.constant 0 : index
    %get3A_2 = vector.load %arg1[%get3A, %get3A_0, %get3A_1] : memref<2x1024x128xf32, #tpu.memory_space<vmem>>, vector<1x1024x128xf32>
    %get3A_3 = vector.shape_cast %get3A_2 : vector<1x1024x128xf32> to vector<1024x128xf32>
    %get3A_4 = arith.constant 1 : index
    %get3A_5 = arith.constant 0 : index
    %get3A_6 = arith.constant 0 : index
    %get3A_7 = vector.load %arg1[%get3A_4, %get3A_5, %get3A_6] : memref<2x1024x128xf32, #tpu.memory_space<vmem>>, vector<1x1024x128xf32>
    %get3A_8 = vector.shape_cast %get3A_7 : vector<1x1024x128xf32> to vector<1024x128xf32>
    %add3A = arith.addf %get3A_3, %get3A_8 : vector<1024x128xf32>
    %get3A_9 = arith.constant 0 : index
    %get3A_10 = arith.constant 0 : index
    %get3A_11 = arith.constant 0 : index
    %get3A_12 = vector.load %arg2[%get3A_9, %get3A_10, %get3A_11] : memref<2x1024x128xf32, #tpu.memory_space<vmem>>, vector<1x1024x1xf32>
    %get3A_13 = vector.shape_cast %get3A_12 : vector<1x1024x1xf32> to vector<1024x1xf32>
    %get3A_14 = arith.constant 1 : index
    %get3A_15 = arith.constant 0 : index
    %get3A_16 = arith.constant 0 : index
    %get3A_17 = vector.load %arg2[%get3A_14, %get3A_15, %get3A_16] : memref<2x1024x128xf32, #tpu.memory_space<vmem>>, vector<1x1024x1xf32>
    %get3A_18 = vector.shape_cast %get3A_17 : vector<1x1024x1xf32> to vector<1024x1xf32>
    %add3A_19 = arith.addf %get3A_13, %get3A_18 : vector<1024x1xf32>
    %max3A = arith.constant 1.000000e+00 : f32
    %max3A_20 = vector.broadcast %max3A : f32 to vector<1024x1xf32>
    %max3A_21 = arith.maximumf %add3A_19, %max3A_20 : vector<1024x1xf32>
    %div3A = vector.broadcast %max3A_21 : vector<1024x1xf32> to vector<1024x128xf32>
    %div3A_22 = arith.divf %add3A, %div3A : vector<1024x128xf32>
    %get3A_23 = arith.constant 0 : index
    %get3A_24 = arith.constant 0 : index
    %get3A_25 = vector.load %arg4[%get3A_23, %get3A_24] : memref<128x128xf32, #tpu.memory_space<vmem>>, vector<128x128xf32>
    %dot_general3A = arith.constant dense<0.000000e+00> : vector<1024x128xf32>
    %dot_general3A_26 = tpu.matmul %div3A_22, %get3A_25, %dot_general3A {dimension_numbers = #tpu.dot_dimension_numbers<[1], [0], [0], [1], [0, 0, 1, 1], [], []>, transpose_lhs_hint = false} : vector<1024x128xf32>, vector<128x128xf32>, vector<1024x128xf32> -> vector<1024x128xf32>
    %get3A_27 = arith.constant 0 : index
    %get3A_28 = vector.load %arg5[%get3A_27] : memref<128xf32, #tpu.memory_space<vmem>>, vector<128xf32>
    %broadcast_in_dim3A = vector.shape_cast %get3A_28 : vector<128xf32> to vector<1x128xf32>
    %add3A_29 = vector.broadcast %broadcast_in_dim3A : vector<1x128xf32> to vector<1024x128xf32>
    %add3A_30 = arith.addf %dot_general3A_26, %add3A_29 : vector<1024x128xf32>
    %get3A_31 = arith.constant 0 : index
    %get3A_32 = arith.constant 0 : index
    %get3A_33 = vector.load %arg3[%get3A_31, %get3A_32] : memref<1024x128xf32, #tpu.memory_space<vmem>>, vector<1024x128xf32>
    %get3A_34 = arith.constant 0 : index
    %get3A_35 = arith.constant 0 : index
    %get3A_36 = vector.load %arg6[%get3A_34, %get3A_35] : memref<128x128xf32, #tpu.memory_space<vmem>>, vector<128x128xf32>
    %dot_general3A_37 = arith.constant dense<0.000000e+00> : vector<1024x128xf32>
    %dot_general3A_38 = tpu.matmul %get3A_33, %get3A_36, %dot_general3A_37 {dimension_numbers = #tpu.dot_dimension_numbers<[1], [0], [0], [1], [0, 0, 1, 1], [], []>, transpose_lhs_hint = false} : vector<1024x128xf32>, vector<128x128xf32>, vector<1024x128xf32> -> vector<1024x128xf32>
    %add3A_39 = arith.addf %add3A_30, %dot_general3A_38 : vector<1024x128xf32>
    %get3A_40 = arith.constant 0 : index
    %get3A_41 = arith.constant 0 : index
    %get3A_42 = vector.load %arg7[%get3A_40, %get3A_41] : memref<128x128xf32, #tpu.memory_space<vmem>>, vector<128x128xf32>
    %dot_general3A_43 = arith.constant dense<0.000000e+00> : vector<1024x128xf32>
    %dot_general3A_44 = tpu.matmul %add3A_39, %get3A_42, %dot_general3A_43 {dimension_numbers = #tpu.dot_dimension_numbers<[1], [0], [0], [1], [0, 0, 1, 1], [], []>, transpose_lhs_hint = false} : vector<1024x128xf32>, vector<128x128xf32>, vector<1024x128xf32> -> vector<1024x128xf32>
    %get3A_45 = arith.constant 0 : index
    %get3A_46 = vector.load %arg9[%get3A_45] : memref<128xf32, #tpu.memory_space<vmem>>, vector<128xf32>
    %broadcast_in_dim3A_47 = vector.shape_cast %get3A_46 : vector<128xf32> to vector<1x128xf32>
    %add3A_48 = vector.broadcast %broadcast_in_dim3A_47 : vector<1x128xf32> to vector<1024x128xf32>
    %add3A_49 = arith.addf %dot_general3A_44, %add3A_48 : vector<1024x128xf32>
    %swap3A = arith.constant 0 : index
    %swap3A_50 = arith.constant 0 : index
    %swap3A_51 = vector.load %arg10[%swap3A, %swap3A_50] : memref<1024x128xf32, #tpu.memory_space<vmem>>, vector<1024x128xf32>
    tpu.vector_store %arg10[%swap3A, %swap3A_50], %add3A_49 {strides = array<i32>} : memref<1024x128xf32, #tpu.memory_space<vmem>>, vector<1024x128xf32>,
    %get3A_52 = arith.constant 0 : index
    %get3A_53 = arith.constant 0 : index
    %get3A_54 = vector.load %arg8[%get3A_52, %get3A_53] : memref<128x128xf32, #tpu.memory_space<vmem>>, vector<128x128xf32>
    %dot_general3A_55 = arith.constant dense<0.000000e+00> : vector<1024x128xf32>
    %dot_general3A_56 = tpu.matmul %add3A_39, %get3A_54, %dot_general3A_55 {dimension_numbers = #tpu.dot_dimension_numbers<[1], [0], [0], [1], [0, 0, 1, 1], [], []>, transpose_lhs_hint = false} : vector<1024x128xf32>, vector<128x128xf32>, vector<1024x128xf32> -> vector<1024x128xf32>
    %swap3A_57 = arith.constant 0 : index
    %swap3A_58 = arith.constant 0 : index
    %swap3A_59 = vector.load %arg11[%swap3A_57, %swap3A_58] : memref<1024x128xf32, #tpu.memory_space<vmem>>, vector<1024x128xf32>
    tpu.vector_store %arg11[%swap3A_57, %swap3A_58], %dot_general3A_56 {strides = array<i32>} : memref<1024x128xf32, #tpu.memory_space<vmem>>, vector<1024x128xf32>,
    return
  }
  func.func @transform_0(%arg0: i32) -> (i32, i32, i32) {
    %c0_i32 = arith.constant 0 : i32
    %c0_i32_0 = arith.constant 0 : i32
    %c0_i32_1 = arith.constant 0 : i32
    return %c0_i32, %arg0, %c0_i32_0 : i32, i32, i32
  }
  func.func @transform_1(%arg0: i32) -> (i32, i32, i32) {
    %c0_i32 = arith.constant 0 : i32
    %c0_i32_0 = arith.constant 0 : i32
    %c0_i32_1 = arith.constant 0 : i32
    return %c0_i32, %arg0, %c0_i32_0 : i32, i32, i32
  }
  func.func @transform_2(%arg0: i32) -> (i32, i32) {
    %c0_i32 = arith.constant 0 : i32
    %c0_i32_0 = arith.constant 0 : i32
    return %arg0, %c0_i32 : i32, i32
  }
  func.func @transform_3(%arg0: i32) -> (i32, i32) {
    %c0_i32 = arith.constant 0 : i32
    %c0_i32_0 = arith.constant 0 : i32
    %c0_i32_1 = arith.constant 0 : i32
    return %c0_i32, %c0_i32_0 : i32, i32
  }
  func.func @transform_4(%arg0: i32) -> i32 {
    %c0_i32 = arith.constant 0 : i32
    %c0_i32_0 = arith.constant 0 : i32
    return %c0_i32 : i32
  }
  func.func @transform_5(%arg0: i32) -> (i32, i32) {
    %c0_i32 = arith.constant 0 : i32
    %c0_i32_0 = arith.constant 0 : i32
    %c0_i32_1 = arith.constant 0 : i32
    return %c0_i32, %c0_i32_0 : i32, i32
  }
  func.func @transform_6(%arg0: i32) -> (i32, i32) {
    %c0_i32 = arith.constant 0 : i32
    %c0_i32_0 = arith.constant 0 : i32
    %c0_i32_1 = arith.constant 0 : i32
    return %c0_i32, %c0_i32_0 : i32, i32
  }
  func.func @transform_7(%arg0: i32) -> (i32, i32) {
    %c0_i32 = arith.constant 0 : i32
    %c0_i32_0 = arith.constant 0 : i32
    %c0_i32_1 = arith.constant 0 : i32
    return %c0_i32, %c0_i32_0 : i32, i32
  }
  func.func @transform_8(%arg0: i32) -> i32 {
    %c0_i32 = arith.constant 0 : i32
    %c0_i32_0 = arith.constant 0 : i32
    return %c0_i32 : i32
  }
  func.func @transform_9(%arg0: i32) -> (i32, i32) {
    %c0_i32 = arith.constant 0 : i32
    %c0_i32_0 = arith.constant 0 : i32
    return %arg0, %c0_i32 : i32, i32
  }
  func.func @transform_10(%arg0: i32) -> (i32, i32) {
    %c0_i32 = arith.constant 0 : i32
    %c0_i32_0 = arith.constant 0 : i32
    return %arg0, %c0_i32 : i32, i32
  }
}

module attributes {stable_mosaic.version = 14 : i64} {
  func.func @body(%arg0: i32, %arg1: memref<12500x128xf32, #tpu.memory_space<vmem>>, %arg2: memref<128x8xf32, #tpu.memory_space<vmem>>, %arg3: memref<1x1xf32, #tpu.memory_space<smem>>, %arg4: memref<12500x8xf32, #tpu.memory_space<vmem>>) attributes {dimension_semantics = [#tpu.dimension_semantics<arbitrary>], iteration_bounds = array<i64: 1>, scalar_prefetch = 0 : i64, scratch_operands = 0 : i64, tpu.core_type = #tpu.core_type<tc>, window_params = [{pipeline_mode = #tpu.pipeline_mode<synchronous>, transform_indices = @transform_0, window_bounds = array<i64: 12500, 128>}, {pipeline_mode = #tpu.pipeline_mode<synchronous>, transform_indices = @transform_1, window_bounds = array<i64: 128, 8>}, {transform_indices = @transform_2, window_bounds = array<i64: 1, 1>}, {pipeline_mode = #tpu.pipeline_mode<synchronous>, transform_indices = @transform_3, window_bounds = array<i64: 12500, 8>}]} {
    %get3A = arith.constant 0 : index
    %get3A_0 = arith.constant 0 : index
    %get3A_1 = vector.load %arg1[%get3A, %get3A_0] : memref<12500x128xf32, #tpu.memory_space<vmem>>, vector<12500x128xf32>
    %get3A_2 = arith.constant 0 : index
    %get3A_3 = arith.constant 0 : index
    %get3A_4 = vector.load %arg2[%get3A_2, %get3A_3] : memref<128x8xf32, #tpu.memory_space<vmem>>, vector<128x8xf32>
    %dot_general3A = arith.constant dense<0.000000e+00> : vector<12500x8xf32>
    %dot_general3A_5 = tpu.matmul %get3A_1, %get3A_4, %dot_general3A {dimension_numbers = #tpu.dot_dimension_numbers<[1], [0], [0], [1], [0, 0, 1, 1], [], []>, transpose_lhs_hint = false} : vector<12500x128xf32>, vector<128x8xf32>, vector<12500x8xf32> -> vector<12500x8xf32>
    %get3A_6 = arith.constant 0 : index
    %get3A_7 = arith.constant 0 : index
    %get3A_8 = memref.load %arg3[%get3A_6, %get3A_7] : memref<1x1xf32, #tpu.memory_space<smem>>
    %add3A = vector.broadcast %get3A_8 : f32 to vector<12500x8xf32>
    %add3A_9 = arith.addf %dot_general3A_5, %add3A : vector<12500x8xf32>
    %swap3A = arith.constant 0 : index
    %swap3A_10 = arith.constant 0 : index
    %swap3A_11 = vector.load %arg4[%swap3A, %swap3A_10] : memref<12500x8xf32, #tpu.memory_space<vmem>>, vector<12500x8xf32>
    tpu.vector_store %arg4[%swap3A, %swap3A_10], %add3A_9 {strides = array<i32>} : memref<12500x8xf32, #tpu.memory_space<vmem>>, vector<12500x8xf32>,
    return
  }
  func.func @transform_0(%arg0: i32) -> (i32, i32) {
    %c0_i32 = arith.constant 0 : i32
    %c0_i32_0 = arith.constant 0 : i32
    %c0_i32_1 = arith.constant 0 : i32
    return %c0_i32, %c0_i32_0 : i32, i32
  }
  func.func @transform_1(%arg0: i32) -> (i32, i32) {
    %c0_i32 = arith.constant 0 : i32
    %c0_i32_0 = arith.constant 0 : i32
    %c0_i32_1 = arith.constant 0 : i32
    return %c0_i32, %c0_i32_0 : i32, i32
  }
  func.func @transform_2(%arg0: i32) -> (i32, i32) {
    %c0_i32 = arith.constant 0 : i32
    %c0_i32_0 = arith.constant 0 : i32
    %c0_i32_1 = arith.constant 0 : i32
    return %c0_i32, %c0_i32_0 : i32, i32
  }
  func.func @transform_3(%arg0: i32) -> (i32, i32) {
    %c0_i32 = arith.constant 0 : i32
    %c0_i32_0 = arith.constant 0 : i32
    %c0_i32_1 = arith.constant 0 : i32
    return %c0_i32, %c0_i32_0 : i32, i32
  }
}

</mosaic_0001>

<sc_bundles>
// kernel: kernel.11.cloned.1.call-start
scs
__scs_entry_jumppad:
0x0: {  	(pc) =	sbr.rel $0x88, $3  }
0x1: {  	(tag) =	ssettag $0x0;
	lr =	simm.s32 $0x1  }
0x2: {  	[smem:$0x3F94] =	sst lr;
	_ =	strace $0xD0000000  }
0x3: {  	_ = 	snop  }
0x4: {  	_ = 	snop  }
0x5: {  	_ = 	snop  }
0x6: {  	_ = 	snop  }
0x7: {  	_ = 	snop  }
__scs_overlays_trampoline_lowered:
0x8: {  	[smem:$0x3FA3] =	sst s0  }
0x9: {  	[smem:$0x3FA4] =	sst s1  }
0xa: {  	[smem:$0x3FA5] =	sst s2  }
0xb: {  	[smem:$0x3FA6] =	sst s3  }
0xc: {  	[smem:$0x3FA7] =	sst s4  }
0xd: {  	[smem:$0x3FA8] =	sst s5  }
0xe: {  	[smem:$0x3FA9] =	sst s6  }
0xf: {  	[smem:$0x3FAA] =	sst s7  }
0x10: {  	[smem:$0x3FAB] =	sst s8  }
0x11: {  	[smem:$0x3FAC] =	sst s9;
	s0 =	simm.s32 @!p0 $0x0  }
0x12: {  	s1 =	sld [smem:$0x3F92];
	s0 =	simm.s32 @p0 $0x1  }
0x13: {  	[smem:$0x3FAD] =	sst s0;
	s0 =	simm.s32 @!p1 $0x0  }
0x14: {  	s2 =	sld [smem:$0x3F91];
	s0 =	simm.s32 @p1 $0x1  }
0x15: {  	[smem:$0x3FAE] =	sst s0;
	s0 =	simm.s32 @!p2 $0x0  }
0x16: {  	s3 =	sld [smem:$0x3FDB];
	s0 =	simm.s32 @p2 $0x1  }
0x17: {  	s4 =	simm.s32 $0x1BF5;
	[smem:$0x3FB0] =	sst s0  }
0x18: {  	s0 =	sld [smem:$0x3F93];
	_ =	swait.ge [sflag:s4], $0x0  }
0x19: {  	s7 =	sld [smem:$0x3F94]  }
0x1a: {  	s8 =	sadd.s32 $0xFFFFE003, lr  }
0x1b: {  	s9 =	sadd.s32 $0xFFFFFEF7, lr;
	s5 =	simm.s32 $0xFFFFFFFF;
	p2 =	slt.u32 s8, $0xFFFFF086  }
0x1c: {  	p1 =	slt.u32 s9, $0xF7A;
	s5 =	simm.s32 @!p2 $0x0  }
0x1d: {  	s5 =	simm.s32 @p1 $0x1;
	p0 =	seq.s32 s7, s2  }
0x1e: {  	s7 =	smul.u32 @!p0 $0xF7A, s2;
	p2 =	seq.s32 @!p0 s5, $0x0  }
0x1f: {  	s9 =	smul.u32 $0xF7A, s1;
	s8 =	simm.s32 @!p0 $0x1BF5;
	p2 =	por !p2, p0  }
0x20: {  	[sflag:s8] =	ssyncset.s32 @!p0 $0xFFFFF086;
	s6 =	sadd.s32 @!p0 s3, s7;
	s7 =	simm.s32 @!p0 $0x108  }
0x21: {  	s3 =	sadd.s32 s3, s9;
	s6 =	sadd.s32 @!p0 $0x88, s6;
	s7 =	simm.s32 @p2 $0x1082  }
0x22: {  	[simem:s7], [sflag:s8] =	dma.local @!p0 [hbm:s6], $0xF7A  }
0x23: {  	s9 =	sor.u32 $0xD0000000, s2;
	s6 =	simm.s32 $0x108;
	_ =	swait.ge @!p0 [sflag:s8], $0x0  }
0x24: {  	s3 =	sadd.s32 $0x88, s3;
	s6 =	simm.s32 @!p1 $0x1082;
	[sflag:s4] =	ssyncset.s32 $0xFFFFF086  }
0x25: {  	[simem:s6], [sflag:s4] =	dma.local [hbm:s3], $0xF7A  }
0x26: {  	[smem:$0x3F94] =	sst s1;
	(tag) =	ssettag s2;
	_ =	strace s9  }
0x27: {  	s1 =	sld [smem:$0x3FA4]  }
0x28: {  	s2 =	sld [smem:$0x3FA5]  }
0x29: {  	s4 =	sld [smem:$0x3FA7]  }
0x2a: {  	p0 =	seq.s32 s5, $0x0;
	s5 =	sld [smem:$0x3FA8]  }
0x2b: {  	s6 =	sld [smem:$0x3FA9]  }
0x2c: {  	s7 =	sld [smem:$0x3FAA]  }
0x2d: {  	s3 =	simm.s32 $0x108;
	s8 =	sld [smem:$0x3FAB]  }
0x2e: {  	s3 =	simm.s32 @!p0 $0x1082;
	s9 =	sld [smem:$0x3FAC]  }
0x2f: {  	lr =	sadd.s32 s0, s3;
	s0 =	sld [smem:$0x3FA3]  }
0x30: {  	s3 =	sld [smem:$0x3FA6]  }
0x31: {  	[smem:$0x3FAF] =	sst s10  }
0x32: {  	s10 =	sld [smem:$0x3FAD];
	_ =	sdelay $0x3  }
0x33: {  	p0 =	seq.s32 s10, $0x1;
	s10 =	sld [smem:$0x3FAF];
	_ =	sdelay $0x3  }
0x34: {  	[smem:$0x3FAF] =	sst s10  }
0x35: {  	s10 =	sld [smem:$0x3FAE];
	_ =	sdelay $0x3  }
0x36: {  	p1 =	seq.s32 s10, $0x1;
	s10 =	sld [smem:$0x3FAF];
	_ =	sdelay $0x3  }
0x37: {  	[smem:$0x3FAF] =	sst s10  }
0x38: {  	s10 =	sld [smem:$0x3FB0]  }
0x39: {  	_ = 	snop;
	(pc) =	sbr.ind lr, $3  }
0x3a: {  	_ = 	snop  }
0x3b: {  	_ = 	snop  }
0x3c: {  	p2 =	seq.s32 s10, $0x1;
	s10 =	sld [smem:$0x3FAF]  }
0x3d: {  	_ =	shalt  }
0x3e: {  	_ =	shalt  }
0x3f: {  	_ =	shalt  }
0x40: {  	_ =	shalt  }
0x41: {  	_ =	shalt  }
0x42: {  	_ =	shalt  }
0x43: {  	_ =	shalt  }
0x44: {  	_ =	shalt  }
0x45: {  	_ =	shalt  }
0x46: {  	_ =	shalt  }
0x47: {  	_ =	shalt  }
0x48: {  	_ =	shalt  }
0x49: {  	_ =	shalt  }
0x4a: {  	_ =	shalt  }
0x4b: {  	_ =	shalt  }
0x4c: {  	_ =	shalt  }
0x4d: {  	_ =	shalt  }
0x4e: {  	_ =	shalt  }
0x4f: {  	_ =	shalt  }
0x50: {  	_ =	shalt  }
0x51: {  	_ =	shalt  }
0x52: {  	_ =	shalt  }
0x53: {  	_ =	shalt  }
0x54: {  	_ =	shalt  }
0x55: {  	_ =	shalt  }
0x56: {  	_ =	shalt  }
0x57: {  	_ =	shalt  }
0x58: {  	_ =	shalt  }
0x59: {  	_ =	shalt  }
0x5a: {  	_ =	shalt  }
0x5b: {  	_ =	shalt  }
0x5c: {  	_ =	shalt  }
0x5d: {  	_ =	shalt  }
0x5e: {  	_ =	shalt  }
0x5f: {  	_ =	shalt  }
0x60: {  	_ =	shalt  }
0x61: {  	_ =	shalt  }
0x62: {  	_ =	shalt  }
0x63: {  	_ =	shalt  }
0x64: {  	_ =	shalt  }
0x65: {  	_ =	shalt  }
0x66: {  	_ =	shalt  }
0x67: {  	_ =	shalt  }
0x68: {  	_ =	shalt  }
0x69: {  	_ =	shalt  }
0x6a: {  	_ =	shalt  }
0x6b: {  	_ =	shalt  }
0x6c: {  	_ =	shalt  }
0x6d: {  	_ =	shalt  }
0x6e: {  	_ =	shalt  }
0x6f: {  	_ =	shalt  }
0x70: {  	_ =	shalt  }
0x71: {  	_ =	shalt  }
0x72: {  	_ =	shalt  }
0x73: {  	_ =	shalt  }
0x74: {  	_ =	shalt  }
0x75: {  	_ =	shalt  }
0x76: {  	_ =	shalt  }
0x77: {  	_ =	shalt  }
0x78: {  	_ =	shalt  }
0x79: {  	_ =	shalt  }
0x7a: {  	_ =	shalt  }
0x7b: {  	_ =	shalt  }
0x7c: {  	_ =	shalt  }
0x7d: {  	_ =	shalt  }
0x7e: {  	_ =	shalt  }
0x7f: {  	_ =	shalt  }
0x80: {  	_ =	shalt  }
0x81: {  	_ =	shalt  }
0x82: {  	_ =	shalt  }
0x83: {  	_ =	shalt  }
0x84: {  	_ =	shalt  }
0x85: {  	_ =	shalt  }
0x86: {  	_ =	shalt  }
0x87: {  	_ =	shalt  }
.Lfunc_end0:
.L_simem_size_0:
called_computation.1_lowered:
.L_overlay_start_0:
0x88: {  	s2 =	sld [smem:$0x3FD9]  }
0x89: {  	s3 =	sld [smem:$0x3FFE];
	_ =	sdelay $0x1  }
0x8a: {  	s1 =	srdreg.scid  }
0x8b: {  	s0 =	sand.u32 $0x1, s1  }
0x8c: {  	s16 =	sshll.u32 s0, $0xA;
	s2 =	sadd.s32 s3, s2  }
0x8d: {  	s2 =	sadd.s32 s2, s16  }
0x8e: {  	[smem:$0x3FBB] =	sst s2  }
0x8f: {  	_ = 	snop  }
0x90: {  	(tm) =	ssettm $0x1  }
0x91: {  	s17 =	sld [smem:$0x3FFB];
	_ =	sdelay $0x3  }
0x92: {  	_ =	strace s17  }
0x93: {  	s2 =	sld [smem:$0x3FFC];
	_ =	sdelay $0x3  }
0x94: {  	_ =	strace s2  }
0x95: {  	s2 =	sld [smem:$0x3FFD];
	_ =	sdelay $0x3  }
0x96: {  	_ =	strace s2  }
0x97: {  	_ =	strace $0x8FFFFFFF  }
0x98: {  	s18 =	sld [smem:$0x3FDB];
	_ =	sdelay $0x1  }
0x99: {  	s19 =	simm.s32 $_scs_section_size  }
0x9a: {  	s4 =	simm.s32 $_size__tile_overlayer_lowered;
	s5 =	simm.s32 $_tile_overlayer_lowered  }
0x9b: {  	s22 =	simm.s32 $0x1BFF;
	s21 =	sshll.u32 s5, $0x1;
	s2 =	sadd.s32 s19, s18  }
0x9c: {  	s6 =	simm.s32 $0x0;
	s20 =	sshll.u32 s4, $0x1;
	s4 =	sadd.s32 s21, s2  }
0x9d: {  	[timem:s6], [sflag:s22] =	dma.local [hbm:s4], s20  }
0x9e: {  	_ =	swait.ge [sflag:s22], s20  }
0x9f: {  	s3 =	ssub.s32 $0x0, s20;
	[sflag:s22] =	ssyncset.done $0x0  }
0xa0: {  	[sflag:s22] =	ssyncadd.s32 s3;
	_ =	sdelay $0x1  }
0xa1: {  	s23 =	simm.s32 $0x1B8B  }
0xa2: {  	_ =	swait.ge [sflag:s23], $0x1  }
0xa3: {  	[sflag:s23] =	ssyncset.done $0x0  }
0xa4: {  	s25 =	simm.s32 $0x1B8E;
	s24 =	sld [smem:$0x3FFE];
	[sflag:s23] =	ssyncadd.s32 $0xFFFFFFFF  }
0xa5: {  	s26 =	simm.s32 $execute0_lowered;
	[smem:$0x3FD2] =	sst s25  }
0xa6: {  	s4 =	sshll.u32 s26, $0x1;
	_ =	strace $0x80000049;
	[dreg:$0x1] =	wrdreg $0xFFFFFFFF  }
0xa7: {  	s28 =	simm.s32 $_size_execute0_lowered;
	s2 =	sadd.s32 s2, s4;
	[dreg:$0x0] =	wrdreg $0x0  }
0xa8: {  	s4 =	sshll.u32 s28, $0x1;
	[dreg:$0x2] =	wrdreg s2  }
0xa9: {  	[dreg:$0x3] =	wrdreg s4  }
0xaa: {  	[dreg:$0x4] =	wrdreg $0xC0  }
0xab: {  	_ =	task [dreg:s6], $0x5FFFF  }
0xac: {  	[dreg:$0x1] =	wrdreg $0xFFFFFFFF  }
0xad: {  	[dreg:$0x0] =	wrdreg $0x60  }
0xae: {  	[dreg:$0x2] =	wrdreg s24  }
0xaf: {  	[dreg:$0x3] =	wrdreg $0x7A000  }
0xb0: {  	[dreg:$0x4] =	wrdreg $0x9  }
0xb1: {  	_ =	task.clear_ibuf [dreg:s6], $0x5FFFF;
	_ =	strace $0x90000049  }
0xb2: {  	s29 =	simm.s32 $0x9;
	_ =	strace $0x8000004B  }
0xb3: {  	_ =	swait.ge [sflag:s29], $0x1  }
0xb4: {  	[sflag:s29] =	ssyncadd.s32 $0xFFFFFFFF  }
0xb5: {  	_ =	strace $0x9000004B  }
0xb6: {  	_ =	sfence  }
0xb7: {  	s30 =	sld [smem:$0x0];
	_ =	sdelay $0x2  }
0xb8: {  	s31 =	sshll.u32 s1, $0xD;
	s1 =	sshrl.u32 s1, $0x2  }
0xb9: {  	s3 =	sand.u32 $0x4000, s31;
	s1 =	sadd.s32 s1, s30  }
0xba: {  	s0 =	sor.u32 s3, s0;
	s1 =	sshll.u32 s1, $0x11  }
0xbb: {  	s0 =	sor.u32 s1, s0  }
0xbc: {  	s0 =	sadd.s32 $0x8F2B, s0  }
0xbd: {  	[sflag:s0] =	ssyncadd.remote.s32 $0x1  }
0xbe: {  	_ =	sfence.sel $0xFFFF  }
0xbf: {  	[dreg:$0x0] =	wrdreg $0xFFFFFFFF;
	(pc) =	sbr.abs _section_cstart, $3  }
0xc0: {  	[dreg:$0x1] =	wrdreg $0xFFFFFFFF  }
0xc1: {  	_ =	task.clear_ibuf [dreg:s6], $0x2FFFF;
	_ =	strace $0x9FFFFFFF  }
0xc2: {  	(tm) =	ssettm $0x7FFFFFFF  }
0xc3: {  	_ =	shalt  }
tec
execute0_lowered:
.L_overlay_start_1:
0x0: {  	(tag) =	ssettag $0x1  }
0x1: {  	s0 =	rddreg [dreg:$0x0]  }
0x2: {  	s1 =	rddreg [dreg:$0x1];
	s2 =	simm.s32 $0x0  }
0x3: {  	s3 =	srdreg.scid;
	s16 =	stileid.u32;
	s30 =	simm.s32 $0x5200  }
0x4: {  	s31 =	simm.s32 $0x3;
	[smem:$0x7FF] =	sst s2;
	s3 =	sand.u32 $0x1, s3  }
0x5: {  	s4 =	sadd.s32 $0x3DE00, s0;
	s7 =	sshll.u32 s16, $0x1;
	s8 =	smul.u32 $0x14000, s16  }
0x6: {  	_ =	strace $0x8000004A;
	s5 =	ssub.s32 $0x2, s3;
	s11 =	smul.u32 $0x140000, s3  }
0x7: {  	s6 =	sshrl.u32 s5, $0x1;
	s9 =	sor.u32 $0x2800, s8;
	s10 =	sadd.s32 $0x5000, s8  }
0x8: {  	s15 =	sadd.s32 $0x7800, s8;
	s19 =	sadd.s32 $0xA000, s8;
	s20 =	sadd.s32 $0xC800, s8  }
0x9: {  	s21 =	sadd.s32 $0xF000, s8;
	s5 =	ssub.s32 s5, s6;
	s6 =	sor.u32 s3, s7  }
0xa: {  	s7 =	smul.u32 $0x50000, s16;
	s12 =	sadd.s32 s8, s11;
	s13 =	sadd.s32 s11, s9  }
0xb: {  	s8 =	sadd.s32 $0x11800, s8;
	s25 =	sadd.s32 s11, s10;
	s26 =	sadd.s32 s11, s15  }
0xc: {  	s14 =	sadd.s32 s11, s19;
	s23 =	sadd.s32 s11, s20;
	s3 =	smul.u32 $0x2710, s3  }
0xd: {  	s15 =	sadd.s32 s15, s1;
	s20 =	sadd.s32 s20, s1;
	s12 =	sshrl.u32 s12, $0x3  }
0xe: {  	s13 =	sshrl.u32 s13, $0x3;
	s17 =	sshrl.u32 s26, $0x3;
	s18 =	sshrl.u32 s14, $0x3  }
0xf: {  	s14 =	sadd.s32 $0x2200, s0;
	[dreg:$0xc] =	wrdreg s15;
	s12 =	sadd.s32 s4, s12  }
0x10: {  	s24 =	sadd.s32 s4, s13;
	s22 =	sadd.s32 s4, s18;
	[dreg:$0x3] =	wrdreg s12  }
0x11: {  	s18 =	sadd.s32 s19, s1;
	[dreg:$0x4] =	wrdreg s24;
	s12 =	sshrl.u32 s25, $0x3  }
0x12: {  	[dreg:$0x7] =	wrdreg s22;
	s24 =	sadd.s32 s11, s21;
	s25 =	smul.u32 $0x4E20, s16  }
0x13: {  	s11 =	sadd.s32 s11, s8;
	[dreg:$0xd] =	wrdreg s18;
	s21 =	sadd.s32 s21, s1  }
0x14: {  	s22 =	sadd.s32 s8, s1;
	s8 =	simm.s32 $0x2A00;
	s12 =	sadd.s32 s4, s12  }
0x15: {  	s13 =	sshrl.u32 s24, $0x3;
	s11 =	sshrl.u32 s11, $0x3;
	s24 =	smax.u32 s5, $0x1  }
0x16: {  	s5 =	simm.s32 $0x80;
	[dreg:$0x5] =	wrdreg s12;
	s12 =	sadd.s32 s4, s17  }
0x17: {  	s26 =	sadd.s32 s4, s13;
	s3 =	sadd.s32 s3, s25;
	[dreg:$0x10] =	wrdreg s24  }
0x18: {  	s13 =	sadd.s32 $0xC000, s0;
	s17 =	sadd.s32 s9, s1;
	[dreg:$0x6] =	wrdreg s12  }
0x19: {  	s9 =	simm.s32 $0x1;
	s12 =	sshrl.u32 s23, $0x3;
	[dreg:$0x9] =	wrdreg s26  }
0x1a: {  	s23 =	sadd.s32 $0x50, s3;
	s26 =	sadd.s32 $0xA0, s3;
	s3 =	simm.s32 $0x50  }
0x1b: {  	s12 =	sadd.s32 s4, s12;
	s4 =	sadd.s32 s4, s11;
	s11 =	sadd.s32 s10, s1  }
0x1c: {  	s25 =	sshrl.u32 s23, $0x3;
	s10 =	simm.s32 $0x2;
	[dreg:$0x8] =	wrdreg s12  }
0x1d: {  	[dreg:$0xa] =	wrdreg s4;
	s4 =	sshrl.u32 s7, $0x2;
	s7 =	smul.u32 $0x2710, s6  }
0x1e: {  	s12 =	sadd.s32 $0x15E00, s0;
	[dreg:$0xb] =	wrdreg s11;
	s28 =	sadd.s32 s25, s14  }
0x1f: {  	s29 =	sadd.s32 s25, s13;
	s6 =	simm.s32 $0x4;
	s19 =	sshrl.u32 s7, $0x3  }
0x20: {  	s11 =	simm.s32 $0x0;
	s16 =	sadd.s32 s4, s1;
	s4 =	sadd.s32 s13, s19  }
0x21: {  	s7 =	simm.s32 $0x180;
	s0 =	sadd.s32 s14, s19;
	[dreg:$0xe] =	wrdreg s4  }
0x22: {  	v0 =	vimm.f32 $0.0e+00;
	[dreg:$0xf] =	wrdreg s0;
	s0 =	simm.s32 $0x100;
	s4 =	simm.s32 $0x200  }
.LBB2_1:
0x23: {  	s15 =	sand.u32 $0xFE00, s2  }
0x24: {  	s24 =	sand.u32 $0x70, s2;
	s15 =	sshrl.u32 s15, $0x2  }
0x25: {  	s23 =	simm.s32 $0x40;
	s15 =	sor.u32 s24, s15;
	s24 =	simm.s32 $0x0  }
.LBB2_2:
0x26: {  	p0 =	sne.s32 s23, $0x9FC0  }
0x27: {  	[tilespmem:s15+$0x5200] =	vst v0;
	s24 =	sadd.s32 $0x10, s24;
	s15 =	smov.u32 s23;
	s23 =	sadd.s32 $0x40, s23  }
.Ltmp0:
0x28: {  	(pc) =	sbr.rel @p0 .LBB2_2-.Ltmp0, $4  }
0x29: {  	_ = 	snop  }
0x2a: {  	s15 =	sand.u32 $0xFE00, s15  }
0x2b: {  	s25 =	sand.u32 $0x70, s24;
	s15 =	sshrl.u32 s15, $0x2  }
0x2c: {  	s15 =	sor.u32 s25, s15  }
0x2d: {  	[tilespmem:s15+$0x5200] =	vst v0  }
0x2e: {  	[spmem:s16] =	stream.linear.scatter [tilespmem:s30], [sflag:$0x3], $0x2800, $0x38;
	[tilespmem:$0x1BA00] =	vst v63  }
0x2f: {  	_ =	swait.ge [sflag:s31], $0x2800  }
0x30: {  	[sflag:s31] =	ssyncset.done $0x0  }
0x31: {  	[sflag:s31] =	ssyncadd.s32 $0xFFFFD800  }
0x32: {  	[spmem:s17] =	stream.linear.scatter [tilespmem:s30], [sflag:$0x3], $0x2800, $0x38;
	[tilespmem:$0x1BA00] =	vst v63  }
0x33: {  	_ =	swait.ge [sflag:s31], $0x2800  }
0x34: {  	[sflag:s31] =	ssyncset.done $0x0  }
0x35: {  	s18 =	smov.u32 s16;
	s16 =	rddreg [dreg:$0xb];
	[sflag:s31] =	ssyncadd.s32 $0xFFFFD800  }
0x36: {  	[spmem:s16] =	stream.linear.scatter [tilespmem:s30], [sflag:$0x3], $0x2800, $0x38;
	[tilespmem:$0x1BA00] =	vst v63  }
0x37: {  	_ =	swait.ge [sflag:s31], $0x2800  }
0x38: {  	[sflag:s31] =	ssyncset.done $0x0  }
0x39: {  	s19 =	smov.u32 s17;
	s17 =	rddreg [dreg:$0xc];
	[sflag:s31] =	ssyncadd.s32 $0xFFFFD800  }
0x3a: {  	[spmem:s17] =	stream.linear.scatter [tilespmem:s30], [sflag:$0x3], $0x2800, $0x38;
	[tilespmem:$0x1BA00] =	vst v63  }
0x3b: {  	_ =	swait.ge [sflag:s31], $0x2800  }
0x3c: {  	[sflag:s31] =	ssyncset.done $0x0  }
0x3d: {  	s23 =	rddreg [dreg:$0xd];
	[sflag:s31] =	ssyncadd.s32 $0xFFFFD800  }
0x3e: {  	[spmem:s23] =	stream.linear.scatter [tilespmem:s30], [sflag:$0x3], $0x2800, $0x38;
	[tilespmem:$0x1BA00] =	vst v63  }
0x3f: {  	_ =	swait.ge [sflag:s31], $0x2800  }
0x40: {  	[sflag:s31] =	ssyncset.done $0x0  }
0x41: {  	[sflag:s31] =	ssyncadd.s32 $0xFFFFD800  }
0x42: {  	[spmem:s20] =	stream.linear.scatter [tilespmem:s30], [sflag:$0x3], $0x2800, $0x38;
	[tilespmem:$0x1BA00] =	vst v63  }
0x43: {  	_ =	swait.ge [sflag:s31], $0x2800  }
0x44: {  	[sflag:s31] =	ssyncset.done $0x0  }
0x45: {  	[sflag:s31] =	ssyncadd.s32 $0xFFFFD800  }
0x46: {  	[spmem:s21] =	stream.linear.scatter [tilespmem:s30], [sflag:$0x3], $0x2800, $0x38;
	[tilespmem:$0x1BA00] =	vst v63  }
0x47: {  	_ =	swait.ge [sflag:s31], $0x2800  }
0x48: {  	[sflag:s31] =	ssyncset.done $0x0  }
0x49: {  	[sflag:s31] =	ssyncadd.s32 $0xFFFFD800  }
0x4a: {  	[spmem:s22] =	stream.linear.scatter [tilespmem:s30], [sflag:$0x3], $0x2800, $0x38;
	[tilespmem:$0x1BA00] =	vst v63  }
0x4b: {  	_ =	swait.ge [sflag:s31], $0x2800  }
0x4c: {  	[sflag:s31] =	ssyncset.done $0x0  }
0x4d: {  	[sflag:s31] =	ssyncadd.s32 $0xFFFFD800  }
0x4e: {  	[bflag:$0x0] =	sbarrier.arrive $0xFFFF  }
0x4f: {  	s24 =	simm.s32 $0x0;
	s25 =	rddreg [dreg:$0xe]  }
0x50: {  	[tilespmem:s24], [sflag:$0x3] =	stream.linear.gather [hbm4b:s25+s24], $0x50, $0x38;
	[tilespmem:$0x1BA00] =	vst v63  }
0x51: {  	_ =	swait.ge [sflag:s31], $0x50  }
0x52: {  	[sflag:s31] =	ssyncset.done $0x0  }
0x53: {  	s17 =	rddreg [dreg:$0xf];
	[sflag:s31] =	ssyncadd.s32 $0xFFFFFFB0  }
0x54: {  	[tilespmem:s0], [sflag:$0x3] =	stream.linear.gather [hbm4b:s17+s24], $0x50, $0x38;
	[tilespmem:$0x1BA00] =	vst v63  }
0x55: {  	_ =	swait.ge [sflag:s31], $0x50  }
0x56: {  	[sflag:s31] =	ssyncset.done $0x0  }
0x57: {  	[sflag:s31] =	ssyncadd.s32 $0xFFFFFFB0  }
0x58: {  	[tilespmem:s4], [sflag:$0x1] =	stream.indirect.gather [hbm4b:s12+s3], $0x80, s24, s3, $0xb8;
	[tilespmem:$0x1BA00] =	vst v63  }
0x59: {  	s23 =	sadd.s32 $0x0, s29  }
0x5a: {  	[tilespmem:s5], [sflag:$0x4] =	stream.linear.gather [hbm4b:s23+s2], $0x50, $0x38;
	[tilespmem:$0x1BA00] =	vst v63  }
0x5b: {  	_ =	swait.ge [sflag:s6], $0x50  }
0x5c: {  	[sflag:s6] =	ssyncset.done $0x0  }
0x5d: {  	s24 =	sadd.s32 $0x0, s28;
	[sflag:s6] =	ssyncadd.s32 $0xFFFFFFB0  }
0x5e: {  	[tilespmem:s7], [sflag:$0x4] =	stream.linear.gather [hbm4b:s24+s2], $0x50, $0x38;
	[tilespmem:$0x1BA00] =	vst v63  }
0x5f: {  	_ =	swait.ge [sflag:s6], $0x50  }
0x60: {  	[sflag:s6] =	ssyncset.done $0x0  }
0x61: {  	[sflag:s6] =	ssyncadd.s32 $0xFFFFFFB0  }
0x62: {  	[tilespmem:s8], [sflag:$0x2] =	stream.indirect.gather [hbm4b:s12+s3], $0x80, s5, s3, $0xb8;
	[tilespmem:$0x1BA00] =	vst v63  }
0x63: {  	_ =	swait.ge [sflag:s9], $0x2800  }
0x64: {  	[sflag:s9] =	ssyncset.done $0x0  }
0x65: {  	[sflag:s9] =	ssyncadd.s32 $0xFFFFD800  }
0x66: {  	[spmem:s1] =	stream.indirect.scatter.add.f32 [tilespmem:s4], [sflag:$0x4], $0x80, s0, s3, $0xb8;
	[tilespmem:$0x1BA00] =	vst v63  }
0x67: {  	_ =	swait.ge [sflag:s6], $0x2800  }
0x68: {  	s25 =	sshrl.u32 s26, $0x3;
	[sflag:s6] =	ssyncset.done $0x0  }
0x69: {  	s23 =	sadd.s32 s13, s25;
	[sflag:s6] =	ssyncadd.s32 $0xFFFFD800  }
0x6a: {  	[tilespmem:s2], [sflag:$0x4] =	stream.linear.gather [hbm4b:s23+s2], $0x50, $0x38;
	[tilespmem:$0x1BA00] =	vst v63  }
0x6b: {  	_ =	swait.ge [sflag:s6], $0x50  }
0x6c: {  	[sflag:s6] =	ssyncset.done $0x0  }
0x6d: {  	s15 =	sadd.s32 s14, s25;
	[sflag:s6] =	ssyncadd.s32 $0xFFFFFFB0  }
0x6e: {  	[tilespmem:s0], [sflag:$0x4] =	stream.linear.gather [hbm4b:s15+s2], $0x50, $0x38;
	[tilespmem:$0x1BA00] =	vst v63  }
0x6f: {  	_ =	swait.ge [sflag:s6], $0x50  }
0x70: {  	[sflag:s6] =	ssyncset.done $0x0  }
0x71: {  	[sflag:s6] =	ssyncadd.s32 $0xFFFFFFB0  }
0x72: {  	[tilespmem:s4], [sflag:$0x1] =	stream.indirect.gather [hbm4b:s12+s3], $0x80, s2, s3, $0xb8;
	[tilespmem:$0x1BA00] =	vst v63  }
0x73: {  	_ =	swait.ge [sflag:s10], $0x2800  }
0x74: {  	[sflag:s10] =	ssyncset.done $0x0  }
0x75: {  	[sflag:s10] =	ssyncadd.s32 $0xFFFFD800  }
0x76: {  	[spmem:s1] =	stream.indirect.scatter.add.f32 [tilespmem:s8], [sflag:$0x3], $0x80, s7, s3, $0xb8;
	[tilespmem:$0x1BA00] =	vst v63  }
0x77: {  	s25 =	simm.s32 $0x28;
	_ =	swait.ge [sflag:s31], $0x2800  }
0x78: {  	s24 =	simm.s32 $0x14;
	s23 =	sadd.s32 $0xA0, s26;
	[sflag:s31] =	ssyncset.done $0x0  }
.LBB2_4:
0x79: {  	s16 =	sadd.s32 s24, s29  }
0x7a: {  	[sflag:s31] =	ssyncadd.s32 $0xFFFFD800;
	s17 =	smov.u32 s25;
	s15 =	sadd.s32 $0x14, s25  }
0x7b: {  	[tilespmem:s5], [sflag:$0x4] =	stream.linear.gather [hbm4b:s16+s2], $0x50, $0x38;
	[tilespmem:$0x1BA00] =	vst v63  }
0x7c: {  	p0 =	sne.s32 s25, $0x4C4;
	_ =	swait.ge [sflag:s6], $0x50  }
0x7d: {  	[sflag:s6] =	ssyncset.done $0x0  }
0x7e: {  	s16 =	sadd.s32 s24, s28;
	s24 =	smov.u32 s17;
	[sflag:s6] =	ssyncadd.s32 $0xFFFFFFB0  }
0x7f: {  	[tilespmem:s7], [sflag:$0x4] =	stream.linear.gather [hbm4b:s16+s2], $0x50, $0x38;
	[tilespmem:$0x1BA00] =	vst v63  }
0x80: {  	_ =	swait.ge [sflag:s6], $0x50  }
0x81: {  	[sflag:s6] =	ssyncset.done $0x0  }
0x82: {  	[sflag:s6] =	ssyncadd.s32 $0xFFFFFFB0  }
0x83: {  	[tilespmem:s8], [sflag:$0x2] =	stream.indirect.gather [hbm4b:s12+s3], $0x80, s5, s3, $0xb8;
	[tilespmem:$0x1BA00] =	vst v63  }
0x84: {  	_ =	swait.ge [sflag:s9], $0x2800  }
0x85: {  	[sflag:s9] =	ssyncset.done $0x0  }
0x86: {  	[sflag:s9] =	ssyncadd.s32 $0xFFFFD800  }
0x87: {  	[spmem:s1] =	stream.indirect.scatter.add.f32 [tilespmem:s4], [sflag:$0x4], $0x80, s0, s3, $0xb8;
	[tilespmem:$0x1BA00] =	vst v63  }
0x88: {  	_ =	swait.ge [sflag:s6], $0x2800  }
0x89: {  	s16 =	sshrl.u32 s23, $0x3;
	[sflag:s6] =	ssyncset.done $0x0  }
0x8a: {  	s17 =	sadd.s32 s13, s16;
	[sflag:s6] =	ssyncadd.s32 $0xFFFFD800  }
0x8b: {  	[tilespmem:s2], [sflag:$0x4] =	stream.linear.gather [hbm4b:s17+s2], $0x50, $0x38;
	[tilespmem:$0x1BA00] =	vst v63  }
0x8c: {  	_ =	swait.ge [sflag:s6], $0x50  }
0x8d: {  	[sflag:s6] =	ssyncset.done $0x0  }
0x8e: {  	s16 =	sadd.s32 s14, s16;
	[sflag:s6] =	ssyncadd.s32 $0xFFFFFFB0  }
0x8f: {  	[tilespmem:s0], [sflag:$0x4] =	stream.linear.gather [hbm4b:s16+s2], $0x50, $0x38;
	[tilespmem:$0x1BA00] =	vst v63  }
0x90: {  	_ =	swait.ge [sflag:s6], $0x50  }
0x91: {  	[sflag:s6] =	ssyncset.done $0x0  }
0x92: {  	[sflag:s6] =	ssyncadd.s32 $0xFFFFFFB0  }
0x93: {  	[tilespmem:s4], [sflag:$0x1] =	stream.indirect.gather [hbm4b:s12+s3], $0x80, s2, s3, $0xb8;
	[tilespmem:$0x1BA00] =	vst v63  }
0x94: {  	_ =	swait.ge [sflag:s10], $0x2800  }
.Ltmp1:
0x95: {  	[sflag:s10] =	ssyncset.done $0x0;
	(pc) =	sbr.rel @p0 .LBB2_4-.Ltmp1, $4  }
0x96: {  	[sflag:s10] =	ssyncadd.s32 $0xFFFFD800  }
0x97: {  	[spmem:s1] =	stream.indirect.scatter.add.f32 [tilespmem:s8], [sflag:$0x3], $0x80, s7, s3, $0xb8;
	[tilespmem:$0x1BA00] =	vst v63  }
0x98: {  	_ =	swait.ge [sflag:s31], $0x2800  }
0x99: {  	s25 =	smov.u32 s15;
	s23 =	sadd.s32 $0xA0, s23;
	[sflag:s31] =	ssyncset.done $0x0  }
0x9a: {  	s15 =	sadd.s32 s24, s29;
	[sflag:s31] =	ssyncadd.s32 $0xFFFFD800  }
0x9b: {  	[tilespmem:s5], [sflag:$0x4] =	stream.linear.gather [hbm4b:s15+s2], $0x50, $0x38;
	[tilespmem:$0x1BA00] =	vst v63  }
0x9c: {  	_ =	swait.ge [sflag:s6], $0x50  }
0x9d: {  	[sflag:s6] =	ssyncset.done $0x0  }
0x9e: {  	s17 =	sadd.s32 s24, s28;
	[sflag:s6] =	ssyncadd.s32 $0xFFFFFFB0  }
0x9f: {  	[tilespmem:s7], [sflag:$0x4] =	stream.linear.gather [hbm4b:s17+s2], $0x50, $0x38;
	[tilespmem:$0x1BA00] =	vst v63  }
0xa0: {  	_ =	swait.ge [sflag:s6], $0x50  }
0xa1: {  	[sflag:s6] =	ssyncset.done $0x0  }
0xa2: {  	[sflag:s6] =	ssyncadd.s32 $0xFFFFFFB0  }
0xa3: {  	[tilespmem:s8], [sflag:$0x2] =	stream.indirect.gather [hbm4b:s12+s3], $0x80, s5, s3, $0xb8;
	[tilespmem:$0x1BA00] =	vst v63  }
0xa4: {  	_ =	swait.ge [sflag:s9], $0x2800  }
0xa5: {  	[sflag:s9] =	ssyncset.done $0x0  }
0xa6: {  	[sflag:s9] =	ssyncadd.s32 $0xFFFFD800  }
0xa7: {  	[spmem:s1] =	stream.indirect.scatter.add.f32 [tilespmem:s4], [sflag:$0x4], $0x80, s0, s3, $0xb8;
	[tilespmem:$0x1BA00] =	vst v63  }
0xa8: {  	_ =	swait.ge [sflag:s6], $0x2800  }
0xa9: {  	s23 =	sshrl.u32 s23, $0x3;
	[sflag:s6] =	ssyncset.done $0x0  }
0xaa: {  	s16 =	sadd.s32 s13, s23;
	[sflag:s6] =	ssyncadd.s32 $0xFFFFD800  }
0xab: {  	[tilespmem:s2], [sflag:$0x4] =	stream.linear.gather [hbm4b:s16+s2], $0x50, $0x38;
	[tilespmem:$0x1BA00] =	vst v63  }
0xac: {  	_ =	swait.ge [sflag:s6], $0x50  }
0xad: {  	[sflag:s6] =	ssyncset.done $0x0  }
0xae: {  	s15 =	sadd.s32 s14, s23;
	[sflag:s6] =	ssyncadd.s32 $0xFFFFFFB0  }
0xaf: {  	[tilespmem:s0], [sflag:$0x4] =	stream.linear.gather [hbm4b:s15+s2], $0x50, $0x38;
	[tilespmem:$0x1BA00] =	vst v63  }
0xb0: {  	_ =	swait.ge [sflag:s6], $0x50  }
0xb1: {  	[sflag:s6] =	ssyncset.done $0x0  }
0xb2: {  	[sflag:s6] =	ssyncadd.s32 $0xFFFFFFB0  }
0xb3: {  	[tilespmem:s4], [sflag:$0x1] =	stream.indirect.gather [hbm4b:s12+s3], $0x80, s2, s3, $0xb8;
	[tilespmem:$0x1BA00] =	vst v63  }
0xb4: {  	_ =	swait.ge [sflag:s10], $0x2800  }
0xb5: {  	[sflag:s10] =	ssyncset.done $0x0  }
0xb6: {  	[sflag:s10] =	ssyncadd.s32 $0xFFFFD800  }
0xb7: {  	[spmem:s1] =	stream.indirect.scatter.add.f32 [tilespmem:s8], [sflag:$0x3], $0x80, s7, s3, $0xb8;
	[tilespmem:$0x1BA00] =	vst v63  }
0xb8: {  	_ =	swait.ge [sflag:s31], $0x2800  }
0xb9: {  	[sflag:s31] =	ssyncset.done $0x0  }
0xba: {  	[sflag:s31] =	ssyncadd.s32 $0xFFFFD800  }
0xbb: {  	_ =	swait.ge [sflag:s9], $0x2800  }
0xbc: {  	[sflag:s9] =	ssyncset.done $0x0  }
0xbd: {  	[sflag:s9] =	ssyncadd.s32 $0xFFFFD800  }
0xbe: {  	[spmem:s1] =	stream.indirect.scatter.add.f32 [tilespmem:s4], [sflag:$0x4], $0x80, s0, s3, $0xb8;
	[tilespmem:$0x1BA00] =	vst v63  }
0xbf: {  	_ =	swait.ge [sflag:s6], $0x2800  }
0xc0: {  	[sflag:s6] =	ssyncset.done $0x0  }
0xc1: {  	[sflag:s6] =	ssyncadd.s32 $0xFFFFD800  }
0xc2: {  	[bflag:$0x0] =	sbarrier.arrive $0xFFFF  }
0xc3: {  	[tilespmem:s30], [sflag:$0x3] =	stream.linear.gather [spmem:s18], $0x2800, $0x38;
	[tilespmem:$0x1BA00] =	vst v63  }
0xc4: {  	_ =	swait.ge [sflag:s31], $0x2800  }
0xc5: {  	[sflag:s31] =	ssyncset.done $0x0  }
0xc6: {  	s24 =	rddreg [dreg:$0x3];
	[sflag:s31] =	ssyncadd.s32 $0xFFFFD800  }
0xc7: {  	[hbm4b:s24+s2] =	stream.linear.scatter [tilespmem:s30], [sflag:$0x3], $0x2800, $0x38;
	[tilespmem:$0x1BA00] =	vst v63  }
0xc8: {  	_ =	swait.ge [sflag:s31], $0x2800  }
0xc9: {  	[sflag:s31] =	ssyncset.done $0x0  }
0xca: {  	[sflag:s31] =	ssyncadd.s32 $0xFFFFD800  }
0xcb: {  	[tilespmem:s30], [sflag:$0x3] =	stream.linear.gather [spmem:s19], $0x2800, $0x38;
	[tilespmem:$0x1BA00] =	vst v63  }
0xcc: {  	_ =	swait.ge [sflag:s31], $0x2800  }
0xcd: {  	[sflag:s31] =	ssyncset.done $0x0  }
0xce: {  	s25 =	rddreg [dreg:$0x4];
	[sflag:s31] =	ssyncadd.s32 $0xFFFFD800  }
0xcf: {  	[hbm4b:s25+s2] =	stream.linear.scatter [tilespmem:s30], [sflag:$0x3], $0x2800, $0x38;
	[tilespmem:$0x1BA00] =	vst v63  }
0xd0: {  	_ =	swait.ge [sflag:s31], $0x2800  }
0xd1: {  	[sflag:s31] =	ssyncset.done $0x0  }
0xd2: {  	s16 =	smov.u32 s18;
	s18 =	rddreg [dreg:$0xb];
	[sflag:s31] =	ssyncadd.s32 $0xFFFFD800  }
0xd3: {  	[tilespmem:s30], [sflag:$0x3] =	stream.linear.gather [spmem:s18], $0x2800, $0x38;
	[tilespmem:$0x1BA00] =	vst v63  }
0xd4: {  	_ =	swait.ge [sflag:s31], $0x2800  }
0xd5: {  	[sflag:s31] =	ssyncset.done $0x0  }
0xd6: {  	s17 =	smov.u32 s19;
	s19 =	rddreg [dreg:$0x5];
	[sflag:s31] =	ssyncadd.s32 $0xFFFFD800  }
0xd7: {  	[hbm4b:s19+s2] =	stream.linear.scatter [tilespmem:s30], [sflag:$0x3], $0x2800, $0x38;
	[tilespmem:$0x1BA00] =	vst v63  }
0xd8: {  	_ =	swait.ge [sflag:s31], $0x2800  }
0xd9: {  	[sflag:s31] =	ssyncset.done $0x0  }
0xda: {  	s23 =	rddreg [dreg:$0xc];
	[sflag:s31] =	ssyncadd.s32 $0xFFFFD800  }
0xdb: {  	[tilespmem:s30], [sflag:$0x3] =	stream.linear.gather [spmem:s23], $0x2800, $0x38;
	[tilespmem:$0x1BA00] =	vst v63  }
0xdc: {  	_ =	swait.ge [sflag:s31], $0x2800  }
0xdd: {  	[sflag:s31] =	ssyncset.done $0x0  }
0xde: {  	s24 =	rddreg [dreg:$0x6];
	[sflag:s31] =	ssyncadd.s32 $0xFFFFD800  }
0xdf: {  	[hbm4b:s24+s2] =	stream.linear.scatter [tilespmem:s30], [sflag:$0x3], $0x2800, $0x38;
	[tilespmem:$0x1BA00] =	vst v63  }
0xe0: {  	_ =	swait.ge [sflag:s31], $0x2800  }
0xe1: {  	[sflag:s31] =	ssyncset.done $0x0  }
0xe2: {  	s25 =	rddreg [dreg:$0xd];
	[sflag:s31] =	ssyncadd.s32 $0xFFFFD800  }
0xe3: {  	[tilespmem:s30], [sflag:$0x3] =	stream.linear.gather [spmem:s25], $0x2800, $0x38;
	[tilespmem:$0x1BA00] =	vst v63  }
0xe4: {  	_ =	swait.ge [sflag:s31], $0x2800  }
0xe5: {  	[sflag:s31] =	ssyncset.done $0x0  }
0xe6: {  	s18 =	rddreg [dreg:$0x7];
	[sflag:s31] =	ssyncadd.s32 $0xFFFFD800  }
0xe7: {  	[hbm4b:s18+s2] =	stream.linear.scatter [tilespmem:s30], [sflag:$0x3], $0x2800, $0x38;
	[tilespmem:$0x1BA00] =	vst v63  }
0xe8: {  	_ =	swait.ge [sflag:s31], $0x2800  }
0xe9: {  	[sflag:s31] =	ssyncset.done $0x0  }
0xea: {  	[sflag:s31] =	ssyncadd.s32 $0xFFFFD800  }
0xeb: {  	[tilespmem:s30], [sflag:$0x3] =	stream.linear.gather [spmem:s20], $0x2800, $0x38;
	[tilespmem:$0x1BA00] =	vst v63  }
0xec: {  	_ =	swait.ge [sflag:s31], $0x2800  }
0xed: {  	[sflag:s31] =	ssyncset.done $0x0  }
0xee: {  	s19 =	rddreg [dreg:$0x8];
	[sflag:s31] =	ssyncadd.s32 $0xFFFFD800  }
0xef: {  	[hbm4b:s19+s2] =	stream.linear.scatter [tilespmem:s30], [sflag:$0x3], $0x2800, $0x38;
	[tilespmem:$0x1BA00] =	vst v63  }
0xf0: {  	_ =	swait.ge [sflag:s31], $0x2800  }
0xf1: {  	[sflag:s31] =	ssyncset.done $0x0  }
0xf2: {  	[sflag:s31] =	ssyncadd.s32 $0xFFFFD800  }
0xf3: {  	[tilespmem:s30], [sflag:$0x3] =	stream.linear.gather [spmem:s21], $0x2800, $0x38;
	[tilespmem:$0x1BA00] =	vst v63  }
0xf4: {  	_ =	swait.ge [sflag:s31], $0x2800  }
0xf5: {  	[sflag:s31] =	ssyncset.done $0x0  }
0xf6: {  	s23 =	rddreg [dreg:$0x9];
	[sflag:s31] =	ssyncadd.s32 $0xFFFFD800  }
0xf7: {  	[hbm4b:s23+s2] =	stream.linear.scatter [tilespmem:s30], [sflag:$0x3], $0x2800, $0x38;
	[tilespmem:$0x1BA00] =	vst v63  }
0xf8: {  	_ =	swait.ge [sflag:s31], $0x2800  }
0xf9: {  	[sflag:s31] =	ssyncset.done $0x0  }
0xfa: {  	[sflag:s31] =	ssyncadd.s32 $0xFFFFD800  }
0xfb: {  	[tilespmem:s30], [sflag:$0x3] =	stream.linear.gather [spmem:s22], $0x2800, $0x38;
	[tilespmem:$0x1BA00] =	vst v63  }
0xfc: {  	_ =	swait.ge [sflag:s31], $0x2800  }
0xfd: {  	[sflag:s31] =	ssyncset.done $0x0  }
0xfe: {  	s24 =	rddreg [dreg:$0xa];
	[sflag:s31] =	ssyncadd.s32 $0xFFFFD800  }
0xff: {  	[hbm4b:s24+s2] =	stream.linear.scatter [tilespmem:s30], [sflag:$0x3], $0x2800, $0x38;
	[tilespmem:$0x1BA00] =	vst v63  }
0x100: {  	_ =	swait.ge [sflag:s31], $0x2800  }
0x101: {  	s11 =	sadd.s32 $0x1, s11;
	s25 =	rddreg [dreg:$0x10]  }
0x102: {  	p0 =	sne.s32 s11, s25  }
.Ltmp2:
0x103: {  	_ = 	snop;
	(pc) =	sbr.rel @p0 .LBB2_1-.Ltmp2, $3  }
0x104: {  	_ =	sdelay $0x1  }
0x105: {  	[sflag:s31] =	ssyncset.done $0x0  }
0x106: {  	[sflag:s31] =	ssyncadd.s32 $0xFFFFD800  }
0x107: {  	_ =	sfence.sel $0x180000  }
0x108: {  	[bflag:$0x0] =	sbarrier.arrive $0xFFFF  }
0x109: {  	_ =	strace $0x9000004A  }
0x10a: {  	s0 =	stileid.u32;
	[bflag:$0x2] =	sbarrier.arrive $0xFFFF  }
0x10b: {  	p0 =	sne.s32 s0, $0x0;
	s0 =	rddreg [dreg:$0x2]  }
0x10c: {  	s0 =	sadd.s32 @!p0 $0x100000, s0  }
0x10d: {  	[sflag:s0] =	ssyncadd.tile.s32 @!p0 $0x1;
	_ =	shalt  }
.Lfunc_end2:
_tile_overlayer_lowered:
.L_overlay_start_2:
0x10e: {  	(tag) =	ssettag $0x2  }
0x10f: {  	s0 =	rddreg [dreg:$0x0];
	s2 =	stileid.u32  }
0x110: {  	s1 =	rddreg [dreg:$0x1];
	p0 =	sne.s32 s2, $0x0  }
0x111: {  	s3 =	rddreg [dreg:$0x2];
	[bflag:$0x3] =	sbarrier.arrive $0xFFFF;
	s2 =	simm.s32 @!p0 $0x1C03  }
0x112: {  	[timem:s3], [sflag:s2] =	dma.local @!p0 [hbm:s0], s1  }
0x113: {  	s0 =	simm.s32 @!p0 $0x3  }
0x114: {  	_ =	swait.ge @!p0 [sflag:s0], s1  }
0x115: {  	s1 =	ssub.s32 @!p0 $0x0, s1;
	[sflag:s0] =	ssyncset.done @!p0 $0x0  }
0x116: {  	[sflag:s0] =	ssyncadd.s32 @!p0 s1  }
0x117: {  	[bflag:$0x3] =	sbarrier.arrive $0xFFFF  }
0x118: {  	_ =	shalt  }

// kernel: kernel.14.cloned.1.call-start
scs
__scs_entry_jumppad:
0x0: {  	(pc) =	sbr.rel $0x88, $3  }
0x1: {  	(tag) =	ssettag $0x0;
	lr =	simm.s32 $0x1  }
0x2: {  	[smem:$0x3F94] =	sst lr;
	_ =	strace $0xD0000000  }
0x3: {  	_ = 	snop  }
0x4: {  	_ = 	snop  }
0x5: {  	_ = 	snop  }
0x6: {  	_ = 	snop  }
0x7: {  	_ = 	snop  }
__scs_overlays_trampoline_lowered:
0x8: {  	[smem:$0x3FA3] =	sst s0  }
0x9: {  	[smem:$0x3FA4] =	sst s1  }
0xa: {  	[smem:$0x3FA5] =	sst s2  }
0xb: {  	[smem:$0x3FA6] =	sst s3  }
0xc: {  	[smem:$0x3FA7] =	sst s4  }
0xd: {  	[smem:$0x3FA8] =	sst s5  }
0xe: {  	[smem:$0x3FA9] =	sst s6  }
0xf: {  	[smem:$0x3FAA] =	sst s7  }
0x10: {  	[smem:$0x3FAB] =	sst s8  }
0x11: {  	[smem:$0x3FAC] =	sst s9;
	s0 =	simm.s32 @!p0 $0x0  }
0x12: {  	s1 =	sld [smem:$0x3F92];
	s0 =	simm.s32 @p0 $0x1  }
0x13: {  	[smem:$0x3FAD] =	sst s0;
	s0 =	simm.s32 @!p1 $0x0  }
0x14: {  	s2 =	sld [smem:$0x3F91];
	s0 =	simm.s32 @p1 $0x1  }
0x15: {  	[smem:$0x3FAE] =	sst s0;
	s0 =	simm.s32 @!p2 $0x0  }
0x16: {  	s3 =	sld [smem:$0x3FDB];
	s0 =	simm.s32 @p2 $0x1  }
0x17: {  	s4 =	simm.s32 $0x1BF5;
	[smem:$0x3FB0] =	sst s0  }
0x18: {  	s0 =	sld [smem:$0x3F93];
	_ =	swait.ge [sflag:s4], $0x0  }
0x19: {  	s7 =	sld [smem:$0x3F94]  }
0x1a: {  	s8 =	sadd.s32 $0xFFFFE003, lr  }
0x1b: {  	s9 =	sadd.s32 $0xFFFFFEF7, lr;
	s5 =	simm.s32 $0xFFFFFFFF;
	p2 =	slt.u32 s8, $0xFFFFF086  }
0x1c: {  	p1 =	slt.u32 s9, $0xF7A;
	s5 =	simm.s32 @!p2 $0x0  }
0x1d: {  	s5 =	simm.s32 @p1 $0x1;
	p0 =	seq.s32 s7, s2  }
0x1e: {  	s7 =	smul.u32 @!p0 $0xF7A, s2;
	p2 =	seq.s32 @!p0 s5, $0x0  }
0x1f: {  	s9 =	smul.u32 $0xF7A, s1;
	s8 =	simm.s32 @!p0 $0x1BF5;
	p2 =	por !p2, p0  }
0x20: {  	[sflag:s8] =	ssyncset.s32 @!p0 $0xFFFFF086;
	s6 =	sadd.s32 @!p0 s3, s7;
	s7 =	simm.s32 @!p0 $0x108  }
0x21: {  	s3 =	sadd.s32 s3, s9;
	s6 =	sadd.s32 @!p0 $0x88, s6;
	s7 =	simm.s32 @p2 $0x1082  }
0x22: {  	[simem:s7], [sflag:s8] =	dma.local @!p0 [hbm:s6], $0xF7A  }
0x23: {  	s9 =	sor.u32 $0xD0000000, s2;
	s6 =	simm.s32 $0x108;
	_ =	swait.ge @!p0 [sflag:s8], $0x0  }
0x24: {  	s3 =	sadd.s32 $0x88, s3;
	s6 =	simm.s32 @!p1 $0x1082;
	[sflag:s4] =	ssyncset.s32 $0xFFFFF086  }
0x25: {  	[simem:s6], [sflag:s4] =	dma.local [hbm:s3], $0xF7A  }
0x26: {  	[smem:$0x3F94] =	sst s1;
	(tag) =	ssettag s2;
	_ =	strace s9  }
0x27: {  	s1 =	sld [smem:$0x3FA4]  }
0x28: {  	s2 =	sld [smem:$0x3FA5]  }
0x29: {  	s4 =	sld [smem:$0x3FA7]  }
0x2a: {  	p0 =	seq.s32 s5, $0x0;
	s5 =	sld [smem:$0x3FA8]  }
0x2b: {  	s6 =	sld [smem:$0x3FA9]  }
0x2c: {  	s7 =	sld [smem:$0x3FAA]  }
0x2d: {  	s3 =	simm.s32 $0x108;
	s8 =	sld [smem:$0x3FAB]  }
0x2e: {  	s3 =	simm.s32 @!p0 $0x1082;
	s9 =	sld [smem:$0x3FAC]  }
0x2f: {  	lr =	sadd.s32 s0, s3;
	s0 =	sld [smem:$0x3FA3]  }
0x30: {  	s3 =	sld [smem:$0x3FA6]  }
0x31: {  	[smem:$0x3FAF] =	sst s10  }
0x32: {  	s10 =	sld [smem:$0x3FAD];
	_ =	sdelay $0x3  }
0x33: {  	p0 =	seq.s32 s10, $0x1;
	s10 =	sld [smem:$0x3FAF];
	_ =	sdelay $0x3  }
0x34: {  	[smem:$0x3FAF] =	sst s10  }
0x35: {  	s10 =	sld [smem:$0x3FAE];
	_ =	sdelay $0x3  }
0x36: {  	p1 =	seq.s32 s10, $0x1;
	s10 =	sld [smem:$0x3FAF];
	_ =	sdelay $0x3  }
0x37: {  	[smem:$0x3FAF] =	sst s10  }
0x38: {  	s10 =	sld [smem:$0x3FB0]  }
0x39: {  	_ = 	snop;
	(pc) =	sbr.ind lr, $3  }
0x3a: {  	_ = 	snop  }
0x3b: {  	_ = 	snop  }
0x3c: {  	p2 =	seq.s32 s10, $0x1;
	s10 =	sld [smem:$0x3FAF]  }
0x3d: {  	_ =	shalt  }
0x3e: {  	_ =	shalt  }
0x3f: {  	_ =	shalt  }
0x40: {  	_ =	shalt  }
0x41: {  	_ =	shalt  }
0x42: {  	_ =	shalt  }
0x43: {  	_ =	shalt  }
0x44: {  	_ =	shalt  }
0x45: {  	_ =	shalt  }
0x46: {  	_ =	shalt  }
0x47: {  	_ =	shalt  }
0x48: {  	_ =	shalt  }
0x49: {  	_ =	shalt  }
0x4a: {  	_ =	shalt  }
0x4b: {  	_ =	shalt  }
0x4c: {  	_ =	shalt  }
0x4d: {  	_ =	shalt  }
0x4e: {  	_ =	shalt  }
0x4f: {  	_ =	shalt  }
0x50: {  	_ =	shalt  }
0x51: {  	_ =	shalt  }
0x52: {  	_ =	shalt  }
0x53: {  	_ =	shalt  }
0x54: {  	_ =	shalt  }
0x55: {  	_ =	shalt  }
0x56: {  	_ =	shalt  }
0x57: {  	_ =	shalt  }
0x58: {  	_ =	shalt  }
0x59: {  	_ =	shalt  }
0x5a: {  	_ =	shalt  }
0x5b: {  	_ =	shalt  }
0x5c: {  	_ =	shalt  }
0x5d: {  	_ =	shalt  }
0x5e: {  	_ =	shalt  }
0x5f: {  	_ =	shalt  }
0x60: {  	_ =	shalt  }
0x61: {  	_ =	shalt  }
0x62: {  	_ =	shalt  }
0x63: {  	_ =	shalt  }
0x64: {  	_ =	shalt  }
0x65: {  	_ =	shalt  }
0x66: {  	_ =	shalt  }
0x67: {  	_ =	shalt  }
0x68: {  	_ =	shalt  }
0x69: {  	_ =	shalt  }
0x6a: {  	_ =	shalt  }
0x6b: {  	_ =	shalt  }
0x6c: {  	_ =	shalt  }
0x6d: {  	_ =	shalt  }
0x6e: {  	_ =	shalt  }
0x6f: {  	_ =	shalt  }
0x70: {  	_ =	shalt  }
0x71: {  	_ =	shalt  }
0x72: {  	_ =	shalt  }
0x73: {  	_ =	shalt  }
0x74: {  	_ =	shalt  }
0x75: {  	_ =	shalt  }
0x76: {  	_ =	shalt  }
0x77: {  	_ =	shalt  }
0x78: {  	_ =	shalt  }
0x79: {  	_ =	shalt  }
0x7a: {  	_ =	shalt  }
0x7b: {  	_ =	shalt  }
0x7c: {  	_ =	shalt  }
0x7d: {  	_ =	shalt  }
0x7e: {  	_ =	shalt  }
0x7f: {  	_ =	shalt  }
0x80: {  	_ =	shalt  }
0x81: {  	_ =	shalt  }
0x82: {  	_ =	shalt  }
0x83: {  	_ =	shalt  }
0x84: {  	_ =	shalt  }
0x85: {  	_ =	shalt  }
0x86: {  	_ =	shalt  }
0x87: {  	_ =	shalt  }
.Lfunc_end0:
.L_simem_size_0:
called_computation.2_lowered:
.L_overlay_start_0:
0x88: {  	s2 =	sld [smem:$0x3FD9]  }
0x89: {  	s3 =	sld [smem:$0x3FFE];
	_ =	sdelay $0x1  }
0x8a: {  	s1 =	srdreg.scid  }
0x8b: {  	s0 =	sand.u32 $0x1, s1  }
0x8c: {  	s17 =	sshll.u32 s0, $0xA;
	s2 =	sadd.s32 s3, s2  }
0x8d: {  	s2 =	sadd.s32 s2, s17  }
0x8e: {  	[smem:$0x3FBB] =	sst s2  }
0x8f: {  	_ = 	snop  }
0x90: {  	s2 =	sld [smem:$0x3FBE]  }
0x91: {  	s18 =	sld [smem:$0x3FD0];
	(tm) =	ssettm $0x1  }
0x92: {  	s4 =	sld [smem:$0x3FFB];
	_ =	sdelay $0x3  }
0x93: {  	_ =	strace s4  }
0x94: {  	s4 =	sld [smem:$0x3FFC];
	_ =	sdelay $0x3  }
0x95: {  	_ =	strace s4  }
0x96: {  	s4 =	sld [smem:$0x3FFD];
	_ =	sdelay $0x3  }
0x97: {  	_ =	strace s4  }
0x98: {  	_ =	strace $0x8FFFFFFF  }
0x99: {  	s19 =	sld [smem:$0x3FDB];
	_ =	sdelay $0x1  }
0x9a: {  	s5 =	simm.s32 $_scs_section_size  }
0x9b: {  	s6 =	simm.s32 $_size__tile_overlayer_lowered;
	s7 =	simm.s32 $_tile_overlayer_lowered  }
0x9c: {  	s22 =	simm.s32 $0x1BFF;
	s21 =	sshll.u32 s7, $0x1;
	s4 =	sadd.s32 s5, s19  }
0x9d: {  	s8 =	simm.s32 $0x0;
	s20 =	sshll.u32 s6, $0x1;
	s6 =	sadd.s32 s21, s4  }
0x9e: {  	[timem:s8], [sflag:s22] =	dma.local [hbm:s6], s20  }
0x9f: {  	_ =	swait.ge [sflag:s22], s20  }
0xa0: {  	s5 =	ssub.s32 $0x0, s20;
	[sflag:s22] =	ssyncset.done $0x0  }
0xa1: {  	[sflag:s22] =	ssyncadd.s32 s5;
	_ =	sdelay $0x1  }
0xa2: {  	s23 =	simm.s32 $0x1B8B  }
0xa3: {  	_ =	swait.ge [sflag:s23], $0x1  }
0xa4: {  	[sflag:s23] =	ssyncset.done $0x0  }
0xa5: {  	s25 =	simm.s32 $0x1B8E;
	s24 =	sld [smem:$0x3FFE];
	[sflag:s23] =	ssyncadd.s32 $0xFFFFFFFF  }
0xa6: {  	s26 =	simm.s32 $execute0_lowered;
	[smem:$0x3FD2] =	sst s25  }
0xa7: {  	s6 =	sshll.u32 s26, $0x1;
	_ =	strace $0x8000004C;
	[dreg:$0x1] =	wrdreg $0xFFFFFFFF  }
0xa8: {  	s28 =	simm.s32 $_size_execute0_lowered;
	s4 =	sadd.s32 s4, s6;
	[dreg:$0x0] =	wrdreg $0x0  }
0xa9: {  	s6 =	sshll.u32 s28, $0x1;
	[dreg:$0x2] =	wrdreg s4  }
0xaa: {  	[dreg:$0x3] =	wrdreg s6  }
0xab: {  	[dreg:$0x4] =	wrdreg $0xC0  }
0xac: {  	_ =	task [dreg:s8], $0x5FFFF  }
0xad: {  	[dreg:$0x1] =	wrdreg $0xFFFFFFFF  }
0xae: {  	[dreg:$0x0] =	wrdreg $0x60  }
0xaf: {  	[dreg:$0x2] =	wrdreg s24  }
0xb0: {  	[dreg:$0x3] =	wrdreg s18  }
0xb1: {  	[dreg:$0x4] =	wrdreg s2  }
0xb2: {  	[dreg:$0x5] =	wrdreg $0x9  }
0xb3: {  	_ =	task.clear_ibuf [dreg:s8], $0x6FFFF;
	_ =	strace $0x9000004C  }
0xb4: {  	s29 =	simm.s32 $0x9;
	_ =	strace $0x8000004E  }
0xb5: {  	_ =	swait.ge [sflag:s29], $0x1  }
0xb6: {  	[sflag:s29] =	ssyncadd.s32 $0xFFFFFFFF  }
0xb7: {  	_ =	strace $0x9000004E  }
0xb8: {  	_ =	sfence  }
0xb9: {  	s30 =	sld [smem:$0x0];
	_ =	sdelay $0x2  }
0xba: {  	s31 =	sshll.u32 s1, $0xD;
	s1 =	sshrl.u32 s1, $0x2  }
0xbb: {  	s3 =	sand.u32 $0x4000, s31;
	s1 =	sadd.s32 s1, s30  }
0xbc: {  	s0 =	sor.u32 s3, s0;
	s1 =	sshll.u32 s1, $0x11  }
0xbd: {  	s0 =	sor.u32 s1, s0  }
0xbe: {  	s0 =	sadd.s32 $0x8F2B, s0  }
0xbf: {  	[sflag:s0] =	ssyncadd.remote.s32 $0x1  }
0xc0: {  	_ =	sfence.sel $0xFFFF  }
0xc1: {  	[dreg:$0x0] =	wrdreg $0xFFFFFFFF;
	(pc) =	sbr.abs _section_cstart, $3  }
0xc2: {  	[dreg:$0x1] =	wrdreg $0xFFFFFFFF  }
0xc3: {  	_ =	task.clear_ibuf [dreg:s8], $0x2FFFF;
	_ =	strace $0x9FFFFFFF  }
0xc4: {  	(tm) =	ssettm $0x7FFFFFFF  }
0xc5: {  	_ =	shalt  }
tec
execute0_lowered:
.L_overlay_start_1:
0x0: {  	(tag) =	ssettag $0x1  }
0x1: {  	s9 =	rddreg [dreg:$0x0]  }
0x2: {  	s1 =	rddreg [dreg:$0x1]  }
0x3: {  	s2 =	rddreg [dreg:$0x2]  }
0x4: {  	s3 =	simm.s32 $0x0;
	s4 =	srdreg.scid;
	s5 =	stileid.u32  }
0x5: {  	s12 =	simm.s32 $0x5100;
	s13 =	simm.s32 $0x3;
	s14 =	simm.s32 $0x4  }
0x6: {  	s15 =	simm.s32 $0x80;
	s16 =	simm.s32 $0x50;
	s17 =	simm.s32 $0x100  }
0x7: {  	s18 =	simm.s32 $0x2900;
	s19 =	simm.s32 $0x1;
	s20 =	simm.s32 $0x2  }
.Ltmp0:
0x8: {  	s21 =	simm.s32 $0x5180;
	s4 =	sand.u32 $0x1, s4;
	(pc) =	sbr.rel .LBB2_1-.Ltmp0, $4  }
0x9: {  	s22 =	simm.s32 $0x0;
	[smem:$0x7FF] =	sst s3;
	s10 =	ssub.s32 $0x2, s4  }
0xa: {  	s6 =	sadd.s32 $0x2200, s9;
	s7 =	sadd.s32 $0x2A200, s9;
	s11 =	sshrl.u32 s10, $0x1  }
0xb: {  	s8 =	sadd.s32 $0xDDE00, s9;
	s9 =	sadd.s32 $0x52200, s9;
	s11 =	ssub.s32 s10, s11  }
0xc: {  	_ =	strace $0x8000004D;
	s10 =	sshll.u32 s5, $0x1;
	s11 =	smax.u32 s11, $0x1  }
.LBB2_7:
0xd: {  	s22 =	sadd.s32 $0x1, s22  }
0xe: {  	p0 =	sne.s32 s22, s11  }
.Ltmp1:
0xf: {  	_ = 	snop;
	(pc) =	sbr.rel @!p0 .LBB2_8-.Ltmp1, $1  }
0x10: {  	_ =	sdelay $0x3  }
.LBB2_1:
.Ltmp2:
0x11: {  	(pc) =	sbr.rel .LBB2_2-.Ltmp2, $4  }
0x12: {  	[tilespmem:s12], [sflag:$0x3] =	stream.linear.gather [hbm4b:s2+s3], $0x80, $0x38;
	[tilespmem:$0x5980] =	vst v63  }
0x13: {  	_ =	swait.ge [sflag:s13], $0x80  }
0x14: {  	[sflag:s13] =	ssyncset.done $0x0  }
0x15: {  	s23 =	simm.s32 $0x0;
	[sflag:s13] =	ssyncadd.s32 $0xFFFFFF80  }
.LBB2_6:
0x16: {  	s23 =	sadd.s32 $0x1, s23  }
0x17: {  	p0 =	sne.s32 s23, $0x28  }
.Ltmp3:
0x18: {  	_ = 	snop;
	(pc) =	sbr.rel @!p0 .LBB2_7-.Ltmp3, $1  }
0x19: {  	_ =	sdelay $0x3  }
.LBB2_2:
0x1a: {  	s24 =	sshll.u32 s23, $0x5  }
0x1b: {  	s24 =	sor.u32 s10, s24  }
0x1c: {  	p0 =	sgt.u32 s24, $0x4E1  }
.Ltmp4:
0x1d: {  	_ = 	snop;
	(pc) =	sbr.rel @p0 .LBB2_6-.Ltmp4, $1  }
0x1e: {  	_ =	sdelay $0x3  }
0x1f: {  	s24 =	sor.u32 s4, s24  }
0x20: {  	s26 =	smul.u32 $0xA, s24;
	_ =	sdelay $0x1  }
0x21: {  	s25 =	simm.s32 $0x0;
	s28 =	sadd.s32 s8, s26  }
0x22: {  	[tilespmem:s25], [sflag:$0x4] =	stream.linear.gather [hbm4b:s28+s25], $0x50, $0x38;
	[tilespmem:$0x5980] =	vst v63  }
0x23: {  	_ =	swait.ge [sflag:s14], $0x50  }
0x24: {  	[sflag:s14] =	ssyncset.done $0x0  }
0x25: {  	s26 =	sadd.s32 s1, s26;
	[sflag:s14] =	ssyncadd.s32 $0xFFFFFFB0  }
0x26: {  	[tilespmem:s15], [sflag:$0x4] =	stream.linear.gather [hbm4b:s26+s25], $0x50, $0x38;
	[tilespmem:$0x5980] =	vst v63  }
0x27: {  	_ =	swait.ge [sflag:s14], $0x50  }
0x28: {  	[sflag:s14] =	ssyncset.done $0x0  }
0x29: {  	[sflag:s14] =	ssyncadd.s32 $0xFFFFFFB0  }
0x2a: {  	[tilespmem:s17], [sflag:$0x1] =	stream.indirect.gather [hbm4b:s6+s16], $0x80, s25, s16, $0xb8;
	[tilespmem:$0x5980] =	vst v63  }
0x2b: {  	_ = 	snop  }
0x2c: {  	[tilespmem:s18], [sflag:$0x2] =	stream.indirect.gather [hbm4b:s7+s16], $0x80, s15, s16, $0xb8;
	[tilespmem:$0x5980] =	vst v63  }
0x2d: {  	_ =	swait.ge [sflag:s19], $0x2800  }
0x2e: {  	[sflag:s19] =	ssyncset.done $0x0  }
0x2f: {  	[sflag:s19] =	ssyncadd.s32 $0xFFFFD800  }
0x30: {  	_ =	swait.ge [sflag:s20], $0x2800  }
0x31: {  	[sflag:s20] =	ssyncset.done $0x0  }
0x32: {  	[sflag:s20] =	ssyncadd.s32 $0xFFFFD800  }
0x33: {  	v0 =	vld [tilespmem:$0x5150]  }
0x34: {  	v1 =	vld [tilespmem:$0x5140]  }
0x35: {  	v2 =	vld [tilespmem:$0x5130]  }
0x36: {  	v3 =	vld [tilespmem:$0x5120]  }
0x37: {  	v4 =	vld [tilespmem:$0x5110]  }
0x38: {  	s0 =	simm.s32 $0x2940;
	v5 =	vld [tilespmem:$0x5100]  }
0x39: {  	s28 =	simm.s32 $0x140;
	v6 =	vld [tilespmem:s0+$0xFFFFFFC0]  }
0x3a: {  	v7 =	vld [tilespmem:s28+$0xFFFFFFC0]  }
0x3b: {  	v8 =	vld [tilespmem:s28+$0xFFFFFFD0]  }
0x3c: {  	v9 =	vld [tilespmem:s0+$0xFFFFFFD0]  }
0x3d: {  	v10 =	vld [tilespmem:s28+$0xFFFFFFE0]  }
0x3e: {  	v11 =	vld [tilespmem:s0+$0xFFFFFFE0]  }
0x3f: {  	v12 =	vld [tilespmem:s0+$0xFFFFFFF0];
	v6 =	vadd.f32 v6, v7  }
0x40: {  	v7 =	vld [tilespmem:s28+$0xFFFFFFF0]  }
0x41: {  	v60 =	vld [tilespmem:s28+$0x0];
	v8 =	vadd.f32 v9, v8;
	v6 =	vmax.f32 v6, $0.0e+00  }
0x42: {  	v5 =	vmul.f32 v6, v5;
	v6 =	vld [tilespmem:s0+$0x0]  }
0x43: {  	v61 =	vld [tilespmem:s28+$0x10];
	v10 =	vadd.f32 v11, v10;
	v8 =	vmax.f32 v8, $0.0e+00  }
0x44: {  	v4 =	vmul.f32 v8, v4;
	v8 =	vld [tilespmem:s0+$0x10];
	v5 =	vadd.f32 $0.0e+00, v5  }
0x45: {  	v62 =	vld [tilespmem:s28+$0x20];
	v10 =	vmax.f32 v10, $0.0e+00;
	v7 =	vadd.f32 v12, v7  }
0x46: {  	v3 =	vmul.f32 v10, v3;
	v4 =	vadd.f32 v4, v5;
	v5 =	vld [tilespmem:s0+$0x20]  }
0x47: {  	v63 =	vld [tilespmem:s28+$0x30];
	v7 =	vmax.f32 v7, $0.0e+00;
	v6 =	vadd.f32 v6, v60  }
0x48: {  	v2 =	vmul.f32 v7, v2;
	v3 =	vadd.f32 v3, v4;
	v4 =	vld [tilespmem:s0+$0x30]  }
0x49: {  	v7 =	vadd.f32 v8, v61;
	v8 =	vld [tilespmem:$0x5160];
	v6 =	vmax.f32 v6, $0.0e+00  }
0x4a: {  	v2 =	vadd.f32 v2, v3;
	v1 =	vmul.f32 v6, v1  }
0x4b: {  	v3 =	vmax.f32 v7, $0.0e+00;
	v6 =	vld [tilespmem:$0x5170];
	v5 =	vadd.f32 v5, v62  }
0x4c: {  	v0 =	vmul.f32 v3, v0;
	v1 =	vadd.f32 v1, v2  }
0x4d: {  	v2 =	vmax.f32 v5, $0.0e+00;
	v3 =	vadd.f32 v4, v63  }
0x4e: {  	v0 =	vadd.f32 v0, v1;
	v1 =	vmul.f32 v2, v8  }
0x4f: {  	v2 =	vmax.f32 v3, $0.0e+00  }
0x50: {  	v0 =	vadd.f32 v1, v0;
	v1 =	vmul.f32 v2, v6  }
0x51: {  	s31 =	sand.u32 $0x1E00, s25  }
0x52: {  	s26 =	sshrl.u32 s31, $0x2;
	s28 =	sand.u32 $0x70, s25;
	v0 =	vadd.f32 v1, v0  }
0x53: {  	s26 =	sor.u32 s28, s26  }
0x54: {  	[tilespmem:s26+$0x5180] =	vst v0  }
0x55: {  	v0 =	vld [tilespmem:$0x5150]  }
0x56: {  	v1 =	vld [tilespmem:$0x5140]  }
0x57: {  	v2 =	vld [tilespmem:$0x5130]  }
0x58: {  	v3 =	vld [tilespmem:$0x5120]  }
0x59: {  	v4 =	vld [tilespmem:$0x5110]  }
0x5a: {  	s28 =	simm.s32 $0x29C0;
	v5 =	vld [tilespmem:$0x5100]  }
0x5b: {  	s29 =	simm.s32 $0x1C0;
	v6 =	vld [tilespmem:s28+$0xFFFFFFC0]  }
0x5c: {  	s30 =	simm.s32 $0x80;
	s26 =	simm.s32 $0x40;
	v7 =	vld [tilespmem:s29+$0xFFFFFFC0]  }
.LBB2_4:
0x5d: {  	p0 =	sne.s32 s30, $0x13C0;
	v8 =	vld [tilespmem:s29+$0xFFFFFFD0]  }
0x5e: {  	v9 =	vld [tilespmem:s28+$0xFFFFFFD0]  }
0x5f: {  	v10 =	vld [tilespmem:s29+$0xFFFFFFE0]  }
0x60: {  	v11 =	vld [tilespmem:s28+$0xFFFFFFE0]  }
0x61: {  	v6 =	vadd.f32 v6, v7;
	v7 =	vld [tilespmem:s29+$0xFFFFFFF0]  }
0x62: {  	v12 =	vld [tilespmem:s28+$0xFFFFFFF0]  }
0x63: {  	v6 =	vmax.f32 v6, $0.0e+00;
	v8 =	vadd.f32 v9, v8;
	v9 =	vld [tilespmem:s29+$0x0]  }
0x64: {  	v5 =	vmul.f32 v6, v5;
	v6 =	vld [tilespmem:s28+$0x0]  }
0x65: {  	v8 =	vmax.f32 v8, $0.0e+00;
	v10 =	vadd.f32 v11, v10;
	v11 =	vld [tilespmem:s29+$0x10]  }
0x66: {  	v5 =	vadd.f32 $0.0e+00, v5;
	v4 =	vmul.f32 v8, v4;
	v8 =	vld [tilespmem:s28+$0x10]  }
0x67: {  	v10 =	vmax.f32 v10, $0.0e+00;
	v7 =	vadd.f32 v12, v7;
	v12 =	vld [tilespmem:s29+$0x20]  }
0x68: {  	v4 =	vadd.f32 v4, v5;
	v3 =	vmul.f32 v10, v3;
	v5 =	vld [tilespmem:s28+$0x20]  }
0x69: {  	v7 =	vmax.f32 v7, $0.0e+00;
	v6 =	vadd.f32 v6, v9;
	v9 =	vld [tilespmem:s29+$0x30]  }
0x6a: {  	v3 =	vadd.f32 v3, v4;
	v2 =	vmul.f32 v7, v2;
	v4 =	vld [tilespmem:s28+$0x30]  }
0x6b: {  	v6 =	vmax.f32 v6, $0.0e+00;
	v7 =	vadd.f32 v8, v11;
	v8 =	vld [tilespmem:$0x5160]  }
0x6c: {  	v2 =	vadd.f32 v2, v3;
	v1 =	vmul.f32 v6, v1  }
0x6d: {  	v3 =	vmax.f32 v7, $0.0e+00;
	v5 =	vadd.f32 v5, v12;
	v6 =	vld [tilespmem:$0x5170]  }
0x6e: {  	v1 =	vadd.f32 v1, v2;
	v0 =	vmul.f32 v3, v0  }
0x6f: {  	v2 =	vmax.f32 v5, $0.0e+00;
	v3 =	vadd.f32 v4, v9  }
0x70: {  	v0 =	vadd.f32 v0, v1;
	v1 =	vmul.f32 v2, v8  }
0x71: {  	v2 =	vmax.f32 v3, $0.0e+00  }
0x72: {  	v0 =	vadd.f32 v1, v0;
	v1 =	vmul.f32 v2, v6  }
0x73: {  	s31 =	sand.u32 $0x1E00, s26;
	s25 =	sadd.s32 $0x10, s25;
	s26 =	smov.u32 s30  }
0x74: {  	s0 =	sand.u32 $0x70, s25;
	s31 =	sshrl.u32 s31, $0x2;
	v0 =	vadd.f32 v1, v0  }
0x75: {  	s0 =	sor.u32 s0, s31  }
0x76: {  	[tilespmem:s0+$0x5180] =	vst v0  }
0x77: {  	v0 =	vld [tilespmem:$0x5150]  }
0x78: {  	v1 =	vld [tilespmem:$0x5140]  }
0x79: {  	v2 =	vld [tilespmem:$0x5130]  }
.Ltmp5:
0x7a: {  	v3 =	vld [tilespmem:$0x5120];
	(pc) =	sbr.rel @p0 .LBB2_4-.Ltmp5, $4  }
0x7b: {  	v4 =	vld [tilespmem:$0x5110]  }
0x7c: {  	s28 =	sadd.s32 $0x80, s28;
	v5 =	vld [tilespmem:$0x5100]  }
0x7d: {  	s29 =	sadd.s32 $0x80, s29;
	v6 =	vld [tilespmem:s28+$0xFFFFFFC0]  }
0x7e: {  	s30 =	sadd.s32 $0x40, s30;
	v7 =	vld [tilespmem:s29+$0xFFFFFFC0]  }
0x7f: {  	v8 =	vld [tilespmem:s29+$0xFFFFFFD0]  }
0x80: {  	v9 =	vld [tilespmem:s28+$0xFFFFFFD0]  }
0x81: {  	v10 =	vld [tilespmem:s29+$0xFFFFFFE0]  }
0x82: {  	v11 =	vld [tilespmem:s28+$0xFFFFFFE0]  }
0x83: {  	v46 =	vld [tilespmem:s29+$0xFFFFFFF0];
	v6 =	vadd.f32 v6, v7  }
0x84: {  	v12 =	vld [tilespmem:s28+$0xFFFFFFF0]  }
0x85: {  	v47 =	vld [tilespmem:s29+$0x0];
	v8 =	vadd.f32 v9, v8;
	v6 =	vmax.f32 v6, $0.0e+00  }
0x86: {  	v48 =	vld [tilespmem:s28+$0x0];
	v5 =	vmul.f32 v6, v5  }
0x87: {  	v49 =	vld [tilespmem:s29+$0x10];
	v10 =	vadd.f32 v11, v10;
	v8 =	vmax.f32 v8, $0.0e+00  }
0x88: {  	v50 =	vld [tilespmem:s28+$0x10];
	v4 =	vmul.f32 v8, v4;
	v5 =	vadd.f32 $0.0e+00, v5  }
0x89: {  	v51 =	vld [tilespmem:s29+$0x20];
	v7 =	vadd.f32 v12, v46;
	v10 =	vmax.f32 v10, $0.0e+00  }
0x8a: {  	v52 =	vld [tilespmem:s28+$0x20];
	v3 =	vmul.f32 v10, v3;
	v4 =	vadd.f32 v4, v5  }
0x8b: {  	v53 =	vld [tilespmem:s29+$0x30];
	v7 =	vmax.f32 v7, $0.0e+00;
	v6 =	vadd.f32 v48, v47  }
0x8c: {  	v54 =	vld [tilespmem:s28+$0x30];
	v2 =	vmul.f32 v7, v2;
	v3 =	vadd.f32 v3, v4  }
0x8d: {  	v56 =	vld [tilespmem:$0x5160];
	v55 =	vadd.f32 v50, v49;
	v6 =	vmax.f32 v6, $0.0e+00  }
0x8e: {  	v1 =	vmul.f32 v6, v1;
	v2 =	vadd.f32 v2, v3  }
0x8f: {  	v58 =	vld [tilespmem:$0x5170];
	v57 =	vmax.f32 v55, $0.0e+00;
	v5 =	vadd.f32 v52, v51  }
0x90: {  	v0 =	vmul.f32 v57, v0;
	v1 =	vadd.f32 v1, v2  }
0x91: {  	v60 =	vadd.f32 v54, v53;
	v59 =	vmax.f32 v5, $0.0e+00  }
0x92: {  	v61 =	vmul.f32 v59, v56;
	v0 =	vadd.f32 v0, v1  }
0x93: {  	v62 =	vmax.f32 v60, $0.0e+00  }
0x94: {  	v63 =	vmul.f32 v62, v58;
	v0 =	vadd.f32 v61, v0  }
0x95: {  	s0 =	sand.u32 $0x1E00, s26;
	s25 =	sadd.s32 $0x10, s25  }
0x96: {  	s25 =	sand.u32 $0x70, s25;
	s0 =	sshrl.u32 s0, $0x2;
	v0 =	vadd.f32 v63, v0  }
0x97: {  	s24 =	sshll.u32 s24, $0x8;
	s0 =	sor.u32 s25, s0  }
.Ltmp6:
0x98: {  	s31 =	sadd.s32 s9, s24;
	[tilespmem:s0+$0x5180] =	vst v0;
	(pc) =	sbr.rel .LBB2_6-.Ltmp6, $4  }
0x99: {  	[hbm4b:s31+s3] =	stream.linear.scatter [tilespmem:s21], [sflag:$0x3], $0x500, $0x38;
	[tilespmem:$0x5980] =	vst v63  }
0x9a: {  	_ =	swait.ge [sflag:s13], $0x500  }
0x9b: {  	[sflag:s13] =	ssyncset.done $0x0  }
0x9c: {  	[sflag:s13] =	ssyncadd.s32 $0xFFFFFB00  }
.LBB2_8:
0x9d: {  	_ =	sfence.sel $0x180000  }
0x9e: {  	[bflag:$0x0] =	sbarrier.arrive $0xFFFF  }
0x9f: {  	_ =	strace $0x9000004D  }
0xa0: {  	[bflag:$0x2] =	sbarrier.arrive $0xFFFF  }
0xa1: {  	p0 =	sne.s32 s5, $0x0;
	s0 =	rddreg [dreg:$0x3]  }
0xa2: {  	s0 =	sadd.s32 @!p0 $0x100000, s0  }
0xa3: {  	[sflag:s0] =	ssyncadd.tile.s32 @!p0 $0x1;
	_ =	shalt  }
.Lfunc_end2:
_tile_overlayer_lowered:
.L_overlay_start_2:
0xa4: {  	(tag) =	ssettag $0x2  }
0xa5: {  	s0 =	rddreg [dreg:$0x0];
	s2 =	stileid.u32  }
0xa6: {  	s1 =	rddreg [dreg:$0x1];
	p0 =	sne.s32 s2, $0x0  }
0xa7: {  	s3 =	rddreg [dreg:$0x2];
	[bflag:$0x3] =	sbarrier.arrive $0xFFFF;
	s2 =	simm.s32 @!p0 $0x1C03  }
0xa8: {  	[timem:s3], [sflag:s2] =	dma.local @!p0 [hbm:s0], s1  }
0xa9: {  	s0 =	simm.s32 @!p0 $0x3  }
0xaa: {  	_ =	swait.ge @!p0 [sflag:s0], s1  }
0xab: {  	s1 =	ssub.s32 @!p0 $0x0, s1;
	[sflag:s0] =	ssyncset.done @!p0 $0x0  }
0xac: {  	[sflag:s0] =	ssyncadd.s32 @!p0 s1  }
0xad: {  	[bflag:$0x3] =	sbarrier.arrive $0xFFFF  }
0xae: {  	_ =	shalt  }

// kernel: kernel.8.cloned.1.call-start
scs
__scs_entry_jumppad:
0x0: {  	(pc) =	sbr.rel $0x88, $3  }
0x1: {  	(tag) =	ssettag $0x0;
	lr =	simm.s32 $0x1  }
0x2: {  	[smem:$0x3F94] =	sst lr;
	_ =	strace $0xD0000000  }
0x3: {  	_ = 	snop  }
0x4: {  	_ = 	snop  }
0x5: {  	_ = 	snop  }
0x6: {  	_ = 	snop  }
0x7: {  	_ = 	snop  }
__scs_overlays_trampoline_lowered:
0x8: {  	[smem:$0x3FA3] =	sst s0  }
0x9: {  	[smem:$0x3FA4] =	sst s1  }
0xa: {  	[smem:$0x3FA5] =	sst s2  }
0xb: {  	[smem:$0x3FA6] =	sst s3  }
0xc: {  	[smem:$0x3FA7] =	sst s4  }
0xd: {  	[smem:$0x3FA8] =	sst s5  }
0xe: {  	[smem:$0x3FA9] =	sst s6  }
0xf: {  	[smem:$0x3FAA] =	sst s7  }
0x10: {  	[smem:$0x3FAB] =	sst s8  }
0x11: {  	[smem:$0x3FAC] =	sst s9;
	s0 =	simm.s32 @!p0 $0x0  }
0x12: {  	s1 =	sld [smem:$0x3F92];
	s0 =	simm.s32 @p0 $0x1  }
0x13: {  	[smem:$0x3FAD] =	sst s0;
	s0 =	simm.s32 @!p1 $0x0  }
0x14: {  	s2 =	sld [smem:$0x3F91];
	s0 =	simm.s32 @p1 $0x1  }
0x15: {  	[smem:$0x3FAE] =	sst s0;
	s0 =	simm.s32 @!p2 $0x0  }
0x16: {  	s3 =	sld [smem:$0x3FDB];
	s0 =	simm.s32 @p2 $0x1  }
0x17: {  	s4 =	simm.s32 $0x1BF5;
	[smem:$0x3FB0] =	sst s0  }
0x18: {  	s0 =	sld [smem:$0x3F93];
	_ =	swait.ge [sflag:s4], $0x0  }
0x19: {  	s7 =	sld [smem:$0x3F94]  }
0x1a: {  	s8 =	sadd.s32 $0xFFFFE003, lr  }
0x1b: {  	s9 =	sadd.s32 $0xFFFFFEF7, lr;
	s5 =	simm.s32 $0xFFFFFFFF;
	p2 =	slt.u32 s8, $0xFFFFF086  }
0x1c: {  	p1 =	slt.u32 s9, $0xF7A;
	s5 =	simm.s32 @!p2 $0x0  }
0x1d: {  	s5 =	simm.s32 @p1 $0x1;
	p0 =	seq.s32 s7, s2  }
0x1e: {  	s7 =	smul.u32 @!p0 $0xF7A, s2;
	p2 =	seq.s32 @!p0 s5, $0x0  }
0x1f: {  	s9 =	smul.u32 $0xF7A, s1;
	s8 =	simm.s32 @!p0 $0x1BF5;
	p2 =	por !p2, p0  }
0x20: {  	[sflag:s8] =	ssyncset.s32 @!p0 $0xFFFFF086;
	s6 =	sadd.s32 @!p0 s3, s7;
	s7 =	simm.s32 @!p0 $0x108  }
0x21: {  	s3 =	sadd.s32 s3, s9;
	s6 =	sadd.s32 @!p0 $0x88, s6;
	s7 =	simm.s32 @p2 $0x1082  }
0x22: {  	[simem:s7], [sflag:s8] =	dma.local @!p0 [hbm:s6], $0xF7A  }
0x23: {  	s9 =	sor.u32 $0xD0000000, s2;
	s6 =	simm.s32 $0x108;
	_ =	swait.ge @!p0 [sflag:s8], $0x0  }
0x24: {  	s3 =	sadd.s32 $0x88, s3;
	s6 =	simm.s32 @!p1 $0x1082;
	[sflag:s4] =	ssyncset.s32 $0xFFFFF086  }
0x25: {  	[simem:s6], [sflag:s4] =	dma.local [hbm:s3], $0xF7A  }
0x26: {  	[smem:$0x3F94] =	sst s1;
	(tag) =	ssettag s2;
	_ =	strace s9  }
0x27: {  	s1 =	sld [smem:$0x3FA4]  }
0x28: {  	s2 =	sld [smem:$0x3FA5]  }
0x29: {  	s4 =	sld [smem:$0x3FA7]  }
0x2a: {  	p0 =	seq.s32 s5, $0x0;
	s5 =	sld [smem:$0x3FA8]  }
0x2b: {  	s6 =	sld [smem:$0x3FA9]  }
0x2c: {  	s7 =	sld [smem:$0x3FAA]  }
0x2d: {  	s3 =	simm.s32 $0x108;
	s8 =	sld [smem:$0x3FAB]  }
0x2e: {  	s3 =	simm.s32 @!p0 $0x1082;
	s9 =	sld [smem:$0x3FAC]  }
0x2f: {  	lr =	sadd.s32 s0, s3;
	s0 =	sld [smem:$0x3FA3]  }
0x30: {  	s3 =	sld [smem:$0x3FA6]  }
0x31: {  	[smem:$0x3FAF] =	sst s10  }
0x32: {  	s10 =	sld [smem:$0x3FAD];
	_ =	sdelay $0x3  }
0x33: {  	p0 =	seq.s32 s10, $0x1;
	s10 =	sld [smem:$0x3FAF];
	_ =	sdelay $0x3  }
0x34: {  	[smem:$0x3FAF] =	sst s10  }
0x35: {  	s10 =	sld [smem:$0x3FAE];
	_ =	sdelay $0x3  }
0x36: {  	p1 =	seq.s32 s10, $0x1;
	s10 =	sld [smem:$0x3FAF];
	_ =	sdelay $0x3  }
0x37: {  	[smem:$0x3FAF] =	sst s10  }
0x38: {  	s10 =	sld [smem:$0x3FB0]  }
0x39: {  	_ = 	snop;
	(pc) =	sbr.ind lr, $3  }
0x3a: {  	_ = 	snop  }
0x3b: {  	_ = 	snop  }
0x3c: {  	p2 =	seq.s32 s10, $0x1;
	s10 =	sld [smem:$0x3FAF]  }
0x3d: {  	_ =	shalt  }
0x3e: {  	_ =	shalt  }
0x3f: {  	_ =	shalt  }
0x40: {  	_ =	shalt  }
0x41: {  	_ =	shalt  }
0x42: {  	_ =	shalt  }
0x43: {  	_ =	shalt  }
0x44: {  	_ =	shalt  }
0x45: {  	_ =	shalt  }
0x46: {  	_ =	shalt  }
0x47: {  	_ =	shalt  }
0x48: {  	_ =	shalt  }
0x49: {  	_ =	shalt  }
0x4a: {  	_ =	shalt  }
0x4b: {  	_ =	shalt  }
0x4c: {  	_ =	shalt  }
0x4d: {  	_ =	shalt  }
0x4e: {  	_ =	shalt  }
0x4f: {  	_ =	shalt  }
0x50: {  	_ =	shalt  }
0x51: {  	_ =	shalt  }
0x52: {  	_ =	shalt  }
0x53: {  	_ =	shalt  }
0x54: {  	_ =	shalt  }
0x55: {  	_ =	shalt  }
0x56: {  	_ =	shalt  }
0x57: {  	_ =	shalt  }
0x58: {  	_ =	shalt  }
0x59: {  	_ =	shalt  }
0x5a: {  	_ =	shalt  }
0x5b: {  	_ =	shalt  }
0x5c: {  	_ =	shalt  }
0x5d: {  	_ =	shalt  }
0x5e: {  	_ =	shalt  }
0x5f: {  	_ =	shalt  }
0x60: {  	_ =	shalt  }
0x61: {  	_ =	shalt  }
0x62: {  	_ =	shalt  }
0x63: {  	_ =	shalt  }
0x64: {  	_ =	shalt  }
0x65: {  	_ =	shalt  }
0x66: {  	_ =	shalt  }
0x67: {  	_ =	shalt  }
0x68: {  	_ =	shalt  }
0x69: {  	_ =	shalt  }
0x6a: {  	_ =	shalt  }
0x6b: {  	_ =	shalt  }
0x6c: {  	_ =	shalt  }
0x6d: {  	_ =	shalt  }
0x6e: {  	_ =	shalt  }
0x6f: {  	_ =	shalt  }
0x70: {  	_ =	shalt  }
0x71: {  	_ =	shalt  }
0x72: {  	_ =	shalt  }
0x73: {  	_ =	shalt  }
0x74: {  	_ =	shalt  }
0x75: {  	_ =	shalt  }
0x76: {  	_ =	shalt  }
0x77: {  	_ =	shalt  }
0x78: {  	_ =	shalt  }
0x79: {  	_ =	shalt  }
0x7a: {  	_ =	shalt  }
0x7b: {  	_ =	shalt  }
0x7c: {  	_ =	shalt  }
0x7d: {  	_ =	shalt  }
0x7e: {  	_ =	shalt  }
0x7f: {  	_ =	shalt  }
0x80: {  	_ =	shalt  }
0x81: {  	_ =	shalt  }
0x82: {  	_ =	shalt  }
0x83: {  	_ =	shalt  }
0x84: {  	_ =	shalt  }
0x85: {  	_ =	shalt  }
0x86: {  	_ =	shalt  }
0x87: {  	_ =	shalt  }
.Lfunc_end0:
.L_simem_size_0:
called_computation_lowered:
.L_overlay_start_0:
0x88: {  	s2 =	sld [smem:$0x3FD9]  }
0x89: {  	s3 =	sld [smem:$0x3FFE];
	_ =	sdelay $0x1  }
0x8a: {  	s1 =	srdreg.scid  }
0x8b: {  	s0 =	sand.u32 $0x1, s1  }
0x8c: {  	s16 =	sshll.u32 s0, $0xA;
	s2 =	sadd.s32 s3, s2  }
0x8d: {  	s2 =	sadd.s32 s2, s16  }
0x8e: {  	[smem:$0x3FBB] =	sst s2  }
0x8f: {  	_ = 	snop  }
0x90: {  	(tm) =	ssettm $0x1  }
0x91: {  	s17 =	sld [smem:$0x3FFB];
	_ =	sdelay $0x3  }
0x92: {  	_ =	strace s17  }
0x93: {  	s2 =	sld [smem:$0x3FFC];
	_ =	sdelay $0x3  }
0x94: {  	_ =	strace s2  }
0x95: {  	s2 =	sld [smem:$0x3FFD];
	_ =	sdelay $0x3  }
0x96: {  	_ =	strace s2  }
0x97: {  	_ =	strace $0x8FFFFFFF  }
0x98: {  	s18 =	sld [smem:$0x3FDB];
	_ =	sdelay $0x1  }
0x99: {  	s19 =	simm.s32 $_scs_section_size  }
0x9a: {  	s4 =	simm.s32 $_size__tile_overlayer_lowered;
	s5 =	simm.s32 $_tile_overlayer_lowered  }
0x9b: {  	s22 =	simm.s32 $0x1BFF;
	s21 =	sshll.u32 s5, $0x1;
	s2 =	sadd.s32 s19, s18  }
0x9c: {  	s6 =	simm.s32 $0x0;
	s20 =	sshll.u32 s4, $0x1;
	s4 =	sadd.s32 s21, s2  }
0x9d: {  	[timem:s6], [sflag:s22] =	dma.local [hbm:s4], s20  }
0x9e: {  	_ =	swait.ge [sflag:s22], s20  }
0x9f: {  	s3 =	ssub.s32 $0x0, s20;
	[sflag:s22] =	ssyncset.done $0x0  }
0xa0: {  	[sflag:s22] =	ssyncadd.s32 s3;
	_ =	sdelay $0x1  }
0xa1: {  	s23 =	simm.s32 $0x1B8B  }
0xa2: {  	_ =	swait.ge [sflag:s23], $0x1  }
0xa3: {  	[sflag:s23] =	ssyncset.done $0x0  }
0xa4: {  	s25 =	simm.s32 $0x1B8E;
	s24 =	sld [smem:$0x3FFE];
	[sflag:s23] =	ssyncadd.s32 $0xFFFFFFFF  }
0xa5: {  	s26 =	simm.s32 $execute0_lowered;
	[smem:$0x3FD2] =	sst s25  }
0xa6: {  	s4 =	sshll.u32 s26, $0x1;
	_ =	strace $0x80000046;
	[dreg:$0x1] =	wrdreg $0xFFFFFFFF  }
0xa7: {  	s28 =	simm.s32 $_size_execute0_lowered;
	s2 =	sadd.s32 s2, s4;
	[dreg:$0x0] =	wrdreg $0x0  }
0xa8: {  	s4 =	sshll.u32 s28, $0x1;
	[dreg:$0x2] =	wrdreg s2  }
0xa9: {  	[dreg:$0x3] =	wrdreg s4  }
0xaa: {  	[dreg:$0x4] =	wrdreg $0xC0  }
0xab: {  	_ =	task [dreg:s6], $0x5FFFF  }
0xac: {  	[dreg:$0x1] =	wrdreg $0xFFFFFFFF  }
0xad: {  	[dreg:$0x0] =	wrdreg $0x60  }
0xae: {  	[dreg:$0x2] =	wrdreg s24  }
0xaf: {  	[dreg:$0x3] =	wrdreg $0x7A000  }
0xb0: {  	[dreg:$0x4] =	wrdreg $0x9  }
0xb1: {  	_ =	task.clear_ibuf [dreg:s6], $0x5FFFF;
	_ =	strace $0x90000046  }
0xb2: {  	s29 =	simm.s32 $0x9;
	_ =	strace $0x80000048  }
0xb3: {  	_ =	swait.ge [sflag:s29], $0x1  }
0xb4: {  	[sflag:s29] =	ssyncadd.s32 $0xFFFFFFFF  }
0xb5: {  	_ =	strace $0x90000048  }
0xb6: {  	_ =	sfence  }
0xb7: {  	s30 =	sld [smem:$0x0];
	_ =	sdelay $0x2  }
0xb8: {  	s31 =	sshll.u32 s1, $0xD;
	s1 =	sshrl.u32 s1, $0x2  }
0xb9: {  	s3 =	sand.u32 $0x4000, s31;
	s1 =	sadd.s32 s1, s30  }
0xba: {  	s0 =	sor.u32 s3, s0;
	s1 =	sshll.u32 s1, $0x11  }
0xbb: {  	s0 =	sor.u32 s1, s0  }
0xbc: {  	s0 =	sadd.s32 $0x8F2B, s0  }
0xbd: {  	[sflag:s0] =	ssyncadd.remote.s32 $0x1  }
0xbe: {  	_ =	sfence.sel $0xFFFF  }
0xbf: {  	[dreg:$0x0] =	wrdreg $0xFFFFFFFF;
	(pc) =	sbr.abs _section_cstart, $3  }
0xc0: {  	[dreg:$0x1] =	wrdreg $0xFFFFFFFF  }
0xc1: {  	_ =	task.clear_ibuf [dreg:s6], $0x2FFFF;
	_ =	strace $0x9FFFFFFF  }
0xc2: {  	(tm) =	ssettm $0x7FFFFFFF  }
0xc3: {  	_ =	shalt  }
tec
execute0_lowered:
.L_overlay_start_1:
0x0: {  	(tag) =	ssettag $0x1  }
0x1: {  	s2 =	rddreg [dreg:$0x0]  }
0x2: {  	s0 =	simm.s32 $0x0;
	s1 =	srdreg.scid;
	s22 =	stileid.u32  }
0x3: {  	[smem:$0x7FF] =	sst s0;
	s3 =	sand.u32 $0x1, s1;
	s4 =	sadd.s32 $0x3DE00, s2  }
0x4: {  	s6 =	sshll.u32 s22, $0x1;
	s7 =	smul.u32 $0x14000, s22;
	s1 =	ssub.s32 $0x2, s3  }
0x5: {  	s8 =	sadd.s32 $0x8DE00, s2;
	s10 =	smul.u32 $0x140000, s3;
	s5 =	sshrl.u32 s1, $0x1  }
0x6: {  	s9 =	sadd.s32 $0x5000, s7;
	s11 =	sadd.s32 $0x7800, s7;
	s12 =	sadd.s32 $0xA000, s7  }
0x7: {  	s13 =	sadd.s32 $0xC800, s7;
	s14 =	sadd.s32 $0xF000, s7;
	s1 =	ssub.s32 s1, s5  }
0x8: {  	s5 =	sor.u32 s3, s6;
	s6 =	sor.u32 $0x2800, s7;
	s15 =	sadd.s32 s7, s10  }
0x9: {  	s21 =	sadd.s32 s10, s9;
	s19 =	sadd.s32 s10, s12;
	s15 =	sshrl.u32 s15, $0x3  }
0xa: {  	s18 =	sadd.s32 s10, s11;
	s19 =	sshrl.u32 s19, $0x3;
	s17 =	sadd.s32 s4, s15  }
0xb: {  	s23 =	sadd.s32 s10, s13;
	s24 =	sadd.s32 s4, s19;
	[dreg:$0x3] =	wrdreg s17  }
0xc: {  	s16 =	sadd.s32 s10, s6;
	s15 =	sadd.s32 s8, s15;
	[dreg:$0x7] =	wrdreg s24  }
0xd: {  	s16 =	sshrl.u32 s16, $0x3;
	s19 =	sadd.s32 s8, s19;
	[dreg:$0xb] =	wrdreg s15  }
0xe: {  	s18 =	sshrl.u32 s18, $0x3;
	s20 =	sadd.s32 s4, s16;
	[dreg:$0xf] =	wrdreg s19  }
0xf: {  	s17 =	sshrl.u32 s21, $0x3;
	s16 =	sadd.s32 s8, s16;
	[dreg:$0x4] =	wrdreg s20  }
0x10: {  	s21 =	sadd.s32 s10, s14;
	s20 =	sadd.s32 s4, s17;
	[dreg:$0xc] =	wrdreg s16  }
0x11: {  	s21 =	sshrl.u32 s21, $0x3;
	s17 =	sadd.s32 s8, s17;
	[dreg:$0x5] =	wrdreg s20  }
0x12: {  	s20 =	sshrl.u32 s23, $0x3;
	s23 =	sadd.s32 s4, s18;
	[dreg:$0xd] =	wrdreg s17  }
0x13: {  	s26 =	sadd.s32 s4, s21;
	[dreg:$0x6] =	wrdreg s23  }
0x14: {  	s7 =	sadd.s32 $0x11800, s7;
	s18 =	sadd.s32 s8, s18;
	[dreg:$0x9] =	wrdreg s26  }
0x15: {  	s3 =	smul.u32 $0x2710, s3;
	s24 =	sadd.s32 s8, s21;
	[dreg:$0xe] =	wrdreg s18  }
0x16: {  	s1 =	smax.u32 s1, $0x1;
	s10 =	sadd.s32 s10, s7;
	[dreg:$0x11] =	wrdreg s24  }
0x17: {  	s10 =	sshrl.u32 s10, $0x3;
	s25 =	sadd.s32 s4, s20;
	s18 =	rddreg [dreg:$0x1]  }
0x18: {  	s21 =	sadd.s32 $0xC000, s2;
	s4 =	sadd.s32 s4, s10;
	[dreg:$0x8] =	wrdreg s25  }
0x19: {  	s23 =	sadd.s32 s8, s20;
	s26 =	smul.u32 $0x50000, s22;
	[dreg:$0xa] =	wrdreg s4  }
0x1a: {  	s8 =	sadd.s32 s8, s10;
	s10 =	smul.u32 $0x2710, s5;
	[dreg:$0x10] =	wrdreg s23  }
0x1b: {  	s20 =	sadd.s32 $0x15E00, s2;
	s25 =	smul.u32 $0x4E20, s22;
	[dreg:$0x12] =	wrdreg s8  }
0x1c: {  	s22 =	sadd.s32 $0x2200, s2;
	s28 =	sadd.s32 s11, s18;
	s29 =	sadd.s32 s12, s18  }
0x1d: {  	s30 =	sadd.s32 s13, s18;
	s31 =	sadd.s32 s14, s18;
	s15 =	sadd.s32 s7, s18  }
0x1e: {  	s7 =	simm.s32 $0x3;
	s11 =	simm.s32 $0x80;
	s12 =	simm.s32 $0x4  }
0x1f: {  	s13 =	simm.s32 $0x180;
	_ =	strace $0x80000047;
	s8 =	sshrl.u32 s26, $0x2  }
0x20: {  	s26 =	sadd.s32 s9, s18;
	s14 =	sshrl.u32 s10, $0x3;
	[dreg:$0x15] =	wrdreg s15  }
0x21: {  	[dreg:$0x18] =	wrdreg s1;
	s9 =	simm.s32 $0x50;
	s10 =	simm.s32 $0x200  }
0x22: {  	s3 =	sadd.s32 s3, s25;
	s24 =	sadd.s32 s8, s18;
	s16 =	sadd.s32 s21, s14  }
0x23: {  	s25 =	sadd.s32 s6, s18;
	s2 =	sadd.s32 s22, s14;
	[dreg:$0x16] =	wrdreg s16  }
0x24: {  	s6 =	simm.s32 $0x5200;
	s8 =	simm.s32 $0x100;
	[dreg:$0x17] =	wrdreg s2  }
0x25: {  	s14 =	simm.s32 $0x2A00;
	s17 =	sadd.s32 $0x50, s3;
	[dreg:$0x13] =	wrdreg s25  }
0x26: {  	s23 =	sadd.s32 $0xA0, s3;
	s16 =	simm.s32 $0x1;
	[dreg:$0x14] =	wrdreg s24  }
0x27: {  	s19 =	sshrl.u32 s17, $0x3;
	[dreg:$0x19] =	wrdreg s23;
	s17 =	simm.s32 $0x2  }
0x28: {  	v0 =	vimm.f32 $0.0e+00;
	v1 =	vimm.f32 $1.000000000e+00;
	s4 =	sadd.s32 s19, s22;
	s5 =	sadd.s32 s19, s21;
	s19 =	simm.s32 $0x0  }
.LBB2_1:
0x29: {  	s1 =	sand.u32 $0xFE00, s0  }
0x2a: {  	s2 =	sand.u32 $0x70, s0;
	s3 =	sshrl.u32 s1, $0x2  }
0x2b: {  	s1 =	simm.s32 $0x40;
	s3 =	sor.u32 s2, s3;
	s2 =	simm.s32 $0x0  }
.LBB2_2:
0x2c: {  	p0 =	sne.s32 s1, $0x9FC0  }
0x2d: {  	[tilespmem:s3+$0x5200] =	vst v0;
	s2 =	sadd.s32 $0x10, s2;
	s3 =	smov.u32 s1;
	s1 =	sadd.s32 $0x40, s1  }
.Ltmp0:
0x2e: {  	(pc) =	sbr.rel @p0 .LBB2_2-.Ltmp0, $4  }
0x2f: {  	_ = 	snop  }
0x30: {  	s3 =	sand.u32 $0xFE00, s3  }
0x31: {  	s15 =	sand.u32 $0x70, s2;
	s3 =	sshrl.u32 s3, $0x2  }
0x32: {  	s3 =	sor.u32 s15, s3  }
0x33: {  	[tilespmem:s3+$0x5200] =	vst v0  }
0x34: {  	[spmem:s24] =	stream.linear.scatter [tilespmem:s6], [sflag:$0x3], $0x2800, $0x38;
	[tilespmem:$0x1BA00] =	vst v63  }
0x35: {  	_ =	swait.ge [sflag:s7], $0x2800  }
0x36: {  	[sflag:s7] =	ssyncset.done $0x0  }
0x37: {  	[sflag:s7] =	ssyncadd.s32 $0xFFFFD800  }
0x38: {  	[spmem:s25] =	stream.linear.scatter [tilespmem:s6], [sflag:$0x3], $0x2800, $0x38;
	[tilespmem:$0x1BA00] =	vst v63  }
0x39: {  	_ =	swait.ge [sflag:s7], $0x2800  }
0x3a: {  	[sflag:s7] =	ssyncset.done $0x0  }
0x3b: {  	[sflag:s7] =	ssyncadd.s32 $0xFFFFD800  }
0x3c: {  	[spmem:s26] =	stream.linear.scatter [tilespmem:s6], [sflag:$0x3], $0x2800, $0x38;
	[tilespmem:$0x1BA00] =	vst v63  }
0x3d: {  	_ =	swait.ge [sflag:s7], $0x2800  }
0x3e: {  	[sflag:s7] =	ssyncset.done $0x0  }
0x3f: {  	[sflag:s7] =	ssyncadd.s32 $0xFFFFD800  }
0x40: {  	[spmem:s28] =	stream.linear.scatter [tilespmem:s6], [sflag:$0x3], $0x2800, $0x38;
	[tilespmem:$0x1BA00] =	vst v63  }
0x41: {  	_ =	swait.ge [sflag:s7], $0x2800  }
0x42: {  	[sflag:s7] =	ssyncset.done $0x0  }
0x43: {  	[sflag:s7] =	ssyncadd.s32 $0xFFFFD800  }
0x44: {  	[spmem:s29] =	stream.linear.scatter [tilespmem:s6], [sflag:$0x3], $0x2800, $0x38;
	[tilespmem:$0x1BA00] =	vst v63  }
0x45: {  	_ =	swait.ge [sflag:s7], $0x2800  }
0x46: {  	[sflag:s7] =	ssyncset.done $0x0  }
0x47: {  	[sflag:s7] =	ssyncadd.s32 $0xFFFFD800  }
0x48: {  	[spmem:s30] =	stream.linear.scatter [tilespmem:s6], [sflag:$0x3], $0x2800, $0x38;
	[tilespmem:$0x1BA00] =	vst v63  }
0x49: {  	_ =	swait.ge [sflag:s7], $0x2800  }
0x4a: {  	[sflag:s7] =	ssyncset.done $0x0  }
0x4b: {  	[sflag:s7] =	ssyncadd.s32 $0xFFFFD800  }
0x4c: {  	[spmem:s31] =	stream.linear.scatter [tilespmem:s6], [sflag:$0x3], $0x2800, $0x38;
	[tilespmem:$0x1BA00] =	vst v63  }
0x4d: {  	_ =	swait.ge [sflag:s7], $0x2800  }
0x4e: {  	[sflag:s7] =	ssyncset.done $0x0  }
0x4f: {  	s1 =	rddreg [dreg:$0x15];
	[sflag:s7] =	ssyncadd.s32 $0xFFFFD800  }
0x50: {  	[spmem:s1] =	stream.linear.scatter [tilespmem:s6], [sflag:$0x3], $0x2800, $0x38;
	[tilespmem:$0x1BA00] =	vst v63  }
0x51: {  	_ =	swait.ge [sflag:s7], $0x2800  }
0x52: {  	[sflag:s7] =	ssyncset.done $0x0  }
0x53: {  	[sflag:s7] =	ssyncadd.s32 $0xFFFFD800  }
0x54: {  	[bflag:$0x0] =	sbarrier.arrive $0xFFFF  }
0x55: {  	s25 =	simm.s32 $0x0;
	s2 =	rddreg [dreg:$0x16]  }
0x56: {  	[tilespmem:s25], [sflag:$0x3] =	stream.linear.gather [hbm4b:s2+s25], $0x50, $0x38;
	[tilespmem:$0x1BA00] =	vst v63  }
0x57: {  	_ =	swait.ge [sflag:s7], $0x50  }
0x58: {  	[sflag:s7] =	ssyncset.done $0x0  }
0x59: {  	s3 =	rddreg [dreg:$0x17];
	[sflag:s7] =	ssyncadd.s32 $0xFFFFFFB0  }
0x5a: {  	[tilespmem:s8], [sflag:$0x3] =	stream.linear.gather [hbm4b:s3+s25], $0x50, $0x38;
	[tilespmem:$0x1BA00] =	vst v63  }
0x5b: {  	_ =	swait.ge [sflag:s7], $0x50  }
0x5c: {  	[sflag:s7] =	ssyncset.done $0x0  }
0x5d: {  	[sflag:s7] =	ssyncadd.s32 $0xFFFFFFB0  }
0x5e: {  	[tilespmem:s10], [sflag:$0x1] =	stream.indirect.gather [hbm4b:s20+s9], $0x80, s25, s9, $0xb8;
	[tilespmem:$0x1BA00] =	vst v63  }
0x5f: {  	s15 =	sadd.s32 $0x0, s5  }
0x60: {  	[tilespmem:s11], [sflag:$0x4] =	stream.linear.gather [hbm4b:s15+s0], $0x50, $0x38;
	[tilespmem:$0x1BA00] =	vst v63  }
0x61: {  	_ =	swait.ge [sflag:s12], $0x50  }
0x62: {  	[sflag:s12] =	ssyncset.done $0x0  }
0x63: {  	s23 =	sadd.s32 $0x0, s4;
	[sflag:s12] =	ssyncadd.s32 $0xFFFFFFB0  }
0x64: {  	[tilespmem:s13], [sflag:$0x4] =	stream.linear.gather [hbm4b:s23+s0], $0x50, $0x38;
	[tilespmem:$0x1BA00] =	vst v63  }
0x65: {  	_ =	swait.ge [sflag:s12], $0x50  }
0x66: {  	[sflag:s12] =	ssyncset.done $0x0  }
0x67: {  	[sflag:s12] =	ssyncadd.s32 $0xFFFFFFB0  }
0x68: {  	[tilespmem:s14], [sflag:$0x2] =	stream.indirect.gather [hbm4b:s20+s9], $0x80, s11, s9, $0xb8;
	[tilespmem:$0x1BA00] =	vst v63  }
0x69: {  	_ =	swait.ge [sflag:s16], $0x2800  }
0x6a: {  	[sflag:s16] =	ssyncset.done $0x0  }
0x6b: {  	[sflag:s16] =	ssyncadd.s32 $0xFFFFD800  }
0x6c: {  	[spmem:s18] =	stream.indirect.scatter.add.f32 [tilespmem:s10], [sflag:$0x4], $0x80, s8, s9, $0xb8;
	[tilespmem:$0x1BA00] =	vst v63  }
0x6d: {  	_ =	swait.ge [sflag:s12], $0x2800  }
0x6e: {  	s23 =	rddreg [dreg:$0x19]  }
0x6f: {  	[sflag:s12] =	ssyncset.done $0x0;
	s24 =	sshrl.u32 s23, $0x3  }
0x70: {  	[sflag:s12] =	ssyncadd.s32 $0xFFFFD800;
	s25 =	sadd.s32 s21, s24  }
0x71: {  	[tilespmem:s0], [sflag:$0x4] =	stream.linear.gather [hbm4b:s25+s0], $0x50, $0x38;
	[tilespmem:$0x1BA00] =	vst v63  }
0x72: {  	_ =	swait.ge [sflag:s12], $0x50  }
0x73: {  	[sflag:s12] =	ssyncset.done $0x0  }
0x74: {  	s15 =	sadd.s32 s22, s24;
	[sflag:s12] =	ssyncadd.s32 $0xFFFFFFB0  }
0x75: {  	[tilespmem:s8], [sflag:$0x4] =	stream.linear.gather [hbm4b:s15+s0], $0x50, $0x38;
	[tilespmem:$0x1BA00] =	vst v63  }
0x76: {  	_ =	swait.ge [sflag:s12], $0x50  }
0x77: {  	[sflag:s12] =	ssyncset.done $0x0  }
0x78: {  	[sflag:s12] =	ssyncadd.s32 $0xFFFFFFB0  }
0x79: {  	[tilespmem:s10], [sflag:$0x1] =	stream.indirect.gather [hbm4b:s20+s9], $0x80, s0, s9, $0xb8;
	[tilespmem:$0x1BA00] =	vst v63  }
0x7a: {  	_ =	swait.ge [sflag:s17], $0x2800  }
0x7b: {  	[sflag:s17] =	ssyncset.done $0x0  }
0x7c: {  	[sflag:s17] =	ssyncadd.s32 $0xFFFFD800  }
0x7d: {  	[spmem:s18] =	stream.indirect.scatter.add.f32 [tilespmem:s14], [sflag:$0x3], $0x80, s13, s9, $0xb8;
	[tilespmem:$0x1BA00] =	vst v63  }
0x7e: {  	s1 =	simm.s32 $0x14;
	_ =	swait.ge [sflag:s7], $0x2800  }
0x7f: {  	s3 =	simm.s32 $0x28;
	s2 =	sadd.s32 $0xA0, s23;
	[sflag:s7] =	ssyncset.done $0x0  }
.LBB2_4:
0x80: {  	s24 =	sadd.s32 s1, s5  }
0x81: {  	[sflag:s7] =	ssyncadd.s32 $0xFFFFD800;
	s25 =	smov.u32 s3;
	s23 =	sadd.s32 $0x14, s3  }
0x82: {  	[tilespmem:s11], [sflag:$0x4] =	stream.linear.gather [hbm4b:s24+s0], $0x50, $0x38;
	[tilespmem:$0x1BA00] =	vst v63  }
0x83: {  	p0 =	sne.s32 s3, $0x4C4;
	_ =	swait.ge [sflag:s12], $0x50  }
0x84: {  	[sflag:s12] =	ssyncset.done $0x0  }
0x85: {  	s3 =	sadd.s32 s1, s4;
	s1 =	smov.u32 s25;
	[sflag:s12] =	ssyncadd.s32 $0xFFFFFFB0  }
0x86: {  	[tilespmem:s13], [sflag:$0x4] =	stream.linear.gather [hbm4b:s3+s0], $0x50, $0x38;
	[tilespmem:$0x1BA00] =	vst v63  }
0x87: {  	_ =	swait.ge [sflag:s12], $0x50  }
0x88: {  	[sflag:s12] =	ssyncset.done $0x0  }
0x89: {  	[sflag:s12] =	ssyncadd.s32 $0xFFFFFFB0  }
0x8a: {  	[tilespmem:s14], [sflag:$0x2] =	stream.indirect.gather [hbm4b:s20+s9], $0x80, s11, s9, $0xb8;
	[tilespmem:$0x1BA00] =	vst v63  }
0x8b: {  	_ =	swait.ge [sflag:s16], $0x2800  }
0x8c: {  	[sflag:s16] =	ssyncset.done $0x0  }
0x8d: {  	[sflag:s16] =	ssyncadd.s32 $0xFFFFD800  }
0x8e: {  	[spmem:s18] =	stream.indirect.scatter.add.f32 [tilespmem:s10], [sflag:$0x4], $0x80, s8, s9, $0xb8;
	[tilespmem:$0x1BA00] =	vst v63  }
0x8f: {  	_ =	swait.ge [sflag:s12], $0x2800  }
0x90: {  	s3 =	sshrl.u32 s2, $0x3;
	[sflag:s12] =	ssyncset.done $0x0  }
0x91: {  	s24 =	sadd.s32 s21, s3;
	[sflag:s12] =	ssyncadd.s32 $0xFFFFD800  }
0x92: {  	[tilespmem:s0], [sflag:$0x4] =	stream.linear.gather [hbm4b:s24+s0], $0x50, $0x38;
	[tilespmem:$0x1BA00] =	vst v63  }
0x93: {  	_ =	swait.ge [sflag:s12], $0x50  }
0x94: {  	[sflag:s12] =	ssyncset.done $0x0  }
0x95: {  	s3 =	sadd.s32 s22, s3;
	[sflag:s12] =	ssyncadd.s32 $0xFFFFFFB0  }
0x96: {  	[tilespmem:s8], [sflag:$0x4] =	stream.linear.gather [hbm4b:s3+s0], $0x50, $0x38;
	[tilespmem:$0x1BA00] =	vst v63  }
0x97: {  	_ =	swait.ge [sflag:s12], $0x50  }
0x98: {  	[sflag:s12] =	ssyncset.done $0x0  }
0x99: {  	[sflag:s12] =	ssyncadd.s32 $0xFFFFFFB0  }
0x9a: {  	[tilespmem:s10], [sflag:$0x1] =	stream.indirect.gather [hbm4b:s20+s9], $0x80, s0, s9, $0xb8;
	[tilespmem:$0x1BA00] =	vst v63  }
0x9b: {  	_ =	swait.ge [sflag:s17], $0x2800  }
.Ltmp1:
0x9c: {  	[sflag:s17] =	ssyncset.done $0x0;
	(pc) =	sbr.rel @p0 .LBB2_4-.Ltmp1, $4  }
0x9d: {  	[sflag:s17] =	ssyncadd.s32 $0xFFFFD800  }
0x9e: {  	[spmem:s18] =	stream.indirect.scatter.add.f32 [tilespmem:s14], [sflag:$0x3], $0x80, s13, s9, $0xb8;
	[tilespmem:$0x1BA00] =	vst v63  }
0x9f: {  	_ =	swait.ge [sflag:s7], $0x2800  }
0xa0: {  	s2 =	sadd.s32 $0xA0, s2;
	s3 =	smov.u32 s23;
	[sflag:s7] =	ssyncset.done $0x0  }
0xa1: {  	s3 =	sadd.s32 s1, s5;
	[sflag:s7] =	ssyncadd.s32 $0xFFFFD800  }
0xa2: {  	[tilespmem:s11], [sflag:$0x4] =	stream.linear.gather [hbm4b:s3+s0], $0x50, $0x38;
	[tilespmem:$0x1BA00] =	vst v63  }
0xa3: {  	_ =	swait.ge [sflag:s12], $0x50  }
0xa4: {  	[sflag:s12] =	ssyncset.done $0x0  }
0xa5: {  	s23 =	sadd.s32 s1, s4;
	[sflag:s12] =	ssyncadd.s32 $0xFFFFFFB0  }
0xa6: {  	[tilespmem:s13], [sflag:$0x4] =	stream.linear.gather [hbm4b:s23+s0], $0x50, $0x38;
	[tilespmem:$0x1BA00] =	vst v63  }
0xa7: {  	_ =	swait.ge [sflag:s12], $0x50  }
0xa8: {  	[sflag:s12] =	ssyncset.done $0x0  }
0xa9: {  	[sflag:s12] =	ssyncadd.s32 $0xFFFFFFB0  }
0xaa: {  	[tilespmem:s14], [sflag:$0x2] =	stream.indirect.gather [hbm4b:s20+s9], $0x80, s11, s9, $0xb8;
	[tilespmem:$0x1BA00] =	vst v63  }
0xab: {  	_ =	swait.ge [sflag:s16], $0x2800  }
0xac: {  	[sflag:s16] =	ssyncset.done $0x0  }
0xad: {  	[sflag:s16] =	ssyncadd.s32 $0xFFFFD800  }
0xae: {  	[spmem:s18] =	stream.indirect.scatter.add.f32 [tilespmem:s10], [sflag:$0x4], $0x80, s8, s9, $0xb8;
	[tilespmem:$0x1BA00] =	vst v63  }
0xaf: {  	_ =	swait.ge [sflag:s12], $0x2800  }
0xb0: {  	s24 =	sshrl.u32 s2, $0x3;
	[sflag:s12] =	ssyncset.done $0x0  }
0xb1: {  	s2 =	sadd.s32 s21, s24;
	[sflag:s12] =	ssyncadd.s32 $0xFFFFD800  }
0xb2: {  	[tilespmem:s0], [sflag:$0x4] =	stream.linear.gather [hbm4b:s2+s0], $0x50, $0x38;
	[tilespmem:$0x1BA00] =	vst v63  }
0xb3: {  	_ =	swait.ge [sflag:s12], $0x50  }
0xb4: {  	[sflag:s12] =	ssyncset.done $0x0  }
0xb5: {  	s1 =	sadd.s32 s22, s24;
	[sflag:s12] =	ssyncadd.s32 $0xFFFFFFB0  }
0xb6: {  	[tilespmem:s8], [sflag:$0x4] =	stream.linear.gather [hbm4b:s1+s0], $0x50, $0x38;
	[tilespmem:$0x1BA00] =	vst v63  }
0xb7: {  	_ =	swait.ge [sflag:s12], $0x50  }
0xb8: {  	[sflag:s12] =	ssyncset.done $0x0  }
0xb9: {  	[sflag:s12] =	ssyncadd.s32 $0xFFFFFFB0  }
0xba: {  	[tilespmem:s10], [sflag:$0x1] =	stream.indirect.gather [hbm4b:s20+s9], $0x80, s0, s9, $0xb8;
	[tilespmem:$0x1BA00] =	vst v63  }
0xbb: {  	_ =	swait.ge [sflag:s17], $0x2800  }
0xbc: {  	[sflag:s17] =	ssyncset.done $0x0  }
0xbd: {  	[sflag:s17] =	ssyncadd.s32 $0xFFFFD800  }
0xbe: {  	[spmem:s18] =	stream.indirect.scatter.add.f32 [tilespmem:s14], [sflag:$0x3], $0x80, s13, s9, $0xb8;
	[tilespmem:$0x1BA00] =	vst v63  }
0xbf: {  	_ =	swait.ge [sflag:s7], $0x2800  }
0xc0: {  	[sflag:s7] =	ssyncset.done $0x0  }
0xc1: {  	[sflag:s7] =	ssyncadd.s32 $0xFFFFD800  }
0xc2: {  	_ =	swait.ge [sflag:s16], $0x2800  }
0xc3: {  	[sflag:s16] =	ssyncset.done $0x0  }
0xc4: {  	[sflag:s16] =	ssyncadd.s32 $0xFFFFD800  }
0xc5: {  	[spmem:s18] =	stream.indirect.scatter.add.f32 [tilespmem:s10], [sflag:$0x4], $0x80, s8, s9, $0xb8;
	[tilespmem:$0x1BA00] =	vst v63  }
0xc6: {  	_ =	swait.ge [sflag:s12], $0x2800  }
0xc7: {  	[sflag:s12] =	ssyncset.done $0x0  }
0xc8: {  	[sflag:s12] =	ssyncadd.s32 $0xFFFFD800  }
0xc9: {  	[bflag:$0x0] =	sbarrier.arrive $0xFFFF  }
0xca: {  	s24 =	rddreg [dreg:$0x14]  }
0xcb: {  	[tilespmem:s6], [sflag:$0x3] =	stream.linear.gather [spmem:s24], $0x2800, $0x38;
	[tilespmem:$0x1BA00] =	vst v63  }
0xcc: {  	_ =	swait.ge [sflag:s7], $0x2800  }
0xcd: {  	[sflag:s7] =	ssyncset.done $0x0  }
0xce: {  	s1 =	simm.s32 $0x0;
	s25 =	rddreg [dreg:$0x3];
	[sflag:s7] =	ssyncadd.s32 $0xFFFFD800  }
0xcf: {  	[hbm4b:s25+s1] =	stream.linear.scatter [tilespmem:s6], [sflag:$0x3], $0x2800, $0x38;
	[tilespmem:$0x1BA00] =	vst v63  }
0xd0: {  	_ =	swait.ge [sflag:s7], $0x2800  }
0xd1: {  	[sflag:s7] =	ssyncset.done $0x0  }
0xd2: {  	s25 =	rddreg [dreg:$0x13];
	[sflag:s7] =	ssyncadd.s32 $0xFFFFD800  }
0xd3: {  	[tilespmem:s6], [sflag:$0x3] =	stream.linear.gather [spmem:s25], $0x2800, $0x38;
	[tilespmem:$0x1BA00] =	vst v63  }
0xd4: {  	_ =	swait.ge [sflag:s7], $0x2800  }
0xd5: {  	[sflag:s7] =	ssyncset.done $0x0  }
0xd6: {  	s3 =	rddreg [dreg:$0x4];
	[sflag:s7] =	ssyncadd.s32 $0xFFFFD800  }
0xd7: {  	[hbm4b:s3+s1] =	stream.linear.scatter [tilespmem:s6], [sflag:$0x3], $0x2800, $0x38;
	[tilespmem:$0x1BA00] =	vst v63  }
0xd8: {  	_ =	swait.ge [sflag:s7], $0x2800  }
0xd9: {  	[sflag:s7] =	ssyncset.done $0x0  }
0xda: {  	[sflag:s7] =	ssyncadd.s32 $0xFFFFD800  }
0xdb: {  	[tilespmem:s6], [sflag:$0x3] =	stream.linear.gather [spmem:s26], $0x2800, $0x38;
	[tilespmem:$0x1BA00] =	vst v63  }
0xdc: {  	_ =	swait.ge [sflag:s7], $0x2800  }
0xdd: {  	[sflag:s7] =	ssyncset.done $0x0  }
0xde: {  	s23 =	rddreg [dreg:$0x5];
	[sflag:s7] =	ssyncadd.s32 $0xFFFFD800  }
0xdf: {  	[hbm4b:s23+s1] =	stream.linear.scatter [tilespmem:s6], [sflag:$0x3], $0x2800, $0x38;
	[tilespmem:$0x1BA00] =	vst v63  }
0xe0: {  	_ =	swait.ge [sflag:s7], $0x2800  }
0xe1: {  	[sflag:s7] =	ssyncset.done $0x0  }
0xe2: {  	[sflag:s7] =	ssyncadd.s32 $0xFFFFD800  }
0xe3: {  	[tilespmem:s6], [sflag:$0x3] =	stream.linear.gather [spmem:s28], $0x2800, $0x38;
	[tilespmem:$0x1BA00] =	vst v63  }
0xe4: {  	_ =	swait.ge [sflag:s7], $0x2800  }
0xe5: {  	[sflag:s7] =	ssyncset.done $0x0  }
0xe6: {  	s3 =	rddreg [dreg:$0x6];
	[sflag:s7] =	ssyncadd.s32 $0xFFFFD800  }
0xe7: {  	[hbm4b:s3+s1] =	stream.linear.scatter [tilespmem:s6], [sflag:$0x3], $0x2800, $0x38;
	[tilespmem:$0x1BA00] =	vst v63  }
0xe8: {  	_ =	swait.ge [sflag:s7], $0x2800  }
0xe9: {  	[sflag:s7] =	ssyncset.done $0x0  }
0xea: {  	[sflag:s7] =	ssyncadd.s32 $0xFFFFD800  }
0xeb: {  	[tilespmem:s6], [sflag:$0x3] =	stream.linear.gather [spmem:s29], $0x2800, $0x38;
	[tilespmem:$0x1BA00] =	vst v63  }
0xec: {  	_ =	swait.ge [sflag:s7], $0x2800  }
0xed: {  	[sflag:s7] =	ssyncset.done $0x0  }
0xee: {  	s23 =	rddreg [dreg:$0x7];
	[sflag:s7] =	ssyncadd.s32 $0xFFFFD800  }
0xef: {  	[hbm4b:s23+s1] =	stream.linear.scatter [tilespmem:s6], [sflag:$0x3], $0x2800, $0x38;
	[tilespmem:$0x1BA00] =	vst v63  }
0xf0: {  	_ =	swait.ge [sflag:s7], $0x2800  }
0xf1: {  	[sflag:s7] =	ssyncset.done $0x0  }
0xf2: {  	[sflag:s7] =	ssyncadd.s32 $0xFFFFD800  }
0xf3: {  	[tilespmem:s6], [sflag:$0x3] =	stream.linear.gather [spmem:s30], $0x2800, $0x38;
	[tilespmem:$0x1BA00] =	vst v63  }
0xf4: {  	_ =	swait.ge [sflag:s7], $0x2800  }
0xf5: {  	[sflag:s7] =	ssyncset.done $0x0  }
0xf6: {  	s3 =	rddreg [dreg:$0x8];
	[sflag:s7] =	ssyncadd.s32 $0xFFFFD800  }
0xf7: {  	[hbm4b:s3+s1] =	stream.linear.scatter [tilespmem:s6], [sflag:$0x3], $0x2800, $0x38;
	[tilespmem:$0x1BA00] =	vst v63  }
0xf8: {  	_ =	swait.ge [sflag:s7], $0x2800  }
0xf9: {  	[sflag:s7] =	ssyncset.done $0x0  }
0xfa: {  	[sflag:s7] =	ssyncadd.s32 $0xFFFFD800  }
0xfb: {  	[tilespmem:s6], [sflag:$0x3] =	stream.linear.gather [spmem:s31], $0x2800, $0x38;
	[tilespmem:$0x1BA00] =	vst v63  }
0xfc: {  	_ =	swait.ge [sflag:s7], $0x2800  }
0xfd: {  	[sflag:s7] =	ssyncset.done $0x0  }
0xfe: {  	s23 =	rddreg [dreg:$0x9];
	[sflag:s7] =	ssyncadd.s32 $0xFFFFD800  }
0xff: {  	[hbm4b:s23+s1] =	stream.linear.scatter [tilespmem:s6], [sflag:$0x3], $0x2800, $0x38;
	[tilespmem:$0x1BA00] =	vst v63  }
0x100: {  	_ =	swait.ge [sflag:s7], $0x2800  }
0x101: {  	[sflag:s7] =	ssyncset.done $0x0  }
0x102: {  	s3 =	rddreg [dreg:$0x15];
	[sflag:s7] =	ssyncadd.s32 $0xFFFFD800  }
0x103: {  	[tilespmem:s6], [sflag:$0x3] =	stream.linear.gather [spmem:s3], $0x2800, $0x38;
	[tilespmem:$0x1BA00] =	vst v63  }
0x104: {  	_ =	swait.ge [sflag:s7], $0x2800  }
0x105: {  	[sflag:s7] =	ssyncset.done $0x0  }
0x106: {  	s23 =	rddreg [dreg:$0xa];
	[sflag:s7] =	ssyncadd.s32 $0xFFFFD800  }
0x107: {  	[hbm4b:s23+s1] =	stream.linear.scatter [tilespmem:s6], [sflag:$0x3], $0x2800, $0x38;
	[tilespmem:$0x1BA00] =	vst v63  }
0x108: {  	_ =	swait.ge [sflag:s7], $0x2800  }
0x109: {  	s3 =	sand.u32 $0xFE00, s1;
	[sflag:s7] =	ssyncset.done $0x0  }
0x10a: {  	s2 =	sshrl.u32 s3, $0x2;
	s23 =	sand.u32 $0x70, s1;
	[sflag:s7] =	ssyncadd.s32 $0xFFFFD800  }
0x10b: {  	s3 =	sor.u32 s23, s2;
	s2 =	simm.s32 $0x40;
	[bflag:$0x0] =	sbarrier.arrive $0xFFFF  }
.LBB2_6:
0x10c: {  	p0 =	sne.s32 s2, $0x9FC0  }
0x10d: {  	[tilespmem:s3+$0x5200] =	vst v0;
	s1 =	sadd.s32 $0x10, s1;
	s3 =	smov.u32 s2;
	s2 =	sadd.s32 $0x40, s2  }
.Ltmp2:
0x10e: {  	(pc) =	sbr.rel @p0 .LBB2_6-.Ltmp2, $4  }
0x10f: {  	_ = 	snop  }
0x110: {  	s3 =	sand.u32 $0xFE00, s3  }
0x111: {  	s23 =	sand.u32 $0x70, s1;
	s3 =	sshrl.u32 s3, $0x2  }
0x112: {  	s3 =	sor.u32 s23, s3  }
0x113: {  	[tilespmem:s3+$0x5200] =	vst v0  }
0x114: {  	[spmem:s24] =	stream.linear.scatter [tilespmem:s6], [sflag:$0x3], $0x2800, $0x38;
	[tilespmem:$0x1BA00] =	vst v63  }
0x115: {  	_ =	swait.ge [sflag:s7], $0x2800  }
0x116: {  	[sflag:s7] =	ssyncset.done $0x0  }
0x117: {  	[sflag:s7] =	ssyncadd.s32 $0xFFFFD800  }
0x118: {  	[spmem:s25] =	stream.linear.scatter [tilespmem:s6], [sflag:$0x3], $0x2800, $0x38;
	[tilespmem:$0x1BA00] =	vst v63  }
0x119: {  	_ =	swait.ge [sflag:s7], $0x2800  }
0x11a: {  	[sflag:s7] =	ssyncset.done $0x0  }
0x11b: {  	[sflag:s7] =	ssyncadd.s32 $0xFFFFD800  }
0x11c: {  	[spmem:s26] =	stream.linear.scatter [tilespmem:s6], [sflag:$0x3], $0x2800, $0x38;
	[tilespmem:$0x1BA00] =	vst v63  }
0x11d: {  	_ =	swait.ge [sflag:s7], $0x2800  }
0x11e: {  	[sflag:s7] =	ssyncset.done $0x0  }
0x11f: {  	[sflag:s7] =	ssyncadd.s32 $0xFFFFD800  }
0x120: {  	[spmem:s28] =	stream.linear.scatter [tilespmem:s6], [sflag:$0x3], $0x2800, $0x38;
	[tilespmem:$0x1BA00] =	vst v63  }
0x121: {  	_ =	swait.ge [sflag:s7], $0x2800  }
0x122: {  	[sflag:s7] =	ssyncset.done $0x0  }
0x123: {  	[sflag:s7] =	ssyncadd.s32 $0xFFFFD800  }
0x124: {  	[spmem:s29] =	stream.linear.scatter [tilespmem:s6], [sflag:$0x3], $0x2800, $0x38;
	[tilespmem:$0x1BA00] =	vst v63  }
0x125: {  	_ =	swait.ge [sflag:s7], $0x2800  }
0x126: {  	[sflag:s7] =	ssyncset.done $0x0  }
0x127: {  	[sflag:s7] =	ssyncadd.s32 $0xFFFFD800  }
0x128: {  	[spmem:s30] =	stream.linear.scatter [tilespmem:s6], [sflag:$0x3], $0x2800, $0x38;
	[tilespmem:$0x1BA00] =	vst v63  }
0x129: {  	_ =	swait.ge [sflag:s7], $0x2800  }
0x12a: {  	[sflag:s7] =	ssyncset.done $0x0  }
0x12b: {  	[sflag:s7] =	ssyncadd.s32 $0xFFFFD800  }
0x12c: {  	[spmem:s31] =	stream.linear.scatter [tilespmem:s6], [sflag:$0x3], $0x2800, $0x38;
	[tilespmem:$0x1BA00] =	vst v63  }
0x12d: {  	_ =	swait.ge [sflag:s7], $0x2800  }
0x12e: {  	[sflag:s7] =	ssyncset.done $0x0  }
0x12f: {  	s1 =	rddreg [dreg:$0x15];
	[sflag:s7] =	ssyncadd.s32 $0xFFFFD800  }
0x130: {  	[spmem:s1] =	stream.linear.scatter [tilespmem:s6], [sflag:$0x3], $0x2800, $0x38;
	[tilespmem:$0x1BA00] =	vst v63  }
0x131: {  	s1 =	simm.s32 $0x0  }
0x132: {  	_ =	swait.ge [sflag:s7], $0x2800;
	s2 =	sand.u32 $0xFE00, s1  }
0x133: {  	s3 =	sand.u32 $0x70, s1;
	[sflag:s7] =	ssyncset.done $0x0;
	s23 =	sshrl.u32 s2, $0x2  }
0x134: {  	s2 =	simm.s32 $0x40;
	[sflag:s7] =	ssyncadd.s32 $0xFFFFD800;
	s3 =	sor.u32 s3, s23  }
.LBB2_8:
0x135: {  	p0 =	sne.s32 s2, $0x9FC0  }
0x136: {  	[tilespmem:s3+$0x5200] =	vst v1;
	s1 =	sadd.s32 $0x10, s1;
	s3 =	smov.u32 s2;
	s2 =	sadd.s32 $0x40, s2  }
.Ltmp3:
0x137: {  	(pc) =	sbr.rel @p0 .LBB2_8-.Ltmp3, $4  }
0x138: {  	_ = 	snop  }
0x139: {  	s3 =	sand.u32 $0xFE00, s3  }
0x13a: {  	s23 =	sand.u32 $0x70, s1;
	s3 =	sshrl.u32 s3, $0x2  }
0x13b: {  	s3 =	sor.u32 s23, s3  }
0x13c: {  	[tilespmem:s3+$0x5200] =	vst v1  }
0x13d: {  	[bflag:$0x0] =	sbarrier.arrive $0xFFFF  }
0x13e: {  	s1 =	simm.s32 $0x0;
	s2 =	rddreg [dreg:$0x17]  }
0x13f: {  	[tilespmem:s8], [sflag:$0x3] =	stream.linear.gather [hbm4b:s2+s1], $0x50, $0x38;
	[tilespmem:$0x1BA00] =	vst v63  }
0x140: {  	_ =	swait.ge [sflag:s7], $0x50  }
0x141: {  	[sflag:s7] =	ssyncset.done $0x0  }
0x142: {  	s3 =	sadd.s32 $0x0, s4;
	[sflag:s7] =	ssyncadd.s32 $0xFFFFFFB0  }
0x143: {  	[tilespmem:s13], [sflag:$0x4] =	stream.linear.gather [hbm4b:s3+s0], $0x50, $0x38;
	[tilespmem:$0x1BA00] =	vst v63  }
0x144: {  	_ =	swait.ge [sflag:s12], $0x50  }
0x145: {  	[sflag:s12] =	ssyncset.done $0x0  }
0x146: {  	[sflag:s12] =	ssyncadd.s32 $0xFFFFFFB0  }
0x147: {  	[spmem:s18] =	stream.indirect.scatter.add.f32 [tilespmem:s6], [sflag:$0x4], $0x80, s8, s9, $0xb8;
	[tilespmem:$0x1BA00] =	vst v63  }
0x148: {  	_ =	swait.ge [sflag:s12], $0x2800  }
0x149: {  	[sflag:s12] =	ssyncset.done $0x0  }
0x14a: {  	[sflag:s12] =	ssyncadd.s32 $0xFFFFD800  }
0x14b: {  	[tilespmem:s8], [sflag:$0x4] =	stream.linear.gather [hbm4b:s15+s0], $0x50, $0x38;
	[tilespmem:$0x1BA00] =	vst v63  }
0x14c: {  	_ =	swait.ge [sflag:s12], $0x50  }
0x14d: {  	[sflag:s12] =	ssyncset.done $0x0  }
0x14e: {  	[sflag:s12] =	ssyncadd.s32 $0xFFFFFFB0  }
0x14f: {  	[spmem:s18] =	stream.indirect.scatter.add.f32 [tilespmem:s6], [sflag:$0x3], $0x80, s13, s9, $0xb8;
	[tilespmem:$0x1BA00] =	vst v63  }
0x150: {  	_ =	swait.ge [sflag:s7], $0x2800  }
0x151: {  	s2 =	simm.s32 $0x14;
	s23 =	rddreg [dreg:$0x19]  }
0x152: {  	s3 =	simm.s32 $0x28;
	[sflag:s7] =	ssyncset.done $0x0;
	s1 =	sadd.s32 $0xA0, s23  }
.LBB2_10:
0x153: {  	s15 =	sadd.s32 s2, s4  }
0x154: {  	[sflag:s7] =	ssyncadd.s32 $0xFFFFD800;
	s2 =	smov.u32 s3;
	s23 =	sadd.s32 $0x14, s3  }
0x155: {  	[tilespmem:s13], [sflag:$0x4] =	stream.linear.gather [hbm4b:s15+s0], $0x50, $0x38;
	[tilespmem:$0x1BA00] =	vst v63  }
0x156: {  	p0 =	sne.s32 s3, $0x4C4;
	_ =	swait.ge [sflag:s12], $0x50  }
0x157: {  	[sflag:s12] =	ssyncset.done $0x0  }
0x158: {  	[sflag:s12] =	ssyncadd.s32 $0xFFFFFFB0  }
0x159: {  	[spmem:s18] =	stream.indirect.scatter.add.f32 [tilespmem:s6], [sflag:$0x4], $0x80, s8, s9, $0xb8;
	[tilespmem:$0x1BA00] =	vst v63  }
0x15a: {  	_ =	swait.ge [sflag:s12], $0x2800  }
0x15b: {  	s3 =	sshrl.u32 s1, $0x3;
	[sflag:s12] =	ssyncset.done $0x0  }
0x15c: {  	s3 =	sadd.s32 s22, s3;
	[sflag:s12] =	ssyncadd.s32 $0xFFFFD800  }
0x15d: {  	[tilespmem:s8], [sflag:$0x4] =	stream.linear.gather [hbm4b:s3+s0], $0x50, $0x38;
	[tilespmem:$0x1BA00] =	vst v63  }
0x15e: {  	_ =	swait.ge [sflag:s12], $0x50  }
.Ltmp4:
0x15f: {  	[sflag:s12] =	ssyncset.done $0x0;
	(pc) =	sbr.rel @p0 .LBB2_10-.Ltmp4, $4  }
0x160: {  	[sflag:s12] =	ssyncadd.s32 $0xFFFFFFB0  }
0x161: {  	[spmem:s18] =	stream.indirect.scatter.add.f32 [tilespmem:s6], [sflag:$0x3], $0x80, s13, s9, $0xb8;
	[tilespmem:$0x1BA00] =	vst v63  }
0x162: {  	_ =	swait.ge [sflag:s7], $0x2800  }
0x163: {  	s1 =	sadd.s32 $0xA0, s1;
	s3 =	smov.u32 s23;
	[sflag:s7] =	ssyncset.done $0x0  }
0x164: {  	s2 =	sadd.s32 s2, s4;
	[sflag:s7] =	ssyncadd.s32 $0xFFFFD800  }
0x165: {  	[tilespmem:s13], [sflag:$0x4] =	stream.linear.gather [hbm4b:s2+s0], $0x50, $0x38;
	[tilespmem:$0x1BA00] =	vst v63  }
0x166: {  	_ =	swait.ge [sflag:s12], $0x50  }
0x167: {  	[sflag:s12] =	ssyncset.done $0x0  }
0x168: {  	[sflag:s12] =	ssyncadd.s32 $0xFFFFFFB0  }
0x169: {  	[spmem:s18] =	stream.indirect.scatter.add.f32 [tilespmem:s6], [sflag:$0x4], $0x80, s8, s9, $0xb8;
	[tilespmem:$0x1BA00] =	vst v63  }
0x16a: {  	_ =	swait.ge [sflag:s12], $0x2800  }
0x16b: {  	s1 =	sshrl.u32 s1, $0x3;
	[sflag:s12] =	ssyncset.done $0x0  }
0x16c: {  	s1 =	sadd.s32 s22, s1;
	[sflag:s12] =	ssyncadd.s32 $0xFFFFD800  }
0x16d: {  	[tilespmem:s8], [sflag:$0x4] =	stream.linear.gather [hbm4b:s1+s0], $0x50, $0x38;
	[tilespmem:$0x1BA00] =	vst v63  }
0x16e: {  	_ =	swait.ge [sflag:s12], $0x50  }
0x16f: {  	[sflag:s12] =	ssyncset.done $0x0  }
0x170: {  	[sflag:s12] =	ssyncadd.s32 $0xFFFFFFB0  }
0x171: {  	[spmem:s18] =	stream.indirect.scatter.add.f32 [tilespmem:s6], [sflag:$0x3], $0x80, s13, s9, $0xb8;
	[tilespmem:$0x1BA00] =	vst v63  }
0x172: {  	_ =	swait.ge [sflag:s7], $0x2800  }
0x173: {  	[sflag:s7] =	ssyncset.done $0x0  }
0x174: {  	[sflag:s7] =	ssyncadd.s32 $0xFFFFD800  }
0x175: {  	[spmem:s18] =	stream.indirect.scatter.add.f32 [tilespmem:s6], [sflag:$0x4], $0x80, s8, s9, $0xb8;
	[tilespmem:$0x1BA00] =	vst v63  }
0x176: {  	s1 =	simm.s32 $0x0;
	_ =	swait.ge [sflag:s12], $0x2800  }
0x177: {  	s23 =	sand.u32 $0xFE00, s1;
	[sflag:s12] =	ssyncset.done $0x0  }
0x178: {  	s3 =	sand.u32 $0x70, s1;
	s15 =	sshrl.u32 s23, $0x2;
	[sflag:s12] =	ssyncadd.s32 $0xFFFFD800  }
0x179: {  	s2 =	simm.s32 $0x40;
	s3 =	sor.u32 s3, s15;
	[bflag:$0x0] =	sbarrier.arrive $0xFFFF  }
.LBB2_12:
0x17a: {  	p0 =	sne.s32 s2, $0x9FC0  }
0x17b: {  	[tilespmem:s3+$0x5200] =	vst v0;
	s1 =	sadd.s32 $0x10, s1;
	s3 =	smov.u32 s2;
	s2 =	sadd.s32 $0x40, s2  }
.Ltmp5:
0x17c: {  	(pc) =	sbr.rel @p0 .LBB2_12-.Ltmp5, $4  }
0x17d: {  	_ = 	snop  }
0x17e: {  	s3 =	sand.u32 $0xFE00, s3  }
0x17f: {  	s15 =	sand.u32 $0x70, s1;
	s3 =	sshrl.u32 s3, $0x2  }
0x180: {  	s3 =	sor.u32 s15, s3  }
0x181: {  	[tilespmem:s3+$0x5200] =	vst v0  }
0x182: {  	[tilespmem:s6], [sflag:$0x3] =	stream.linear.gather [spmem:s24], $0x2800, $0x38;
	[tilespmem:$0x1BA00] =	vst v63  }
0x183: {  	_ =	swait.ge [sflag:s7], $0x2800  }
0x184: {  	[sflag:s7] =	ssyncset.done $0x0  }
0x185: {  	s1 =	rddreg [dreg:$0xb];
	[sflag:s7] =	ssyncadd.s32 $0xFFFFD800  }
0x186: {  	[hbm4b:s1+s0] =	stream.linear.scatter [tilespmem:s6], [sflag:$0x3], $0x2800, $0x38;
	[tilespmem:$0x1BA00] =	vst v63  }
0x187: {  	_ =	swait.ge [sflag:s7], $0x2800  }
0x188: {  	[sflag:s7] =	ssyncset.done $0x0  }
0x189: {  	[sflag:s7] =	ssyncadd.s32 $0xFFFFD800  }
0x18a: {  	[tilespmem:s6], [sflag:$0x3] =	stream.linear.gather [spmem:s25], $0x2800, $0x38;
	[tilespmem:$0x1BA00] =	vst v63  }
0x18b: {  	_ =	swait.ge [sflag:s7], $0x2800  }
0x18c: {  	[sflag:s7] =	ssyncset.done $0x0  }
0x18d: {  	s23 =	rddreg [dreg:$0xc];
	[sflag:s7] =	ssyncadd.s32 $0xFFFFD800  }
0x18e: {  	[hbm4b:s23+s0] =	stream.linear.scatter [tilespmem:s6], [sflag:$0x3], $0x2800, $0x38;
	[tilespmem:$0x1BA00] =	vst v63  }
0x18f: {  	_ =	swait.ge [sflag:s7], $0x2800  }
0x190: {  	[sflag:s7] =	ssyncset.done $0x0  }
0x191: {  	[sflag:s7] =	ssyncadd.s32 $0xFFFFD800  }
0x192: {  	[tilespmem:s6], [sflag:$0x3] =	stream.linear.gather [spmem:s26], $0x2800, $0x38;
	[tilespmem:$0x1BA00] =	vst v63  }
0x193: {  	_ =	swait.ge [sflag:s7], $0x2800  }
0x194: {  	[sflag:s7] =	ssyncset.done $0x0  }
0x195: {  	s2 =	rddreg [dreg:$0xd];
	[sflag:s7] =	ssyncadd.s32 $0xFFFFD800  }
0x196: {  	[hbm4b:s2+s0] =	stream.linear.scatter [tilespmem:s6], [sflag:$0x3], $0x2800, $0x38;
	[tilespmem:$0x1BA00] =	vst v63  }
0x197: {  	_ =	swait.ge [sflag:s7], $0x2800  }
0x198: {  	[sflag:s7] =	ssyncset.done $0x0  }
0x199: {  	[sflag:s7] =	ssyncadd.s32 $0xFFFFD800  }
0x19a: {  	[tilespmem:s6], [sflag:$0x3] =	stream.linear.gather [spmem:s28], $0x2800, $0x38;
	[tilespmem:$0x1BA00] =	vst v63  }
0x19b: {  	_ =	swait.ge [sflag:s7], $0x2800  }
0x19c: {  	[sflag:s7] =	ssyncset.done $0x0  }
0x19d: {  	s3 =	rddreg [dreg:$0xe];
	[sflag:s7] =	ssyncadd.s32 $0xFFFFD800  }
0x19e: {  	[hbm4b:s3+s0] =	stream.linear.scatter [tilespmem:s6], [sflag:$0x3], $0x2800, $0x38;
	[tilespmem:$0x1BA00] =	vst v63  }
0x19f: {  	_ =	swait.ge [sflag:s7], $0x2800  }
0x1a0: {  	[sflag:s7] =	ssyncset.done $0x0  }
0x1a1: {  	[sflag:s7] =	ssyncadd.s32 $0xFFFFD800  }
0x1a2: {  	[tilespmem:s6], [sflag:$0x3] =	stream.linear.gather [spmem:s29], $0x2800, $0x38;
	[tilespmem:$0x1BA00] =	vst v63  }
0x1a3: {  	_ =	swait.ge [sflag:s7], $0x2800  }
0x1a4: {  	[sflag:s7] =	ssyncset.done $0x0  }
0x1a5: {  	s15 =	rddreg [dreg:$0xf];
	[sflag:s7] =	ssyncadd.s32 $0xFFFFD800  }
0x1a6: {  	[hbm4b:s15+s0] =	stream.linear.scatter [tilespmem:s6], [sflag:$0x3], $0x2800, $0x38;
	[tilespmem:$0x1BA00] =	vst v63  }
0x1a7: {  	_ =	swait.ge [sflag:s7], $0x2800  }
0x1a8: {  	[sflag:s7] =	ssyncset.done $0x0  }
0x1a9: {  	[sflag:s7] =	ssyncadd.s32 $0xFFFFD800  }
0x1aa: {  	[tilespmem:s6], [sflag:$0x3] =	stream.linear.gather [spmem:s30], $0x2800, $0x38;
	[tilespmem:$0x1BA00] =	vst v63  }
0x1ab: {  	_ =	swait.ge [sflag:s7], $0x2800  }
0x1ac: {  	[sflag:s7] =	ssyncset.done $0x0  }
0x1ad: {  	s23 =	rddreg [dreg:$0x10];
	[sflag:s7] =	ssyncadd.s32 $0xFFFFD800  }
0x1ae: {  	[hbm4b:s23+s0] =	stream.linear.scatter [tilespmem:s6], [sflag:$0x3], $0x2800, $0x38;
	[tilespmem:$0x1BA00] =	vst v63  }
0x1af: {  	_ =	swait.ge [sflag:s7], $0x2800  }
0x1b0: {  	[sflag:s7] =	ssyncset.done $0x0  }
0x1b1: {  	[sflag:s7] =	ssyncadd.s32 $0xFFFFD800  }
0x1b2: {  	[tilespmem:s6], [sflag:$0x3] =	stream.linear.gather [spmem:s31], $0x2800, $0x38;
	[tilespmem:$0x1BA00] =	vst v63  }
0x1b3: {  	_ =	swait.ge [sflag:s7], $0x2800  }
0x1b4: {  	[sflag:s7] =	ssyncset.done $0x0  }
0x1b5: {  	s2 =	rddreg [dreg:$0x11];
	[sflag:s7] =	ssyncadd.s32 $0xFFFFD800  }
0x1b6: {  	[hbm4b:s2+s0] =	stream.linear.scatter [tilespmem:s6], [sflag:$0x3], $0x2800, $0x38;
	[tilespmem:$0x1BA00] =	vst v63  }
0x1b7: {  	_ =	swait.ge [sflag:s7], $0x2800  }
0x1b8: {  	[sflag:s7] =	ssyncset.done $0x0  }
0x1b9: {  	s3 =	rddreg [dreg:$0x15];
	[sflag:s7] =	ssyncadd.s32 $0xFFFFD800  }
0x1ba: {  	[tilespmem:s6], [sflag:$0x3] =	stream.linear.gather [spmem:s3], $0x2800, $0x38;
	[tilespmem:$0x1BA00] =	vst v63  }
0x1bb: {  	_ =	swait.ge [sflag:s7], $0x2800  }
0x1bc: {  	[sflag:s7] =	ssyncset.done $0x0  }
0x1bd: {  	s15 =	rddreg [dreg:$0x12];
	[sflag:s7] =	ssyncadd.s32 $0xFFFFD800  }
0x1be: {  	[hbm4b:s15+s0] =	stream.linear.scatter [tilespmem:s6], [sflag:$0x3], $0x2800, $0x38;
	[tilespmem:$0x1BA00] =	vst v63  }
0x1bf: {  	_ =	swait.ge [sflag:s7], $0x2800  }
0x1c0: {  	s19 =	sadd.s32 $0x1, s19;
	s23 =	rddreg [dreg:$0x18]  }
0x1c1: {  	p0 =	sne.s32 s19, s23  }
.Ltmp6:
0x1c2: {  	_ = 	snop;
	(pc) =	sbr.rel @p0 .LBB2_1-.Ltmp6, $3  }
0x1c3: {  	_ =	sdelay $0x1  }
0x1c4: {  	[sflag:s7] =	ssyncset.done $0x0  }
0x1c5: {  	[sflag:s7] =	ssyncadd.s32 $0xFFFFD800  }
0x1c6: {  	_ =	sfence.sel $0x180000  }
0x1c7: {  	[bflag:$0x0] =	sbarrier.arrive $0xFFFF  }
0x1c8: {  	_ =	strace $0x90000047  }
0x1c9: {  	s0 =	stileid.u32;
	[bflag:$0x2] =	sbarrier.arrive $0xFFFF  }
0x1ca: {  	p0 =	sne.s32 s0, $0x0;
	s0 =	rddreg [dreg:$0x2]  }
0x1cb: {  	s0 =	sadd.s32 @!p0 $0x100000, s0  }
0x1cc: {  	[sflag:s0] =	ssyncadd.tile.s32 @!p0 $0x1;
	_ =	shalt  }
.Lfunc_end2:
_tile_overlayer_lowered:
.L_overlay_start_2:
0x1cd: {  	(tag) =	ssettag $0x2  }
0x1ce: {  	s0 =	rddreg [dreg:$0x0];
	s2 =	stileid.u32  }
0x1cf: {  	s1 =	rddreg [dreg:$0x1];
	p0 =	sne.s32 s2, $0x0  }
0x1d0: {  	s3 =	rddreg [dreg:$0x2];
	[bflag:$0x3] =	sbarrier.arrive $0xFFFF;
	s2 =	simm.s32 @!p0 $0x1C03  }
0x1d1: {  	[timem:s3], [sflag:s2] =	dma.local @!p0 [hbm:s0], s1  }
0x1d2: {  	s0 =	simm.s32 @!p0 $0x3  }
0x1d3: {  	_ =	swait.ge @!p0 [sflag:s0], s1  }
0x1d4: {  	s1 =	ssub.s32 @!p0 $0x0, s1;
	[sflag:s0] =	ssyncset.done @!p0 $0x0  }
0x1d5: {  	[sflag:s0] =	ssyncadd.s32 @!p0 s1  }
0x1d6: {  	[bflag:$0x3] =	sbarrier.arrive $0xFFFF  }
0x1d7: {  	_ =	shalt  }

</sc_bundles>
